<compile_context>
chip_gen: v7x
topology: tpu7x:2x2x1
jax: 0.10.2.dev20260603
libtpu: 0.0.44.dev20260713+nightly
codegen_flags: <defaults>
</compile_context>

<pallas_src>
import functools
import math

import jax
import jax.numpy as jnp
from jax import lax
from jax.experimental import pallas as pl
from jax.experimental.pallas import tpu as pltpu
from jax.experimental.pallas import tpu_sc as plsc

N = 10000
E = 160000
IN_DIM = 8
LABEL_DIM = 112

NPAD = 10240
DUMP = N
EPAD = 163840
NC, NS = 2, 16
NW = NC * NS
EPW = EPAD // NW
CHUNK = 128
NCHUNKS = EPW // CHUNK
ROWS_PER_TILE = NPAD // NS
NODE_BLK = 1024
EDGE_BLK = 2048
AW = 128

_f32 = jnp.float32



def _proj_body(h_ref, y_ref, wq, bq, wkn, bkn, wv, bv, wl, bl, ws, bs,
               wket, bkec, dtab_ref, stab_ref, skip_ref, *, C, SW):
    h = h_ref[...]
    y = y_ref[...]
    b = h.shape[0]
    q = jnp.dot(h, wq[...], preferred_element_type=_f32) + bq[...]
    kn = jnp.dot(h, wkn[...], preferred_element_type=_f32) + bkn[...]
    v = jnp.dot(h, wv[...], preferred_element_type=_f32) + bv[...]
    labp = jnp.dot(y, wl[...], preferred_element_type=_f32) + bl[...]
    w = v + labp
    skip_ref[...] = jnp.dot(h, ws[...], preferred_element_type=_f32) + bs[...]
    u = jnp.dot(q, wket[...], preferred_element_type=_f32)
    cterm = jnp.dot(q, bkec[...], preferred_element_type=_f32)
    dparts = [q, u, cterm]
    if 128 - C - 9 > 0:
        dparts.append(jnp.zeros((b, 128 - C - 9), _f32))
    dtab_ref[...] = jnp.concatenate(dparts, axis=1)
    sparts = [kn, w]
    if SW - 2 * C > 0:
        sparts.append(jnp.zeros((b, SW - 2 * C), _f32))
    stab_ref[...] = jnp.concatenate(sparts, axis=1)


def _proj(h, y, p, C, SW):
    din = h.shape[1]
    grid = NPAD // NODE_BLK
    row_spec = lambda width: pl.BlockSpec((NODE_BLK, width), lambda i: (i, 0))
    full = lambda a: pl.BlockSpec(a.shape, lambda i: (0,) * a.ndim)
    wq, bq = p["Wq"], p["bq"].reshape(1, C)
    wkn, bkn = p["Wkn"], p["bkn"].reshape(1, C)
    wv, bv = p["Wv"], p["bv"].reshape(1, C)
    wl, bl = p["Wl"], p["bl"].reshape(1, C)
    ws, bs = p["Ws"], p["bs"].reshape(1, C)
    wket = p["Wke"].T
    bkec = p["bke"].reshape(C, 1)
    args = (h, y, wq, bq, wkn, bkn, wv, bv, wl, bl, ws, bs, wket, bkec)
    in_specs = [row_spec(din), row_spec(LABEL_DIM)] + [full(a) for a in args[2:]]
    out_sd = [jax.ShapeDtypeStruct((NPAD, 128), _f32),
              jax.ShapeDtypeStruct((NPAD, SW), _f32),
              jax.ShapeDtypeStruct((NPAD, C), _f32)]
    out_specs = [row_spec(128), row_spec(SW), row_spec(C)]
    return pl.pallas_call(
        functools.partial(_proj_body, C=C, SW=SW),
        grid=(grid,), in_specs=in_specs, out_specs=out_specs,
        out_shape=out_sd)(*args)


def _logits_body(dg, sg, ea, l_ref, m_ref, mmax, *, C, inv_sqrt_c):
    i = pl.program_id(0)
    d = dg[...]
    qg = d[:, :C]
    ubg = d[:, C:C + 16]
    kng = sg[...][:, :C]
    dots = (jnp.sum(qg * kng, axis=1, keepdims=True)
            + jnp.sum(ubg * ea[...], axis=1, keepdims=True))
    l = dots * inv_sqrt_c
    l_ref[...] = l
    bm = jnp.max(l)

    @pl.when(i == 0)
    def _():
        mmax[0] = bm

    @pl.when(i > 0)
    def _():
        mmax[0] = jnp.maximum(mmax[0], bm)

    @pl.when(i == pl.num_programs(0) - 1)
    def _():
        m_ref[...] = jnp.broadcast_to(mmax[0], (1, 1))


def _logits(dg, sg, ea, C, SW):
    grid = EPAD // EDGE_BLK
    spec = lambda width: pl.BlockSpec((EDGE_BLK, width), lambda i: (i, 0))
    return pl.pallas_call(
        functools.partial(_logits_body, C=C, inv_sqrt_c=1.0 / math.sqrt(C)),
        grid=(grid,),
        in_specs=[spec(128), spec(SW), spec(16)],
        out_specs=[spec(1), pl.BlockSpec((1, 1), lambda i: (0, 0))],
        out_shape=[jax.ShapeDtypeStruct((EPAD, 1), _f32),
                   jax.ShapeDtypeStruct((1, 1), _f32)],
        scratch_shapes=[pltpu.SMEM((1,), _f32)])(dg, sg, ea)


def _msg_body(l_ref, m_ref, sg_ref, msg_ref, *, C):
    p = jnp.exp(l_ref[...] - m_ref[0, 0])
    wg = sg_ref[...][:, C:2 * C]
    msg_ref[...] = jnp.concatenate(
        [wg * p, p, jnp.zeros((p.shape[0], AW - C - 1), _f32)], axis=1)


def _msg(l, m, sg, C, SW):
    grid = EPAD // EDGE_BLK
    spec = lambda width: pl.BlockSpec((EDGE_BLK, width), lambda i: (i, 0))
    return pl.pallas_call(
        functools.partial(_msg_body, C=C), grid=(grid,),
        in_specs=[spec(1), pl.BlockSpec((1, 1), lambda i: (0, 0)), spec(SW)],
        out_specs=spec(AW),
        out_shape=jax.ShapeDtypeStruct((EPAD, AW), _f32))(l, m, sg)


def _combine_body(a0_ref, a1_ref, skip_ref, out_ref, *, C, relu):
    a = a0_ref[...] + a1_ref[...]
    o = a[:, :C] / (a[:, C:C + 1] + 1e-16) + skip_ref[...]
    if relu:
        o = jnp.maximum(o, 0.0)
    out_ref[...] = o


def _combine(acc0, acc1, skip, C, relu):
    grid = NPAD // NODE_BLK
    spec = lambda width: pl.BlockSpec((NODE_BLK, width), lambda i: (i, 0))
    return pl.pallas_call(
        functools.partial(_combine_body, C=C, relu=relu), grid=(grid,),
        in_specs=[spec(AW), spec(AW), spec(C)],
        out_specs=spec(C),
        out_shape=jax.ShapeDtypeStruct((NPAD, C), _f32))(acc0, acc1, skip)



def _gather_body(dtab_hbm, stab_hbm, dst2, src2, dg_hbm, sg_hbm, *scr, SW, GNBUF):
    dstb, srcb = scr[0], scr[1]
    dbuf = scr[2:2 + GNBUF]
    sbuf = scr[2 + GNBUF:2 + 2 * GNBUF]
    gsd = scr[2 + 2 * GNBUF:2 + 3 * GNBUF]
    gss = scr[2 + 3 * GNBUF:2 + 4 * GNBUF]
    wsd = scr[2 + 4 * GNBUF:2 + 5 * GNBUF]
    wss = scr[2 + 5 * GNBUF:2 + 6 * GNBUF]
    c = lax.axis_index("c")
    s = lax.axis_index("s")
    wid = s * NC + c
    pltpu.sync_copy(dst2.at[pl.ds(wid * NCHUNKS, NCHUNKS)], dstb)
    pltpu.sync_copy(src2.at[pl.ds(wid * NCHUNKS, NCHUNKS)], srcb)

    for b in range(GNBUF):
        pltpu.async_copy(dtab_hbm.at[dstb.at[b]], dbuf[b], gsd[b])
        pltpu.async_copy(stab_hbm.at[srcb.at[b]], sbuf[b], gss[b])

    def outer(gi, carry):
        for b in range(GNBUF):
            j = gi * GNBUF + b
            ebase = wid * EPW + j * CHUNK
            pltpu.make_async_copy(dtab_hbm.at[dstb.at[b]], dbuf[b], gsd[b]).wait()
            pltpu.make_async_copy(stab_hbm.at[srcb.at[b]], sbuf[b], gss[b]).wait()
            cw1 = pltpu.async_copy(dbuf[b], dg_hbm.at[pl.ds(ebase, CHUNK)], wsd[b])
            cw2 = pltpu.async_copy(sbuf[b], sg_hbm.at[pl.ds(ebase, CHUNK)], wss[b])
            cw1.wait()
            cw2.wait()
            nj = j + GNBUF

            @pl.when(nj < NCHUNKS)
            def _():
                pltpu.async_copy(dtab_hbm.at[dstb.at[nj]], dbuf[b], gsd[b])
                pltpu.async_copy(stab_hbm.at[srcb.at[nj]], sbuf[b], gss[b])
        return carry

    lax.fori_loop(0, NCHUNKS // GNBUF, outer, 0)

    for j in range((NCHUNKS // GNBUF) * GNBUF, NCHUNKS):
        b = j % GNBUF
        ebase = wid * EPW + j * CHUNK
        pltpu.make_async_copy(dtab_hbm.at[dstb.at[b]], dbuf[b], gsd[b]).wait()
        pltpu.make_async_copy(stab_hbm.at[srcb.at[b]], sbuf[b], gss[b]).wait()
        cw1 = pltpu.async_copy(dbuf[b], dg_hbm.at[pl.ds(ebase, CHUNK)], wsd[b])
        cw2 = pltpu.async_copy(sbuf[b], sg_hbm.at[pl.ds(ebase, CHUNK)], wss[b])
        cw1.wait()
        cw2.wait()


def _gather(dtab, stab, dst2, src2, SW):
    GNBUF = 2 if SW > 128 else 3
    mesh = plsc.VectorSubcoreMesh(core_axis_name="c", subcore_axis_name="s")
    kfn = pl.kernel(
        functools.partial(_gather_body, SW=SW, GNBUF=GNBUF),
        out_type=[jax.ShapeDtypeStruct((EPAD, 128), _f32),
                  jax.ShapeDtypeStruct((EPAD, SW), _f32)],
        mesh=mesh,
        scratch_types=(
            [pltpu.VMEM((NCHUNKS, CHUNK), jnp.int32),
             pltpu.VMEM((NCHUNKS, CHUNK), jnp.int32)]
            + [pltpu.VMEM((CHUNK, 128), _f32)] * GNBUF
            + [pltpu.VMEM((CHUNK, SW), _f32)] * GNBUF
            + [pltpu.SemaphoreType.DMA] * (4 * GNBUF)
        ))
    return kfn(dtab, stab, dst2, src2)


SNBUF = 2


def _scatter_body(msg_hbm, dst2, zrow_hbm, accs_hbm, *scr):
    dstb, acc_sh = scr[0], scr[1]
    msgv = scr[2:2 + SNBUF]
    rsem = scr[2 + SNBUF:2 + 2 * SNBUF]
    asem = scr[2 + 2 * SNBUF:2 + 3 * SNBUF]
    zsem = scr[2 + 3 * SNBUF]
    c = lax.axis_index("c")
    s = lax.axis_index("s")
    wid = s * NC + c
    pltpu.sync_copy(dst2.at[pl.ds(wid * NCHUNKS, NCHUNKS)], dstb)
    zv = msgv[0]
    pltpu.sync_copy(zrow_hbm, zv)
    zcs = [pltpu.async_copy(
        zv, acc_sh.at[pl.ds(s * ROWS_PER_TILE + r * CHUNK, CHUNK)], zsem)
        for r in range(ROWS_PER_TILE // CHUNK)]
    for cp in zcs:
        cp.wait()
    plsc.subcore_barrier()

    for b in range(SNBUF):
        ebase = wid * EPW + b * CHUNK
        pltpu.async_copy(msg_hbm.at[pl.ds(ebase, CHUNK)], msgv[b], rsem[b])

    def outer(gi, carry):
        for b in range(SNBUF):
            j = gi * SNBUF + b
            ebase = wid * EPW + j * CHUNK
            pltpu.make_async_copy(
                msg_hbm.at[pl.ds(ebase, CHUNK)], msgv[b], rsem[b]).wait()
            ca = pltpu.async_copy(msgv[b], acc_sh.at[dstb.at[j]], asem[b],
                                  add=True)
            ca.wait()
            nj = j + SNBUF

            @pl.when(nj < NCHUNKS)
            def _():
                nbase = wid * EPW + nj * CHUNK
                pltpu.async_copy(msg_hbm.at[pl.ds(nbase, CHUNK)], msgv[b],
                                 rsem[b])
        return carry

    lax.fori_loop(0, NCHUNKS // SNBUF, outer, 0)
    plsc.subcore_barrier()

    nwb = ROWS_PER_TILE // CHUNK
    pltpu.async_copy(acc_sh.at[pl.ds(s * ROWS_PER_TILE, CHUNK)], msgv[0],
                     rsem[0])
    for r in range(nwb):
        rows = s * ROWS_PER_TILE + r * CHUNK
        pltpu.make_async_copy(
            acc_sh.at[pl.ds(rows, CHUNK)], msgv[r % 2], rsem[r % 2]).wait()
        if r + 1 < nwb:
            nrows = rows + CHUNK
            pltpu.async_copy(acc_sh.at[pl.ds(nrows, CHUNK)], msgv[(r + 1) % 2],
                             rsem[(r + 1) % 2])
        pltpu.sync_copy(msgv[r % 2], accs_hbm.at[c, pl.ds(rows, CHUNK)])


def _scatter(msg, dst2):
    mesh = plsc.VectorSubcoreMesh(core_axis_name="c", subcore_axis_name="s")
    zrow = jnp.zeros((CHUNK, AW), _f32)
    kfn = pl.kernel(
        _scatter_body,
        out_type=jax.ShapeDtypeStruct((NC, NPAD, AW), _f32),
        mesh=mesh,
        scratch_types=(
            [pltpu.VMEM((NCHUNKS, CHUNK), jnp.int32),
             pltpu.VMEM_SHARED((NPAD, AW), _f32)]
            + [pltpu.VMEM((CHUNK, AW), _f32)] * SNBUF
            + [pltpu.SemaphoreType.DMA] * (2 * SNBUF + 1)
        ))
    return kfn(msg, dst2, zrow)



def kernel(x, edge_index, edge_attr, train_masked_y, eval_masked_y, params):
    del train_masked_y
    src = edge_index[0]
    dst = edge_index[1]
    h = jnp.zeros((NPAD, IN_DIM), _f32).at[:N].set(x)
    y = jnp.zeros((NPAD, LABEL_DIM), _f32).at[:N].set(eval_masked_y)
    ea = jnp.concatenate(
        [edge_attr, jnp.ones((E, 1), _f32), jnp.zeros((E, 7), _f32)], axis=1)
    ea = jnp.zeros((EPAD, 16), _f32).at[:E].set(ea)
    src2 = jnp.zeros((EPAD,), jnp.int32).at[:E].set(src).reshape(EPAD // CHUNK, CHUNK)
    dst2 = jnp.full((EPAD,), DUMP, jnp.int32).at[:E].set(dst).reshape(EPAD // CHUNK, CHUNK)

    layers = params["layers"]
    for i, (C, relu) in enumerate([(64, True), (64, True), (112, False)]):
        SW = 128 if 2 * C <= 128 else 256
        p = layers[i]
        dtab, stab, skip = _proj(h, y, p, C, SW)
        dg, sg = _gather(dtab, stab, dst2, src2, SW)
        l, m = _logits(dg, sg, ea, C, SW)
        msg = _msg(l, m, sg, C, SW)
        accs = _scatter(msg, dst2)
        h = _combine(accs[0], accs[1], skip, C, relu)
    return h[:N]

# --- scband reference (transcript-rebuilt; emitter-appended) ---
"""Pipeline reference for scband-attention-gnn-48000554500179 (READ-ONLY COPY).

The authoritative reference and input builder live on the scoring server;
editing this copy changes nothing except your own understanding.
"""

import math
import jax
import jax.numpy as jnp
import numpy as np

N = 10000
E = 160000
IN_DIM = 8
HID_DIM = 64
OUT_DIM = 112
EDGE_DIM = 8
LABEL_DIM = 112
HEADS = 1
LAYER_DIMS = [(IN_DIM, HID_DIM), (HID_DIM, HID_DIM), (HID_DIM, OUT_DIM)]


def _linear(key, din, dout):
    k1, k2 = jax.random.split(key)
    bound = 1.0 / math.sqrt(din)
    W = jax.random.uniform(k1, (din, dout), minval=-bound, maxval=bound, dtype=jnp.float32)
    b = jax.random.uniform(k2, (dout,), minval=-bound, maxval=bound, dtype=jnp.float32)
    return W, b


def setup_inputs(seed: int = 0):
    key = jax.random.key(seed)
    kx, ke_, kea, kty, kev = jax.random.split(key, 5)
    x = jax.random.normal(kx, (N, IN_DIM), dtype=jnp.float32)
    edge_index = jax.random.randint(ke_, (2, E), 0, N, dtype=jnp.int32)
    edge_attr = jax.random.normal(kea, (E, EDGE_DIM), dtype=jnp.float32)
    train_masked_y = jax.random.normal(kty, (N, LABEL_DIM), dtype=jnp.float32)
    eval_masked_y = jax.random.normal(kev, (N, LABEL_DIM), dtype=jnp.float32)
    layers = []
    pk = jax.random.key(42)
    for (din, dout) in LAYER_DIMS:
        p = {}
        specs = [("Wq", "bq", din), ("Wke", "bke", EDGE_DIM), ("Wkn", "bkn", din), ("Wkl", "bkl", LABEL_DIM), ("Wv", "bv", din), ("Wl", "bl", LABEL_DIM), ("Ws", "bs", din)]
        for (wn, bn, d_in) in specs:
            pk, sub = jax.random.split(pk)
            W, b = _linear(sub, d_in, dout * HEADS)
            p[wn] = W
            p[bn] = b
        layers.append(p)
    return {"x": x, "edge_index": edge_index, "edge_attr": edge_attr, "train_masked_y": train_masked_y, "eval_masked_y": eval_masked_y, "params": {"layers": layers}}


def segment_softmax(logits, index, num_segments):
    m = jax.ops.segment_max(logits, index, num_segments=num_segments)
    m = jnp.where(jnp.isfinite(m), m, 0.0)
    e = jnp.exp(logits - m[index])
    s = jax.ops.segment_sum(e, index, num_segments=num_segments)
    return e / (s[index] + 1e-16)


def _attn_layer(x, y, edge_attr, src, dst, p, C):
    n = x.shape[0]
    q = (x @ p["Wq"] + p["bq"]).reshape(n, HEADS, C)
    v = (x @ p["Wv"] + p["bv"]).reshape(n, HEADS, C)
    lab = (y @ p["Wl"] + p["bl"]).reshape(n, HEADS, C)
    kn = (x @ p["Wkn"] + p["bkn"]).reshape(n, HEADS, C)
    kl = (y @ p["Wkl"] + p["bkl"]).reshape(n, HEADS, C)  # computed but unused downstream (mirrors original code: label_attention receives key_node_j)
    ke = (edge_attr @ p["Wke"] + p["bke"]).reshape(-1, HEADS, C)
    q_i = q[dst]
    v_j = v[src]
    lab_j = lab[src]
    kn_j = kn[src]
    logits = jnp.sum(q_i * (ke + kn_j), axis=-1) / math.sqrt(C)
    alpha_f = segment_softmax(logits, dst, n)
    msg_f = v_j * alpha_f[:, :, None]
    alpha_l = segment_softmax(logits, dst, n)
    msg_l = lab_j * alpha_l[:, :, None]
    m = msg_f + msg_l
    out = jax.ops.segment_sum(m, dst, num_segments=n).reshape(n, HEADS * C)
    out = out + (x @ p["Ws"] + p["bs"])
    return out


def reference(x, edge_index, edge_attr, train_masked_y, eval_masked_y, params):
    src = edge_index[0]
    dst = edge_index[1]
    y = eval_masked_y  # eval mode: dropout off, eval labels used
    h = x
    Cs = [HID_DIM, HID_DIM, OUT_DIM]
    for i in range(2):
        h = _attn_layer(h, y, edge_attr, src, dst, params["layers"][i], Cs[i])
        h = jax.nn.relu(h)
    h = _attn_layer(h, y, edge_attr, src, dst, params["layers"][2], Cs[2])
    return h

if __name__ == "__main__":
    import jax
    _d = setup_inputs()
    print(jax.jit(kernel)(*tuple(_d.values())))

</pallas_src>

<mosaic_0001>
#map = affine_map<(d0, d1) -> (0, 0)>
#map1 = affine_map<(d0, d1) -> (0, 0, 0)>
module attributes {stable_mosaic.version = 14 : i64} {
  func.func @_scatter_body(%arg0: i32, %arg1: i32, %arg2: memref<163840x128xf32, #tpu.memory_space<hbm>>, %arg3: memref<1280x128xi32, #tpu.memory_space<hbm>>, %arg4: memref<128x128xf32, #tpu.memory_space<hbm>>, %arg5: memref<2x10240x128xf32, #tpu.memory_space<hbm>>, %arg6: memref<40x128xi32, #tpu.memory_space<vmem>>, %arg7: memref<10240x128xf32, #tpu.memory_space<vmem_shared>>, %arg8: memref<128x128xf32, #tpu.memory_space<vmem>>, %arg9: memref<128x128xf32, #tpu.memory_space<vmem>>, %arg10: memref<!tpu.dma_semaphore, #tpu.memory_space<semaphore_mem>>, %arg11: memref<!tpu.dma_semaphore, #tpu.memory_space<semaphore_mem>>, %arg12: memref<!tpu.dma_semaphore, #tpu.memory_space<semaphore_mem>>, %arg13: memref<!tpu.dma_semaphore, #tpu.memory_space<semaphore_mem>>, %arg14: memref<!tpu.dma_semaphore, #tpu.memory_space<semaphore_mem>>) attributes {dimension_semantics = [#tpu.dimension_semantics<core_parallel>, #tpu.dimension_semantics<subcore_parallel>], iteration_bounds = array<i64: 2, 16>, scalar_prefetch = 0 : i64, scratch_operands = 9 : i64, tpu.core_type = #tpu.core_type<sc_vector_subcore>, window_params = [{transform_indices = #map}, {transform_indices = #map}, {transform_indices = #map}, {transform_indices = #map1}]} {
    %mul3A = arith.constant 2 : i32
    %mul3A_0 = arith.muli %arg1, %mul3A : i32
    %add3A = arith.addi %mul3A_0, %arg0 : i32
    %mul3A_1 = arith.constant 40 : i32
    %mul3A_2 = arith.muli %add3A, %mul3A_1 : i32
    "tpu.region"() ({
      %run_scoped3A = tpu.sem_alloc : memref<!tpu.dma_semaphore, #tpu.memory_space<semaphore_mem>>
      %dma_start3A_153 = arith.constant 0 : i32
      %dma_start3A_154 = tpu.memref_slice %arg3[%mul3A_2, %dma_start3A_153] : memref<1280x128xi32, #tpu.memory_space<hbm>> -> memref<40x128xi32, #tpu.memory_space<hbm>>
      %dma_start3A_155 = arith.constant 0 : i32
      %dma_start3A_156 = tpu.memref_slice %arg3[%mul3A_2, %dma_start3A_155] : memref<1280x128xi32, #tpu.memory_space<hbm>> -> memref<40x128xi32, #tpu.memory_space<hbm>>
      tpu.enqueue_dma source(%dma_start3A_156 : memref<40x128xi32, #tpu.memory_space<hbm>>) target(%arg6 : memref<40x128xi32, #tpu.memory_space<vmem>>) target_semaphore(%run_scoped3A : memref<!tpu.dma_semaphore, #tpu.memory_space<semaphore_mem>>)
      %dma_wait3A_157 = arith.constant 0 : i32
      %dma_wait3A_158 = tpu.memref_slice %arg3[%mul3A_2, %dma_wait3A_157] : memref<1280x128xi32, #tpu.memory_space<hbm>> -> memref<40x128xi32, #tpu.memory_space<hbm>>
      %dma_wait3A_159 = arith.constant 0 : i32
      %dma_wait3A_160 = tpu.memref_slice %arg3[%mul3A_2, %dma_wait3A_159] : memref<1280x128xi32, #tpu.memory_space<hbm>> -> memref<40x128xi32, #tpu.memory_space<hbm>>
      tpu.wait_dma2 semaphore(%run_scoped3A : memref<!tpu.dma_semaphore, #tpu.memory_space<semaphore_mem>>) src(%dma_wait3A_160 : memref<40x128xi32, #tpu.memory_space<hbm>>) dst(%arg6 : memref<40x128xi32, #tpu.memory_space<vmem>>)
      tpu.yield
    }) : () -> ()
    "tpu.region"() ({
      %run_scoped3A = tpu.sem_alloc : memref<!tpu.dma_semaphore, #tpu.memory_space<semaphore_mem>>
      tpu.enqueue_dma source(%arg4 : memref<128x128xf32, #tpu.memory_space<hbm>>) target(%arg8 : memref<128x128xf32, #tpu.memory_space<vmem>>) target_semaphore(%run_scoped3A : memref<!tpu.dma_semaphore, #tpu.memory_space<semaphore_mem>>)
      tpu.wait_dma2 semaphore(%run_scoped3A : memref<!tpu.dma_semaphore, #tpu.memory_space<semaphore_mem>>) src(%arg4 : memref<128x128xf32, #tpu.memory_space<hbm>>) dst(%arg8 : memref<128x128xf32, #tpu.memory_space<vmem>>)
      tpu.yield
    }) : () -> ()
    %mul3A_3 = arith.constant 640 : i32
    %mul3A_4 = arith.muli %arg1, %mul3A_3 : i32
    %add3A_5 = arith.constant 0 : i32
    %add3A_6 = arith.addi %mul3A_4, %add3A_5 : i32
    %dma_start3A = arith.constant 0 : i32
    %dma_start3A_7 = tpu.memref_slice %arg7[%add3A_6, %dma_start3A] : memref<10240x128xf32, #tpu.memory_space<vmem_shared>> -> memref<128x128xf32, #tpu.memory_space<vmem_shared>>
    %dma_start3A_8 = arith.constant 0 : i32
    %dma_start3A_9 = tpu.memref_slice %arg7[%add3A_6, %dma_start3A_8] : memref<10240x128xf32, #tpu.memory_space<vmem_shared>> -> memref<128x128xf32, #tpu.memory_space<vmem_shared>>
    tpu.enqueue_dma source(%arg8 : memref<128x128xf32, #tpu.memory_space<vmem>>) target(%dma_start3A_9 : memref<128x128xf32, #tpu.memory_space<vmem_shared>>) target_semaphore(%arg14 : memref<!tpu.dma_semaphore, #tpu.memory_space<semaphore_mem>>)
    %mul3A_10 = arith.constant 640 : i32
    %mul3A_11 = arith.muli %arg1, %mul3A_10 : i32
    %add3A_12 = arith.constant 128 : i32
    %add3A_13 = arith.addi %mul3A_11, %add3A_12 : i32
    %dma_start3A_14 = arith.constant 0 : i32
    %dma_start3A_15 = tpu.memref_slice %arg7[%add3A_13, %dma_start3A_14] : memref<10240x128xf32, #tpu.memory_space<vmem_shared>> -> memref<128x128xf32, #tpu.memory_space<vmem_shared>>
    %dma_start3A_16 = arith.constant 0 : i32
    %dma_start3A_17 = tpu.memref_slice %arg7[%add3A_13, %dma_start3A_16] : memref<10240x128xf32, #tpu.memory_space<vmem_shared>> -> memref<128x128xf32, #tpu.memory_space<vmem_shared>>
    tpu.enqueue_dma source(%arg8 : memref<128x128xf32, #tpu.memory_space<vmem>>) target(%dma_start3A_17 : memref<128x128xf32, #tpu.memory_space<vmem_shared>>) target_semaphore(%arg14 : memref<!tpu.dma_semaphore, #tpu.memory_space<semaphore_mem>>)
    %mul3A_18 = arith.constant 640 : i32
    %mul3A_19 = arith.muli %arg1, %mul3A_18 : i32
    %add3A_20 = arith.constant 256 : i32
    %add3A_21 = arith.addi %mul3A_19, %add3A_20 : i32
    %dma_start3A_22 = arith.constant 0 : i32
    %dma_start3A_23 = tpu.memref_slice %arg7[%add3A_21, %dma_start3A_22] : memref<10240x128xf32, #tpu.memory_space<vmem_shared>> -> memref<128x128xf32, #tpu.memory_space<vmem_shared>>
    %dma_start3A_24 = arith.constant 0 : i32
    %dma_start3A_25 = tpu.memref_slice %arg7[%add3A_21, %dma_start3A_24] : memref<10240x128xf32, #tpu.memory_space<vmem_shared>> -> memref<128x128xf32, #tpu.memory_space<vmem_shared>>
    tpu.enqueue_dma source(%arg8 : memref<128x128xf32, #tpu.memory_space<vmem>>) target(%dma_start3A_25 : memref<128x128xf32, #tpu.memory_space<vmem_shared>>) target_semaphore(%arg14 : memref<!tpu.dma_semaphore, #tpu.memory_space<semaphore_mem>>)
    %mul3A_26 = arith.constant 640 : i32
    %mul3A_27 = arith.muli %arg1, %mul3A_26 : i32
    %add3A_28 = arith.constant 384 : i32
    %add3A_29 = arith.addi %mul3A_27, %add3A_28 : i32
    %dma_start3A_30 = arith.constant 0 : i32
    %dma_start3A_31 = tpu.memref_slice %arg7[%add3A_29, %dma_start3A_30] : memref<10240x128xf32, #tpu.memory_space<vmem_shared>> -> memref<128x128xf32, #tpu.memory_space<vmem_shared>>
    %dma_start3A_32 = arith.constant 0 : i32
    %dma_start3A_33 = tpu.memref_slice %arg7[%add3A_29, %dma_start3A_32] : memref<10240x128xf32, #tpu.memory_space<vmem_shared>> -> memref<128x128xf32, #tpu.memory_space<vmem_shared>>
    tpu.enqueue_dma source(%arg8 : memref<128x128xf32, #tpu.memory_space<vmem>>) target(%dma_start3A_33 : memref<128x128xf32, #tpu.memory_space<vmem_shared>>) target_semaphore(%arg14 : memref<!tpu.dma_semaphore, #tpu.memory_space<semaphore_mem>>)
    %mul3A_34 = arith.constant 640 : i32
    %mul3A_35 = arith.muli %arg1, %mul3A_34 : i32
    %add3A_36 = arith.constant 512 : i32
    %add3A_37 = arith.addi %mul3A_35, %add3A_36 : i32
    %dma_start3A_38 = arith.constant 0 : i32
    %dma_start3A_39 = tpu.memref_slice %arg7[%add3A_37, %dma_start3A_38] : memref<10240x128xf32, #tpu.memory_space<vmem_shared>> -> memref<128x128xf32, #tpu.memory_space<vmem_shared>>
    %dma_start3A_40 = arith.constant 0 : i32
    %dma_start3A_41 = tpu.memref_slice %arg7[%add3A_37, %dma_start3A_40] : memref<10240x128xf32, #tpu.memory_space<vmem_shared>> -> memref<128x128xf32, #tpu.memory_space<vmem_shared>>
    tpu.enqueue_dma source(%arg8 : memref<128x128xf32, #tpu.memory_space<vmem>>) target(%dma_start3A_41 : memref<128x128xf32, #tpu.memory_space<vmem_shared>>) target_semaphore(%arg14 : memref<!tpu.dma_semaphore, #tpu.memory_space<semaphore_mem>>)
    %dma_wait3A = arith.constant 0 : i32
    %dma_wait3A_42 = tpu.memref_slice %arg7[%add3A_6, %dma_wait3A] : memref<10240x128xf32, #tpu.memory_space<vmem_shared>> -> memref<128x128xf32, #tpu.memory_space<vmem_shared>>
    %dma_wait3A_43 = arith.constant 0 : i32
    %dma_wait3A_44 = tpu.memref_slice %arg7[%add3A_6, %dma_wait3A_43] : memref<10240x128xf32, #tpu.memory_space<vmem_shared>> -> memref<128x128xf32, #tpu.memory_space<vmem_shared>>
    tpu.wait_dma2 semaphore(%arg14 : memref<!tpu.dma_semaphore, #tpu.memory_space<semaphore_mem>>) src(%arg8 : memref<128x128xf32, #tpu.memory_space<vmem>>) dst(%dma_wait3A_44 : memref<128x128xf32, #tpu.memory_space<vmem_shared>>)
    %dma_wait3A_45 = arith.constant 0 : i32
    %dma_wait3A_46 = tpu.memref_slice %arg7[%add3A_13, %dma_wait3A_45] : memref<10240x128xf32, #tpu.memory_space<vmem_shared>> -> memref<128x128xf32, #tpu.memory_space<vmem_shared>>
    %dma_wait3A_47 = arith.constant 0 : i32
    %dma_wait3A_48 = tpu.memref_slice %arg7[%add3A_13, %dma_wait3A_47] : memref<10240x128xf32, #tpu.memory_space<vmem_shared>> -> memref<128x128xf32, #tpu.memory_space<vmem_shared>>
    tpu.wait_dma2 semaphore(%arg14 : memref<!tpu.dma_semaphore, #tpu.memory_space<semaphore_mem>>) src(%arg8 : memref<128x128xf32, #tpu.memory_space<vmem>>) dst(%dma_wait3A_48 : memref<128x128xf32, #tpu.memory_space<vmem_shared>>)
    %dma_wait3A_49 = arith.constant 0 : i32
    %dma_wait3A_50 = tpu.memref_slice %arg7[%add3A_21, %dma_wait3A_49] : memref<10240x128xf32, #tpu.memory_space<vmem_shared>> -> memref<128x128xf32, #tpu.memory_space<vmem_shared>>
    %dma_wait3A_51 = arith.constant 0 : i32
    %dma_wait3A_52 = tpu.memref_slice %arg7[%add3A_21, %dma_wait3A_51] : memref<10240x128xf32, #tpu.memory_space<vmem_shared>> -> memref<128x128xf32, #tpu.memory_space<vmem_shared>>
    tpu.wait_dma2 semaphore(%arg14 : memref<!tpu.dma_semaphore, #tpu.memory_space<semaphore_mem>>) src(%arg8 : memref<128x128xf32, #tpu.memory_space<vmem>>) dst(%dma_wait3A_52 : memref<128x128xf32, #tpu.memory_space<vmem_shared>>)
    %dma_wait3A_53 = arith.constant 0 : i32
    %dma_wait3A_54 = tpu.memref_slice %arg7[%add3A_29, %dma_wait3A_53] : memref<10240x128xf32, #tpu.memory_space<vmem_shared>> -> memref<128x128xf32, #tpu.memory_space<vmem_shared>>
    %dma_wait3A_55 = arith.constant 0 : i32
    %dma_wait3A_56 = tpu.memref_slice %arg7[%add3A_29, %dma_wait3A_55] : memref<10240x128xf32, #tpu.memory_space<vmem_shared>> -> memref<128x128xf32, #tpu.memory_space<vmem_shared>>
    tpu.wait_dma2 semaphore(%arg14 : memref<!tpu.dma_semaphore, #tpu.memory_space<semaphore_mem>>) src(%arg8 : memref<128x128xf32, #tpu.memory_space<vmem>>) dst(%dma_wait3A_56 : memref<128x128xf32, #tpu.memory_space<vmem_shared>>)
    %dma_wait3A_57 = arith.constant 0 : i32
    %dma_wait3A_58 = tpu.memref_slice %arg7[%add3A_37, %dma_wait3A_57] : memref<10240x128xf32, #tpu.memory_space<vmem_shared>> -> memref<128x128xf32, #tpu.memory_space<vmem_shared>>
    %dma_wait3A_59 = arith.constant 0 : i32
    %dma_wait3A_60 = tpu.memref_slice %arg7[%add3A_37, %dma_wait3A_59] : memref<10240x128xf32, #tpu.memory_space<vmem_shared>> -> memref<128x128xf32, #tpu.memory_space<vmem_shared>>
    tpu.wait_dma2 semaphore(%arg14 : memref<!tpu.dma_semaphore, #tpu.memory_space<semaphore_mem>>) src(%arg8 : memref<128x128xf32, #tpu.memory_space<vmem>>) dst(%dma_wait3A_60 : memref<128x128xf32, #tpu.memory_space<vmem_shared>>)
    %barrier3A = arith.constant 0 : index
    tpu.barrier barrier_id(%barrier3A)
    %mul3A_61 = arith.constant 5120 : i32
    %mul3A_62 = arith.muli %add3A, %mul3A_61 : i32
    %add3A_63 = arith.constant 0 : i32
    %add3A_64 = arith.addi %mul3A_62, %add3A_63 : i32
    %dma_start3A_65 = arith.constant 0 : i32
    %dma_start3A_66 = tpu.memref_slice %arg2[%add3A_64, %dma_start3A_65] : memref<163840x128xf32, #tpu.memory_space<hbm>> -> memref<128x128xf32, #tpu.memory_space<hbm>>
    %dma_start3A_67 = arith.constant 0 : i32
    %dma_start3A_68 = tpu.memref_slice %arg2[%add3A_64, %dma_start3A_67] : memref<163840x128xf32, #tpu.memory_space<hbm>> -> memref<128x128xf32, #tpu.memory_space<hbm>>
    tpu.enqueue_dma source(%dma_start3A_68 : memref<128x128xf32, #tpu.memory_space<hbm>>) target(%arg8 : memref<128x128xf32, #tpu.memory_space<vmem>>) target_semaphore(%arg10 : memref<!tpu.dma_semaphore, #tpu.memory_space<semaphore_mem>>)
    %mul3A_69 = arith.constant 5120 : i32
    %mul3A_70 = arith.muli %add3A, %mul3A_69 : i32
    %add3A_71 = arith.constant 128 : i32
    %add3A_72 = arith.addi %mul3A_70, %add3A_71 : i32
    %dma_start3A_73 = arith.constant 0 : i32
    %dma_start3A_74 = tpu.memref_slice %arg2[%add3A_72, %dma_start3A_73] : memref<163840x128xf32, #tpu.memory_space<hbm>> -> memref<128x128xf32, #tpu.memory_space<hbm>>
    %dma_start3A_75 = arith.constant 0 : i32
    %dma_start3A_76 = tpu.memref_slice %arg2[%add3A_72, %dma_start3A_75] : memref<163840x128xf32, #tpu.memory_space<hbm>> -> memref<128x128xf32, #tpu.memory_space<hbm>>
    tpu.enqueue_dma source(%dma_start3A_76 : memref<128x128xf32, #tpu.memory_space<hbm>>) target(%arg9 : memref<128x128xf32, #tpu.memory_space<vmem>>) target_semaphore(%arg11 : memref<!tpu.dma_semaphore, #tpu.memory_space<semaphore_mem>>)
    %scan3A = arith.constant 0 : i32
    %scan3A_77 = arith.constant 0 : i32
    %scan3A_78 = arith.constant 20 : i32
    %scan3A_79 = arith.addi %scan3A_77, %scan3A_78 : i32
    %scan3A_80 = arith.constant 1 : i32
    scf.for %scan3A_153 = %scan3A_77 to %scan3A_79 step %scan3A_80  : i32 {
      %mul3A_154 = arith.constant 2 : i32
      %mul3A_155 = arith.muli %scan3A_153, %mul3A_154 : i32
      %add3A_156 = arith.constant 0 : i32
      %add3A_157 = arith.addi %mul3A_155, %add3A_156 : i32
      %mul3A_158 = arith.constant 5120 : i32
      %mul3A_159 = arith.muli %add3A, %mul3A_158 : i32
      %mul3A_160 = arith.constant 128 : i32
      %mul3A_161 = arith.muli %add3A_157, %mul3A_160 : i32
      %add3A_162 = arith.addi %mul3A_159, %mul3A_161 : i32
      %dma_wait3A_163 = arith.constant 0 : i32
      %dma_wait3A_164 = tpu.memref_slice %arg2[%add3A_162, %dma_wait3A_163] : memref<163840x128xf32, #tpu.memory_space<hbm>> -> memref<128x128xf32, #tpu.memory_space<hbm>>
      %dma_wait3A_165 = arith.constant 0 : i32
      %dma_wait3A_166 = tpu.memref_slice %arg2[%add3A_162, %dma_wait3A_165] : memref<163840x128xf32, #tpu.memory_space<hbm>> -> memref<128x128xf32, #tpu.memory_space<hbm>>
      tpu.wait_dma2 semaphore(%arg10 : memref<!tpu.dma_semaphore, #tpu.memory_space<semaphore_mem>>) src(%dma_wait3A_166 : memref<128x128xf32, #tpu.memory_space<hbm>>) dst(%arg8 : memref<128x128xf32, #tpu.memory_space<vmem>>)
      %dma_start3A_167 = arith.constant 0 : i32
      %dma_start3A_168 = tpu.memref_slice %arg6[%add3A_157, %dma_start3A_167] : memref<40x128xi32, #tpu.memory_space<vmem>> -> memref<1x128xi32, #tpu.memory_space<vmem>>
      %dma_start3A_169 = tpu.memref_squeeze %dma_start3A_168 : memref<1x128xi32, #tpu.memory_space<vmem>> -> memref<128xi32, #tpu.memory_space<vmem>>
      %dma_start3A_170 = arith.constant 0 : i32
      %dma_start3A_171 = arith.constant 0 : i32
      %dma_start3A_172 = tpu.memref_slice %arg7[%dma_start3A_170, %dma_start3A_171] : memref<10240x128xf32, #tpu.memory_space<vmem_shared>> -> memref<10240x128xf32, #tpu.memory_space<vmem_shared>>
      tpu.enqueue_indirect_dma source(%arg8 : memref<128x128xf32, #tpu.memory_space<vmem>>) target(%dma_start3A_172 : memref<10240x128xf32, #tpu.memory_space<vmem_shared>>) offsets(%dma_start3A_169 : memref<128xi32, #tpu.memory_space<vmem>>) semaphore(%arg12 : memref<!tpu.dma_semaphore, #tpu.memory_space<semaphore_mem>>) {add = true}
      %dma_wait3A_173 = arith.constant 0 : i32
      %dma_wait3A_174 = tpu.memref_slice %arg6[%add3A_157, %dma_wait3A_173] : memref<40x128xi32, #tpu.memory_space<vmem>> -> memref<1x128xi32, #tpu.memory_space<vmem>>
      %dma_wait3A_175 = tpu.memref_squeeze %dma_wait3A_174 : memref<1x128xi32, #tpu.memory_space<vmem>> -> memref<128xi32, #tpu.memory_space<vmem>>
      %dma_wait3A_176 = arith.constant 0 : i32
      %dma_wait3A_177 = arith.constant 0 : i32
      %dma_wait3A_178 = tpu.memref_slice %arg7[%dma_wait3A_176, %dma_wait3A_177] : memref<10240x128xf32, #tpu.memory_space<vmem_shared>> -> memref<10240x128xf32, #tpu.memory_space<vmem_shared>>
      tpu.wait_indirect_dma semaphore(%arg12 : memref<!tpu.dma_semaphore, #tpu.memory_space<semaphore_mem>>) src(%arg8 : memref<128x128xf32, #tpu.memory_space<vmem>>) dst(%dma_wait3A_178 : memref<10240x128xf32, #tpu.memory_space<vmem_shared>>)
      %add3A_179 = arith.constant 2 : i32
      %add3A_180 = arith.addi %add3A_157, %add3A_179 : i32
      %lt3A = arith.constant 40 : i32
      %lt3A_181 = arith.cmpi slt, %add3A_180, %lt3A : i32
      %convert_element_type3A = arith.extui %lt3A_181 : i1 to i32
      %cond3A = arith.constant 0 : i32
      %cond3A_182 = arith.cmpi ne, %convert_element_type3A, %cond3A : i32
      scf.if %cond3A_182 {
        %mul3A_215 = arith.constant 5120 : i32
        %mul3A_216 = arith.muli %add3A, %mul3A_215 : i32
        %mul3A_217 = arith.constant 128 : i32
        %mul3A_218 = arith.muli %add3A_180, %mul3A_217 : i32
        %add3A_219 = arith.addi %mul3A_216, %mul3A_218 : i32
        %dma_start3A_220 = arith.constant 0 : i32
        %dma_start3A_221 = tpu.memref_slice %arg2[%add3A_219, %dma_start3A_220] : memref<163840x128xf32, #tpu.memory_space<hbm>> -> memref<128x128xf32, #tpu.memory_space<hbm>>
        %dma_start3A_222 = arith.constant 0 : i32
        %dma_start3A_223 = tpu.memref_slice %arg2[%add3A_219, %dma_start3A_222] : memref<163840x128xf32, #tpu.memory_space<hbm>> -> memref<128x128xf32, #tpu.memory_space<hbm>>
        tpu.enqueue_dma source(%dma_start3A_223 : memref<128x128xf32, #tpu.memory_space<hbm>>) target(%arg8 : memref<128x128xf32, #tpu.memory_space<vmem>>) target_semaphore(%arg10 : memref<!tpu.dma_semaphore, #tpu.memory_space<semaphore_mem>>)
      } else {
      }
      %mul3A_183 = arith.constant 2 : i32
      %mul3A_184 = arith.muli %scan3A_153, %mul3A_183 : i32
      %add3A_185 = arith.constant 1 : i32
      %add3A_186 = arith.addi %mul3A_184, %add3A_185 : i32
      %mul3A_187 = arith.constant 5120 : i32
      %mul3A_188 = arith.muli %add3A, %mul3A_187 : i32
      %mul3A_189 = arith.constant 128 : i32
      %mul3A_190 = arith.muli %add3A_186, %mul3A_189 : i32
      %add3A_191 = arith.addi %mul3A_188, %mul3A_190 : i32
      %dma_wait3A_192 = arith.constant 0 : i32
      %dma_wait3A_193 = tpu.memref_slice %arg2[%add3A_191, %dma_wait3A_192] : memref<163840x128xf32, #tpu.memory_space<hbm>> -> memref<128x128xf32, #tpu.memory_space<hbm>>
      %dma_wait3A_194 = arith.constant 0 : i32
      %dma_wait3A_195 = tpu.memref_slice %arg2[%add3A_191, %dma_wait3A_194] : memref<163840x128xf32, #tpu.memory_space<hbm>> -> memref<128x128xf32, #tpu.memory_space<hbm>>
      tpu.wait_dma2 semaphore(%arg11 : memref<!tpu.dma_semaphore, #tpu.memory_space<semaphore_mem>>) src(%dma_wait3A_195 : memref<128x128xf32, #tpu.memory_space<hbm>>) dst(%arg9 : memref<128x128xf32, #tpu.memory_space<vmem>>)
      %dma_start3A_196 = arith.constant 0 : i32
      %dma_start3A_197 = tpu.memref_slice %arg6[%add3A_186, %dma_start3A_196] : memref<40x128xi32, #tpu.memory_space<vmem>> -> memref<1x128xi32, #tpu.memory_space<vmem>>
      %dma_start3A_198 = tpu.memref_squeeze %dma_start3A_197 : memref<1x128xi32, #tpu.memory_space<vmem>> -> memref<128xi32, #tpu.memory_space<vmem>>
      %dma_start3A_199 = arith.constant 0 : i32
      %dma_start3A_200 = arith.constant 0 : i32
      %dma_start3A_201 = tpu.memref_slice %arg7[%dma_start3A_199, %dma_start3A_200] : memref<10240x128xf32, #tpu.memory_space<vmem_shared>> -> memref<10240x128xf32, #tpu.memory_space<vmem_shared>>
      tpu.enqueue_indirect_dma source(%arg9 : memref<128x128xf32, #tpu.memory_space<vmem>>) target(%dma_start3A_201 : memref<10240x128xf32, #tpu.memory_space<vmem_shared>>) offsets(%dma_start3A_198 : memref<128xi32, #tpu.memory_space<vmem>>) semaphore(%arg13 : memref<!tpu.dma_semaphore, #tpu.memory_space<semaphore_mem>>) {add = true}
      %dma_wait3A_202 = arith.constant 0 : i32
      %dma_wait3A_203 = tpu.memref_slice %arg6[%add3A_186, %dma_wait3A_202] : memref<40x128xi32, #tpu.memory_space<vmem>> -> memref<1x128xi32, #tpu.memory_space<vmem>>
      %dma_wait3A_204 = tpu.memref_squeeze %dma_wait3A_203 : memref<1x128xi32, #tpu.memory_space<vmem>> -> memref<128xi32, #tpu.memory_space<vmem>>
      %dma_wait3A_205 = arith.constant 0 : i32
      %dma_wait3A_206 = arith.constant 0 : i32
      %dma_wait3A_207 = tpu.memref_slice %arg7[%dma_wait3A_205, %dma_wait3A_206] : memref<10240x128xf32, #tpu.memory_space<vmem_shared>> -> memref<10240x128xf32, #tpu.memory_space<vmem_shared>>
      tpu.wait_indirect_dma semaphore(%arg13 : memref<!tpu.dma_semaphore, #tpu.memory_space<semaphore_mem>>) src(%arg9 : memref<128x128xf32, #tpu.memory_space<vmem>>) dst(%dma_wait3A_207 : memref<10240x128xf32, #tpu.memory_space<vmem_shared>>)
      %add3A_208 = arith.constant 2 : i32
      %add3A_209 = arith.addi %add3A_186, %add3A_208 : i32
      %lt3A_210 = arith.constant 40 : i32
      %lt3A_211 = arith.cmpi slt, %add3A_209, %lt3A_210 : i32
      %convert_element_type3A_212 = arith.extui %lt3A_211 : i1 to i32
      %cond3A_213 = arith.constant 0 : i32
      %cond3A_214 = arith.cmpi ne, %convert_element_type3A_212, %cond3A_213 : i32
      scf.if %cond3A_214 {
        %mul3A_215 = arith.constant 5120 : i32
        %mul3A_216 = arith.muli %add3A, %mul3A_215 : i32
        %mul3A_217 = arith.constant 128 : i32
        %mul3A_218 = arith.muli %add3A_209, %mul3A_217 : i32
        %add3A_219 = arith.addi %mul3A_216, %mul3A_218 : i32
        %dma_start3A_220 = arith.constant 0 : i32
        %dma_start3A_221 = tpu.memref_slice %arg2[%add3A_219, %dma_start3A_220] : memref<163840x128xf32, #tpu.memory_space<hbm>> -> memref<128x128xf32, #tpu.memory_space<hbm>>
        %dma_start3A_222 = arith.constant 0 : i32
        %dma_start3A_223 = tpu.memref_slice %arg2[%add3A_219, %dma_start3A_222] : memref<163840x128xf32, #tpu.memory_space<hbm>> -> memref<128x128xf32, #tpu.memory_space<hbm>>
        tpu.enqueue_dma source(%dma_start3A_223 : memref<128x128xf32, #tpu.memory_space<hbm>>) target(%arg9 : memref<128x128xf32, #tpu.memory_space<vmem>>) target_semaphore(%arg11 : memref<!tpu.dma_semaphore, #tpu.memory_space<semaphore_mem>>)
      } else {
      }
    }
    %scan3A_81 = arith.constant 20 : i32
    %barrier3A_82 = arith.constant 0 : index
    tpu.barrier barrier_id(%barrier3A_82)
    %mul3A_83 = arith.constant 640 : i32
    %mul3A_84 = arith.muli %arg1, %mul3A_83 : i32
    %dma_start3A_85 = arith.constant 0 : i32
    %dma_start3A_86 = tpu.memref_slice %arg7[%mul3A_84, %dma_start3A_85] : memref<10240x128xf32, #tpu.memory_space<vmem_shared>> -> memref<128x128xf32, #tpu.memory_space<vmem_shared>>
    %dma_start3A_87 = arith.constant 0 : i32
    %dma_start3A_88 = tpu.memref_slice %arg7[%mul3A_84, %dma_start3A_87] : memref<10240x128xf32, #tpu.memory_space<vmem_shared>> -> memref<128x128xf32, #tpu.memory_space<vmem_shared>>
    tpu.enqueue_dma source(%dma_start3A_88 : memref<128x128xf32, #tpu.memory_space<vmem_shared>>) target(%arg8 : memref<128x128xf32, #tpu.memory_space<vmem>>) target_semaphore(%arg10 : memref<!tpu.dma_semaphore, #tpu.memory_space<semaphore_mem>>)
    %mul3A_89 = arith.constant 640 : i32
    %mul3A_90 = arith.muli %arg1, %mul3A_89 : i32
    %add3A_91 = arith.constant 0 : i32
    %add3A_92 = arith.addi %mul3A_90, %add3A_91 : i32
    %dma_wait3A_93 = arith.constant 0 : i32
    %dma_wait3A_94 = tpu.memref_slice %arg7[%add3A_92, %dma_wait3A_93] : memref<10240x128xf32, #tpu.memory_space<vmem_shared>> -> memref<128x128xf32, #tpu.memory_space<vmem_shared>>
    %dma_wait3A_95 = arith.constant 0 : i32
    %dma_wait3A_96 = tpu.memref_slice %arg7[%add3A_92, %dma_wait3A_95] : memref<10240x128xf32, #tpu.memory_space<vmem_shared>> -> memref<128x128xf32, #tpu.memory_space<vmem_shared>>
    tpu.wait_dma2 semaphore(%arg10 : memref<!tpu.dma_semaphore, #tpu.memory_space<semaphore_mem>>) src(%dma_wait3A_96 : memref<128x128xf32, #tpu.memory_space<vmem_shared>>) dst(%arg8 : memref<128x128xf32, #tpu.memory_space<vmem>>)
    %add3A_97 = arith.constant 128 : i32
    %add3A_98 = arith.addi %add3A_92, %add3A_97 : i32
    %dma_start3A_99 = arith.constant 0 : i32
    %dma_start3A_100 = tpu.memref_slice %arg7[%add3A_98, %dma_start3A_99] : memref<10240x128xf32, #tpu.memory_space<vmem_shared>> -> memref<128x128xf32, #tpu.memory_space<vmem_shared>>
    %dma_start3A_101 = arith.constant 0 : i32
    %dma_start3A_102 = tpu.memref_slice %arg7[%add3A_98, %dma_start3A_101] : memref<10240x128xf32, #tpu.memory_space<vmem_shared>> -> memref<128x128xf32, #tpu.memory_space<vmem_shared>>
    tpu.enqueue_dma source(%dma_start3A_102 : memref<128x128xf32, #tpu.memory_space<vmem_shared>>) target(%arg9 : memref<128x128xf32, #tpu.memory_space<vmem>>) target_semaphore(%arg11 : memref<!tpu.dma_semaphore, #tpu.memory_space<semaphore_mem>>)
    "tpu.region"() ({
      %run_scoped3A = tpu.sem_alloc : memref<!tpu.dma_semaphore, #tpu.memory_space<semaphore_mem>>
      %dma_start3A_153 = arith.constant 0 : i32
      %dma_start3A_154 = tpu.memref_slice %arg5[%arg0, %add3A_92, %dma_start3A_153] : memref<2x10240x128xf32, #tpu.memory_space<hbm>> -> memref<1x128x128xf32, #tpu.memory_space<hbm>>
      %dma_start3A_155 = tpu.memref_squeeze %dma_start3A_154 : memref<1x128x128xf32, #tpu.memory_space<hbm>> -> memref<128x128xf32, #tpu.memory_space<hbm>>
      %dma_start3A_156 = arith.constant 0 : i32
      %dma_start3A_157 = tpu.memref_slice %arg5[%arg0, %add3A_92, %dma_start3A_156] : memref<2x10240x128xf32, #tpu.memory_space<hbm>> -> memref<1x128x128xf32, #tpu.memory_space<hbm>>
      %dma_start3A_158 = tpu.memref_squeeze %dma_start3A_157 : memref<1x128x128xf32, #tpu.memory_space<hbm>> -> memref<128x128xf32, #tpu.memory_space<hbm>>
      tpu.enqueue_dma source(%arg8 : memref<128x128xf32, #tpu.memory_space<vmem>>) target(%dma_start3A_158 : memref<128x128xf32, #tpu.memory_space<hbm>>) target_semaphore(%run_scoped3A : memref<!tpu.dma_semaphore, #tpu.memory_space<semaphore_mem>>)
      %dma_wait3A_159 = arith.constant 0 : i32
      %dma_wait3A_160 = tpu.memref_slice %arg5[%arg0, %add3A_92, %dma_wait3A_159] : memref<2x10240x128xf32, #tpu.memory_space<hbm>> -> memref<1x128x128xf32, #tpu.memory_space<hbm>>
      %dma_wait3A_161 = tpu.memref_squeeze %dma_wait3A_160 : memref<1x128x128xf32, #tpu.memory_space<hbm>> -> memref<128x128xf32, #tpu.memory_space<hbm>>
      %dma_wait3A_162 = arith.constant 0 : i32
      %dma_wait3A_163 = tpu.memref_slice %arg5[%arg0, %add3A_92, %dma_wait3A_162] : memref<2x10240x128xf32, #tpu.memory_space<hbm>> -> memref<1x128x128xf32, #tpu.memory_space<hbm>>
      %dma_wait3A_164 = tpu.memref_squeeze %dma_wait3A_163 : memref<1x128x128xf32, #tpu.memory_space<hbm>> -> memref<128x128xf32, #tpu.memory_space<hbm>>
      tpu.wait_dma2 semaphore(%run_scoped3A : memref<!tpu.dma_semaphore, #tpu.memory_space<semaphore_mem>>) src(%arg8 : memref<128x128xf32, #tpu.memory_space<vmem>>) dst(%dma_wait3A_164 : memref<128x128xf32, #tpu.memory_space<hbm>>)
      tpu.yield
    }) : () -> ()
    %mul3A_103 = arith.constant 640 : i32
    %mul3A_104 = arith.muli %arg1, %mul3A_103 : i32
    %add3A_105 = arith.constant 128 : i32
    %add3A_106 = arith.addi %mul3A_104, %add3A_105 : i32
    %dma_wait3A_107 = arith.constant 0 : i32
    %dma_wait3A_108 = tpu.memref_slice %arg7[%add3A_106, %dma_wait3A_107] : memref<10240x128xf32, #tpu.memory_space<vmem_shared>> -> memref<128x128xf32, #tpu.memory_space<vmem_shared>>
    %dma_wait3A_109 = arith.constant 0 : i32
    %dma_wait3A_110 = tpu.memref_slice %arg7[%add3A_106, %dma_wait3A_109] : memref<10240x128xf32, #tpu.memory_space<vmem_shared>> -> memref<128x128xf32, #tpu.memory_space<vmem_shared>>
    tpu.wait_dma2 semaphore(%arg11 : memref<!tpu.dma_semaphore, #tpu.memory_space<semaphore_mem>>) src(%dma_wait3A_110 : memref<128x128xf32, #tpu.memory_space<vmem_shared>>) dst(%arg9 : memref<128x128xf32, #tpu.memory_space<vmem>>)
    %add3A_111 = arith.constant 128 : i32
    %add3A_112 = arith.addi %add3A_106, %add3A_111 : i32
    %dma_start3A_113 = arith.constant 0 : i32
    %dma_start3A_114 = tpu.memref_slice %arg7[%add3A_112, %dma_start3A_113] : memref<10240x128xf32, #tpu.memory_space<vmem_shared>> -> memref<128x128xf32, #tpu.memory_space<vmem_shared>>
    %dma_start3A_115 = arith.constant 0 : i32
    %dma_start3A_116 = tpu.memref_slice %arg7[%add3A_112, %dma_start3A_115] : memref<10240x128xf32, #tpu.memory_space<vmem_shared>> -> memref<128x128xf32, #tpu.memory_space<vmem_shared>>
    tpu.enqueue_dma source(%dma_start3A_116 : memref<128x128xf32, #tpu.memory_space<vmem_shared>>) target(%arg8 : memref<128x128xf32, #tpu.memory_space<vmem>>) target_semaphore(%arg10 : memref<!tpu.dma_semaphore, #tpu.memory_space<semaphore_mem>>)
    "tpu.region"() ({
      %run_scoped3A = tpu.sem_alloc : memref<!tpu.dma_semaphore, #tpu.memory_space<semaphore_mem>>
      %dma_start3A_153 = arith.constant 0 : i32
      %dma_start3A_154 = tpu.memref_slice %arg5[%arg0, %add3A_106, %dma_start3A_153] : memref<2x10240x128xf32, #tpu.memory_space<hbm>> -> memref<1x128x128xf32, #tpu.memory_space<hbm>>
      %dma_start3A_155 = tpu.memref_squeeze %dma_start3A_154 : memref<1x128x128xf32, #tpu.memory_space<hbm>> -> memref<128x128xf32, #tpu.memory_space<hbm>>
      %dma_start3A_156 = arith.constant 0 : i32
      %dma_start3A_157 = tpu.memref_slice %arg5[%arg0, %add3A_106, %dma_start3A_156] : memref<2x10240x128xf32, #tpu.memory_space<hbm>> -> memref<1x128x128xf32, #tpu.memory_space<hbm>>
      %dma_start3A_158 = tpu.memref_squeeze %dma_start3A_157 : memref<1x128x128xf32, #tpu.memory_space<hbm>> -> memref<128x128xf32, #tpu.memory_space<hbm>>
      tpu.enqueue_dma source(%arg9 : memref<128x128xf32, #tpu.memory_space<vmem>>) target(%dma_start3A_158 : memref<128x128xf32, #tpu.memory_space<hbm>>) target_semaphore(%run_scoped3A : memref<!tpu.dma_semaphore, #tpu.memory_space<semaphore_mem>>)
      %dma_wait3A_159 = arith.constant 0 : i32
      %dma_wait3A_160 = tpu.memref_slice %arg5[%arg0, %add3A_106, %dma_wait3A_159] : memref<2x10240x128xf32, #tpu.memory_space<hbm>> -> memref<1x128x128xf32, #tpu.memory_space<hbm>>
      %dma_wait3A_161 = tpu.memref_squeeze %dma_wait3A_160 : memref<1x128x128xf32, #tpu.memory_space<hbm>> -> memref<128x128xf32, #tpu.memory_space<hbm>>
      %dma_wait3A_162 = arith.constant 0 : i32
      %dma_wait3A_163 = tpu.memref_slice %arg5[%arg0, %add3A_106, %dma_wait3A_162] : memref<2x10240x128xf32, #tpu.memory_space<hbm>> -> memref<1x128x128xf32, #tpu.memory_space<hbm>>
      %dma_wait3A_164 = tpu.memref_squeeze %dma_wait3A_163 : memref<1x128x128xf32, #tpu.memory_space<hbm>> -> memref<128x128xf32, #tpu.memory_space<hbm>>
      tpu.wait_dma2 semaphore(%run_scoped3A : memref<!tpu.dma_semaphore, #tpu.memory_space<semaphore_mem>>) src(%arg9 : memref<128x128xf32, #tpu.memory_space<vmem>>) dst(%dma_wait3A_164 : memref<128x128xf32, #tpu.memory_space<hbm>>)
      tpu.yield
    }) : () -> ()
    %mul3A_117 = arith.constant 640 : i32
    %mul3A_118 = arith.muli %arg1, %mul3A_117 : i32
    %add3A_119 = arith.constant 256 : i32
    %add3A_120 = arith.addi %mul3A_118, %add3A_119 : i32
    %dma_wait3A_121 = arith.constant 0 : i32
    %dma_wait3A_122 = tpu.memref_slice %arg7[%add3A_120, %dma_wait3A_121] : memref<10240x128xf32, #tpu.memory_space<vmem_shared>> -> memref<128x128xf32, #tpu.memory_space<vmem_shared>>
    %dma_wait3A_123 = arith.constant 0 : i32
    %dma_wait3A_124 = tpu.memref_slice %arg7[%add3A_120, %dma_wait3A_123] : memref<10240x128xf32, #tpu.memory_space<vmem_shared>> -> memref<128x128xf32, #tpu.memory_space<vmem_shared>>
    tpu.wait_dma2 semaphore(%arg10 : memref<!tpu.dma_semaphore, #tpu.memory_space<semaphore_mem>>) src(%dma_wait3A_124 : memref<128x128xf32, #tpu.memory_space<vmem_shared>>) dst(%arg8 : memref<128x128xf32, #tpu.memory_space<vmem>>)
    %add3A_125 = arith.constant 128 : i32
    %add3A_126 = arith.addi %add3A_120, %add3A_125 : i32
    %dma_start3A_127 = arith.constant 0 : i32
    %dma_start3A_128 = tpu.memref_slice %arg7[%add3A_126, %dma_start3A_127] : memref<10240x128xf32, #tpu.memory_space<vmem_shared>> -> memref<128x128xf32, #tpu.memory_space<vmem_shared>>
    %dma_start3A_129 = arith.constant 0 : i32
    %dma_start3A_130 = tpu.memref_slice %arg7[%add3A_126, %dma_start3A_129] : memref<10240x128xf32, #tpu.memory_space<vmem_shared>> -> memref<128x128xf32, #tpu.memory_space<vmem_shared>>
    tpu.enqueue_dma source(%dma_start3A_130 : memref<128x128xf32, #tpu.memory_space<vmem_shared>>) target(%arg9 : memref<128x128xf32, #tpu.memory_space<vmem>>) target_semaphore(%arg11 : memref<!tpu.dma_semaphore, #tpu.memory_space<semaphore_mem>>)
    "tpu.region"() ({
      %run_scoped3A = tpu.sem_alloc : memref<!tpu.dma_semaphore, #tpu.memory_space<semaphore_mem>>
      %dma_start3A_153 = arith.constant 0 : i32
      %dma_start3A_154 = tpu.memref_slice %arg5[%arg0, %add3A_120, %dma_start3A_153] : memref<2x10240x128xf32, #tpu.memory_space<hbm>> -> memref<1x128x128xf32, #tpu.memory_space<hbm>>
      %dma_start3A_155 = tpu.memref_squeeze %dma_start3A_154 : memref<1x128x128xf32, #tpu.memory_space<hbm>> -> memref<128x128xf32, #tpu.memory_space<hbm>>
      %dma_start3A_156 = arith.constant 0 : i32
      %dma_start3A_157 = tpu.memref_slice %arg5[%arg0, %add3A_120, %dma_start3A_156] : memref<2x10240x128xf32, #tpu.memory_space<hbm>> -> memref<1x128x128xf32, #tpu.memory_space<hbm>>
      %dma_start3A_158 = tpu.memref_squeeze %dma_start3A_157 : memref<1x128x128xf32, #tpu.memory_space<hbm>> -> memref<128x128xf32, #tpu.memory_space<hbm>>
      tpu.enqueue_dma source(%arg8 : memref<128x128xf32, #tpu.memory_space<vmem>>) target(%dma_start3A_158 : memref<128x128xf32, #tpu.memory_space<hbm>>) target_semaphore(%run_scoped3A : memref<!tpu.dma_semaphore, #tpu.memory_space<semaphore_mem>>)
      %dma_wait3A_159 = arith.constant 0 : i32
      %dma_wait3A_160 = tpu.memref_slice %arg5[%arg0, %add3A_120, %dma_wait3A_159] : memref<2x10240x128xf32, #tpu.memory_space<hbm>> -> memref<1x128x128xf32, #tpu.memory_space<hbm>>
      %dma_wait3A_161 = tpu.memref_squeeze %dma_wait3A_160 : memref<1x128x128xf32, #tpu.memory_space<hbm>> -> memref<128x128xf32, #tpu.memory_space<hbm>>
      %dma_wait3A_162 = arith.constant 0 : i32
      %dma_wait3A_163 = tpu.memref_slice %arg5[%arg0, %add3A_120, %dma_wait3A_162] : memref<2x10240x128xf32, #tpu.memory_space<hbm>> -> memref<1x128x128xf32, #tpu.memory_space<hbm>>
      %dma_wait3A_164 = tpu.memref_squeeze %dma_wait3A_163 : memref<1x128x128xf32, #tpu.memory_space<hbm>> -> memref<128x128xf32, #tpu.memory_space<hbm>>
      tpu.wait_dma2 semaphore(%run_scoped3A : memref<!tpu.dma_semaphore, #tpu.memory_space<semaphore_mem>>) src(%arg8 : memref<128x128xf32, #tpu.memory_space<vmem>>) dst(%dma_wait3A_164 : memref<128x128xf32, #tpu.memory_space<hbm>>)
      tpu.yield
    }) : () -> ()
    %mul3A_131 = arith.constant 640 : i32
    %mul3A_132 = arith.muli %arg1, %mul3A_131 : i32
    %add3A_133 = arith.constant 384 : i32
    %add3A_134 = arith.addi %mul3A_132, %add3A_133 : i32
    %dma_wait3A_135 = arith.constant 0 : i32
    %dma_wait3A_136 = tpu.memref_slice %arg7[%add3A_134, %dma_wait3A_135] : memref<10240x128xf32, #tpu.memory_space<vmem_shared>> -> memref<128x128xf32, #tpu.memory_space<vmem_shared>>
    %dma_wait3A_137 = arith.constant 0 : i32
    %dma_wait3A_138 = tpu.memref_slice %arg7[%add3A_134, %dma_wait3A_137] : memref<10240x128xf32, #tpu.memory_space<vmem_shared>> -> memref<128x128xf32, #tpu.memory_space<vmem_shared>>
    tpu.wait_dma2 semaphore(%arg11 : memref<!tpu.dma_semaphore, #tpu.memory_space<semaphore_mem>>) src(%dma_wait3A_138 : memref<128x128xf32, #tpu.memory_space<vmem_shared>>) dst(%arg9 : memref<128x128xf32, #tpu.memory_space<vmem>>)
    %add3A_139 = arith.constant 128 : i32
    %add3A_140 = arith.addi %add3A_134, %add3A_139 : i32
    %dma_start3A_141 = arith.constant 0 : i32
    %dma_start3A_142 = tpu.memref_slice %arg7[%add3A_140, %dma_start3A_141] : memref<10240x128xf32, #tpu.memory_space<vmem_shared>> -> memref<128x128xf32, #tpu.memory_space<vmem_shared>>
    %dma_start3A_143 = arith.constant 0 : i32
    %dma_start3A_144 = tpu.memref_slice %arg7[%add3A_140, %dma_start3A_143] : memref<10240x128xf32, #tpu.memory_space<vmem_shared>> -> memref<128x128xf32, #tpu.memory_space<vmem_shared>>
    tpu.enqueue_dma source(%dma_start3A_144 : memref<128x128xf32, #tpu.memory_space<vmem_shared>>) target(%arg8 : memref<128x128xf32, #tpu.memory_space<vmem>>) target_semaphore(%arg10 : memref<!tpu.dma_semaphore, #tpu.memory_space<semaphore_mem>>)
    "tpu.region"() ({
      %run_scoped3A = tpu.sem_alloc : memref<!tpu.dma_semaphore, #tpu.memory_space<semaphore_mem>>
      %dma_start3A_153 = arith.constant 0 : i32
      %dma_start3A_154 = tpu.memref_slice %arg5[%arg0, %add3A_134, %dma_start3A_153] : memref<2x10240x128xf32, #tpu.memory_space<hbm>> -> memref<1x128x128xf32, #tpu.memory_space<hbm>>
      %dma_start3A_155 = tpu.memref_squeeze %dma_start3A_154 : memref<1x128x128xf32, #tpu.memory_space<hbm>> -> memref<128x128xf32, #tpu.memory_space<hbm>>
      %dma_start3A_156 = arith.constant 0 : i32
      %dma_start3A_157 = tpu.memref_slice %arg5[%arg0, %add3A_134, %dma_start3A_156] : memref<2x10240x128xf32, #tpu.memory_space<hbm>> -> memref<1x128x128xf32, #tpu.memory_space<hbm>>
      %dma_start3A_158 = tpu.memref_squeeze %dma_start3A_157 : memref<1x128x128xf32, #tpu.memory_space<hbm>> -> memref<128x128xf32, #tpu.memory_space<hbm>>
      tpu.enqueue_dma source(%arg9 : memref<128x128xf32, #tpu.memory_space<vmem>>) target(%dma_start3A_158 : memref<128x128xf32, #tpu.memory_space<hbm>>) target_semaphore(%run_scoped3A : memref<!tpu.dma_semaphore, #tpu.memory_space<semaphore_mem>>)
      %dma_wait3A_159 = arith.constant 0 : i32
      %dma_wait3A_160 = tpu.memref_slice %arg5[%arg0, %add3A_134, %dma_wait3A_159] : memref<2x10240x128xf32, #tpu.memory_space<hbm>> -> memref<1x128x128xf32, #tpu.memory_space<hbm>>
      %dma_wait3A_161 = tpu.memref_squeeze %dma_wait3A_160 : memref<1x128x128xf32, #tpu.memory_space<hbm>> -> memref<128x128xf32, #tpu.memory_space<hbm>>
      %dma_wait3A_162 = arith.constant 0 : i32
      %dma_wait3A_163 = tpu.memref_slice %arg5[%arg0, %add3A_134, %dma_wait3A_162] : memref<2x10240x128xf32, #tpu.memory_space<hbm>> -> memref<1x128x128xf32, #tpu.memory_space<hbm>>
      %dma_wait3A_164 = tpu.memref_squeeze %dma_wait3A_163 : memref<1x128x128xf32, #tpu.memory_space<hbm>> -> memref<128x128xf32, #tpu.memory_space<hbm>>
      tpu.wait_dma2 semaphore(%run_scoped3A : memref<!tpu.dma_semaphore, #tpu.memory_space<semaphore_mem>>) src(%arg9 : memref<128x128xf32, #tpu.memory_space<vmem>>) dst(%dma_wait3A_164 : memref<128x128xf32, #tpu.memory_space<hbm>>)
      tpu.yield
    }) : () -> ()
    %mul3A_145 = arith.constant 640 : i32
    %mul3A_146 = arith.muli %arg1, %mul3A_145 : i32
    %add3A_147 = arith.constant 512 : i32
    %add3A_148 = arith.addi %mul3A_146, %add3A_147 : i32
    %dma_wait3A_149 = arith.constant 0 : i32
    %dma_wait3A_150 = tpu.memref_slice %arg7[%add3A_148, %dma_wait3A_149] : memref<10240x128xf32, #tpu.memory_space<vmem_shared>> -> memref<128x128xf32, #tpu.memory_space<vmem_shared>>
    %dma_wait3A_151 = arith.constant 0 : i32
    %dma_wait3A_152 = tpu.memref_slice %arg7[%add3A_148, %dma_wait3A_151] : memref<10240x128xf32, #tpu.memory_space<vmem_shared>> -> memref<128x128xf32, #tpu.memory_space<vmem_shared>>
    tpu.wait_dma2 semaphore(%arg10 : memref<!tpu.dma_semaphore, #tpu.memory_space<semaphore_mem>>) src(%dma_wait3A_152 : memref<128x128xf32, #tpu.memory_space<vmem_shared>>) dst(%arg8 : memref<128x128xf32, #tpu.memory_space<vmem>>)
    "tpu.region"() ({
      %run_scoped3A = tpu.sem_alloc : memref<!tpu.dma_semaphore, #tpu.memory_space<semaphore_mem>>
      %dma_start3A_153 = arith.constant 0 : i32
      %dma_start3A_154 = tpu.memref_slice %arg5[%arg0, %add3A_148, %dma_start3A_153] : memref<2x10240x128xf32, #tpu.memory_space<hbm>> -> memref<1x128x128xf32, #tpu.memory_space<hbm>>
      %dma_start3A_155 = tpu.memref_squeeze %dma_start3A_154 : memref<1x128x128xf32, #tpu.memory_space<hbm>> -> memref<128x128xf32, #tpu.memory_space<hbm>>
      %dma_start3A_156 = arith.constant 0 : i32
      %dma_start3A_157 = tpu.memref_slice %arg5[%arg0, %add3A_148, %dma_start3A_156] : memref<2x10240x128xf32, #tpu.memory_space<hbm>> -> memref<1x128x128xf32, #tpu.memory_space<hbm>>
      %dma_start3A_158 = tpu.memref_squeeze %dma_start3A_157 : memref<1x128x128xf32, #tpu.memory_space<hbm>> -> memref<128x128xf32, #tpu.memory_space<hbm>>
      tpu.enqueue_dma source(%arg8 : memref<128x128xf32, #tpu.memory_space<vmem>>) target(%dma_start3A_158 : memref<128x128xf32, #tpu.memory_space<hbm>>) target_semaphore(%run_scoped3A : memref<!tpu.dma_semaphore, #tpu.memory_space<semaphore_mem>>)
      %dma_wait3A_159 = arith.constant 0 : i32
      %dma_wait3A_160 = tpu.memref_slice %arg5[%arg0, %add3A_148, %dma_wait3A_159] : memref<2x10240x128xf32, #tpu.memory_space<hbm>> -> memref<1x128x128xf32, #tpu.memory_space<hbm>>
      %dma_wait3A_161 = tpu.memref_squeeze %dma_wait3A_160 : memref<1x128x128xf32, #tpu.memory_space<hbm>> -> memref<128x128xf32, #tpu.memory_space<hbm>>
      %dma_wait3A_162 = arith.constant 0 : i32
      %dma_wait3A_163 = tpu.memref_slice %arg5[%arg0, %add3A_148, %dma_wait3A_162] : memref<2x10240x128xf32, #tpu.memory_space<hbm>> -> memref<1x128x128xf32, #tpu.memory_space<hbm>>
      %dma_wait3A_164 = tpu.memref_squeeze %dma_wait3A_163 : memref<1x128x128xf32, #tpu.memory_space<hbm>> -> memref<128x128xf32, #tpu.memory_space<hbm>>
      tpu.wait_dma2 semaphore(%run_scoped3A : memref<!tpu.dma_semaphore, #tpu.memory_space<semaphore_mem>>) src(%arg8 : memref<128x128xf32, #tpu.memory_space<vmem>>) dst(%dma_wait3A_164 : memref<128x128xf32, #tpu.memory_space<hbm>>)
      tpu.yield
    }) : () -> ()
    return
  }
}

#map = affine_map<(d0, d1) -> (0, 0)>
module attributes {stable_mosaic.version = 14 : i64} {
  func.func @_gather_body(%arg0: i32, %arg1: i32, %arg2: memref<10240x128xf32, #tpu.memory_space<hbm>>, %arg3: memref<10240x128xf32, #tpu.memory_space<hbm>>, %arg4: memref<1280x128xi32, #tpu.memory_space<hbm>>, %arg5: memref<1280x128xi32, #tpu.memory_space<hbm>>, %arg6: memref<163840x128xf32, #tpu.memory_space<hbm>>, %arg7: memref<163840x128xf32, #tpu.memory_space<hbm>>, %arg8: memref<40x128xi32, #tpu.memory_space<vmem>>, %arg9: memref<40x128xi32, #tpu.memory_space<vmem>>, %arg10: memref<128x128xf32, #tpu.memory_space<vmem>>, %arg11: memref<128x128xf32, #tpu.memory_space<vmem>>, %arg12: memref<128x128xf32, #tpu.memory_space<vmem>>, %arg13: memref<128x128xf32, #tpu.memory_space<vmem>>, %arg14: memref<128x128xf32, #tpu.memory_space<vmem>>, %arg15: memref<128x128xf32, #tpu.memory_space<vmem>>, %arg16: memref<!tpu.dma_semaphore, #tpu.memory_space<semaphore_mem>>, %arg17: memref<!tpu.dma_semaphore, #tpu.memory_space<semaphore_mem>>, %arg18: memref<!tpu.dma_semaphore, #tpu.memory_space<semaphore_mem>>, %arg19: memref<!tpu.dma_semaphore, #tpu.memory_space<semaphore_mem>>, %arg20: memref<!tpu.dma_semaphore, #tpu.memory_space<semaphore_mem>>, %arg21: memref<!tpu.dma_semaphore, #tpu.memory_space<semaphore_mem>>, %arg22: memref<!tpu.dma_semaphore, #tpu.memory_space<semaphore_mem>>, %arg23: memref<!tpu.dma_semaphore, #tpu.memory_space<semaphore_mem>>, %arg24: memref<!tpu.dma_semaphore, #tpu.memory_space<semaphore_mem>>, %arg25: memref<!tpu.dma_semaphore, #tpu.memory_space<semaphore_mem>>, %arg26: memref<!tpu.dma_semaphore, #tpu.memory_space<semaphore_mem>>, %arg27: memref<!tpu.dma_semaphore, #tpu.memory_space<semaphore_mem>>) attributes {dimension_semantics = [#tpu.dimension_semantics<core_parallel>, #tpu.dimension_semantics<subcore_parallel>], iteration_bounds = array<i64: 2, 16>, scalar_prefetch = 0 : i64, scratch_operands = 20 : i64, tpu.core_type = #tpu.core_type<sc_vector_subcore>, window_params = [{transform_indices = #map}, {transform_indices = #map}, {transform_indices = #map}, {transform_indices = #map}, {transform_indices = #map}, {transform_indices = #map}]} {
    %mul3A = arith.constant 2 : i32
    %mul3A_0 = arith.muli %arg1, %mul3A : i32
    %add3A = arith.addi %mul3A_0, %arg0 : i32
    %mul3A_1 = arith.constant 40 : i32
    %mul3A_2 = arith.muli %add3A, %mul3A_1 : i32
    "tpu.region"() ({
      %run_scoped3A = tpu.sem_alloc : memref<!tpu.dma_semaphore, #tpu.memory_space<semaphore_mem>>
      %dma_start3A_84 = arith.constant 0 : i32
      %dma_start3A_85 = tpu.memref_slice %arg4[%mul3A_2, %dma_start3A_84] : memref<1280x128xi32, #tpu.memory_space<hbm>> -> memref<40x128xi32, #tpu.memory_space<hbm>>
      %dma_start3A_86 = arith.constant 0 : i32
      %dma_start3A_87 = tpu.memref_slice %arg4[%mul3A_2, %dma_start3A_86] : memref<1280x128xi32, #tpu.memory_space<hbm>> -> memref<40x128xi32, #tpu.memory_space<hbm>>
      tpu.enqueue_dma source(%dma_start3A_87 : memref<40x128xi32, #tpu.memory_space<hbm>>) target(%arg8 : memref<40x128xi32, #tpu.memory_space<vmem>>) target_semaphore(%run_scoped3A : memref<!tpu.dma_semaphore, #tpu.memory_space<semaphore_mem>>)
      %dma_wait3A_88 = arith.constant 0 : i32
      %dma_wait3A_89 = tpu.memref_slice %arg4[%mul3A_2, %dma_wait3A_88] : memref<1280x128xi32, #tpu.memory_space<hbm>> -> memref<40x128xi32, #tpu.memory_space<hbm>>
      %dma_wait3A_90 = arith.constant 0 : i32
      %dma_wait3A_91 = tpu.memref_slice %arg4[%mul3A_2, %dma_wait3A_90] : memref<1280x128xi32, #tpu.memory_space<hbm>> -> memref<40x128xi32, #tpu.memory_space<hbm>>
      tpu.wait_dma2 semaphore(%run_scoped3A : memref<!tpu.dma_semaphore, #tpu.memory_space<semaphore_mem>>) src(%dma_wait3A_91 : memref<40x128xi32, #tpu.memory_space<hbm>>) dst(%arg8 : memref<40x128xi32, #tpu.memory_space<vmem>>)
      tpu.yield
    }) : () -> ()
    %mul3A_3 = arith.constant 40 : i32
    %mul3A_4 = arith.muli %add3A, %mul3A_3 : i32
    "tpu.region"() ({
      %run_scoped3A = tpu.sem_alloc : memref<!tpu.dma_semaphore, #tpu.memory_space<semaphore_mem>>
      %dma_start3A_84 = arith.constant 0 : i32
      %dma_start3A_85 = tpu.memref_slice %arg5[%mul3A_4, %dma_start3A_84] : memref<1280x128xi32, #tpu.memory_space<hbm>> -> memref<40x128xi32, #tpu.memory_space<hbm>>
      %dma_start3A_86 = arith.constant 0 : i32
      %dma_start3A_87 = tpu.memref_slice %arg5[%mul3A_4, %dma_start3A_86] : memref<1280x128xi32, #tpu.memory_space<hbm>> -> memref<40x128xi32, #tpu.memory_space<hbm>>
      tpu.enqueue_dma source(%dma_start3A_87 : memref<40x128xi32, #tpu.memory_space<hbm>>) target(%arg9 : memref<40x128xi32, #tpu.memory_space<vmem>>) target_semaphore(%run_scoped3A : memref<!tpu.dma_semaphore, #tpu.memory_space<semaphore_mem>>)
      %dma_wait3A_88 = arith.constant 0 : i32
      %dma_wait3A_89 = tpu.memref_slice %arg5[%mul3A_4, %dma_wait3A_88] : memref<1280x128xi32, #tpu.memory_space<hbm>> -> memref<40x128xi32, #tpu.memory_space<hbm>>
      %dma_wait3A_90 = arith.constant 0 : i32
      %dma_wait3A_91 = tpu.memref_slice %arg5[%mul3A_4, %dma_wait3A_90] : memref<1280x128xi32, #tpu.memory_space<hbm>> -> memref<40x128xi32, #tpu.memory_space<hbm>>
      tpu.wait_dma2 semaphore(%run_scoped3A : memref<!tpu.dma_semaphore, #tpu.memory_space<semaphore_mem>>) src(%dma_wait3A_91 : memref<40x128xi32, #tpu.memory_space<hbm>>) dst(%arg9 : memref<40x128xi32, #tpu.memory_space<vmem>>)
      tpu.yield
    }) : () -> ()
    %dma_start3A = arith.constant 0 : i32
    %dma_start3A_5 = arith.constant 0 : i32
    %dma_start3A_6 = tpu.memref_slice %arg8[%dma_start3A, %dma_start3A_5] : memref<40x128xi32, #tpu.memory_space<vmem>> -> memref<1x128xi32, #tpu.memory_space<vmem>>
    %dma_start3A_7 = tpu.memref_squeeze %dma_start3A_6 : memref<1x128xi32, #tpu.memory_space<vmem>> -> memref<128xi32, #tpu.memory_space<vmem>>
    %dma_start3A_8 = arith.constant 0 : i32
    %dma_start3A_9 = arith.constant 0 : i32
    %dma_start3A_10 = tpu.memref_slice %arg2[%dma_start3A_8, %dma_start3A_9] : memref<10240x128xf32, #tpu.memory_space<hbm>> -> memref<10240x128xf32, #tpu.memory_space<hbm>>
    tpu.enqueue_indirect_dma source(%dma_start3A_10 : memref<10240x128xf32, #tpu.memory_space<hbm>>) target(%arg10 : memref<128x128xf32, #tpu.memory_space<vmem>>) offsets(%dma_start3A_7 : memref<128xi32, #tpu.memory_space<vmem>>) semaphore(%arg16 : memref<!tpu.dma_semaphore, #tpu.memory_space<semaphore_mem>>)
    %dma_start3A_11 = arith.constant 0 : i32
    %dma_start3A_12 = arith.constant 0 : i32
    %dma_start3A_13 = tpu.memref_slice %arg9[%dma_start3A_11, %dma_start3A_12] : memref<40x128xi32, #tpu.memory_space<vmem>> -> memref<1x128xi32, #tpu.memory_space<vmem>>
    %dma_start3A_14 = tpu.memref_squeeze %dma_start3A_13 : memref<1x128xi32, #tpu.memory_space<vmem>> -> memref<128xi32, #tpu.memory_space<vmem>>
    %dma_start3A_15 = arith.constant 0 : i32
    %dma_start3A_16 = arith.constant 0 : i32
    %dma_start3A_17 = tpu.memref_slice %arg3[%dma_start3A_15, %dma_start3A_16] : memref<10240x128xf32, #tpu.memory_space<hbm>> -> memref<10240x128xf32, #tpu.memory_space<hbm>>
    tpu.enqueue_indirect_dma source(%dma_start3A_17 : memref<10240x128xf32, #tpu.memory_space<hbm>>) target(%arg13 : memref<128x128xf32, #tpu.memory_space<vmem>>) offsets(%dma_start3A_14 : memref<128xi32, #tpu.memory_space<vmem>>) semaphore(%arg19 : memref<!tpu.dma_semaphore, #tpu.memory_space<semaphore_mem>>)
    %dma_start3A_18 = arith.constant 1 : i32
    %dma_start3A_19 = arith.constant 0 : i32
    %dma_start3A_20 = tpu.memref_slice %arg8[%dma_start3A_18, %dma_start3A_19] : memref<40x128xi32, #tpu.memory_space<vmem>> -> memref<1x128xi32, #tpu.memory_space<vmem>>
    %dma_start3A_21 = tpu.memref_squeeze %dma_start3A_20 : memref<1x128xi32, #tpu.memory_space<vmem>> -> memref<128xi32, #tpu.memory_space<vmem>>
    %dma_start3A_22 = arith.constant 0 : i32
    %dma_start3A_23 = arith.constant 0 : i32
    %dma_start3A_24 = tpu.memref_slice %arg2[%dma_start3A_22, %dma_start3A_23] : memref<10240x128xf32, #tpu.memory_space<hbm>> -> memref<10240x128xf32, #tpu.memory_space<hbm>>
    tpu.enqueue_indirect_dma source(%dma_start3A_24 : memref<10240x128xf32, #tpu.memory_space<hbm>>) target(%arg11 : memref<128x128xf32, #tpu.memory_space<vmem>>) offsets(%dma_start3A_21 : memref<128xi32, #tpu.memory_space<vmem>>) semaphore(%arg17 : memref<!tpu.dma_semaphore, #tpu.memory_space<semaphore_mem>>)
    %dma_start3A_25 = arith.constant 1 : i32
    %dma_start3A_26 = arith.constant 0 : i32
    %dma_start3A_27 = tpu.memref_slice %arg9[%dma_start3A_25, %dma_start3A_26] : memref<40x128xi32, #tpu.memory_space<vmem>> -> memref<1x128xi32, #tpu.memory_space<vmem>>
    %dma_start3A_28 = tpu.memref_squeeze %dma_start3A_27 : memref<1x128xi32, #tpu.memory_space<vmem>> -> memref<128xi32, #tpu.memory_space<vmem>>
    %dma_start3A_29 = arith.constant 0 : i32
    %dma_start3A_30 = arith.constant 0 : i32
    %dma_start3A_31 = tpu.memref_slice %arg3[%dma_start3A_29, %dma_start3A_30] : memref<10240x128xf32, #tpu.memory_space<hbm>> -> memref<10240x128xf32, #tpu.memory_space<hbm>>
    tpu.enqueue_indirect_dma source(%dma_start3A_31 : memref<10240x128xf32, #tpu.memory_space<hbm>>) target(%arg14 : memref<128x128xf32, #tpu.memory_space<vmem>>) offsets(%dma_start3A_28 : memref<128xi32, #tpu.memory_space<vmem>>) semaphore(%arg20 : memref<!tpu.dma_semaphore, #tpu.memory_space<semaphore_mem>>)
    %dma_start3A_32 = arith.constant 2 : i32
    %dma_start3A_33 = arith.constant 0 : i32
    %dma_start3A_34 = tpu.memref_slice %arg8[%dma_start3A_32, %dma_start3A_33] : memref<40x128xi32, #tpu.memory_space<vmem>> -> memref<1x128xi32, #tpu.memory_space<vmem>>
    %dma_start3A_35 = tpu.memref_squeeze %dma_start3A_34 : memref<1x128xi32, #tpu.memory_space<vmem>> -> memref<128xi32, #tpu.memory_space<vmem>>
    %dma_start3A_36 = arith.constant 0 : i32
    %dma_start3A_37 = arith.constant 0 : i32
    %dma_start3A_38 = tpu.memref_slice %arg2[%dma_start3A_36, %dma_start3A_37] : memref<10240x128xf32, #tpu.memory_space<hbm>> -> memref<10240x128xf32, #tpu.memory_space<hbm>>
    tpu.enqueue_indirect_dma source(%dma_start3A_38 : memref<10240x128xf32, #tpu.memory_space<hbm>>) target(%arg12 : memref<128x128xf32, #tpu.memory_space<vmem>>) offsets(%dma_start3A_35 : memref<128xi32, #tpu.memory_space<vmem>>) semaphore(%arg18 : memref<!tpu.dma_semaphore, #tpu.memory_space<semaphore_mem>>)
    %dma_start3A_39 = arith.constant 2 : i32
    %dma_start3A_40 = arith.constant 0 : i32
    %dma_start3A_41 = tpu.memref_slice %arg9[%dma_start3A_39, %dma_start3A_40] : memref<40x128xi32, #tpu.memory_space<vmem>> -> memref<1x128xi32, #tpu.memory_space<vmem>>
    %dma_start3A_42 = tpu.memref_squeeze %dma_start3A_41 : memref<1x128xi32, #tpu.memory_space<vmem>> -> memref<128xi32, #tpu.memory_space<vmem>>
    %dma_start3A_43 = arith.constant 0 : i32
    %dma_start3A_44 = arith.constant 0 : i32
    %dma_start3A_45 = tpu.memref_slice %arg3[%dma_start3A_43, %dma_start3A_44] : memref<10240x128xf32, #tpu.memory_space<hbm>> -> memref<10240x128xf32, #tpu.memory_space<hbm>>
    tpu.enqueue_indirect_dma source(%dma_start3A_45 : memref<10240x128xf32, #tpu.memory_space<hbm>>) target(%arg15 : memref<128x128xf32, #tpu.memory_space<vmem>>) offsets(%dma_start3A_42 : memref<128xi32, #tpu.memory_space<vmem>>) semaphore(%arg21 : memref<!tpu.dma_semaphore, #tpu.memory_space<semaphore_mem>>)
    %scan3A = arith.constant 0 : i32
    %scan3A_46 = arith.constant 0 : i32
    %scan3A_47 = arith.constant 13 : i32
    %scan3A_48 = arith.addi %scan3A_46, %scan3A_47 : i32
    %scan3A_49 = arith.constant 1 : i32
    scf.for %scan3A_84 = %scan3A_46 to %scan3A_48 step %scan3A_49  : i32 {
      %mul3A_85 = arith.constant 3 : i32
      %mul3A_86 = arith.muli %scan3A_84, %mul3A_85 : i32
      %add3A_87 = arith.constant 0 : i32
      %add3A_88 = arith.addi %mul3A_86, %add3A_87 : i32
      %mul3A_89 = arith.constant 5120 : i32
      %mul3A_90 = arith.muli %add3A, %mul3A_89 : i32
      %mul3A_91 = arith.constant 128 : i32
      %mul3A_92 = arith.muli %add3A_88, %mul3A_91 : i32
      %add3A_93 = arith.addi %mul3A_90, %mul3A_92 : i32
      %dma_wait3A_94 = arith.constant 0 : i32
      %dma_wait3A_95 = arith.constant 0 : i32
      %dma_wait3A_96 = tpu.memref_slice %arg8[%dma_wait3A_94, %dma_wait3A_95] : memref<40x128xi32, #tpu.memory_space<vmem>> -> memref<1x128xi32, #tpu.memory_space<vmem>>
      %dma_wait3A_97 = tpu.memref_squeeze %dma_wait3A_96 : memref<1x128xi32, #tpu.memory_space<vmem>> -> memref<128xi32, #tpu.memory_space<vmem>>
      %dma_wait3A_98 = arith.constant 0 : i32
      %dma_wait3A_99 = arith.constant 0 : i32
      %dma_wait3A_100 = tpu.memref_slice %arg2[%dma_wait3A_98, %dma_wait3A_99] : memref<10240x128xf32, #tpu.memory_space<hbm>> -> memref<10240x128xf32, #tpu.memory_space<hbm>>
      tpu.wait_indirect_dma semaphore(%arg16 : memref<!tpu.dma_semaphore, #tpu.memory_space<semaphore_mem>>) src(%dma_wait3A_100 : memref<10240x128xf32, #tpu.memory_space<hbm>>) dst(%arg10 : memref<128x128xf32, #tpu.memory_space<vmem>>)
      %dma_wait3A_101 = arith.constant 0 : i32
      %dma_wait3A_102 = arith.constant 0 : i32
      %dma_wait3A_103 = tpu.memref_slice %arg9[%dma_wait3A_101, %dma_wait3A_102] : memref<40x128xi32, #tpu.memory_space<vmem>> -> memref<1x128xi32, #tpu.memory_space<vmem>>
      %dma_wait3A_104 = tpu.memref_squeeze %dma_wait3A_103 : memref<1x128xi32, #tpu.memory_space<vmem>> -> memref<128xi32, #tpu.memory_space<vmem>>
      %dma_wait3A_105 = arith.constant 0 : i32
      %dma_wait3A_106 = arith.constant 0 : i32
      %dma_wait3A_107 = tpu.memref_slice %arg3[%dma_wait3A_105, %dma_wait3A_106] : memref<10240x128xf32, #tpu.memory_space<hbm>> -> memref<10240x128xf32, #tpu.memory_space<hbm>>
      tpu.wait_indirect_dma semaphore(%arg19 : memref<!tpu.dma_semaphore, #tpu.memory_space<semaphore_mem>>) src(%dma_wait3A_107 : memref<10240x128xf32, #tpu.memory_space<hbm>>) dst(%arg13 : memref<128x128xf32, #tpu.memory_space<vmem>>)
      %dma_start3A_108 = arith.constant 0 : i32
      %dma_start3A_109 = tpu.memref_slice %arg6[%add3A_93, %dma_start3A_108] : memref<163840x128xf32, #tpu.memory_space<hbm>> -> memref<128x128xf32, #tpu.memory_space<hbm>>
      %dma_start3A_110 = arith.constant 0 : i32
      %dma_start3A_111 = tpu.memref_slice %arg6[%add3A_93, %dma_start3A_110] : memref<163840x128xf32, #tpu.memory_space<hbm>> -> memref<128x128xf32, #tpu.memory_space<hbm>>
      tpu.enqueue_dma source(%arg10 : memref<128x128xf32, #tpu.memory_space<vmem>>) target(%dma_start3A_111 : memref<128x128xf32, #tpu.memory_space<hbm>>) target_semaphore(%arg22 : memref<!tpu.dma_semaphore, #tpu.memory_space<semaphore_mem>>)
      %dma_start3A_112 = arith.constant 0 : i32
      %dma_start3A_113 = tpu.memref_slice %arg7[%add3A_93, %dma_start3A_112] : memref<163840x128xf32, #tpu.memory_space<hbm>> -> memref<128x128xf32, #tpu.memory_space<hbm>>
      %dma_start3A_114 = arith.constant 0 : i32
      %dma_start3A_115 = tpu.memref_slice %arg7[%add3A_93, %dma_start3A_114] : memref<163840x128xf32, #tpu.memory_space<hbm>> -> memref<128x128xf32, #tpu.memory_space<hbm>>
      tpu.enqueue_dma source(%arg13 : memref<128x128xf32, #tpu.memory_space<vmem>>) target(%dma_start3A_115 : memref<128x128xf32, #tpu.memory_space<hbm>>) target_semaphore(%arg25 : memref<!tpu.dma_semaphore, #tpu.memory_space<semaphore_mem>>)
      %dma_wait3A_116 = arith.constant 0 : i32
      %dma_wait3A_117 = tpu.memref_slice %arg6[%add3A_93, %dma_wait3A_116] : memref<163840x128xf32, #tpu.memory_space<hbm>> -> memref<128x128xf32, #tpu.memory_space<hbm>>
      %dma_wait3A_118 = arith.constant 0 : i32
      %dma_wait3A_119 = tpu.memref_slice %arg6[%add3A_93, %dma_wait3A_118] : memref<163840x128xf32, #tpu.memory_space<hbm>> -> memref<128x128xf32, #tpu.memory_space<hbm>>
      tpu.wait_dma2 semaphore(%arg22 : memref<!tpu.dma_semaphore, #tpu.memory_space<semaphore_mem>>) src(%arg10 : memref<128x128xf32, #tpu.memory_space<vmem>>) dst(%dma_wait3A_119 : memref<128x128xf32, #tpu.memory_space<hbm>>)
      %dma_wait3A_120 = arith.constant 0 : i32
      %dma_wait3A_121 = tpu.memref_slice %arg7[%add3A_93, %dma_wait3A_120] : memref<163840x128xf32, #tpu.memory_space<hbm>> -> memref<128x128xf32, #tpu.memory_space<hbm>>
      %dma_wait3A_122 = arith.constant 0 : i32
      %dma_wait3A_123 = tpu.memref_slice %arg7[%add3A_93, %dma_wait3A_122] : memref<163840x128xf32, #tpu.memory_space<hbm>> -> memref<128x128xf32, #tpu.memory_space<hbm>>
      tpu.wait_dma2 semaphore(%arg25 : memref<!tpu.dma_semaphore, #tpu.memory_space<semaphore_mem>>) src(%arg13 : memref<128x128xf32, #tpu.memory_space<vmem>>) dst(%dma_wait3A_123 : memref<128x128xf32, #tpu.memory_space<hbm>>)
      %add3A_124 = arith.constant 3 : i32
      %add3A_125 = arith.addi %add3A_88, %add3A_124 : i32
      %lt3A = arith.constant 40 : i32
      %lt3A_126 = arith.cmpi slt, %add3A_125, %lt3A : i32
      %convert_element_type3A = arith.extui %lt3A_126 : i1 to i32
      %cond3A = arith.constant 0 : i32
      %cond3A_127 = arith.cmpi ne, %convert_element_type3A, %cond3A : i32
      scf.if %cond3A_127 {
        %dma_start3A_220 = arith.constant 0 : i32
        %dma_start3A_221 = tpu.memref_slice %arg8[%add3A_125, %dma_start3A_220] : memref<40x128xi32, #tpu.memory_space<vmem>> -> memref<1x128xi32, #tpu.memory_space<vmem>>
        %dma_start3A_222 = tpu.memref_squeeze %dma_start3A_221 : memref<1x128xi32, #tpu.memory_space<vmem>> -> memref<128xi32, #tpu.memory_space<vmem>>
        %dma_start3A_223 = arith.constant 0 : i32
        %dma_start3A_224 = arith.constant 0 : i32
        %dma_start3A_225 = tpu.memref_slice %arg2[%dma_start3A_223, %dma_start3A_224] : memref<10240x128xf32, #tpu.memory_space<hbm>> -> memref<10240x128xf32, #tpu.memory_space<hbm>>
        tpu.enqueue_indirect_dma source(%dma_start3A_225 : memref<10240x128xf32, #tpu.memory_space<hbm>>) target(%arg10 : memref<128x128xf32, #tpu.memory_space<vmem>>) offsets(%dma_start3A_222 : memref<128xi32, #tpu.memory_space<vmem>>) semaphore(%arg16 : memref<!tpu.dma_semaphore, #tpu.memory_space<semaphore_mem>>)
        %dma_start3A_226 = arith.constant 0 : i32
        %dma_start3A_227 = tpu.memref_slice %arg9[%add3A_125, %dma_start3A_226] : memref<40x128xi32, #tpu.memory_space<vmem>> -> memref<1x128xi32, #tpu.memory_space<vmem>>
        %dma_start3A_228 = tpu.memref_squeeze %dma_start3A_227 : memref<1x128xi32, #tpu.memory_space<vmem>> -> memref<128xi32, #tpu.memory_space<vmem>>
        %dma_start3A_229 = arith.constant 0 : i32
        %dma_start3A_230 = arith.constant 0 : i32
        %dma_start3A_231 = tpu.memref_slice %arg3[%dma_start3A_229, %dma_start3A_230] : memref<10240x128xf32, #tpu.memory_space<hbm>> -> memref<10240x128xf32, #tpu.memory_space<hbm>>
        tpu.enqueue_indirect_dma source(%dma_start3A_231 : memref<10240x128xf32, #tpu.memory_space<hbm>>) target(%arg13 : memref<128x128xf32, #tpu.memory_space<vmem>>) offsets(%dma_start3A_228 : memref<128xi32, #tpu.memory_space<vmem>>) semaphore(%arg19 : memref<!tpu.dma_semaphore, #tpu.memory_space<semaphore_mem>>)
      } else {
      }
      %mul3A_128 = arith.constant 3 : i32
      %mul3A_129 = arith.muli %scan3A_84, %mul3A_128 : i32
      %add3A_130 = arith.constant 1 : i32
      %add3A_131 = arith.addi %mul3A_129, %add3A_130 : i32
      %mul3A_132 = arith.constant 5120 : i32
      %mul3A_133 = arith.muli %add3A, %mul3A_132 : i32
      %mul3A_134 = arith.constant 128 : i32
      %mul3A_135 = arith.muli %add3A_131, %mul3A_134 : i32
      %add3A_136 = arith.addi %mul3A_133, %mul3A_135 : i32
      %dma_wait3A_137 = arith.constant 1 : i32
      %dma_wait3A_138 = arith.constant 0 : i32
      %dma_wait3A_139 = tpu.memref_slice %arg8[%dma_wait3A_137, %dma_wait3A_138] : memref<40x128xi32, #tpu.memory_space<vmem>> -> memref<1x128xi32, #tpu.memory_space<vmem>>
      %dma_wait3A_140 = tpu.memref_squeeze %dma_wait3A_139 : memref<1x128xi32, #tpu.memory_space<vmem>> -> memref<128xi32, #tpu.memory_space<vmem>>
      %dma_wait3A_141 = arith.constant 0 : i32
      %dma_wait3A_142 = arith.constant 0 : i32
      %dma_wait3A_143 = tpu.memref_slice %arg2[%dma_wait3A_141, %dma_wait3A_142] : memref<10240x128xf32, #tpu.memory_space<hbm>> -> memref<10240x128xf32, #tpu.memory_space<hbm>>
      tpu.wait_indirect_dma semaphore(%arg17 : memref<!tpu.dma_semaphore, #tpu.memory_space<semaphore_mem>>) src(%dma_wait3A_143 : memref<10240x128xf32, #tpu.memory_space<hbm>>) dst(%arg11 : memref<128x128xf32, #tpu.memory_space<vmem>>)
      %dma_wait3A_144 = arith.constant 1 : i32
      %dma_wait3A_145 = arith.constant 0 : i32
      %dma_wait3A_146 = tpu.memref_slice %arg9[%dma_wait3A_144, %dma_wait3A_145] : memref<40x128xi32, #tpu.memory_space<vmem>> -> memref<1x128xi32, #tpu.memory_space<vmem>>
      %dma_wait3A_147 = tpu.memref_squeeze %dma_wait3A_146 : memref<1x128xi32, #tpu.memory_space<vmem>> -> memref<128xi32, #tpu.memory_space<vmem>>
      %dma_wait3A_148 = arith.constant 0 : i32
      %dma_wait3A_149 = arith.constant 0 : i32
      %dma_wait3A_150 = tpu.memref_slice %arg3[%dma_wait3A_148, %dma_wait3A_149] : memref<10240x128xf32, #tpu.memory_space<hbm>> -> memref<10240x128xf32, #tpu.memory_space<hbm>>
      tpu.wait_indirect_dma semaphore(%arg20 : memref<!tpu.dma_semaphore, #tpu.memory_space<semaphore_mem>>) src(%dma_wait3A_150 : memref<10240x128xf32, #tpu.memory_space<hbm>>) dst(%arg14 : memref<128x128xf32, #tpu.memory_space<vmem>>)
      %dma_start3A_151 = arith.constant 0 : i32
      %dma_start3A_152 = tpu.memref_slice %arg6[%add3A_136, %dma_start3A_151] : memref<163840x128xf32, #tpu.memory_space<hbm>> -> memref<128x128xf32, #tpu.memory_space<hbm>>
      %dma_start3A_153 = arith.constant 0 : i32
      %dma_start3A_154 = tpu.memref_slice %arg6[%add3A_136, %dma_start3A_153] : memref<163840x128xf32, #tpu.memory_space<hbm>> -> memref<128x128xf32, #tpu.memory_space<hbm>>
      tpu.enqueue_dma source(%arg11 : memref<128x128xf32, #tpu.memory_space<vmem>>) target(%dma_start3A_154 : memref<128x128xf32, #tpu.memory_space<hbm>>) target_semaphore(%arg23 : memref<!tpu.dma_semaphore, #tpu.memory_space<semaphore_mem>>)
      %dma_start3A_155 = arith.constant 0 : i32
      %dma_start3A_156 = tpu.memref_slice %arg7[%add3A_136, %dma_start3A_155] : memref<163840x128xf32, #tpu.memory_space<hbm>> -> memref<128x128xf32, #tpu.memory_space<hbm>>
      %dma_start3A_157 = arith.constant 0 : i32
      %dma_start3A_158 = tpu.memref_slice %arg7[%add3A_136, %dma_start3A_157] : memref<163840x128xf32, #tpu.memory_space<hbm>> -> memref<128x128xf32, #tpu.memory_space<hbm>>
      tpu.enqueue_dma source(%arg14 : memref<128x128xf32, #tpu.memory_space<vmem>>) target(%dma_start3A_158 : memref<128x128xf32, #tpu.memory_space<hbm>>) target_semaphore(%arg26 : memref<!tpu.dma_semaphore, #tpu.memory_space<semaphore_mem>>)
      %dma_wait3A_159 = arith.constant 0 : i32
      %dma_wait3A_160 = tpu.memref_slice %arg6[%add3A_136, %dma_wait3A_159] : memref<163840x128xf32, #tpu.memory_space<hbm>> -> memref<128x128xf32, #tpu.memory_space<hbm>>
      %dma_wait3A_161 = arith.constant 0 : i32
      %dma_wait3A_162 = tpu.memref_slice %arg6[%add3A_136, %dma_wait3A_161] : memref<163840x128xf32, #tpu.memory_space<hbm>> -> memref<128x128xf32, #tpu.memory_space<hbm>>
      tpu.wait_dma2 semaphore(%arg23 : memref<!tpu.dma_semaphore, #tpu.memory_space<semaphore_mem>>) src(%arg11 : memref<128x128xf32, #tpu.memory_space<vmem>>) dst(%dma_wait3A_162 : memref<128x128xf32, #tpu.memory_space<hbm>>)
      %dma_wait3A_163 = arith.constant 0 : i32
      %dma_wait3A_164 = tpu.memref_slice %arg7[%add3A_136, %dma_wait3A_163] : memref<163840x128xf32, #tpu.memory_space<hbm>> -> memref<128x128xf32, #tpu.memory_space<hbm>>
      %dma_wait3A_165 = arith.constant 0 : i32
      %dma_wait3A_166 = tpu.memref_slice %arg7[%add3A_136, %dma_wait3A_165] : memref<163840x128xf32, #tpu.memory_space<hbm>> -> memref<128x128xf32, #tpu.memory_space<hbm>>
      tpu.wait_dma2 semaphore(%arg26 : memref<!tpu.dma_semaphore, #tpu.memory_space<semaphore_mem>>) src(%arg14 : memref<128x128xf32, #tpu.memory_space<vmem>>) dst(%dma_wait3A_166 : memref<128x128xf32, #tpu.memory_space<hbm>>)
      %add3A_167 = arith.constant 3 : i32
      %add3A_168 = arith.addi %add3A_131, %add3A_167 : i32
      %lt3A_169 = arith.constant 40 : i32
      %lt3A_170 = arith.cmpi slt, %add3A_168, %lt3A_169 : i32
      %convert_element_type3A_171 = arith.extui %lt3A_170 : i1 to i32
      %cond3A_172 = arith.constant 0 : i32
      %cond3A_173 = arith.cmpi ne, %convert_element_type3A_171, %cond3A_172 : i32
      scf.if %cond3A_173 {
        %dma_start3A_220 = arith.constant 0 : i32
        %dma_start3A_221 = tpu.memref_slice %arg8[%add3A_168, %dma_start3A_220] : memref<40x128xi32, #tpu.memory_space<vmem>> -> memref<1x128xi32, #tpu.memory_space<vmem>>
        %dma_start3A_222 = tpu.memref_squeeze %dma_start3A_221 : memref<1x128xi32, #tpu.memory_space<vmem>> -> memref<128xi32, #tpu.memory_space<vmem>>
        %dma_start3A_223 = arith.constant 0 : i32
        %dma_start3A_224 = arith.constant 0 : i32
        %dma_start3A_225 = tpu.memref_slice %arg2[%dma_start3A_223, %dma_start3A_224] : memref<10240x128xf32, #tpu.memory_space<hbm>> -> memref<10240x128xf32, #tpu.memory_space<hbm>>
        tpu.enqueue_indirect_dma source(%dma_start3A_225 : memref<10240x128xf32, #tpu.memory_space<hbm>>) target(%arg11 : memref<128x128xf32, #tpu.memory_space<vmem>>) offsets(%dma_start3A_222 : memref<128xi32, #tpu.memory_space<vmem>>) semaphore(%arg17 : memref<!tpu.dma_semaphore, #tpu.memory_space<semaphore_mem>>)
        %dma_start3A_226 = arith.constant 0 : i32
        %dma_start3A_227 = tpu.memref_slice %arg9[%add3A_168, %dma_start3A_226] : memref<40x128xi32, #tpu.memory_space<vmem>> -> memref<1x128xi32, #tpu.memory_space<vmem>>
        %dma_start3A_228 = tpu.memref_squeeze %dma_start3A_227 : memref<1x128xi32, #tpu.memory_space<vmem>> -> memref<128xi32, #tpu.memory_space<vmem>>
        %dma_start3A_229 = arith.constant 0 : i32
        %dma_start3A_230 = arith.constant 0 : i32
        %dma_start3A_231 = tpu.memref_slice %arg3[%dma_start3A_229, %dma_start3A_230] : memref<10240x128xf32, #tpu.memory_space<hbm>> -> memref<10240x128xf32, #tpu.memory_space<hbm>>
        tpu.enqueue_indirect_dma source(%dma_start3A_231 : memref<10240x128xf32, #tpu.memory_space<hbm>>) target(%arg14 : memref<128x128xf32, #tpu.memory_space<vmem>>) offsets(%dma_start3A_228 : memref<128xi32, #tpu.memory_space<vmem>>) semaphore(%arg20 : memref<!tpu.dma_semaphore, #tpu.memory_space<semaphore_mem>>)
      } else {
      }
      %mul3A_174 = arith.constant 3 : i32
      %mul3A_175 = arith.muli %scan3A_84, %mul3A_174 : i32
      %add3A_176 = arith.constant 2 : i32
      %add3A_177 = arith.addi %mul3A_175, %add3A_176 : i32
      %mul3A_178 = arith.constant 5120 : i32
      %mul3A_179 = arith.muli %add3A, %mul3A_178 : i32
      %mul3A_180 = arith.constant 128 : i32
      %mul3A_181 = arith.muli %add3A_177, %mul3A_180 : i32
      %add3A_182 = arith.addi %mul3A_179, %mul3A_181 : i32
      %dma_wait3A_183 = arith.constant 2 : i32
      %dma_wait3A_184 = arith.constant 0 : i32
      %dma_wait3A_185 = tpu.memref_slice %arg8[%dma_wait3A_183, %dma_wait3A_184] : memref<40x128xi32, #tpu.memory_space<vmem>> -> memref<1x128xi32, #tpu.memory_space<vmem>>
      %dma_wait3A_186 = tpu.memref_squeeze %dma_wait3A_185 : memref<1x128xi32, #tpu.memory_space<vmem>> -> memref<128xi32, #tpu.memory_space<vmem>>
      %dma_wait3A_187 = arith.constant 0 : i32
      %dma_wait3A_188 = arith.constant 0 : i32
      %dma_wait3A_189 = tpu.memref_slice %arg2[%dma_wait3A_187, %dma_wait3A_188] : memref<10240x128xf32, #tpu.memory_space<hbm>> -> memref<10240x128xf32, #tpu.memory_space<hbm>>
      tpu.wait_indirect_dma semaphore(%arg18 : memref<!tpu.dma_semaphore, #tpu.memory_space<semaphore_mem>>) src(%dma_wait3A_189 : memref<10240x128xf32, #tpu.memory_space<hbm>>) dst(%arg12 : memref<128x128xf32, #tpu.memory_space<vmem>>)
      %dma_wait3A_190 = arith.constant 2 : i32
      %dma_wait3A_191 = arith.constant 0 : i32
      %dma_wait3A_192 = tpu.memref_slice %arg9[%dma_wait3A_190, %dma_wait3A_191] : memref<40x128xi32, #tpu.memory_space<vmem>> -> memref<1x128xi32, #tpu.memory_space<vmem>>
      %dma_wait3A_193 = tpu.memref_squeeze %dma_wait3A_192 : memref<1x128xi32, #tpu.memory_space<vmem>> -> memref<128xi32, #tpu.memory_space<vmem>>
      %dma_wait3A_194 = arith.constant 0 : i32
      %dma_wait3A_195 = arith.constant 0 : i32
      %dma_wait3A_196 = tpu.memref_slice %arg3[%dma_wait3A_194, %dma_wait3A_195] : memref<10240x128xf32, #tpu.memory_space<hbm>> -> memref<10240x128xf32, #tpu.memory_space<hbm>>
      tpu.wait_indirect_dma semaphore(%arg21 : memref<!tpu.dma_semaphore, #tpu.memory_space<semaphore_mem>>) src(%dma_wait3A_196 : memref<10240x128xf32, #tpu.memory_space<hbm>>) dst(%arg15 : memref<128x128xf32, #tpu.memory_space<vmem>>)
      %dma_start3A_197 = arith.constant 0 : i32
      %dma_start3A_198 = tpu.memref_slice %arg6[%add3A_182, %dma_start3A_197] : memref<163840x128xf32, #tpu.memory_space<hbm>> -> memref<128x128xf32, #tpu.memory_space<hbm>>
      %dma_start3A_199 = arith.constant 0 : i32
      %dma_start3A_200 = tpu.memref_slice %arg6[%add3A_182, %dma_start3A_199] : memref<163840x128xf32, #tpu.memory_space<hbm>> -> memref<128x128xf32, #tpu.memory_space<hbm>>
      tpu.enqueue_dma source(%arg12 : memref<128x128xf32, #tpu.memory_space<vmem>>) target(%dma_start3A_200 : memref<128x128xf32, #tpu.memory_space<hbm>>) target_semaphore(%arg24 : memref<!tpu.dma_semaphore, #tpu.memory_space<semaphore_mem>>)
      %dma_start3A_201 = arith.constant 0 : i32
      %dma_start3A_202 = tpu.memref_slice %arg7[%add3A_182, %dma_start3A_201] : memref<163840x128xf32, #tpu.memory_space<hbm>> -> memref<128x128xf32, #tpu.memory_space<hbm>>
      %dma_start3A_203 = arith.constant 0 : i32
      %dma_start3A_204 = tpu.memref_slice %arg7[%add3A_182, %dma_start3A_203] : memref<163840x128xf32, #tpu.memory_space<hbm>> -> memref<128x128xf32, #tpu.memory_space<hbm>>
      tpu.enqueue_dma source(%arg15 : memref<128x128xf32, #tpu.memory_space<vmem>>) target(%dma_start3A_204 : memref<128x128xf32, #tpu.memory_space<hbm>>) target_semaphore(%arg27 : memref<!tpu.dma_semaphore, #tpu.memory_space<semaphore_mem>>)
      %dma_wait3A_205 = arith.constant 0 : i32
      %dma_wait3A_206 = tpu.memref_slice %arg6[%add3A_182, %dma_wait3A_205] : memref<163840x128xf32, #tpu.memory_space<hbm>> -> memref<128x128xf32, #tpu.memory_space<hbm>>
      %dma_wait3A_207 = arith.constant 0 : i32
      %dma_wait3A_208 = tpu.memref_slice %arg6[%add3A_182, %dma_wait3A_207] : memref<163840x128xf32, #tpu.memory_space<hbm>> -> memref<128x128xf32, #tpu.memory_space<hbm>>
      tpu.wait_dma2 semaphore(%arg24 : memref<!tpu.dma_semaphore, #tpu.memory_space<semaphore_mem>>) src(%arg12 : memref<128x128xf32, #tpu.memory_space<vmem>>) dst(%dma_wait3A_208 : memref<128x128xf32, #tpu.memory_space<hbm>>)
      %dma_wait3A_209 = arith.constant 0 : i32
      %dma_wait3A_210 = tpu.memref_slice %arg7[%add3A_182, %dma_wait3A_209] : memref<163840x128xf32, #tpu.memory_space<hbm>> -> memref<128x128xf32, #tpu.memory_space<hbm>>
      %dma_wait3A_211 = arith.constant 0 : i32
      %dma_wait3A_212 = tpu.memref_slice %arg7[%add3A_182, %dma_wait3A_211] : memref<163840x128xf32, #tpu.memory_space<hbm>> -> memref<128x128xf32, #tpu.memory_space<hbm>>
      tpu.wait_dma2 semaphore(%arg27 : memref<!tpu.dma_semaphore, #tpu.memory_space<semaphore_mem>>) src(%arg15 : memref<128x128xf32, #tpu.memory_space<vmem>>) dst(%dma_wait3A_212 : memref<128x128xf32, #tpu.memory_space<hbm>>)
      %add3A_213 = arith.constant 3 : i32
      %add3A_214 = arith.addi %add3A_177, %add3A_213 : i32
      %lt3A_215 = arith.constant 40 : i32
      %lt3A_216 = arith.cmpi slt, %add3A_214, %lt3A_215 : i32
      %convert_element_type3A_217 = arith.extui %lt3A_216 : i1 to i32
      %cond3A_218 = arith.constant 0 : i32
      %cond3A_219 = arith.cmpi ne, %convert_element_type3A_217, %cond3A_218 : i32
      scf.if %cond3A_219 {
        %dma_start3A_220 = arith.constant 0 : i32
        %dma_start3A_221 = tpu.memref_slice %arg8[%add3A_214, %dma_start3A_220] : memref<40x128xi32, #tpu.memory_space<vmem>> -> memref<1x128xi32, #tpu.memory_space<vmem>>
        %dma_start3A_222 = tpu.memref_squeeze %dma_start3A_221 : memref<1x128xi32, #tpu.memory_space<vmem>> -> memref<128xi32, #tpu.memory_space<vmem>>
        %dma_start3A_223 = arith.constant 0 : i32
        %dma_start3A_224 = arith.constant 0 : i32
        %dma_start3A_225 = tpu.memref_slice %arg2[%dma_start3A_223, %dma_start3A_224] : memref<10240x128xf32, #tpu.memory_space<hbm>> -> memref<10240x128xf32, #tpu.memory_space<hbm>>
        tpu.enqueue_indirect_dma source(%dma_start3A_225 : memref<10240x128xf32, #tpu.memory_space<hbm>>) target(%arg12 : memref<128x128xf32, #tpu.memory_space<vmem>>) offsets(%dma_start3A_222 : memref<128xi32, #tpu.memory_space<vmem>>) semaphore(%arg18 : memref<!tpu.dma_semaphore, #tpu.memory_space<semaphore_mem>>)
        %dma_start3A_226 = arith.constant 0 : i32
        %dma_start3A_227 = tpu.memref_slice %arg9[%add3A_214, %dma_start3A_226] : memref<40x128xi32, #tpu.memory_space<vmem>> -> memref<1x128xi32, #tpu.memory_space<vmem>>
        %dma_start3A_228 = tpu.memref_squeeze %dma_start3A_227 : memref<1x128xi32, #tpu.memory_space<vmem>> -> memref<128xi32, #tpu.memory_space<vmem>>
        %dma_start3A_229 = arith.constant 0 : i32
        %dma_start3A_230 = arith.constant 0 : i32
        %dma_start3A_231 = tpu.memref_slice %arg3[%dma_start3A_229, %dma_start3A_230] : memref<10240x128xf32, #tpu.memory_space<hbm>> -> memref<10240x128xf32, #tpu.memory_space<hbm>>
        tpu.enqueue_indirect_dma source(%dma_start3A_231 : memref<10240x128xf32, #tpu.memory_space<hbm>>) target(%arg15 : memref<128x128xf32, #tpu.memory_space<vmem>>) offsets(%dma_start3A_228 : memref<128xi32, #tpu.memory_space<vmem>>) semaphore(%arg21 : memref<!tpu.dma_semaphore, #tpu.memory_space<semaphore_mem>>)
      } else {
      }
    }
    %scan3A_50 = arith.constant 13 : i32
    %mul3A_51 = arith.constant 5120 : i32
    %mul3A_52 = arith.muli %add3A, %mul3A_51 : i32
    %add3A_53 = arith.constant 4992 : i32
    %add3A_54 = arith.addi %mul3A_52, %add3A_53 : i32
    %dma_wait3A = arith.constant 0 : i32
    %dma_wait3A_55 = arith.constant 0 : i32
    %dma_wait3A_56 = tpu.memref_slice %arg8[%dma_wait3A, %dma_wait3A_55] : memref<40x128xi32, #tpu.memory_space<vmem>> -> memref<1x128xi32, #tpu.memory_space<vmem>>
    %dma_wait3A_57 = tpu.memref_squeeze %dma_wait3A_56 : memref<1x128xi32, #tpu.memory_space<vmem>> -> memref<128xi32, #tpu.memory_space<vmem>>
    %dma_wait3A_58 = arith.constant 0 : i32
    %dma_wait3A_59 = arith.constant 0 : i32
    %dma_wait3A_60 = tpu.memref_slice %arg2[%dma_wait3A_58, %dma_wait3A_59] : memref<10240x128xf32, #tpu.memory_space<hbm>> -> memref<10240x128xf32, #tpu.memory_space<hbm>>
    tpu.wait_indirect_dma semaphore(%arg16 : memref<!tpu.dma_semaphore, #tpu.memory_space<semaphore_mem>>) src(%dma_wait3A_60 : memref<10240x128xf32, #tpu.memory_space<hbm>>) dst(%arg10 : memref<128x128xf32, #tpu.memory_space<vmem>>)
    %dma_wait3A_61 = arith.constant 0 : i32
    %dma_wait3A_62 = arith.constant 0 : i32
    %dma_wait3A_63 = tpu.memref_slice %arg9[%dma_wait3A_61, %dma_wait3A_62] : memref<40x128xi32, #tpu.memory_space<vmem>> -> memref<1x128xi32, #tpu.memory_space<vmem>>
    %dma_wait3A_64 = tpu.memref_squeeze %dma_wait3A_63 : memref<1x128xi32, #tpu.memory_space<vmem>> -> memref<128xi32, #tpu.memory_space<vmem>>
    %dma_wait3A_65 = arith.constant 0 : i32
    %dma_wait3A_66 = arith.constant 0 : i32
    %dma_wait3A_67 = tpu.memref_slice %arg3[%dma_wait3A_65, %dma_wait3A_66] : memref<10240x128xf32, #tpu.memory_space<hbm>> -> memref<10240x128xf32, #tpu.memory_space<hbm>>
    tpu.wait_indirect_dma semaphore(%arg19 : memref<!tpu.dma_semaphore, #tpu.memory_space<semaphore_mem>>) src(%dma_wait3A_67 : memref<10240x128xf32, #tpu.memory_space<hbm>>) dst(%arg13 : memref<128x128xf32, #tpu.memory_space<vmem>>)
    %dma_start3A_68 = arith.constant 0 : i32
    %dma_start3A_69 = tpu.memref_slice %arg6[%add3A_54, %dma_start3A_68] : memref<163840x128xf32, #tpu.memory_space<hbm>> -> memref<128x128xf32, #tpu.memory_space<hbm>>
    %dma_start3A_70 = arith.constant 0 : i32
    %dma_start3A_71 = tpu.memref_slice %arg6[%add3A_54, %dma_start3A_70] : memref<163840x128xf32, #tpu.memory_space<hbm>> -> memref<128x128xf32, #tpu.memory_space<hbm>>
    tpu.enqueue_dma source(%arg10 : memref<128x128xf32, #tpu.memory_space<vmem>>) target(%dma_start3A_71 : memref<128x128xf32, #tpu.memory_space<hbm>>) target_semaphore(%arg22 : memref<!tpu.dma_semaphore, #tpu.memory_space<semaphore_mem>>)
    %dma_start3A_72 = arith.constant 0 : i32
    %dma_start3A_73 = tpu.memref_slice %arg7[%add3A_54, %dma_start3A_72] : memref<163840x128xf32, #tpu.memory_space<hbm>> -> memref<128x128xf32, #tpu.memory_space<hbm>>
    %dma_start3A_74 = arith.constant 0 : i32
    %dma_start3A_75 = tpu.memref_slice %arg7[%add3A_54, %dma_start3A_74] : memref<163840x128xf32, #tpu.memory_space<hbm>> -> memref<128x128xf32, #tpu.memory_space<hbm>>
    tpu.enqueue_dma source(%arg13 : memref<128x128xf32, #tpu.memory_space<vmem>>) target(%dma_start3A_75 : memref<128x128xf32, #tpu.memory_space<hbm>>) target_semaphore(%arg25 : memref<!tpu.dma_semaphore, #tpu.memory_space<semaphore_mem>>)
    %dma_wait3A_76 = arith.constant 0 : i32
    %dma_wait3A_77 = tpu.memref_slice %arg6[%add3A_54, %dma_wait3A_76] : memref<163840x128xf32, #tpu.memory_space<hbm>> -> memref<128x128xf32, #tpu.memory_space<hbm>>
    %dma_wait3A_78 = arith.constant 0 : i32
    %dma_wait3A_79 = tpu.memref_slice %arg6[%add3A_54, %dma_wait3A_78] : memref<163840x128xf32, #tpu.memory_space<hbm>> -> memref<128x128xf32, #tpu.memory_space<hbm>>
    tpu.wait_dma2 semaphore(%arg22 : memref<!tpu.dma_semaphore, #tpu.memory_space<semaphore_mem>>) src(%arg10 : memref<128x128xf32, #tpu.memory_space<vmem>>) dst(%dma_wait3A_79 : memref<128x128xf32, #tpu.memory_space<hbm>>)
    %dma_wait3A_80 = arith.constant 0 : i32
    %dma_wait3A_81 = tpu.memref_slice %arg7[%add3A_54, %dma_wait3A_80] : memref<163840x128xf32, #tpu.memory_space<hbm>> -> memref<128x128xf32, #tpu.memory_space<hbm>>
    %dma_wait3A_82 = arith.constant 0 : i32
    %dma_wait3A_83 = tpu.memref_slice %arg7[%add3A_54, %dma_wait3A_82] : memref<163840x128xf32, #tpu.memory_space<hbm>> -> memref<128x128xf32, #tpu.memory_space<hbm>>
    tpu.wait_dma2 semaphore(%arg25 : memref<!tpu.dma_semaphore, #tpu.memory_space<semaphore_mem>>) src(%arg13 : memref<128x128xf32, #tpu.memory_space<vmem>>) dst(%dma_wait3A_83 : memref<128x128xf32, #tpu.memory_space<hbm>>)
    return
  }
}

#map = affine_map<(d0, d1) -> (0, 0)>
#map1 = affine_map<(d0, d1) -> (0, 0, 0)>
module attributes {stable_mosaic.version = 14 : i64} {
  func.func @_scatter_body(%arg0: i32, %arg1: i32, %arg2: memref<163840x128xf32, #tpu.memory_space<hbm>>, %arg3: memref<1280x128xi32, #tpu.memory_space<hbm>>, %arg4: memref<128x128xf32, #tpu.memory_space<hbm>>, %arg5: memref<2x10240x128xf32, #tpu.memory_space<hbm>>, %arg6: memref<40x128xi32, #tpu.memory_space<vmem>>, %arg7: memref<10240x128xf32, #tpu.memory_space<vmem_shared>>, %arg8: memref<128x128xf32, #tpu.memory_space<vmem>>, %arg9: memref<128x128xf32, #tpu.memory_space<vmem>>, %arg10: memref<!tpu.dma_semaphore, #tpu.memory_space<semaphore_mem>>, %arg11: memref<!tpu.dma_semaphore, #tpu.memory_space<semaphore_mem>>, %arg12: memref<!tpu.dma_semaphore, #tpu.memory_space<semaphore_mem>>, %arg13: memref<!tpu.dma_semaphore, #tpu.memory_space<semaphore_mem>>, %arg14: memref<!tpu.dma_semaphore, #tpu.memory_space<semaphore_mem>>) attributes {dimension_semantics = [#tpu.dimension_semantics<core_parallel>, #tpu.dimension_semantics<subcore_parallel>], iteration_bounds = array<i64: 2, 16>, scalar_prefetch = 0 : i64, scratch_operands = 9 : i64, tpu.core_type = #tpu.core_type<sc_vector_subcore>, window_params = [{transform_indices = #map}, {transform_indices = #map}, {transform_indices = #map}, {transform_indices = #map1}]} {
    %mul3A = arith.constant 2 : i32
    %mul3A_0 = arith.muli %arg1, %mul3A : i32
    %add3A = arith.addi %mul3A_0, %arg0 : i32
    %mul3A_1 = arith.constant 40 : i32
    %mul3A_2 = arith.muli %add3A, %mul3A_1 : i32
    "tpu.region"() ({
      %run_scoped3A = tpu.sem_alloc : memref<!tpu.dma_semaphore, #tpu.memory_space<semaphore_mem>>
      %dma_start3A_153 = arith.constant 0 : i32
      %dma_start3A_154 = tpu.memref_slice %arg3[%mul3A_2, %dma_start3A_153] : memref<1280x128xi32, #tpu.memory_space<hbm>> -> memref<40x128xi32, #tpu.memory_space<hbm>>
      %dma_start3A_155 = arith.constant 0 : i32
      %dma_start3A_156 = tpu.memref_slice %arg3[%mul3A_2, %dma_start3A_155] : memref<1280x128xi32, #tpu.memory_space<hbm>> -> memref<40x128xi32, #tpu.memory_space<hbm>>
      tpu.enqueue_dma source(%dma_start3A_156 : memref<40x128xi32, #tpu.memory_space<hbm>>) target(%arg6 : memref<40x128xi32, #tpu.memory_space<vmem>>) target_semaphore(%run_scoped3A : memref<!tpu.dma_semaphore, #tpu.memory_space<semaphore_mem>>)
      %dma_wait3A_157 = arith.constant 0 : i32
      %dma_wait3A_158 = tpu.memref_slice %arg3[%mul3A_2, %dma_wait3A_157] : memref<1280x128xi32, #tpu.memory_space<hbm>> -> memref<40x128xi32, #tpu.memory_space<hbm>>
      %dma_wait3A_159 = arith.constant 0 : i32
      %dma_wait3A_160 = tpu.memref_slice %arg3[%mul3A_2, %dma_wait3A_159] : memref<1280x128xi32, #tpu.memory_space<hbm>> -> memref<40x128xi32, #tpu.memory_space<hbm>>
      tpu.wait_dma2 semaphore(%run_scoped3A : memref<!tpu.dma_semaphore, #tpu.memory_space<semaphore_mem>>) src(%dma_wait3A_160 : memref<40x128xi32, #tpu.memory_space<hbm>>) dst(%arg6 : memref<40x128xi32, #tpu.memory_space<vmem>>)
      tpu.yield
    }) : () -> ()
    "tpu.region"() ({
      %run_scoped3A = tpu.sem_alloc : memref<!tpu.dma_semaphore, #tpu.memory_space<semaphore_mem>>
      tpu.enqueue_dma source(%arg4 : memref<128x128xf32, #tpu.memory_space<hbm>>) target(%arg8 : memref<128x128xf32, #tpu.memory_space<vmem>>) target_semaphore(%run_scoped3A : memref<!tpu.dma_semaphore, #tpu.memory_space<semaphore_mem>>)
      tpu.wait_dma2 semaphore(%run_scoped3A : memref<!tpu.dma_semaphore, #tpu.memory_space<semaphore_mem>>) src(%arg4 : memref<128x128xf32, #tpu.memory_space<hbm>>) dst(%arg8 : memref<128x128xf32, #tpu.memory_space<vmem>>)
      tpu.yield
    }) : () -> ()
    %mul3A_3 = arith.constant 640 : i32
    %mul3A_4 = arith.muli %arg1, %mul3A_3 : i32
    %add3A_5 = arith.constant 0 : i32
    %add3A_6 = arith.addi %mul3A_4, %add3A_5 : i32
    %dma_start3A = arith.constant 0 : i32
    %dma_start3A_7 = tpu.memref_slice %arg7[%add3A_6, %dma_start3A] : memref<10240x128xf32, #tpu.memory_space<vmem_shared>> -> memref<128x128xf32, #tpu.memory_space<vmem_shared>>
    %dma_start3A_8 = arith.constant 0 : i32
    %dma_start3A_9 = tpu.memref_slice %arg7[%add3A_6, %dma_start3A_8] : memref<10240x128xf32, #tpu.memory_space<vmem_shared>> -> memref<128x128xf32, #tpu.memory_space<vmem_shared>>
    tpu.enqueue_dma source(%arg8 : memref<128x128xf32, #tpu.memory_space<vmem>>) target(%dma_start3A_9 : memref<128x128xf32, #tpu.memory_space<vmem_shared>>) target_semaphore(%arg14 : memref<!tpu.dma_semaphore, #tpu.memory_space<semaphore_mem>>)
    %mul3A_10 = arith.constant 640 : i32
    %mul3A_11 = arith.muli %arg1, %mul3A_10 : i32
    %add3A_12 = arith.constant 128 : i32
    %add3A_13 = arith.addi %mul3A_11, %add3A_12 : i32
    %dma_start3A_14 = arith.constant 0 : i32
    %dma_start3A_15 = tpu.memref_slice %arg7[%add3A_13, %dma_start3A_14] : memref<10240x128xf32, #tpu.memory_space<vmem_shared>> -> memref<128x128xf32, #tpu.memory_space<vmem_shared>>
    %dma_start3A_16 = arith.constant 0 : i32
    %dma_start3A_17 = tpu.memref_slice %arg7[%add3A_13, %dma_start3A_16] : memref<10240x128xf32, #tpu.memory_space<vmem_shared>> -> memref<128x128xf32, #tpu.memory_space<vmem_shared>>
    tpu.enqueue_dma source(%arg8 : memref<128x128xf32, #tpu.memory_space<vmem>>) target(%dma_start3A_17 : memref<128x128xf32, #tpu.memory_space<vmem_shared>>) target_semaphore(%arg14 : memref<!tpu.dma_semaphore, #tpu.memory_space<semaphore_mem>>)
    %mul3A_18 = arith.constant 640 : i32
    %mul3A_19 = arith.muli %arg1, %mul3A_18 : i32
    %add3A_20 = arith.constant 256 : i32
    %add3A_21 = arith.addi %mul3A_19, %add3A_20 : i32
    %dma_start3A_22 = arith.constant 0 : i32
    %dma_start3A_23 = tpu.memref_slice %arg7[%add3A_21, %dma_start3A_22] : memref<10240x128xf32, #tpu.memory_space<vmem_shared>> -> memref<128x128xf32, #tpu.memory_space<vmem_shared>>
    %dma_start3A_24 = arith.constant 0 : i32
    %dma_start3A_25 = tpu.memref_slice %arg7[%add3A_21, %dma_start3A_24] : memref<10240x128xf32, #tpu.memory_space<vmem_shared>> -> memref<128x128xf32, #tpu.memory_space<vmem_shared>>
    tpu.enqueue_dma source(%arg8 : memref<128x128xf32, #tpu.memory_space<vmem>>) target(%dma_start3A_25 : memref<128x128xf32, #tpu.memory_space<vmem_shared>>) target_semaphore(%arg14 : memref<!tpu.dma_semaphore, #tpu.memory_space<semaphore_mem>>)
    %mul3A_26 = arith.constant 640 : i32
    %mul3A_27 = arith.muli %arg1, %mul3A_26 : i32
    %add3A_28 = arith.constant 384 : i32
    %add3A_29 = arith.addi %mul3A_27, %add3A_28 : i32
    %dma_start3A_30 = arith.constant 0 : i32
    %dma_start3A_31 = tpu.memref_slice %arg7[%add3A_29, %dma_start3A_30] : memref<10240x128xf32, #tpu.memory_space<vmem_shared>> -> memref<128x128xf32, #tpu.memory_space<vmem_shared>>
    %dma_start3A_32 = arith.constant 0 : i32
    %dma_start3A_33 = tpu.memref_slice %arg7[%add3A_29, %dma_start3A_32] : memref<10240x128xf32, #tpu.memory_space<vmem_shared>> -> memref<128x128xf32, #tpu.memory_space<vmem_shared>>
    tpu.enqueue_dma source(%arg8 : memref<128x128xf32, #tpu.memory_space<vmem>>) target(%dma_start3A_33 : memref<128x128xf32, #tpu.memory_space<vmem_shared>>) target_semaphore(%arg14 : memref<!tpu.dma_semaphore, #tpu.memory_space<semaphore_mem>>)
    %mul3A_34 = arith.constant 640 : i32
    %mul3A_35 = arith.muli %arg1, %mul3A_34 : i32
    %add3A_36 = arith.constant 512 : i32
    %add3A_37 = arith.addi %mul3A_35, %add3A_36 : i32
    %dma_start3A_38 = arith.constant 0 : i32
    %dma_start3A_39 = tpu.memref_slice %arg7[%add3A_37, %dma_start3A_38] : memref<10240x128xf32, #tpu.memory_space<vmem_shared>> -> memref<128x128xf32, #tpu.memory_space<vmem_shared>>
    %dma_start3A_40 = arith.constant 0 : i32
    %dma_start3A_41 = tpu.memref_slice %arg7[%add3A_37, %dma_start3A_40] : memref<10240x128xf32, #tpu.memory_space<vmem_shared>> -> memref<128x128xf32, #tpu.memory_space<vmem_shared>>
    tpu.enqueue_dma source(%arg8 : memref<128x128xf32, #tpu.memory_space<vmem>>) target(%dma_start3A_41 : memref<128x128xf32, #tpu.memory_space<vmem_shared>>) target_semaphore(%arg14 : memref<!tpu.dma_semaphore, #tpu.memory_space<semaphore_mem>>)
    %dma_wait3A = arith.constant 0 : i32
    %dma_wait3A_42 = tpu.memref_slice %arg7[%add3A_6, %dma_wait3A] : memref<10240x128xf32, #tpu.memory_space<vmem_shared>> -> memref<128x128xf32, #tpu.memory_space<vmem_shared>>
    %dma_wait3A_43 = arith.constant 0 : i32
    %dma_wait3A_44 = tpu.memref_slice %arg7[%add3A_6, %dma_wait3A_43] : memref<10240x128xf32, #tpu.memory_space<vmem_shared>> -> memref<128x128xf32, #tpu.memory_space<vmem_shared>>
    tpu.wait_dma2 semaphore(%arg14 : memref<!tpu.dma_semaphore, #tpu.memory_space<semaphore_mem>>) src(%arg8 : memref<128x128xf32, #tpu.memory_space<vmem>>) dst(%dma_wait3A_44 : memref<128x128xf32, #tpu.memory_space<vmem_shared>>)
    %dma_wait3A_45 = arith.constant 0 : i32
    %dma_wait3A_46 = tpu.memref_slice %arg7[%add3A_13, %dma_wait3A_45] : memref<10240x128xf32, #tpu.memory_space<vmem_shared>> -> memref<128x128xf32, #tpu.memory_space<vmem_shared>>
    %dma_wait3A_47 = arith.constant 0 : i32
    %dma_wait3A_48 = tpu.memref_slice %arg7[%add3A_13, %dma_wait3A_47] : memref<10240x128xf32, #tpu.memory_space<vmem_shared>> -> memref<128x128xf32, #tpu.memory_space<vmem_shared>>
    tpu.wait_dma2 semaphore(%arg14 : memref<!tpu.dma_semaphore, #tpu.memory_space<semaphore_mem>>) src(%arg8 : memref<128x128xf32, #tpu.memory_space<vmem>>) dst(%dma_wait3A_48 : memref<128x128xf32, #tpu.memory_space<vmem_shared>>)
    %dma_wait3A_49 = arith.constant 0 : i32
    %dma_wait3A_50 = tpu.memref_slice %arg7[%add3A_21, %dma_wait3A_49] : memref<10240x128xf32, #tpu.memory_space<vmem_shared>> -> memref<128x128xf32, #tpu.memory_space<vmem_shared>>
    %dma_wait3A_51 = arith.constant 0 : i32
    %dma_wait3A_52 = tpu.memref_slice %arg7[%add3A_21, %dma_wait3A_51] : memref<10240x128xf32, #tpu.memory_space<vmem_shared>> -> memref<128x128xf32, #tpu.memory_space<vmem_shared>>
    tpu.wait_dma2 semaphore(%arg14 : memref<!tpu.dma_semaphore, #tpu.memory_space<semaphore_mem>>) src(%arg8 : memref<128x128xf32, #tpu.memory_space<vmem>>) dst(%dma_wait3A_52 : memref<128x128xf32, #tpu.memory_space<vmem_shared>>)
    %dma_wait3A_53 = arith.constant 0 : i32
    %dma_wait3A_54 = tpu.memref_slice %arg7[%add3A_29, %dma_wait3A_53] : memref<10240x128xf32, #tpu.memory_space<vmem_shared>> -> memref<128x128xf32, #tpu.memory_space<vmem_shared>>
    %dma_wait3A_55 = arith.constant 0 : i32
    %dma_wait3A_56 = tpu.memref_slice %arg7[%add3A_29, %dma_wait3A_55] : memref<10240x128xf32, #tpu.memory_space<vmem_shared>> -> memref<128x128xf32, #tpu.memory_space<vmem_shared>>
    tpu.wait_dma2 semaphore(%arg14 : memref<!tpu.dma_semaphore, #tpu.memory_space<semaphore_mem>>) src(%arg8 : memref<128x128xf32, #tpu.memory_space<vmem>>) dst(%dma_wait3A_56 : memref<128x128xf32, #tpu.memory_space<vmem_shared>>)
    %dma_wait3A_57 = arith.constant 0 : i32
    %dma_wait3A_58 = tpu.memref_slice %arg7[%add3A_37, %dma_wait3A_57] : memref<10240x128xf32, #tpu.memory_space<vmem_shared>> -> memref<128x128xf32, #tpu.memory_space<vmem_shared>>
    %dma_wait3A_59 = arith.constant 0 : i32
    %dma_wait3A_60 = tpu.memref_slice %arg7[%add3A_37, %dma_wait3A_59] : memref<10240x128xf32, #tpu.memory_space<vmem_shared>> -> memref<128x128xf32, #tpu.memory_space<vmem_shared>>
    tpu.wait_dma2 semaphore(%arg14 : memref<!tpu.dma_semaphore, #tpu.memory_space<semaphore_mem>>) src(%arg8 : memref<128x128xf32, #tpu.memory_space<vmem>>) dst(%dma_wait3A_60 : memref<128x128xf32, #tpu.memory_space<vmem_shared>>)
    %barrier3A = arith.constant 0 : index
    tpu.barrier barrier_id(%barrier3A)
    %mul3A_61 = arith.constant 5120 : i32
    %mul3A_62 = arith.muli %add3A, %mul3A_61 : i32
    %add3A_63 = arith.constant 0 : i32
    %add3A_64 = arith.addi %mul3A_62, %add3A_63 : i32
    %dma_start3A_65 = arith.constant 0 : i32
    %dma_start3A_66 = tpu.memref_slice %arg2[%add3A_64, %dma_start3A_65] : memref<163840x128xf32, #tpu.memory_space<hbm>> -> memref<128x128xf32, #tpu.memory_space<hbm>>
    %dma_start3A_67 = arith.constant 0 : i32
    %dma_start3A_68 = tpu.memref_slice %arg2[%add3A_64, %dma_start3A_67] : memref<163840x128xf32, #tpu.memory_space<hbm>> -> memref<128x128xf32, #tpu.memory_space<hbm>>
    tpu.enqueue_dma source(%dma_start3A_68 : memref<128x128xf32, #tpu.memory_space<hbm>>) target(%arg8 : memref<128x128xf32, #tpu.memory_space<vmem>>) target_semaphore(%arg10 : memref<!tpu.dma_semaphore, #tpu.memory_space<semaphore_mem>>)
    %mul3A_69 = arith.constant 5120 : i32
    %mul3A_70 = arith.muli %add3A, %mul3A_69 : i32
    %add3A_71 = arith.constant 128 : i32
    %add3A_72 = arith.addi %mul3A_70, %add3A_71 : i32
    %dma_start3A_73 = arith.constant 0 : i32
    %dma_start3A_74 = tpu.memref_slice %arg2[%add3A_72, %dma_start3A_73] : memref<163840x128xf32, #tpu.memory_space<hbm>> -> memref<128x128xf32, #tpu.memory_space<hbm>>
    %dma_start3A_75 = arith.constant 0 : i32
    %dma_start3A_76 = tpu.memref_slice %arg2[%add3A_72, %dma_start3A_75] : memref<163840x128xf32, #tpu.memory_space<hbm>> -> memref<128x128xf32, #tpu.memory_space<hbm>>
    tpu.enqueue_dma source(%dma_start3A_76 : memref<128x128xf32, #tpu.memory_space<hbm>>) target(%arg9 : memref<128x128xf32, #tpu.memory_space<vmem>>) target_semaphore(%arg11 : memref<!tpu.dma_semaphore, #tpu.memory_space<semaphore_mem>>)
    %scan3A = arith.constant 0 : i32
    %scan3A_77 = arith.constant 0 : i32
    %scan3A_78 = arith.constant 20 : i32
    %scan3A_79 = arith.addi %scan3A_77, %scan3A_78 : i32
    %scan3A_80 = arith.constant 1 : i32
    scf.for %scan3A_153 = %scan3A_77 to %scan3A_79 step %scan3A_80  : i32 {
      %mul3A_154 = arith.constant 2 : i32
      %mul3A_155 = arith.muli %scan3A_153, %mul3A_154 : i32
      %add3A_156 = arith.constant 0 : i32
      %add3A_157 = arith.addi %mul3A_155, %add3A_156 : i32
      %mul3A_158 = arith.constant 5120 : i32
      %mul3A_159 = arith.muli %add3A, %mul3A_158 : i32
      %mul3A_160 = arith.constant 128 : i32
      %mul3A_161 = arith.muli %add3A_157, %mul3A_160 : i32
      %add3A_162 = arith.addi %mul3A_159, %mul3A_161 : i32
      %dma_wait3A_163 = arith.constant 0 : i32
      %dma_wait3A_164 = tpu.memref_slice %arg2[%add3A_162, %dma_wait3A_163] : memref<163840x128xf32, #tpu.memory_space<hbm>> -> memref<128x128xf32, #tpu.memory_space<hbm>>
      %dma_wait3A_165 = arith.constant 0 : i32
      %dma_wait3A_166 = tpu.memref_slice %arg2[%add3A_162, %dma_wait3A_165] : memref<163840x128xf32, #tpu.memory_space<hbm>> -> memref<128x128xf32, #tpu.memory_space<hbm>>
      tpu.wait_dma2 semaphore(%arg10 : memref<!tpu.dma_semaphore, #tpu.memory_space<semaphore_mem>>) src(%dma_wait3A_166 : memref<128x128xf32, #tpu.memory_space<hbm>>) dst(%arg8 : memref<128x128xf32, #tpu.memory_space<vmem>>)
      %dma_start3A_167 = arith.constant 0 : i32
      %dma_start3A_168 = tpu.memref_slice %arg6[%add3A_157, %dma_start3A_167] : memref<40x128xi32, #tpu.memory_space<vmem>> -> memref<1x128xi32, #tpu.memory_space<vmem>>
      %dma_start3A_169 = tpu.memref_squeeze %dma_start3A_168 : memref<1x128xi32, #tpu.memory_space<vmem>> -> memref<128xi32, #tpu.memory_space<vmem>>
      %dma_start3A_170 = arith.constant 0 : i32
      %dma_start3A_171 = arith.constant 0 : i32
      %dma_start3A_172 = tpu.memref_slice %arg7[%dma_start3A_170, %dma_start3A_171] : memref<10240x128xf32, #tpu.memory_space<vmem_shared>> -> memref<10240x128xf32, #tpu.memory_space<vmem_shared>>
      tpu.enqueue_indirect_dma source(%arg8 : memref<128x128xf32, #tpu.memory_space<vmem>>) target(%dma_start3A_172 : memref<10240x128xf32, #tpu.memory_space<vmem_shared>>) offsets(%dma_start3A_169 : memref<128xi32, #tpu.memory_space<vmem>>) semaphore(%arg12 : memref<!tpu.dma_semaphore, #tpu.memory_space<semaphore_mem>>) {add = true}
      %dma_wait3A_173 = arith.constant 0 : i32
      %dma_wait3A_174 = tpu.memref_slice %arg6[%add3A_157, %dma_wait3A_173] : memref<40x128xi32, #tpu.memory_space<vmem>> -> memref<1x128xi32, #tpu.memory_space<vmem>>
      %dma_wait3A_175 = tpu.memref_squeeze %dma_wait3A_174 : memref<1x128xi32, #tpu.memory_space<vmem>> -> memref<128xi32, #tpu.memory_space<vmem>>
      %dma_wait3A_176 = arith.constant 0 : i32
      %dma_wait3A_177 = arith.constant 0 : i32
      %dma_wait3A_178 = tpu.memref_slice %arg7[%dma_wait3A_176, %dma_wait3A_177] : memref<10240x128xf32, #tpu.memory_space<vmem_shared>> -> memref<10240x128xf32, #tpu.memory_space<vmem_shared>>
      tpu.wait_indirect_dma semaphore(%arg12 : memref<!tpu.dma_semaphore, #tpu.memory_space<semaphore_mem>>) src(%arg8 : memref<128x128xf32, #tpu.memory_space<vmem>>) dst(%dma_wait3A_178 : memref<10240x128xf32, #tpu.memory_space<vmem_shared>>)
      %add3A_179 = arith.constant 2 : i32
      %add3A_180 = arith.addi %add3A_157, %add3A_179 : i32
      %lt3A = arith.constant 40 : i32
      %lt3A_181 = arith.cmpi slt, %add3A_180, %lt3A : i32
      %convert_element_type3A = arith.extui %lt3A_181 : i1 to i32
      %cond3A = arith.constant 0 : i32
      %cond3A_182 = arith.cmpi ne, %convert_element_type3A, %cond3A : i32
      scf.if %cond3A_182 {
        %mul3A_215 = arith.constant 5120 : i32
        %mul3A_216 = arith.muli %add3A, %mul3A_215 : i32
        %mul3A_217 = arith.constant 128 : i32
        %mul3A_218 = arith.muli %add3A_180, %mul3A_217 : i32
        %add3A_219 = arith.addi %mul3A_216, %mul3A_218 : i32
        %dma_start3A_220 = arith.constant 0 : i32
        %dma_start3A_221 = tpu.memref_slice %arg2[%add3A_219, %dma_start3A_220] : memref<163840x128xf32, #tpu.memory_space<hbm>> -> memref<128x128xf32, #tpu.memory_space<hbm>>
        %dma_start3A_222 = arith.constant 0 : i32
        %dma_start3A_223 = tpu.memref_slice %arg2[%add3A_219, %dma_start3A_222] : memref<163840x128xf32, #tpu.memory_space<hbm>> -> memref<128x128xf32, #tpu.memory_space<hbm>>
        tpu.enqueue_dma source(%dma_start3A_223 : memref<128x128xf32, #tpu.memory_space<hbm>>) target(%arg8 : memref<128x128xf32, #tpu.memory_space<vmem>>) target_semaphore(%arg10 : memref<!tpu.dma_semaphore, #tpu.memory_space<semaphore_mem>>)
      } else {
      }
      %mul3A_183 = arith.constant 2 : i32
      %mul3A_184 = arith.muli %scan3A_153, %mul3A_183 : i32
      %add3A_185 = arith.constant 1 : i32
      %add3A_186 = arith.addi %mul3A_184, %add3A_185 : i32
      %mul3A_187 = arith.constant 5120 : i32
      %mul3A_188 = arith.muli %add3A, %mul3A_187 : i32
      %mul3A_189 = arith.constant 128 : i32
      %mul3A_190 = arith.muli %add3A_186, %mul3A_189 : i32
      %add3A_191 = arith.addi %mul3A_188, %mul3A_190 : i32
      %dma_wait3A_192 = arith.constant 0 : i32
      %dma_wait3A_193 = tpu.memref_slice %arg2[%add3A_191, %dma_wait3A_192] : memref<163840x128xf32, #tpu.memory_space<hbm>> -> memref<128x128xf32, #tpu.memory_space<hbm>>
      %dma_wait3A_194 = arith.constant 0 : i32
      %dma_wait3A_195 = tpu.memref_slice %arg2[%add3A_191, %dma_wait3A_194] : memref<163840x128xf32, #tpu.memory_space<hbm>> -> memref<128x128xf32, #tpu.memory_space<hbm>>
      tpu.wait_dma2 semaphore(%arg11 : memref<!tpu.dma_semaphore, #tpu.memory_space<semaphore_mem>>) src(%dma_wait3A_195 : memref<128x128xf32, #tpu.memory_space<hbm>>) dst(%arg9 : memref<128x128xf32, #tpu.memory_space<vmem>>)
      %dma_start3A_196 = arith.constant 0 : i32
      %dma_start3A_197 = tpu.memref_slice %arg6[%add3A_186, %dma_start3A_196] : memref<40x128xi32, #tpu.memory_space<vmem>> -> memref<1x128xi32, #tpu.memory_space<vmem>>
      %dma_start3A_198 = tpu.memref_squeeze %dma_start3A_197 : memref<1x128xi32, #tpu.memory_space<vmem>> -> memref<128xi32, #tpu.memory_space<vmem>>
      %dma_start3A_199 = arith.constant 0 : i32
      %dma_start3A_200 = arith.constant 0 : i32
      %dma_start3A_201 = tpu.memref_slice %arg7[%dma_start3A_199, %dma_start3A_200] : memref<10240x128xf32, #tpu.memory_space<vmem_shared>> -> memref<10240x128xf32, #tpu.memory_space<vmem_shared>>
      tpu.enqueue_indirect_dma source(%arg9 : memref<128x128xf32, #tpu.memory_space<vmem>>) target(%dma_start3A_201 : memref<10240x128xf32, #tpu.memory_space<vmem_shared>>) offsets(%dma_start3A_198 : memref<128xi32, #tpu.memory_space<vmem>>) semaphore(%arg13 : memref<!tpu.dma_semaphore, #tpu.memory_space<semaphore_mem>>) {add = true}
      %dma_wait3A_202 = arith.constant 0 : i32
      %dma_wait3A_203 = tpu.memref_slice %arg6[%add3A_186, %dma_wait3A_202] : memref<40x128xi32, #tpu.memory_space<vmem>> -> memref<1x128xi32, #tpu.memory_space<vmem>>
      %dma_wait3A_204 = tpu.memref_squeeze %dma_wait3A_203 : memref<1x128xi32, #tpu.memory_space<vmem>> -> memref<128xi32, #tpu.memory_space<vmem>>
      %dma_wait3A_205 = arith.constant 0 : i32
      %dma_wait3A_206 = arith.constant 0 : i32
      %dma_wait3A_207 = tpu.memref_slice %arg7[%dma_wait3A_205, %dma_wait3A_206] : memref<10240x128xf32, #tpu.memory_space<vmem_shared>> -> memref<10240x128xf32, #tpu.memory_space<vmem_shared>>
      tpu.wait_indirect_dma semaphore(%arg13 : memref<!tpu.dma_semaphore, #tpu.memory_space<semaphore_mem>>) src(%arg9 : memref<128x128xf32, #tpu.memory_space<vmem>>) dst(%dma_wait3A_207 : memref<10240x128xf32, #tpu.memory_space<vmem_shared>>)
      %add3A_208 = arith.constant 2 : i32
      %add3A_209 = arith.addi %add3A_186, %add3A_208 : i32
      %lt3A_210 = arith.constant 40 : i32
      %lt3A_211 = arith.cmpi slt, %add3A_209, %lt3A_210 : i32
      %convert_element_type3A_212 = arith.extui %lt3A_211 : i1 to i32
      %cond3A_213 = arith.constant 0 : i32
      %cond3A_214 = arith.cmpi ne, %convert_element_type3A_212, %cond3A_213 : i32
      scf.if %cond3A_214 {
        %mul3A_215 = arith.constant 5120 : i32
        %mul3A_216 = arith.muli %add3A, %mul3A_215 : i32
        %mul3A_217 = arith.constant 128 : i32
        %mul3A_218 = arith.muli %add3A_209, %mul3A_217 : i32
        %add3A_219 = arith.addi %mul3A_216, %mul3A_218 : i32
        %dma_start3A_220 = arith.constant 0 : i32
        %dma_start3A_221 = tpu.memref_slice %arg2[%add3A_219, %dma_start3A_220] : memref<163840x128xf32, #tpu.memory_space<hbm>> -> memref<128x128xf32, #tpu.memory_space<hbm>>
        %dma_start3A_222 = arith.constant 0 : i32
        %dma_start3A_223 = tpu.memref_slice %arg2[%add3A_219, %dma_start3A_222] : memref<163840x128xf32, #tpu.memory_space<hbm>> -> memref<128x128xf32, #tpu.memory_space<hbm>>
        tpu.enqueue_dma source(%dma_start3A_223 : memref<128x128xf32, #tpu.memory_space<hbm>>) target(%arg9 : memref<128x128xf32, #tpu.memory_space<vmem>>) target_semaphore(%arg11 : memref<!tpu.dma_semaphore, #tpu.memory_space<semaphore_mem>>)
      } else {
      }
    }
    %scan3A_81 = arith.constant 20 : i32
    %barrier3A_82 = arith.constant 0 : index
    tpu.barrier barrier_id(%barrier3A_82)
    %mul3A_83 = arith.constant 640 : i32
    %mul3A_84 = arith.muli %arg1, %mul3A_83 : i32
    %dma_start3A_85 = arith.constant 0 : i32
    %dma_start3A_86 = tpu.memref_slice %arg7[%mul3A_84, %dma_start3A_85] : memref<10240x128xf32, #tpu.memory_space<vmem_shared>> -> memref<128x128xf32, #tpu.memory_space<vmem_shared>>
    %dma_start3A_87 = arith.constant 0 : i32
    %dma_start3A_88 = tpu.memref_slice %arg7[%mul3A_84, %dma_start3A_87] : memref<10240x128xf32, #tpu.memory_space<vmem_shared>> -> memref<128x128xf32, #tpu.memory_space<vmem_shared>>
    tpu.enqueue_dma source(%dma_start3A_88 : memref<128x128xf32, #tpu.memory_space<vmem_shared>>) target(%arg8 : memref<128x128xf32, #tpu.memory_space<vmem>>) target_semaphore(%arg10 : memref<!tpu.dma_semaphore, #tpu.memory_space<semaphore_mem>>)
    %mul3A_89 = arith.constant 640 : i32
    %mul3A_90 = arith.muli %arg1, %mul3A_89 : i32
    %add3A_91 = arith.constant 0 : i32
    %add3A_92 = arith.addi %mul3A_90, %add3A_91 : i32
    %dma_wait3A_93 = arith.constant 0 : i32
    %dma_wait3A_94 = tpu.memref_slice %arg7[%add3A_92, %dma_wait3A_93] : memref<10240x128xf32, #tpu.memory_space<vmem_shared>> -> memref<128x128xf32, #tpu.memory_space<vmem_shared>>
    %dma_wait3A_95 = arith.constant 0 : i32
    %dma_wait3A_96 = tpu.memref_slice %arg7[%add3A_92, %dma_wait3A_95] : memref<10240x128xf32, #tpu.memory_space<vmem_shared>> -> memref<128x128xf32, #tpu.memory_space<vmem_shared>>
    tpu.wait_dma2 semaphore(%arg10 : memref<!tpu.dma_semaphore, #tpu.memory_space<semaphore_mem>>) src(%dma_wait3A_96 : memref<128x128xf32, #tpu.memory_space<vmem_shared>>) dst(%arg8 : memref<128x128xf32, #tpu.memory_space<vmem>>)
    %add3A_97 = arith.constant 128 : i32
    %add3A_98 = arith.addi %add3A_92, %add3A_97 : i32
    %dma_start3A_99 = arith.constant 0 : i32
    %dma_start3A_100 = tpu.memref_slice %arg7[%add3A_98, %dma_start3A_99] : memref<10240x128xf32, #tpu.memory_space<vmem_shared>> -> memref<128x128xf32, #tpu.memory_space<vmem_shared>>
    %dma_start3A_101 = arith.constant 0 : i32
    %dma_start3A_102 = tpu.memref_slice %arg7[%add3A_98, %dma_start3A_101] : memref<10240x128xf32, #tpu.memory_space<vmem_shared>> -> memref<128x128xf32, #tpu.memory_space<vmem_shared>>
    tpu.enqueue_dma source(%dma_start3A_102 : memref<128x128xf32, #tpu.memory_space<vmem_shared>>) target(%arg9 : memref<128x128xf32, #tpu.memory_space<vmem>>) target_semaphore(%arg11 : memref<!tpu.dma_semaphore, #tpu.memory_space<semaphore_mem>>)
    "tpu.region"() ({
      %run_scoped3A = tpu.sem_alloc : memref<!tpu.dma_semaphore, #tpu.memory_space<semaphore_mem>>
      %dma_start3A_153 = arith.constant 0 : i32
      %dma_start3A_154 = tpu.memref_slice %arg5[%arg0, %add3A_92, %dma_start3A_153] : memref<2x10240x128xf32, #tpu.memory_space<hbm>> -> memref<1x128x128xf32, #tpu.memory_space<hbm>>
      %dma_start3A_155 = tpu.memref_squeeze %dma_start3A_154 : memref<1x128x128xf32, #tpu.memory_space<hbm>> -> memref<128x128xf32, #tpu.memory_space<hbm>>
      %dma_start3A_156 = arith.constant 0 : i32
      %dma_start3A_157 = tpu.memref_slice %arg5[%arg0, %add3A_92, %dma_start3A_156] : memref<2x10240x128xf32, #tpu.memory_space<hbm>> -> memref<1x128x128xf32, #tpu.memory_space<hbm>>
      %dma_start3A_158 = tpu.memref_squeeze %dma_start3A_157 : memref<1x128x128xf32, #tpu.memory_space<hbm>> -> memref<128x128xf32, #tpu.memory_space<hbm>>
      tpu.enqueue_dma source(%arg8 : memref<128x128xf32, #tpu.memory_space<vmem>>) target(%dma_start3A_158 : memref<128x128xf32, #tpu.memory_space<hbm>>) target_semaphore(%run_scoped3A : memref<!tpu.dma_semaphore, #tpu.memory_space<semaphore_mem>>)
      %dma_wait3A_159 = arith.constant 0 : i32
      %dma_wait3A_160 = tpu.memref_slice %arg5[%arg0, %add3A_92, %dma_wait3A_159] : memref<2x10240x128xf32, #tpu.memory_space<hbm>> -> memref<1x128x128xf32, #tpu.memory_space<hbm>>
      %dma_wait3A_161 = tpu.memref_squeeze %dma_wait3A_160 : memref<1x128x128xf32, #tpu.memory_space<hbm>> -> memref<128x128xf32, #tpu.memory_space<hbm>>
      %dma_wait3A_162 = arith.constant 0 : i32
      %dma_wait3A_163 = tpu.memref_slice %arg5[%arg0, %add3A_92, %dma_wait3A_162] : memref<2x10240x128xf32, #tpu.memory_space<hbm>> -> memref<1x128x128xf32, #tpu.memory_space<hbm>>
      %dma_wait3A_164 = tpu.memref_squeeze %dma_wait3A_163 : memref<1x128x128xf32, #tpu.memory_space<hbm>> -> memref<128x128xf32, #tpu.memory_space<hbm>>
      tpu.wait_dma2 semaphore(%run_scoped3A : memref<!tpu.dma_semaphore, #tpu.memory_space<semaphore_mem>>) src(%arg8 : memref<128x128xf32, #tpu.memory_space<vmem>>) dst(%dma_wait3A_164 : memref<128x128xf32, #tpu.memory_space<hbm>>)
      tpu.yield
    }) : () -> ()
    %mul3A_103 = arith.constant 640 : i32
    %mul3A_104 = arith.muli %arg1, %mul3A_103 : i32
    %add3A_105 = arith.constant 128 : i32
    %add3A_106 = arith.addi %mul3A_104, %add3A_105 : i32
    %dma_wait3A_107 = arith.constant 0 : i32
    %dma_wait3A_108 = tpu.memref_slice %arg7[%add3A_106, %dma_wait3A_107] : memref<10240x128xf32, #tpu.memory_space<vmem_shared>> -> memref<128x128xf32, #tpu.memory_space<vmem_shared>>
    %dma_wait3A_109 = arith.constant 0 : i32
    %dma_wait3A_110 = tpu.memref_slice %arg7[%add3A_106, %dma_wait3A_109] : memref<10240x128xf32, #tpu.memory_space<vmem_shared>> -> memref<128x128xf32, #tpu.memory_space<vmem_shared>>
    tpu.wait_dma2 semaphore(%arg11 : memref<!tpu.dma_semaphore, #tpu.memory_space<semaphore_mem>>) src(%dma_wait3A_110 : memref<128x128xf32, #tpu.memory_space<vmem_shared>>) dst(%arg9 : memref<128x128xf32, #tpu.memory_space<vmem>>)
    %add3A_111 = arith.constant 128 : i32
    %add3A_112 = arith.addi %add3A_106, %add3A_111 : i32
    %dma_start3A_113 = arith.constant 0 : i32
    %dma_start3A_114 = tpu.memref_slice %arg7[%add3A_112, %dma_start3A_113] : memref<10240x128xf32, #tpu.memory_space<vmem_shared>> -> memref<128x128xf32, #tpu.memory_space<vmem_shared>>
    %dma_start3A_115 = arith.constant 0 : i32
    %dma_start3A_116 = tpu.memref_slice %arg7[%add3A_112, %dma_start3A_115] : memref<10240x128xf32, #tpu.memory_space<vmem_shared>> -> memref<128x128xf32, #tpu.memory_space<vmem_shared>>
    tpu.enqueue_dma source(%dma_start3A_116 : memref<128x128xf32, #tpu.memory_space<vmem_shared>>) target(%arg8 : memref<128x128xf32, #tpu.memory_space<vmem>>) target_semaphore(%arg10 : memref<!tpu.dma_semaphore, #tpu.memory_space<semaphore_mem>>)
    "tpu.region"() ({
      %run_scoped3A = tpu.sem_alloc : memref<!tpu.dma_semaphore, #tpu.memory_space<semaphore_mem>>
      %dma_start3A_153 = arith.constant 0 : i32
      %dma_start3A_154 = tpu.memref_slice %arg5[%arg0, %add3A_106, %dma_start3A_153] : memref<2x10240x128xf32, #tpu.memory_space<hbm>> -> memref<1x128x128xf32, #tpu.memory_space<hbm>>
      %dma_start3A_155 = tpu.memref_squeeze %dma_start3A_154 : memref<1x128x128xf32, #tpu.memory_space<hbm>> -> memref<128x128xf32, #tpu.memory_space<hbm>>
      %dma_start3A_156 = arith.constant 0 : i32
      %dma_start3A_157 = tpu.memref_slice %arg5[%arg0, %add3A_106, %dma_start3A_156] : memref<2x10240x128xf32, #tpu.memory_space<hbm>> -> memref<1x128x128xf32, #tpu.memory_space<hbm>>
      %dma_start3A_158 = tpu.memref_squeeze %dma_start3A_157 : memref<1x128x128xf32, #tpu.memory_space<hbm>> -> memref<128x128xf32, #tpu.memory_space<hbm>>
      tpu.enqueue_dma source(%arg9 : memref<128x128xf32, #tpu.memory_space<vmem>>) target(%dma_start3A_158 : memref<128x128xf32, #tpu.memory_space<hbm>>) target_semaphore(%run_scoped3A : memref<!tpu.dma_semaphore, #tpu.memory_space<semaphore_mem>>)
      %dma_wait3A_159 = arith.constant 0 : i32
      %dma_wait3A_160 = tpu.memref_slice %arg5[%arg0, %add3A_106, %dma_wait3A_159] : memref<2x10240x128xf32, #tpu.memory_space<hbm>> -> memref<1x128x128xf32, #tpu.memory_space<hbm>>
      %dma_wait3A_161 = tpu.memref_squeeze %dma_wait3A_160 : memref<1x128x128xf32, #tpu.memory_space<hbm>> -> memref<128x128xf32, #tpu.memory_space<hbm>>
      %dma_wait3A_162 = arith.constant 0 : i32
      %dma_wait3A_163 = tpu.memref_slice %arg5[%arg0, %add3A_106, %dma_wait3A_162] : memref<2x10240x128xf32, #tpu.memory_space<hbm>> -> memref<1x128x128xf32, #tpu.memory_space<hbm>>
      %dma_wait3A_164 = tpu.memref_squeeze %dma_wait3A_163 : memref<1x128x128xf32, #tpu.memory_space<hbm>> -> memref<128x128xf32, #tpu.memory_space<hbm>>
      tpu.wait_dma2 semaphore(%run_scoped3A : memref<!tpu.dma_semaphore, #tpu.memory_space<semaphore_mem>>) src(%arg9 : memref<128x128xf32, #tpu.memory_space<vmem>>) dst(%dma_wait3A_164 : memref<128x128xf32, #tpu.memory_space<hbm>>)
      tpu.yield
    }) : () -> ()
    %mul3A_117 = arith.constant 640 : i32
    %mul3A_118 = arith.muli %arg1, %mul3A_117 : i32
    %add3A_119 = arith.constant 256 : i32
    %add3A_120 = arith.addi %mul3A_118, %add3A_119 : i32
    %dma_wait3A_121 = arith.constant 0 : i32
    %dma_wait3A_122 = tpu.memref_slice %arg7[%add3A_120, %dma_wait3A_121] : memref<10240x128xf32, #tpu.memory_space<vmem_shared>> -> memref<128x128xf32, #tpu.memory_space<vmem_shared>>
    %dma_wait3A_123 = arith.constant 0 : i32
    %dma_wait3A_124 = tpu.memref_slice %arg7[%add3A_120, %dma_wait3A_123] : memref<10240x128xf32, #tpu.memory_space<vmem_shared>> -> memref<128x128xf32, #tpu.memory_space<vmem_shared>>
    tpu.wait_dma2 semaphore(%arg10 : memref<!tpu.dma_semaphore, #tpu.memory_space<semaphore_mem>>) src(%dma_wait3A_124 : memref<128x128xf32, #tpu.memory_space<vmem_shared>>) dst(%arg8 : memref<128x128xf32, #tpu.memory_space<vmem>>)
    %add3A_125 = arith.constant 128 : i32
    %add3A_126 = arith.addi %add3A_120, %add3A_125 : i32
    %dma_start3A_127 = arith.constant 0 : i32
    %dma_start3A_128 = tpu.memref_slice %arg7[%add3A_126, %dma_start3A_127] : memref<10240x128xf32, #tpu.memory_space<vmem_shared>> -> memref<128x128xf32, #tpu.memory_space<vmem_shared>>
    %dma_start3A_129 = arith.constant 0 : i32
    %dma_start3A_130 = tpu.memref_slice %arg7[%add3A_126, %dma_start3A_129] : memref<10240x128xf32, #tpu.memory_space<vmem_shared>> -> memref<128x128xf32, #tpu.memory_space<vmem_shared>>
    tpu.enqueue_dma source(%dma_start3A_130 : memref<128x128xf32, #tpu.memory_space<vmem_shared>>) target(%arg9 : memref<128x128xf32, #tpu.memory_space<vmem>>) target_semaphore(%arg11 : memref<!tpu.dma_semaphore, #tpu.memory_space<semaphore_mem>>)
    "tpu.region"() ({
      %run_scoped3A = tpu.sem_alloc : memref<!tpu.dma_semaphore, #tpu.memory_space<semaphore_mem>>
      %dma_start3A_153 = arith.constant 0 : i32
      %dma_start3A_154 = tpu.memref_slice %arg5[%arg0, %add3A_120, %dma_start3A_153] : memref<2x10240x128xf32, #tpu.memory_space<hbm>> -> memref<1x128x128xf32, #tpu.memory_space<hbm>>
      %dma_start3A_155 = tpu.memref_squeeze %dma_start3A_154 : memref<1x128x128xf32, #tpu.memory_space<hbm>> -> memref<128x128xf32, #tpu.memory_space<hbm>>
      %dma_start3A_156 = arith.constant 0 : i32
      %dma_start3A_157 = tpu.memref_slice %arg5[%arg0, %add3A_120, %dma_start3A_156] : memref<2x10240x128xf32, #tpu.memory_space<hbm>> -> memref<1x128x128xf32, #tpu.memory_space<hbm>>
      %dma_start3A_158 = tpu.memref_squeeze %dma_start3A_157 : memref<1x128x128xf32, #tpu.memory_space<hbm>> -> memref<128x128xf32, #tpu.memory_space<hbm>>
      tpu.enqueue_dma source(%arg8 : memref<128x128xf32, #tpu.memory_space<vmem>>) target(%dma_start3A_158 : memref<128x128xf32, #tpu.memory_space<hbm>>) target_semaphore(%run_scoped3A : memref<!tpu.dma_semaphore, #tpu.memory_space<semaphore_mem>>)
      %dma_wait3A_159 = arith.constant 0 : i32
      %dma_wait3A_160 = tpu.memref_slice %arg5[%arg0, %add3A_120, %dma_wait3A_159] : memref<2x10240x128xf32, #tpu.memory_space<hbm>> -> memref<1x128x128xf32, #tpu.memory_space<hbm>>
      %dma_wait3A_161 = tpu.memref_squeeze %dma_wait3A_160 : memref<1x128x128xf32, #tpu.memory_space<hbm>> -> memref<128x128xf32, #tpu.memory_space<hbm>>
      %dma_wait3A_162 = arith.constant 0 : i32
      %dma_wait3A_163 = tpu.memref_slice %arg5[%arg0, %add3A_120, %dma_wait3A_162] : memref<2x10240x128xf32, #tpu.memory_space<hbm>> -> memref<1x128x128xf32, #tpu.memory_space<hbm>>
      %dma_wait3A_164 = tpu.memref_squeeze %dma_wait3A_163 : memref<1x128x128xf32, #tpu.memory_space<hbm>> -> memref<128x128xf32, #tpu.memory_space<hbm>>
      tpu.wait_dma2 semaphore(%run_scoped3A : memref<!tpu.dma_semaphore, #tpu.memory_space<semaphore_mem>>) src(%arg8 : memref<128x128xf32, #tpu.memory_space<vmem>>) dst(%dma_wait3A_164 : memref<128x128xf32, #tpu.memory_space<hbm>>)
      tpu.yield
    }) : () -> ()
    %mul3A_131 = arith.constant 640 : i32
    %mul3A_132 = arith.muli %arg1, %mul3A_131 : i32
    %add3A_133 = arith.constant 384 : i32
    %add3A_134 = arith.addi %mul3A_132, %add3A_133 : i32
    %dma_wait3A_135 = arith.constant 0 : i32
    %dma_wait3A_136 = tpu.memref_slice %arg7[%add3A_134, %dma_wait3A_135] : memref<10240x128xf32, #tpu.memory_space<vmem_shared>> -> memref<128x128xf32, #tpu.memory_space<vmem_shared>>
    %dma_wait3A_137 = arith.constant 0 : i32
    %dma_wait3A_138 = tpu.memref_slice %arg7[%add3A_134, %dma_wait3A_137] : memref<10240x128xf32, #tpu.memory_space<vmem_shared>> -> memref<128x128xf32, #tpu.memory_space<vmem_shared>>
    tpu.wait_dma2 semaphore(%arg11 : memref<!tpu.dma_semaphore, #tpu.memory_space<semaphore_mem>>) src(%dma_wait3A_138 : memref<128x128xf32, #tpu.memory_space<vmem_shared>>) dst(%arg9 : memref<128x128xf32, #tpu.memory_space<vmem>>)
    %add3A_139 = arith.constant 128 : i32
    %add3A_140 = arith.addi %add3A_134, %add3A_139 : i32
    %dma_start3A_141 = arith.constant 0 : i32
    %dma_start3A_142 = tpu.memref_slice %arg7[%add3A_140, %dma_start3A_141] : memref<10240x128xf32, #tpu.memory_space<vmem_shared>> -> memref<128x128xf32, #tpu.memory_space<vmem_shared>>
    %dma_start3A_143 = arith.constant 0 : i32
    %dma_start3A_144 = tpu.memref_slice %arg7[%add3A_140, %dma_start3A_143] : memref<10240x128xf32, #tpu.memory_space<vmem_shared>> -> memref<128x128xf32, #tpu.memory_space<vmem_shared>>
    tpu.enqueue_dma source(%dma_start3A_144 : memref<128x128xf32, #tpu.memory_space<vmem_shared>>) target(%arg8 : memref<128x128xf32, #tpu.memory_space<vmem>>) target_semaphore(%arg10 : memref<!tpu.dma_semaphore, #tpu.memory_space<semaphore_mem>>)
    "tpu.region"() ({
      %run_scoped3A = tpu.sem_alloc : memref<!tpu.dma_semaphore, #tpu.memory_space<semaphore_mem>>
      %dma_start3A_153 = arith.constant 0 : i32
      %dma_start3A_154 = tpu.memref_slice %arg5[%arg0, %add3A_134, %dma_start3A_153] : memref<2x10240x128xf32, #tpu.memory_space<hbm>> -> memref<1x128x128xf32, #tpu.memory_space<hbm>>
      %dma_start3A_155 = tpu.memref_squeeze %dma_start3A_154 : memref<1x128x128xf32, #tpu.memory_space<hbm>> -> memref<128x128xf32, #tpu.memory_space<hbm>>
      %dma_start3A_156 = arith.constant 0 : i32
      %dma_start3A_157 = tpu.memref_slice %arg5[%arg0, %add3A_134, %dma_start3A_156] : memref<2x10240x128xf32, #tpu.memory_space<hbm>> -> memref<1x128x128xf32, #tpu.memory_space<hbm>>
      %dma_start3A_158 = tpu.memref_squeeze %dma_start3A_157 : memref<1x128x128xf32, #tpu.memory_space<hbm>> -> memref<128x128xf32, #tpu.memory_space<hbm>>
      tpu.enqueue_dma source(%arg9 : memref<128x128xf32, #tpu.memory_space<vmem>>) target(%dma_start3A_158 : memref<128x128xf32, #tpu.memory_space<hbm>>) target_semaphore(%run_scoped3A : memref<!tpu.dma_semaphore, #tpu.memory_space<semaphore_mem>>)
      %dma_wait3A_159 = arith.constant 0 : i32
      %dma_wait3A_160 = tpu.memref_slice %arg5[%arg0, %add3A_134, %dma_wait3A_159] : memref<2x10240x128xf32, #tpu.memory_space<hbm>> -> memref<1x128x128xf32, #tpu.memory_space<hbm>>
      %dma_wait3A_161 = tpu.memref_squeeze %dma_wait3A_160 : memref<1x128x128xf32, #tpu.memory_space<hbm>> -> memref<128x128xf32, #tpu.memory_space<hbm>>
      %dma_wait3A_162 = arith.constant 0 : i32
      %dma_wait3A_163 = tpu.memref_slice %arg5[%arg0, %add3A_134, %dma_wait3A_162] : memref<2x10240x128xf32, #tpu.memory_space<hbm>> -> memref<1x128x128xf32, #tpu.memory_space<hbm>>
      %dma_wait3A_164 = tpu.memref_squeeze %dma_wait3A_163 : memref<1x128x128xf32, #tpu.memory_space<hbm>> -> memref<128x128xf32, #tpu.memory_space<hbm>>
      tpu.wait_dma2 semaphore(%run_scoped3A : memref<!tpu.dma_semaphore, #tpu.memory_space<semaphore_mem>>) src(%arg9 : memref<128x128xf32, #tpu.memory_space<vmem>>) dst(%dma_wait3A_164 : memref<128x128xf32, #tpu.memory_space<hbm>>)
      tpu.yield
    }) : () -> ()
    %mul3A_145 = arith.constant 640 : i32
    %mul3A_146 = arith.muli %arg1, %mul3A_145 : i32
    %add3A_147 = arith.constant 512 : i32
    %add3A_148 = arith.addi %mul3A_146, %add3A_147 : i32
    %dma_wait3A_149 = arith.constant 0 : i32
    %dma_wait3A_150 = tpu.memref_slice %arg7[%add3A_148, %dma_wait3A_149] : memref<10240x128xf32, #tpu.memory_space<vmem_shared>> -> memref<128x128xf32, #tpu.memory_space<vmem_shared>>
    %dma_wait3A_151 = arith.constant 0 : i32
    %dma_wait3A_152 = tpu.memref_slice %arg7[%add3A_148, %dma_wait3A_151] : memref<10240x128xf32, #tpu.memory_space<vmem_shared>> -> memref<128x128xf32, #tpu.memory_space<vmem_shared>>
    tpu.wait_dma2 semaphore(%arg10 : memref<!tpu.dma_semaphore, #tpu.memory_space<semaphore_mem>>) src(%dma_wait3A_152 : memref<128x128xf32, #tpu.memory_space<vmem_shared>>) dst(%arg8 : memref<128x128xf32, #tpu.memory_space<vmem>>)
    "tpu.region"() ({
      %run_scoped3A = tpu.sem_alloc : memref<!tpu.dma_semaphore, #tpu.memory_space<semaphore_mem>>
      %dma_start3A_153 = arith.constant 0 : i32
      %dma_start3A_154 = tpu.memref_slice %arg5[%arg0, %add3A_148, %dma_start3A_153] : memref<2x10240x128xf32, #tpu.memory_space<hbm>> -> memref<1x128x128xf32, #tpu.memory_space<hbm>>
      %dma_start3A_155 = tpu.memref_squeeze %dma_start3A_154 : memref<1x128x128xf32, #tpu.memory_space<hbm>> -> memref<128x128xf32, #tpu.memory_space<hbm>>
      %dma_start3A_156 = arith.constant 0 : i32
      %dma_start3A_157 = tpu.memref_slice %arg5[%arg0, %add3A_148, %dma_start3A_156] : memref<2x10240x128xf32, #tpu.memory_space<hbm>> -> memref<1x128x128xf32, #tpu.memory_space<hbm>>
      %dma_start3A_158 = tpu.memref_squeeze %dma_start3A_157 : memref<1x128x128xf32, #tpu.memory_space<hbm>> -> memref<128x128xf32, #tpu.memory_space<hbm>>
      tpu.enqueue_dma source(%arg8 : memref<128x128xf32, #tpu.memory_space<vmem>>) target(%dma_start3A_158 : memref<128x128xf32, #tpu.memory_space<hbm>>) target_semaphore(%run_scoped3A : memref<!tpu.dma_semaphore, #tpu.memory_space<semaphore_mem>>)
      %dma_wait3A_159 = arith.constant 0 : i32
      %dma_wait3A_160 = tpu.memref_slice %arg5[%arg0, %add3A_148, %dma_wait3A_159] : memref<2x10240x128xf32, #tpu.memory_space<hbm>> -> memref<1x128x128xf32, #tpu.memory_space<hbm>>
      %dma_wait3A_161 = tpu.memref_squeeze %dma_wait3A_160 : memref<1x128x128xf32, #tpu.memory_space<hbm>> -> memref<128x128xf32, #tpu.memory_space<hbm>>
      %dma_wait3A_162 = arith.constant 0 : i32
      %dma_wait3A_163 = tpu.memref_slice %arg5[%arg0, %add3A_148, %dma_wait3A_162] : memref<2x10240x128xf32, #tpu.memory_space<hbm>> -> memref<1x128x128xf32, #tpu.memory_space<hbm>>
      %dma_wait3A_164 = tpu.memref_squeeze %dma_wait3A_163 : memref<1x128x128xf32, #tpu.memory_space<hbm>> -> memref<128x128xf32, #tpu.memory_space<hbm>>
      tpu.wait_dma2 semaphore(%run_scoped3A : memref<!tpu.dma_semaphore, #tpu.memory_space<semaphore_mem>>) src(%arg8 : memref<128x128xf32, #tpu.memory_space<vmem>>) dst(%dma_wait3A_164 : memref<128x128xf32, #tpu.memory_space<hbm>>)
      tpu.yield
    }) : () -> ()
    return
  }
}

#map = affine_map<(d0, d1) -> (0, 0)>
module attributes {stable_mosaic.version = 14 : i64} {
  func.func @_gather_body(%arg0: i32, %arg1: i32, %arg2: memref<10240x128xf32, #tpu.memory_space<hbm>>, %arg3: memref<10240x128xf32, #tpu.memory_space<hbm>>, %arg4: memref<1280x128xi32, #tpu.memory_space<hbm>>, %arg5: memref<1280x128xi32, #tpu.memory_space<hbm>>, %arg6: memref<163840x128xf32, #tpu.memory_space<hbm>>, %arg7: memref<163840x128xf32, #tpu.memory_space<hbm>>, %arg8: memref<40x128xi32, #tpu.memory_space<vmem>>, %arg9: memref<40x128xi32, #tpu.memory_space<vmem>>, %arg10: memref<128x128xf32, #tpu.memory_space<vmem>>, %arg11: memref<128x128xf32, #tpu.memory_space<vmem>>, %arg12: memref<128x128xf32, #tpu.memory_space<vmem>>, %arg13: memref<128x128xf32, #tpu.memory_space<vmem>>, %arg14: memref<128x128xf32, #tpu.memory_space<vmem>>, %arg15: memref<128x128xf32, #tpu.memory_space<vmem>>, %arg16: memref<!tpu.dma_semaphore, #tpu.memory_space<semaphore_mem>>, %arg17: memref<!tpu.dma_semaphore, #tpu.memory_space<semaphore_mem>>, %arg18: memref<!tpu.dma_semaphore, #tpu.memory_space<semaphore_mem>>, %arg19: memref<!tpu.dma_semaphore, #tpu.memory_space<semaphore_mem>>, %arg20: memref<!tpu.dma_semaphore, #tpu.memory_space<semaphore_mem>>, %arg21: memref<!tpu.dma_semaphore, #tpu.memory_space<semaphore_mem>>, %arg22: memref<!tpu.dma_semaphore, #tpu.memory_space<semaphore_mem>>, %arg23: memref<!tpu.dma_semaphore, #tpu.memory_space<semaphore_mem>>, %arg24: memref<!tpu.dma_semaphore, #tpu.memory_space<semaphore_mem>>, %arg25: memref<!tpu.dma_semaphore, #tpu.memory_space<semaphore_mem>>, %arg26: memref<!tpu.dma_semaphore, #tpu.memory_space<semaphore_mem>>, %arg27: memref<!tpu.dma_semaphore, #tpu.memory_space<semaphore_mem>>) attributes {dimension_semantics = [#tpu.dimension_semantics<core_parallel>, #tpu.dimension_semantics<subcore_parallel>], iteration_bounds = array<i64: 2, 16>, scalar_prefetch = 0 : i64, scratch_operands = 20 : i64, tpu.core_type = #tpu.core_type<sc_vector_subcore>, window_params = [{transform_indices = #map}, {transform_indices = #map}, {transform_indices = #map}, {transform_indices = #map}, {transform_indices = #map}, {transform_indices = #map}]} {
    %mul3A = arith.constant 2 : i32
    %mul3A_0 = arith.muli %arg1, %mul3A : i32
    %add3A = arith.addi %mul3A_0, %arg0 : i32
    %mul3A_1 = arith.constant 40 : i32
    %mul3A_2 = arith.muli %add3A, %mul3A_1 : i32
    "tpu.region"() ({
      %run_scoped3A = tpu.sem_alloc : memref<!tpu.dma_semaphore, #tpu.memory_space<semaphore_mem>>
      %dma_start3A_84 = arith.constant 0 : i32
      %dma_start3A_85 = tpu.memref_slice %arg4[%mul3A_2, %dma_start3A_84] : memref<1280x128xi32, #tpu.memory_space<hbm>> -> memref<40x128xi32, #tpu.memory_space<hbm>>
      %dma_start3A_86 = arith.constant 0 : i32
      %dma_start3A_87 = tpu.memref_slice %arg4[%mul3A_2, %dma_start3A_86] : memref<1280x128xi32, #tpu.memory_space<hbm>> -> memref<40x128xi32, #tpu.memory_space<hbm>>
      tpu.enqueue_dma source(%dma_start3A_87 : memref<40x128xi32, #tpu.memory_space<hbm>>) target(%arg8 : memref<40x128xi32, #tpu.memory_space<vmem>>) target_semaphore(%run_scoped3A : memref<!tpu.dma_semaphore, #tpu.memory_space<semaphore_mem>>)
      %dma_wait3A_88 = arith.constant 0 : i32
      %dma_wait3A_89 = tpu.memref_slice %arg4[%mul3A_2, %dma_wait3A_88] : memref<1280x128xi32, #tpu.memory_space<hbm>> -> memref<40x128xi32, #tpu.memory_space<hbm>>
      %dma_wait3A_90 = arith.constant 0 : i32
      %dma_wait3A_91 = tpu.memref_slice %arg4[%mul3A_2, %dma_wait3A_90] : memref<1280x128xi32, #tpu.memory_space<hbm>> -> memref<40x128xi32, #tpu.memory_space<hbm>>
      tpu.wait_dma2 semaphore(%run_scoped3A : memref<!tpu.dma_semaphore, #tpu.memory_space<semaphore_mem>>) src(%dma_wait3A_91 : memref<40x128xi32, #tpu.memory_space<hbm>>) dst(%arg8 : memref<40x128xi32, #tpu.memory_space<vmem>>)
      tpu.yield
    }) : () -> ()
    %mul3A_3 = arith.constant 40 : i32
    %mul3A_4 = arith.muli %add3A, %mul3A_3 : i32
    "tpu.region"() ({
      %run_scoped3A = tpu.sem_alloc : memref<!tpu.dma_semaphore, #tpu.memory_space<semaphore_mem>>
      %dma_start3A_84 = arith.constant 0 : i32
      %dma_start3A_85 = tpu.memref_slice %arg5[%mul3A_4, %dma_start3A_84] : memref<1280x128xi32, #tpu.memory_space<hbm>> -> memref<40x128xi32, #tpu.memory_space<hbm>>
      %dma_start3A_86 = arith.constant 0 : i32
      %dma_start3A_87 = tpu.memref_slice %arg5[%mul3A_4, %dma_start3A_86] : memref<1280x128xi32, #tpu.memory_space<hbm>> -> memref<40x128xi32, #tpu.memory_space<hbm>>
      tpu.enqueue_dma source(%dma_start3A_87 : memref<40x128xi32, #tpu.memory_space<hbm>>) target(%arg9 : memref<40x128xi32, #tpu.memory_space<vmem>>) target_semaphore(%run_scoped3A : memref<!tpu.dma_semaphore, #tpu.memory_space<semaphore_mem>>)
      %dma_wait3A_88 = arith.constant 0 : i32
      %dma_wait3A_89 = tpu.memref_slice %arg5[%mul3A_4, %dma_wait3A_88] : memref<1280x128xi32, #tpu.memory_space<hbm>> -> memref<40x128xi32, #tpu.memory_space<hbm>>
      %dma_wait3A_90 = arith.constant 0 : i32
      %dma_wait3A_91 = tpu.memref_slice %arg5[%mul3A_4, %dma_wait3A_90] : memref<1280x128xi32, #tpu.memory_space<hbm>> -> memref<40x128xi32, #tpu.memory_space<hbm>>
      tpu.wait_dma2 semaphore(%run_scoped3A : memref<!tpu.dma_semaphore, #tpu.memory_space<semaphore_mem>>) src(%dma_wait3A_91 : memref<40x128xi32, #tpu.memory_space<hbm>>) dst(%arg9 : memref<40x128xi32, #tpu.memory_space<vmem>>)
      tpu.yield
    }) : () -> ()
    %dma_start3A = arith.constant 0 : i32
    %dma_start3A_5 = arith.constant 0 : i32
    %dma_start3A_6 = tpu.memref_slice %arg8[%dma_start3A, %dma_start3A_5] : memref<40x128xi32, #tpu.memory_space<vmem>> -> memref<1x128xi32, #tpu.memory_space<vmem>>
    %dma_start3A_7 = tpu.memref_squeeze %dma_start3A_6 : memref<1x128xi32, #tpu.memory_space<vmem>> -> memref<128xi32, #tpu.memory_space<vmem>>
    %dma_start3A_8 = arith.constant 0 : i32
    %dma_start3A_9 = arith.constant 0 : i32
    %dma_start3A_10 = tpu.memref_slice %arg2[%dma_start3A_8, %dma_start3A_9] : memref<10240x128xf32, #tpu.memory_space<hbm>> -> memref<10240x128xf32, #tpu.memory_space<hbm>>
    tpu.enqueue_indirect_dma source(%dma_start3A_10 : memref<10240x128xf32, #tpu.memory_space<hbm>>) target(%arg10 : memref<128x128xf32, #tpu.memory_space<vmem>>) offsets(%dma_start3A_7 : memref<128xi32, #tpu.memory_space<vmem>>) semaphore(%arg16 : memref<!tpu.dma_semaphore, #tpu.memory_space<semaphore_mem>>)
    %dma_start3A_11 = arith.constant 0 : i32
    %dma_start3A_12 = arith.constant 0 : i32
    %dma_start3A_13 = tpu.memref_slice %arg9[%dma_start3A_11, %dma_start3A_12] : memref<40x128xi32, #tpu.memory_space<vmem>> -> memref<1x128xi32, #tpu.memory_space<vmem>>
    %dma_start3A_14 = tpu.memref_squeeze %dma_start3A_13 : memref<1x128xi32, #tpu.memory_space<vmem>> -> memref<128xi32, #tpu.memory_space<vmem>>
    %dma_start3A_15 = arith.constant 0 : i32
    %dma_start3A_16 = arith.constant 0 : i32
    %dma_start3A_17 = tpu.memref_slice %arg3[%dma_start3A_15, %dma_start3A_16] : memref<10240x128xf32, #tpu.memory_space<hbm>> -> memref<10240x128xf32, #tpu.memory_space<hbm>>
    tpu.enqueue_indirect_dma source(%dma_start3A_17 : memref<10240x128xf32, #tpu.memory_space<hbm>>) target(%arg13 : memref<128x128xf32, #tpu.memory_space<vmem>>) offsets(%dma_start3A_14 : memref<128xi32, #tpu.memory_space<vmem>>) semaphore(%arg19 : memref<!tpu.dma_semaphore, #tpu.memory_space<semaphore_mem>>)
    %dma_start3A_18 = arith.constant 1 : i32
    %dma_start3A_19 = arith.constant 0 : i32
    %dma_start3A_20 = tpu.memref_slice %arg8[%dma_start3A_18, %dma_start3A_19] : memref<40x128xi32, #tpu.memory_space<vmem>> -> memref<1x128xi32, #tpu.memory_space<vmem>>
    %dma_start3A_21 = tpu.memref_squeeze %dma_start3A_20 : memref<1x128xi32, #tpu.memory_space<vmem>> -> memref<128xi32, #tpu.memory_space<vmem>>
    %dma_start3A_22 = arith.constant 0 : i32
    %dma_start3A_23 = arith.constant 0 : i32
    %dma_start3A_24 = tpu.memref_slice %arg2[%dma_start3A_22, %dma_start3A_23] : memref<10240x128xf32, #tpu.memory_space<hbm>> -> memref<10240x128xf32, #tpu.memory_space<hbm>>
    tpu.enqueue_indirect_dma source(%dma_start3A_24 : memref<10240x128xf32, #tpu.memory_space<hbm>>) target(%arg11 : memref<128x128xf32, #tpu.memory_space<vmem>>) offsets(%dma_start3A_21 : memref<128xi32, #tpu.memory_space<vmem>>) semaphore(%arg17 : memref<!tpu.dma_semaphore, #tpu.memory_space<semaphore_mem>>)
    %dma_start3A_25 = arith.constant 1 : i32
    %dma_start3A_26 = arith.constant 0 : i32
    %dma_start3A_27 = tpu.memref_slice %arg9[%dma_start3A_25, %dma_start3A_26] : memref<40x128xi32, #tpu.memory_space<vmem>> -> memref<1x128xi32, #tpu.memory_space<vmem>>
    %dma_start3A_28 = tpu.memref_squeeze %dma_start3A_27 : memref<1x128xi32, #tpu.memory_space<vmem>> -> memref<128xi32, #tpu.memory_space<vmem>>
    %dma_start3A_29 = arith.constant 0 : i32
    %dma_start3A_30 = arith.constant 0 : i32
    %dma_start3A_31 = tpu.memref_slice %arg3[%dma_start3A_29, %dma_start3A_30] : memref<10240x128xf32, #tpu.memory_space<hbm>> -> memref<10240x128xf32, #tpu.memory_space<hbm>>
    tpu.enqueue_indirect_dma source(%dma_start3A_31 : memref<10240x128xf32, #tpu.memory_space<hbm>>) target(%arg14 : memref<128x128xf32, #tpu.memory_space<vmem>>) offsets(%dma_start3A_28 : memref<128xi32, #tpu.memory_space<vmem>>) semaphore(%arg20 : memref<!tpu.dma_semaphore, #tpu.memory_space<semaphore_mem>>)
    %dma_start3A_32 = arith.constant 2 : i32
    %dma_start3A_33 = arith.constant 0 : i32
    %dma_start3A_34 = tpu.memref_slice %arg8[%dma_start3A_32, %dma_start3A_33] : memref<40x128xi32, #tpu.memory_space<vmem>> -> memref<1x128xi32, #tpu.memory_space<vmem>>
    %dma_start3A_35 = tpu.memref_squeeze %dma_start3A_34 : memref<1x128xi32, #tpu.memory_space<vmem>> -> memref<128xi32, #tpu.memory_space<vmem>>
    %dma_start3A_36 = arith.constant 0 : i32
    %dma_start3A_37 = arith.constant 0 : i32
    %dma_start3A_38 = tpu.memref_slice %arg2[%dma_start3A_36, %dma_start3A_37] : memref<10240x128xf32, #tpu.memory_space<hbm>> -> memref<10240x128xf32, #tpu.memory_space<hbm>>
    tpu.enqueue_indirect_dma source(%dma_start3A_38 : memref<10240x128xf32, #tpu.memory_space<hbm>>) target(%arg12 : memref<128x128xf32, #tpu.memory_space<vmem>>) offsets(%dma_start3A_35 : memref<128xi32, #tpu.memory_space<vmem>>) semaphore(%arg18 : memref<!tpu.dma_semaphore, #tpu.memory_space<semaphore_mem>>)
    %dma_start3A_39 = arith.constant 2 : i32
    %dma_start3A_40 = arith.constant 0 : i32
    %dma_start3A_41 = tpu.memref_slice %arg9[%dma_start3A_39, %dma_start3A_40] : memref<40x128xi32, #tpu.memory_space<vmem>> -> memref<1x128xi32, #tpu.memory_space<vmem>>
    %dma_start3A_42 = tpu.memref_squeeze %dma_start3A_41 : memref<1x128xi32, #tpu.memory_space<vmem>> -> memref<128xi32, #tpu.memory_space<vmem>>
    %dma_start3A_43 = arith.constant 0 : i32
    %dma_start3A_44 = arith.constant 0 : i32
    %dma_start3A_45 = tpu.memref_slice %arg3[%dma_start3A_43, %dma_start3A_44] : memref<10240x128xf32, #tpu.memory_space<hbm>> -> memref<10240x128xf32, #tpu.memory_space<hbm>>
    tpu.enqueue_indirect_dma source(%dma_start3A_45 : memref<10240x128xf32, #tpu.memory_space<hbm>>) target(%arg15 : memref<128x128xf32, #tpu.memory_space<vmem>>) offsets(%dma_start3A_42 : memref<128xi32, #tpu.memory_space<vmem>>) semaphore(%arg21 : memref<!tpu.dma_semaphore, #tpu.memory_space<semaphore_mem>>)
    %scan3A = arith.constant 0 : i32
    %scan3A_46 = arith.constant 0 : i32
    %scan3A_47 = arith.constant 13 : i32
    %scan3A_48 = arith.addi %scan3A_46, %scan3A_47 : i32
    %scan3A_49 = arith.constant 1 : i32
    scf.for %scan3A_84 = %scan3A_46 to %scan3A_48 step %scan3A_49  : i32 {
      %mul3A_85 = arith.constant 3 : i32
      %mul3A_86 = arith.muli %scan3A_84, %mul3A_85 : i32
      %add3A_87 = arith.constant 0 : i32
      %add3A_88 = arith.addi %mul3A_86, %add3A_87 : i32
      %mul3A_89 = arith.constant 5120 : i32
      %mul3A_90 = arith.muli %add3A, %mul3A_89 : i32
      %mul3A_91 = arith.constant 128 : i32
      %mul3A_92 = arith.muli %add3A_88, %mul3A_91 : i32
      %add3A_93 = arith.addi %mul3A_90, %mul3A_92 : i32
      %dma_wait3A_94 = arith.constant 0 : i32
      %dma_wait3A_95 = arith.constant 0 : i32
      %dma_wait3A_96 = tpu.memref_slice %arg8[%dma_wait3A_94, %dma_wait3A_95] : memref<40x128xi32, #tpu.memory_space<vmem>> -> memref<1x128xi32, #tpu.memory_space<vmem>>
      %dma_wait3A_97 = tpu.memref_squeeze %dma_wait3A_96 : memref<1x128xi32, #tpu.memory_space<vmem>> -> memref<128xi32, #tpu.memory_space<vmem>>
      %dma_wait3A_98 = arith.constant 0 : i32
      %dma_wait3A_99 = arith.constant 0 : i32
      %dma_wait3A_100 = tpu.memref_slice %arg2[%dma_wait3A_98, %dma_wait3A_99] : memref<10240x128xf32, #tpu.memory_space<hbm>> -> memref<10240x128xf32, #tpu.memory_space<hbm>>
      tpu.wait_indirect_dma semaphore(%arg16 : memref<!tpu.dma_semaphore, #tpu.memory_space<semaphore_mem>>) src(%dma_wait3A_100 : memref<10240x128xf32, #tpu.memory_space<hbm>>) dst(%arg10 : memref<128x128xf32, #tpu.memory_space<vmem>>)
      %dma_wait3A_101 = arith.constant 0 : i32
      %dma_wait3A_102 = arith.constant 0 : i32
      %dma_wait3A_103 = tpu.memref_slice %arg9[%dma_wait3A_101, %dma_wait3A_102] : memref<40x128xi32, #tpu.memory_space<vmem>> -> memref<1x128xi32, #tpu.memory_space<vmem>>
      %dma_wait3A_104 = tpu.memref_squeeze %dma_wait3A_103 : memref<1x128xi32, #tpu.memory_space<vmem>> -> memref<128xi32, #tpu.memory_space<vmem>>
      %dma_wait3A_105 = arith.constant 0 : i32
      %dma_wait3A_106 = arith.constant 0 : i32
      %dma_wait3A_107 = tpu.memref_slice %arg3[%dma_wait3A_105, %dma_wait3A_106] : memref<10240x128xf32, #tpu.memory_space<hbm>> -> memref<10240x128xf32, #tpu.memory_space<hbm>>
      tpu.wait_indirect_dma semaphore(%arg19 : memref<!tpu.dma_semaphore, #tpu.memory_space<semaphore_mem>>) src(%dma_wait3A_107 : memref<10240x128xf32, #tpu.memory_space<hbm>>) dst(%arg13 : memref<128x128xf32, #tpu.memory_space<vmem>>)
      %dma_start3A_108 = arith.constant 0 : i32
      %dma_start3A_109 = tpu.memref_slice %arg6[%add3A_93, %dma_start3A_108] : memref<163840x128xf32, #tpu.memory_space<hbm>> -> memref<128x128xf32, #tpu.memory_space<hbm>>
      %dma_start3A_110 = arith.constant 0 : i32
      %dma_start3A_111 = tpu.memref_slice %arg6[%add3A_93, %dma_start3A_110] : memref<163840x128xf32, #tpu.memory_space<hbm>> -> memref<128x128xf32, #tpu.memory_space<hbm>>
      tpu.enqueue_dma source(%arg10 : memref<128x128xf32, #tpu.memory_space<vmem>>) target(%dma_start3A_111 : memref<128x128xf32, #tpu.memory_space<hbm>>) target_semaphore(%arg22 : memref<!tpu.dma_semaphore, #tpu.memory_space<semaphore_mem>>)
      %dma_start3A_112 = arith.constant 0 : i32
      %dma_start3A_113 = tpu.memref_slice %arg7[%add3A_93, %dma_start3A_112] : memref<163840x128xf32, #tpu.memory_space<hbm>> -> memref<128x128xf32, #tpu.memory_space<hbm>>
      %dma_start3A_114 = arith.constant 0 : i32
      %dma_start3A_115 = tpu.memref_slice %arg7[%add3A_93, %dma_start3A_114] : memref<163840x128xf32, #tpu.memory_space<hbm>> -> memref<128x128xf32, #tpu.memory_space<hbm>>
      tpu.enqueue_dma source(%arg13 : memref<128x128xf32, #tpu.memory_space<vmem>>) target(%dma_start3A_115 : memref<128x128xf32, #tpu.memory_space<hbm>>) target_semaphore(%arg25 : memref<!tpu.dma_semaphore, #tpu.memory_space<semaphore_mem>>)
      %dma_wait3A_116 = arith.constant 0 : i32
      %dma_wait3A_117 = tpu.memref_slice %arg6[%add3A_93, %dma_wait3A_116] : memref<163840x128xf32, #tpu.memory_space<hbm>> -> memref<128x128xf32, #tpu.memory_space<hbm>>
      %dma_wait3A_118 = arith.constant 0 : i32
      %dma_wait3A_119 = tpu.memref_slice %arg6[%add3A_93, %dma_wait3A_118] : memref<163840x128xf32, #tpu.memory_space<hbm>> -> memref<128x128xf32, #tpu.memory_space<hbm>>
      tpu.wait_dma2 semaphore(%arg22 : memref<!tpu.dma_semaphore, #tpu.memory_space<semaphore_mem>>) src(%arg10 : memref<128x128xf32, #tpu.memory_space<vmem>>) dst(%dma_wait3A_119 : memref<128x128xf32, #tpu.memory_space<hbm>>)
      %dma_wait3A_120 = arith.constant 0 : i32
      %dma_wait3A_121 = tpu.memref_slice %arg7[%add3A_93, %dma_wait3A_120] : memref<163840x128xf32, #tpu.memory_space<hbm>> -> memref<128x128xf32, #tpu.memory_space<hbm>>
      %dma_wait3A_122 = arith.constant 0 : i32
      %dma_wait3A_123 = tpu.memref_slice %arg7[%add3A_93, %dma_wait3A_122] : memref<163840x128xf32, #tpu.memory_space<hbm>> -> memref<128x128xf32, #tpu.memory_space<hbm>>
      tpu.wait_dma2 semaphore(%arg25 : memref<!tpu.dma_semaphore, #tpu.memory_space<semaphore_mem>>) src(%arg13 : memref<128x128xf32, #tpu.memory_space<vmem>>) dst(%dma_wait3A_123 : memref<128x128xf32, #tpu.memory_space<hbm>>)
      %add3A_124 = arith.constant 3 : i32
      %add3A_125 = arith.addi %add3A_88, %add3A_124 : i32
      %lt3A = arith.constant 40 : i32
      %lt3A_126 = arith.cmpi slt, %add3A_125, %lt3A : i32
      %convert_element_type3A = arith.extui %lt3A_126 : i1 to i32
      %cond3A = arith.constant 0 : i32
      %cond3A_127 = arith.cmpi ne, %convert_element_type3A, %cond3A : i32
      scf.if %cond3A_127 {
        %dma_start3A_220 = arith.constant 0 : i32
        %dma_start3A_221 = tpu.memref_slice %arg8[%add3A_125, %dma_start3A_220] : memref<40x128xi32, #tpu.memory_space<vmem>> -> memref<1x128xi32, #tpu.memory_space<vmem>>
        %dma_start3A_222 = tpu.memref_squeeze %dma_start3A_221 : memref<1x128xi32, #tpu.memory_space<vmem>> -> memref<128xi32, #tpu.memory_space<vmem>>
        %dma_start3A_223 = arith.constant 0 : i32
        %dma_start3A_224 = arith.constant 0 : i32
        %dma_start3A_225 = tpu.memref_slice %arg2[%dma_start3A_223, %dma_start3A_224] : memref<10240x128xf32, #tpu.memory_space<hbm>> -> memref<10240x128xf32, #tpu.memory_space<hbm>>
        tpu.enqueue_indirect_dma source(%dma_start3A_225 : memref<10240x128xf32, #tpu.memory_space<hbm>>) target(%arg10 : memref<128x128xf32, #tpu.memory_space<vmem>>) offsets(%dma_start3A_222 : memref<128xi32, #tpu.memory_space<vmem>>) semaphore(%arg16 : memref<!tpu.dma_semaphore, #tpu.memory_space<semaphore_mem>>)
        %dma_start3A_226 = arith.constant 0 : i32
        %dma_start3A_227 = tpu.memref_slice %arg9[%add3A_125, %dma_start3A_226] : memref<40x128xi32, #tpu.memory_space<vmem>> -> memref<1x128xi32, #tpu.memory_space<vmem>>
        %dma_start3A_228 = tpu.memref_squeeze %dma_start3A_227 : memref<1x128xi32, #tpu.memory_space<vmem>> -> memref<128xi32, #tpu.memory_space<vmem>>
        %dma_start3A_229 = arith.constant 0 : i32
        %dma_start3A_230 = arith.constant 0 : i32
        %dma_start3A_231 = tpu.memref_slice %arg3[%dma_start3A_229, %dma_start3A_230] : memref<10240x128xf32, #tpu.memory_space<hbm>> -> memref<10240x128xf32, #tpu.memory_space<hbm>>
        tpu.enqueue_indirect_dma source(%dma_start3A_231 : memref<10240x128xf32, #tpu.memory_space<hbm>>) target(%arg13 : memref<128x128xf32, #tpu.memory_space<vmem>>) offsets(%dma_start3A_228 : memref<128xi32, #tpu.memory_space<vmem>>) semaphore(%arg19 : memref<!tpu.dma_semaphore, #tpu.memory_space<semaphore_mem>>)
      } else {
      }
      %mul3A_128 = arith.constant 3 : i32
      %mul3A_129 = arith.muli %scan3A_84, %mul3A_128 : i32
      %add3A_130 = arith.constant 1 : i32
      %add3A_131 = arith.addi %mul3A_129, %add3A_130 : i32
      %mul3A_132 = arith.constant 5120 : i32
      %mul3A_133 = arith.muli %add3A, %mul3A_132 : i32
      %mul3A_134 = arith.constant 128 : i32
      %mul3A_135 = arith.muli %add3A_131, %mul3A_134 : i32
      %add3A_136 = arith.addi %mul3A_133, %mul3A_135 : i32
      %dma_wait3A_137 = arith.constant 1 : i32
      %dma_wait3A_138 = arith.constant 0 : i32
      %dma_wait3A_139 = tpu.memref_slice %arg8[%dma_wait3A_137, %dma_wait3A_138] : memref<40x128xi32, #tpu.memory_space<vmem>> -> memref<1x128xi32, #tpu.memory_space<vmem>>
      %dma_wait3A_140 = tpu.memref_squeeze %dma_wait3A_139 : memref<1x128xi32, #tpu.memory_space<vmem>> -> memref<128xi32, #tpu.memory_space<vmem>>
      %dma_wait3A_141 = arith.constant 0 : i32
      %dma_wait3A_142 = arith.constant 0 : i32
      %dma_wait3A_143 = tpu.memref_slice %arg2[%dma_wait3A_141, %dma_wait3A_142] : memref<10240x128xf32, #tpu.memory_space<hbm>> -> memref<10240x128xf32, #tpu.memory_space<hbm>>
      tpu.wait_indirect_dma semaphore(%arg17 : memref<!tpu.dma_semaphore, #tpu.memory_space<semaphore_mem>>) src(%dma_wait3A_143 : memref<10240x128xf32, #tpu.memory_space<hbm>>) dst(%arg11 : memref<128x128xf32, #tpu.memory_space<vmem>>)
      %dma_wait3A_144 = arith.constant 1 : i32
      %dma_wait3A_145 = arith.constant 0 : i32
      %dma_wait3A_146 = tpu.memref_slice %arg9[%dma_wait3A_144, %dma_wait3A_145] : memref<40x128xi32, #tpu.memory_space<vmem>> -> memref<1x128xi32, #tpu.memory_space<vmem>>
      %dma_wait3A_147 = tpu.memref_squeeze %dma_wait3A_146 : memref<1x128xi32, #tpu.memory_space<vmem>> -> memref<128xi32, #tpu.memory_space<vmem>>
      %dma_wait3A_148 = arith.constant 0 : i32
      %dma_wait3A_149 = arith.constant 0 : i32
      %dma_wait3A_150 = tpu.memref_slice %arg3[%dma_wait3A_148, %dma_wait3A_149] : memref<10240x128xf32, #tpu.memory_space<hbm>> -> memref<10240x128xf32, #tpu.memory_space<hbm>>
      tpu.wait_indirect_dma semaphore(%arg20 : memref<!tpu.dma_semaphore, #tpu.memory_space<semaphore_mem>>) src(%dma_wait3A_150 : memref<10240x128xf32, #tpu.memory_space<hbm>>) dst(%arg14 : memref<128x128xf32, #tpu.memory_space<vmem>>)
      %dma_start3A_151 = arith.constant 0 : i32
      %dma_start3A_152 = tpu.memref_slice %arg6[%add3A_136, %dma_start3A_151] : memref<163840x128xf32, #tpu.memory_space<hbm>> -> memref<128x128xf32, #tpu.memory_space<hbm>>
      %dma_start3A_153 = arith.constant 0 : i32
      %dma_start3A_154 = tpu.memref_slice %arg6[%add3A_136, %dma_start3A_153] : memref<163840x128xf32, #tpu.memory_space<hbm>> -> memref<128x128xf32, #tpu.memory_space<hbm>>
      tpu.enqueue_dma source(%arg11 : memref<128x128xf32, #tpu.memory_space<vmem>>) target(%dma_start3A_154 : memref<128x128xf32, #tpu.memory_space<hbm>>) target_semaphore(%arg23 : memref<!tpu.dma_semaphore, #tpu.memory_space<semaphore_mem>>)
      %dma_start3A_155 = arith.constant 0 : i32
      %dma_start3A_156 = tpu.memref_slice %arg7[%add3A_136, %dma_start3A_155] : memref<163840x128xf32, #tpu.memory_space<hbm>> -> memref<128x128xf32, #tpu.memory_space<hbm>>
      %dma_start3A_157 = arith.constant 0 : i32
      %dma_start3A_158 = tpu.memref_slice %arg7[%add3A_136, %dma_start3A_157] : memref<163840x128xf32, #tpu.memory_space<hbm>> -> memref<128x128xf32, #tpu.memory_space<hbm>>
      tpu.enqueue_dma source(%arg14 : memref<128x128xf32, #tpu.memory_space<vmem>>) target(%dma_start3A_158 : memref<128x128xf32, #tpu.memory_space<hbm>>) target_semaphore(%arg26 : memref<!tpu.dma_semaphore, #tpu.memory_space<semaphore_mem>>)
      %dma_wait3A_159 = arith.constant 0 : i32
      %dma_wait3A_160 = tpu.memref_slice %arg6[%add3A_136, %dma_wait3A_159] : memref<163840x128xf32, #tpu.memory_space<hbm>> -> memref<128x128xf32, #tpu.memory_space<hbm>>
      %dma_wait3A_161 = arith.constant 0 : i32
      %dma_wait3A_162 = tpu.memref_slice %arg6[%add3A_136, %dma_wait3A_161] : memref<163840x128xf32, #tpu.memory_space<hbm>> -> memref<128x128xf32, #tpu.memory_space<hbm>>
      tpu.wait_dma2 semaphore(%arg23 : memref<!tpu.dma_semaphore, #tpu.memory_space<semaphore_mem>>) src(%arg11 : memref<128x128xf32, #tpu.memory_space<vmem>>) dst(%dma_wait3A_162 : memref<128x128xf32, #tpu.memory_space<hbm>>)
      %dma_wait3A_163 = arith.constant 0 : i32
      %dma_wait3A_164 = tpu.memref_slice %arg7[%add3A_136, %dma_wait3A_163] : memref<163840x128xf32, #tpu.memory_space<hbm>> -> memref<128x128xf32, #tpu.memory_space<hbm>>
      %dma_wait3A_165 = arith.constant 0 : i32
      %dma_wait3A_166 = tpu.memref_slice %arg7[%add3A_136, %dma_wait3A_165] : memref<163840x128xf32, #tpu.memory_space<hbm>> -> memref<128x128xf32, #tpu.memory_space<hbm>>
      tpu.wait_dma2 semaphore(%arg26 : memref<!tpu.dma_semaphore, #tpu.memory_space<semaphore_mem>>) src(%arg14 : memref<128x128xf32, #tpu.memory_space<vmem>>) dst(%dma_wait3A_166 : memref<128x128xf32, #tpu.memory_space<hbm>>)
      %add3A_167 = arith.constant 3 : i32
      %add3A_168 = arith.addi %add3A_131, %add3A_167 : i32
      %lt3A_169 = arith.constant 40 : i32
      %lt3A_170 = arith.cmpi slt, %add3A_168, %lt3A_169 : i32
      %convert_element_type3A_171 = arith.extui %lt3A_170 : i1 to i32
      %cond3A_172 = arith.constant 0 : i32
      %cond3A_173 = arith.cmpi ne, %convert_element_type3A_171, %cond3A_172 : i32
      scf.if %cond3A_173 {
        %dma_start3A_220 = arith.constant 0 : i32
        %dma_start3A_221 = tpu.memref_slice %arg8[%add3A_168, %dma_start3A_220] : memref<40x128xi32, #tpu.memory_space<vmem>> -> memref<1x128xi32, #tpu.memory_space<vmem>>
        %dma_start3A_222 = tpu.memref_squeeze %dma_start3A_221 : memref<1x128xi32, #tpu.memory_space<vmem>> -> memref<128xi32, #tpu.memory_space<vmem>>
        %dma_start3A_223 = arith.constant 0 : i32
        %dma_start3A_224 = arith.constant 0 : i32
        %dma_start3A_225 = tpu.memref_slice %arg2[%dma_start3A_223, %dma_start3A_224] : memref<10240x128xf32, #tpu.memory_space<hbm>> -> memref<10240x128xf32, #tpu.memory_space<hbm>>
        tpu.enqueue_indirect_dma source(%dma_start3A_225 : memref<10240x128xf32, #tpu.memory_space<hbm>>) target(%arg11 : memref<128x128xf32, #tpu.memory_space<vmem>>) offsets(%dma_start3A_222 : memref<128xi32, #tpu.memory_space<vmem>>) semaphore(%arg17 : memref<!tpu.dma_semaphore, #tpu.memory_space<semaphore_mem>>)
        %dma_start3A_226 = arith.constant 0 : i32
        %dma_start3A_227 = tpu.memref_slice %arg9[%add3A_168, %dma_start3A_226] : memref<40x128xi32, #tpu.memory_space<vmem>> -> memref<1x128xi32, #tpu.memory_space<vmem>>
        %dma_start3A_228 = tpu.memref_squeeze %dma_start3A_227 : memref<1x128xi32, #tpu.memory_space<vmem>> -> memref<128xi32, #tpu.memory_space<vmem>>
        %dma_start3A_229 = arith.constant 0 : i32
        %dma_start3A_230 = arith.constant 0 : i32
        %dma_start3A_231 = tpu.memref_slice %arg3[%dma_start3A_229, %dma_start3A_230] : memref<10240x128xf32, #tpu.memory_space<hbm>> -> memref<10240x128xf32, #tpu.memory_space<hbm>>
        tpu.enqueue_indirect_dma source(%dma_start3A_231 : memref<10240x128xf32, #tpu.memory_space<hbm>>) target(%arg14 : memref<128x128xf32, #tpu.memory_space<vmem>>) offsets(%dma_start3A_228 : memref<128xi32, #tpu.memory_space<vmem>>) semaphore(%arg20 : memref<!tpu.dma_semaphore, #tpu.memory_space<semaphore_mem>>)
      } else {
      }
      %mul3A_174 = arith.constant 3 : i32
      %mul3A_175 = arith.muli %scan3A_84, %mul3A_174 : i32
      %add3A_176 = arith.constant 2 : i32
      %add3A_177 = arith.addi %mul3A_175, %add3A_176 : i32
      %mul3A_178 = arith.constant 5120 : i32
      %mul3A_179 = arith.muli %add3A, %mul3A_178 : i32
      %mul3A_180 = arith.constant 128 : i32
      %mul3A_181 = arith.muli %add3A_177, %mul3A_180 : i32
      %add3A_182 = arith.addi %mul3A_179, %mul3A_181 : i32
      %dma_wait3A_183 = arith.constant 2 : i32
      %dma_wait3A_184 = arith.constant 0 : i32
      %dma_wait3A_185 = tpu.memref_slice %arg8[%dma_wait3A_183, %dma_wait3A_184] : memref<40x128xi32, #tpu.memory_space<vmem>> -> memref<1x128xi32, #tpu.memory_space<vmem>>
      %dma_wait3A_186 = tpu.memref_squeeze %dma_wait3A_185 : memref<1x128xi32, #tpu.memory_space<vmem>> -> memref<128xi32, #tpu.memory_space<vmem>>
      %dma_wait3A_187 = arith.constant 0 : i32
      %dma_wait3A_188 = arith.constant 0 : i32
      %dma_wait3A_189 = tpu.memref_slice %arg2[%dma_wait3A_187, %dma_wait3A_188] : memref<10240x128xf32, #tpu.memory_space<hbm>> -> memref<10240x128xf32, #tpu.memory_space<hbm>>
      tpu.wait_indirect_dma semaphore(%arg18 : memref<!tpu.dma_semaphore, #tpu.memory_space<semaphore_mem>>) src(%dma_wait3A_189 : memref<10240x128xf32, #tpu.memory_space<hbm>>) dst(%arg12 : memref<128x128xf32, #tpu.memory_space<vmem>>)
      %dma_wait3A_190 = arith.constant 2 : i32
      %dma_wait3A_191 = arith.constant 0 : i32
      %dma_wait3A_192 = tpu.memref_slice %arg9[%dma_wait3A_190, %dma_wait3A_191] : memref<40x128xi32, #tpu.memory_space<vmem>> -> memref<1x128xi32, #tpu.memory_space<vmem>>
      %dma_wait3A_193 = tpu.memref_squeeze %dma_wait3A_192 : memref<1x128xi32, #tpu.memory_space<vmem>> -> memref<128xi32, #tpu.memory_space<vmem>>
      %dma_wait3A_194 = arith.constant 0 : i32
      %dma_wait3A_195 = arith.constant 0 : i32
      %dma_wait3A_196 = tpu.memref_slice %arg3[%dma_wait3A_194, %dma_wait3A_195] : memref<10240x128xf32, #tpu.memory_space<hbm>> -> memref<10240x128xf32, #tpu.memory_space<hbm>>
      tpu.wait_indirect_dma semaphore(%arg21 : memref<!tpu.dma_semaphore, #tpu.memory_space<semaphore_mem>>) src(%dma_wait3A_196 : memref<10240x128xf32, #tpu.memory_space<hbm>>) dst(%arg15 : memref<128x128xf32, #tpu.memory_space<vmem>>)
      %dma_start3A_197 = arith.constant 0 : i32
      %dma_start3A_198 = tpu.memref_slice %arg6[%add3A_182, %dma_start3A_197] : memref<163840x128xf32, #tpu.memory_space<hbm>> -> memref<128x128xf32, #tpu.memory_space<hbm>>
      %dma_start3A_199 = arith.constant 0 : i32
      %dma_start3A_200 = tpu.memref_slice %arg6[%add3A_182, %dma_start3A_199] : memref<163840x128xf32, #tpu.memory_space<hbm>> -> memref<128x128xf32, #tpu.memory_space<hbm>>
      tpu.enqueue_dma source(%arg12 : memref<128x128xf32, #tpu.memory_space<vmem>>) target(%dma_start3A_200 : memref<128x128xf32, #tpu.memory_space<hbm>>) target_semaphore(%arg24 : memref<!tpu.dma_semaphore, #tpu.memory_space<semaphore_mem>>)
      %dma_start3A_201 = arith.constant 0 : i32
      %dma_start3A_202 = tpu.memref_slice %arg7[%add3A_182, %dma_start3A_201] : memref<163840x128xf32, #tpu.memory_space<hbm>> -> memref<128x128xf32, #tpu.memory_space<hbm>>
      %dma_start3A_203 = arith.constant 0 : i32
      %dma_start3A_204 = tpu.memref_slice %arg7[%add3A_182, %dma_start3A_203] : memref<163840x128xf32, #tpu.memory_space<hbm>> -> memref<128x128xf32, #tpu.memory_space<hbm>>
      tpu.enqueue_dma source(%arg15 : memref<128x128xf32, #tpu.memory_space<vmem>>) target(%dma_start3A_204 : memref<128x128xf32, #tpu.memory_space<hbm>>) target_semaphore(%arg27 : memref<!tpu.dma_semaphore, #tpu.memory_space<semaphore_mem>>)
      %dma_wait3A_205 = arith.constant 0 : i32
      %dma_wait3A_206 = tpu.memref_slice %arg6[%add3A_182, %dma_wait3A_205] : memref<163840x128xf32, #tpu.memory_space<hbm>> -> memref<128x128xf32, #tpu.memory_space<hbm>>
      %dma_wait3A_207 = arith.constant 0 : i32
      %dma_wait3A_208 = tpu.memref_slice %arg6[%add3A_182, %dma_wait3A_207] : memref<163840x128xf32, #tpu.memory_space<hbm>> -> memref<128x128xf32, #tpu.memory_space<hbm>>
      tpu.wait_dma2 semaphore(%arg24 : memref<!tpu.dma_semaphore, #tpu.memory_space<semaphore_mem>>) src(%arg12 : memref<128x128xf32, #tpu.memory_space<vmem>>) dst(%dma_wait3A_208 : memref<128x128xf32, #tpu.memory_space<hbm>>)
      %dma_wait3A_209 = arith.constant 0 : i32
      %dma_wait3A_210 = tpu.memref_slice %arg7[%add3A_182, %dma_wait3A_209] : memref<163840x128xf32, #tpu.memory_space<hbm>> -> memref<128x128xf32, #tpu.memory_space<hbm>>
      %dma_wait3A_211 = arith.constant 0 : i32
      %dma_wait3A_212 = tpu.memref_slice %arg7[%add3A_182, %dma_wait3A_211] : memref<163840x128xf32, #tpu.memory_space<hbm>> -> memref<128x128xf32, #tpu.memory_space<hbm>>
      tpu.wait_dma2 semaphore(%arg27 : memref<!tpu.dma_semaphore, #tpu.memory_space<semaphore_mem>>) src(%arg15 : memref<128x128xf32, #tpu.memory_space<vmem>>) dst(%dma_wait3A_212 : memref<128x128xf32, #tpu.memory_space<hbm>>)
      %add3A_213 = arith.constant 3 : i32
      %add3A_214 = arith.addi %add3A_177, %add3A_213 : i32
      %lt3A_215 = arith.constant 40 : i32
      %lt3A_216 = arith.cmpi slt, %add3A_214, %lt3A_215 : i32
      %convert_element_type3A_217 = arith.extui %lt3A_216 : i1 to i32
      %cond3A_218 = arith.constant 0 : i32
      %cond3A_219 = arith.cmpi ne, %convert_element_type3A_217, %cond3A_218 : i32
      scf.if %cond3A_219 {
        %dma_start3A_220 = arith.constant 0 : i32
        %dma_start3A_221 = tpu.memref_slice %arg8[%add3A_214, %dma_start3A_220] : memref<40x128xi32, #tpu.memory_space<vmem>> -> memref<1x128xi32, #tpu.memory_space<vmem>>
        %dma_start3A_222 = tpu.memref_squeeze %dma_start3A_221 : memref<1x128xi32, #tpu.memory_space<vmem>> -> memref<128xi32, #tpu.memory_space<vmem>>
        %dma_start3A_223 = arith.constant 0 : i32
        %dma_start3A_224 = arith.constant 0 : i32
        %dma_start3A_225 = tpu.memref_slice %arg2[%dma_start3A_223, %dma_start3A_224] : memref<10240x128xf32, #tpu.memory_space<hbm>> -> memref<10240x128xf32, #tpu.memory_space<hbm>>
        tpu.enqueue_indirect_dma source(%dma_start3A_225 : memref<10240x128xf32, #tpu.memory_space<hbm>>) target(%arg12 : memref<128x128xf32, #tpu.memory_space<vmem>>) offsets(%dma_start3A_222 : memref<128xi32, #tpu.memory_space<vmem>>) semaphore(%arg18 : memref<!tpu.dma_semaphore, #tpu.memory_space<semaphore_mem>>)
        %dma_start3A_226 = arith.constant 0 : i32
        %dma_start3A_227 = tpu.memref_slice %arg9[%add3A_214, %dma_start3A_226] : memref<40x128xi32, #tpu.memory_space<vmem>> -> memref<1x128xi32, #tpu.memory_space<vmem>>
        %dma_start3A_228 = tpu.memref_squeeze %dma_start3A_227 : memref<1x128xi32, #tpu.memory_space<vmem>> -> memref<128xi32, #tpu.memory_space<vmem>>
        %dma_start3A_229 = arith.constant 0 : i32
        %dma_start3A_230 = arith.constant 0 : i32
        %dma_start3A_231 = tpu.memref_slice %arg3[%dma_start3A_229, %dma_start3A_230] : memref<10240x128xf32, #tpu.memory_space<hbm>> -> memref<10240x128xf32, #tpu.memory_space<hbm>>
        tpu.enqueue_indirect_dma source(%dma_start3A_231 : memref<10240x128xf32, #tpu.memory_space<hbm>>) target(%arg15 : memref<128x128xf32, #tpu.memory_space<vmem>>) offsets(%dma_start3A_228 : memref<128xi32, #tpu.memory_space<vmem>>) semaphore(%arg21 : memref<!tpu.dma_semaphore, #tpu.memory_space<semaphore_mem>>)
      } else {
      }
    }
    %scan3A_50 = arith.constant 13 : i32
    %mul3A_51 = arith.constant 5120 : i32
    %mul3A_52 = arith.muli %add3A, %mul3A_51 : i32
    %add3A_53 = arith.constant 4992 : i32
    %add3A_54 = arith.addi %mul3A_52, %add3A_53 : i32
    %dma_wait3A = arith.constant 0 : i32
    %dma_wait3A_55 = arith.constant 0 : i32
    %dma_wait3A_56 = tpu.memref_slice %arg8[%dma_wait3A, %dma_wait3A_55] : memref<40x128xi32, #tpu.memory_space<vmem>> -> memref<1x128xi32, #tpu.memory_space<vmem>>
    %dma_wait3A_57 = tpu.memref_squeeze %dma_wait3A_56 : memref<1x128xi32, #tpu.memory_space<vmem>> -> memref<128xi32, #tpu.memory_space<vmem>>
    %dma_wait3A_58 = arith.constant 0 : i32
    %dma_wait3A_59 = arith.constant 0 : i32
    %dma_wait3A_60 = tpu.memref_slice %arg2[%dma_wait3A_58, %dma_wait3A_59] : memref<10240x128xf32, #tpu.memory_space<hbm>> -> memref<10240x128xf32, #tpu.memory_space<hbm>>
    tpu.wait_indirect_dma semaphore(%arg16 : memref<!tpu.dma_semaphore, #tpu.memory_space<semaphore_mem>>) src(%dma_wait3A_60 : memref<10240x128xf32, #tpu.memory_space<hbm>>) dst(%arg10 : memref<128x128xf32, #tpu.memory_space<vmem>>)
    %dma_wait3A_61 = arith.constant 0 : i32
    %dma_wait3A_62 = arith.constant 0 : i32
    %dma_wait3A_63 = tpu.memref_slice %arg9[%dma_wait3A_61, %dma_wait3A_62] : memref<40x128xi32, #tpu.memory_space<vmem>> -> memref<1x128xi32, #tpu.memory_space<vmem>>
    %dma_wait3A_64 = tpu.memref_squeeze %dma_wait3A_63 : memref<1x128xi32, #tpu.memory_space<vmem>> -> memref<128xi32, #tpu.memory_space<vmem>>
    %dma_wait3A_65 = arith.constant 0 : i32
    %dma_wait3A_66 = arith.constant 0 : i32
    %dma_wait3A_67 = tpu.memref_slice %arg3[%dma_wait3A_65, %dma_wait3A_66] : memref<10240x128xf32, #tpu.memory_space<hbm>> -> memref<10240x128xf32, #tpu.memory_space<hbm>>
    tpu.wait_indirect_dma semaphore(%arg19 : memref<!tpu.dma_semaphore, #tpu.memory_space<semaphore_mem>>) src(%dma_wait3A_67 : memref<10240x128xf32, #tpu.memory_space<hbm>>) dst(%arg13 : memref<128x128xf32, #tpu.memory_space<vmem>>)
    %dma_start3A_68 = arith.constant 0 : i32
    %dma_start3A_69 = tpu.memref_slice %arg6[%add3A_54, %dma_start3A_68] : memref<163840x128xf32, #tpu.memory_space<hbm>> -> memref<128x128xf32, #tpu.memory_space<hbm>>
    %dma_start3A_70 = arith.constant 0 : i32
    %dma_start3A_71 = tpu.memref_slice %arg6[%add3A_54, %dma_start3A_70] : memref<163840x128xf32, #tpu.memory_space<hbm>> -> memref<128x128xf32, #tpu.memory_space<hbm>>
    tpu.enqueue_dma source(%arg10 : memref<128x128xf32, #tpu.memory_space<vmem>>) target(%dma_start3A_71 : memref<128x128xf32, #tpu.memory_space<hbm>>) target_semaphore(%arg22 : memref<!tpu.dma_semaphore, #tpu.memory_space<semaphore_mem>>)
    %dma_start3A_72 = arith.constant 0 : i32
    %dma_start3A_73 = tpu.memref_slice %arg7[%add3A_54, %dma_start3A_72] : memref<163840x128xf32, #tpu.memory_space<hbm>> -> memref<128x128xf32, #tpu.memory_space<hbm>>
    %dma_start3A_74 = arith.constant 0 : i32
    %dma_start3A_75 = tpu.memref_slice %arg7[%add3A_54, %dma_start3A_74] : memref<163840x128xf32, #tpu.memory_space<hbm>> -> memref<128x128xf32, #tpu.memory_space<hbm>>
    tpu.enqueue_dma source(%arg13 : memref<128x128xf32, #tpu.memory_space<vmem>>) target(%dma_start3A_75 : memref<128x128xf32, #tpu.memory_space<hbm>>) target_semaphore(%arg25 : memref<!tpu.dma_semaphore, #tpu.memory_space<semaphore_mem>>)
    %dma_wait3A_76 = arith.constant 0 : i32
    %dma_wait3A_77 = tpu.memref_slice %arg6[%add3A_54, %dma_wait3A_76] : memref<163840x128xf32, #tpu.memory_space<hbm>> -> memref<128x128xf32, #tpu.memory_space<hbm>>
    %dma_wait3A_78 = arith.constant 0 : i32
    %dma_wait3A_79 = tpu.memref_slice %arg6[%add3A_54, %dma_wait3A_78] : memref<163840x128xf32, #tpu.memory_space<hbm>> -> memref<128x128xf32, #tpu.memory_space<hbm>>
    tpu.wait_dma2 semaphore(%arg22 : memref<!tpu.dma_semaphore, #tpu.memory_space<semaphore_mem>>) src(%arg10 : memref<128x128xf32, #tpu.memory_space<vmem>>) dst(%dma_wait3A_79 : memref<128x128xf32, #tpu.memory_space<hbm>>)
    %dma_wait3A_80 = arith.constant 0 : i32
    %dma_wait3A_81 = tpu.memref_slice %arg7[%add3A_54, %dma_wait3A_80] : memref<163840x128xf32, #tpu.memory_space<hbm>> -> memref<128x128xf32, #tpu.memory_space<hbm>>
    %dma_wait3A_82 = arith.constant 0 : i32
    %dma_wait3A_83 = tpu.memref_slice %arg7[%add3A_54, %dma_wait3A_82] : memref<163840x128xf32, #tpu.memory_space<hbm>> -> memref<128x128xf32, #tpu.memory_space<hbm>>
    tpu.wait_dma2 semaphore(%arg25 : memref<!tpu.dma_semaphore, #tpu.memory_space<semaphore_mem>>) src(%arg13 : memref<128x128xf32, #tpu.memory_space<vmem>>) dst(%dma_wait3A_83 : memref<128x128xf32, #tpu.memory_space<hbm>>)
    return
  }
}

#map = affine_map<(d0, d1) -> (0, 0)>
module attributes {stable_mosaic.version = 14 : i64} {
  func.func @_gather_body(%arg0: i32, %arg1: i32, %arg2: memref<10240x128xf32, #tpu.memory_space<hbm>>, %arg3: memref<10240x256xf32, #tpu.memory_space<hbm>>, %arg4: memref<1280x128xi32, #tpu.memory_space<hbm>>, %arg5: memref<1280x128xi32, #tpu.memory_space<hbm>>, %arg6: memref<163840x128xf32, #tpu.memory_space<hbm>>, %arg7: memref<163840x256xf32, #tpu.memory_space<hbm>>, %arg8: memref<40x128xi32, #tpu.memory_space<vmem>>, %arg9: memref<40x128xi32, #tpu.memory_space<vmem>>, %arg10: memref<128x128xf32, #tpu.memory_space<vmem>>, %arg11: memref<128x128xf32, #tpu.memory_space<vmem>>, %arg12: memref<128x256xf32, #tpu.memory_space<vmem>>, %arg13: memref<128x256xf32, #tpu.memory_space<vmem>>, %arg14: memref<!tpu.dma_semaphore, #tpu.memory_space<semaphore_mem>>, %arg15: memref<!tpu.dma_semaphore, #tpu.memory_space<semaphore_mem>>, %arg16: memref<!tpu.dma_semaphore, #tpu.memory_space<semaphore_mem>>, %arg17: memref<!tpu.dma_semaphore, #tpu.memory_space<semaphore_mem>>, %arg18: memref<!tpu.dma_semaphore, #tpu.memory_space<semaphore_mem>>, %arg19: memref<!tpu.dma_semaphore, #tpu.memory_space<semaphore_mem>>, %arg20: memref<!tpu.dma_semaphore, #tpu.memory_space<semaphore_mem>>, %arg21: memref<!tpu.dma_semaphore, #tpu.memory_space<semaphore_mem>>) attributes {dimension_semantics = [#tpu.dimension_semantics<core_parallel>, #tpu.dimension_semantics<subcore_parallel>], iteration_bounds = array<i64: 2, 16>, scalar_prefetch = 0 : i64, scratch_operands = 14 : i64, tpu.core_type = #tpu.core_type<sc_vector_subcore>, window_params = [{transform_indices = #map}, {transform_indices = #map}, {transform_indices = #map}, {transform_indices = #map}, {transform_indices = #map}, {transform_indices = #map}]} {
    %mul3A = arith.constant 2 : i32
    %mul3A_0 = arith.muli %arg1, %mul3A : i32
    %add3A = arith.addi %mul3A_0, %arg0 : i32
    %mul3A_1 = arith.constant 40 : i32
    %mul3A_2 = arith.muli %add3A, %mul3A_1 : i32
    "tpu.region"() ({
      %run_scoped3A = tpu.sem_alloc : memref<!tpu.dma_semaphore, #tpu.memory_space<semaphore_mem>>
      %dma_start3A_37 = arith.constant 0 : i32
      %dma_start3A_38 = tpu.memref_slice %arg4[%mul3A_2, %dma_start3A_37] : memref<1280x128xi32, #tpu.memory_space<hbm>> -> memref<40x128xi32, #tpu.memory_space<hbm>>
      %dma_start3A_39 = arith.constant 0 : i32
      %dma_start3A_40 = tpu.memref_slice %arg4[%mul3A_2, %dma_start3A_39] : memref<1280x128xi32, #tpu.memory_space<hbm>> -> memref<40x128xi32, #tpu.memory_space<hbm>>
      tpu.enqueue_dma source(%dma_start3A_40 : memref<40x128xi32, #tpu.memory_space<hbm>>) target(%arg8 : memref<40x128xi32, #tpu.memory_space<vmem>>) target_semaphore(%run_scoped3A : memref<!tpu.dma_semaphore, #tpu.memory_space<semaphore_mem>>)
      %dma_wait3A = arith.constant 0 : i32
      %dma_wait3A_41 = tpu.memref_slice %arg4[%mul3A_2, %dma_wait3A] : memref<1280x128xi32, #tpu.memory_space<hbm>> -> memref<40x128xi32, #tpu.memory_space<hbm>>
      %dma_wait3A_42 = arith.constant 0 : i32
      %dma_wait3A_43 = tpu.memref_slice %arg4[%mul3A_2, %dma_wait3A_42] : memref<1280x128xi32, #tpu.memory_space<hbm>> -> memref<40x128xi32, #tpu.memory_space<hbm>>
      tpu.wait_dma2 semaphore(%run_scoped3A : memref<!tpu.dma_semaphore, #tpu.memory_space<semaphore_mem>>) src(%dma_wait3A_43 : memref<40x128xi32, #tpu.memory_space<hbm>>) dst(%arg8 : memref<40x128xi32, #tpu.memory_space<vmem>>)
      tpu.yield
    }) : () -> ()
    %mul3A_3 = arith.constant 40 : i32
    %mul3A_4 = arith.muli %add3A, %mul3A_3 : i32
    "tpu.region"() ({
      %run_scoped3A = tpu.sem_alloc : memref<!tpu.dma_semaphore, #tpu.memory_space<semaphore_mem>>
      %dma_start3A_37 = arith.constant 0 : i32
      %dma_start3A_38 = tpu.memref_slice %arg5[%mul3A_4, %dma_start3A_37] : memref<1280x128xi32, #tpu.memory_space<hbm>> -> memref<40x128xi32, #tpu.memory_space<hbm>>
      %dma_start3A_39 = arith.constant 0 : i32
      %dma_start3A_40 = tpu.memref_slice %arg5[%mul3A_4, %dma_start3A_39] : memref<1280x128xi32, #tpu.memory_space<hbm>> -> memref<40x128xi32, #tpu.memory_space<hbm>>
      tpu.enqueue_dma source(%dma_start3A_40 : memref<40x128xi32, #tpu.memory_space<hbm>>) target(%arg9 : memref<40x128xi32, #tpu.memory_space<vmem>>) target_semaphore(%run_scoped3A : memref<!tpu.dma_semaphore, #tpu.memory_space<semaphore_mem>>)
      %dma_wait3A = arith.constant 0 : i32
      %dma_wait3A_41 = tpu.memref_slice %arg5[%mul3A_4, %dma_wait3A] : memref<1280x128xi32, #tpu.memory_space<hbm>> -> memref<40x128xi32, #tpu.memory_space<hbm>>
      %dma_wait3A_42 = arith.constant 0 : i32
      %dma_wait3A_43 = tpu.memref_slice %arg5[%mul3A_4, %dma_wait3A_42] : memref<1280x128xi32, #tpu.memory_space<hbm>> -> memref<40x128xi32, #tpu.memory_space<hbm>>
      tpu.wait_dma2 semaphore(%run_scoped3A : memref<!tpu.dma_semaphore, #tpu.memory_space<semaphore_mem>>) src(%dma_wait3A_43 : memref<40x128xi32, #tpu.memory_space<hbm>>) dst(%arg9 : memref<40x128xi32, #tpu.memory_space<vmem>>)
      tpu.yield
    }) : () -> ()
    %dma_start3A = arith.constant 0 : i32
    %dma_start3A_5 = arith.constant 0 : i32
    %dma_start3A_6 = tpu.memref_slice %arg8[%dma_start3A, %dma_start3A_5] : memref<40x128xi32, #tpu.memory_space<vmem>> -> memref<1x128xi32, #tpu.memory_space<vmem>>
    %dma_start3A_7 = tpu.memref_squeeze %dma_start3A_6 : memref<1x128xi32, #tpu.memory_space<vmem>> -> memref<128xi32, #tpu.memory_space<vmem>>
    %dma_start3A_8 = arith.constant 0 : i32
    %dma_start3A_9 = arith.constant 0 : i32
    %dma_start3A_10 = tpu.memref_slice %arg2[%dma_start3A_8, %dma_start3A_9] : memref<10240x128xf32, #tpu.memory_space<hbm>> -> memref<10240x128xf32, #tpu.memory_space<hbm>>
    tpu.enqueue_indirect_dma source(%dma_start3A_10 : memref<10240x128xf32, #tpu.memory_space<hbm>>) target(%arg10 : memref<128x128xf32, #tpu.memory_space<vmem>>) offsets(%dma_start3A_7 : memref<128xi32, #tpu.memory_space<vmem>>) semaphore(%arg14 : memref<!tpu.dma_semaphore, #tpu.memory_space<semaphore_mem>>)
    %dma_start3A_11 = arith.constant 0 : i32
    %dma_start3A_12 = arith.constant 0 : i32
    %dma_start3A_13 = tpu.memref_slice %arg9[%dma_start3A_11, %dma_start3A_12] : memref<40x128xi32, #tpu.memory_space<vmem>> -> memref<1x128xi32, #tpu.memory_space<vmem>>
    %dma_start3A_14 = tpu.memref_squeeze %dma_start3A_13 : memref<1x128xi32, #tpu.memory_space<vmem>> -> memref<128xi32, #tpu.memory_space<vmem>>
    %dma_start3A_15 = arith.constant 0 : i32
    %dma_start3A_16 = arith.constant 0 : i32
    %dma_start3A_17 = tpu.memref_slice %arg3[%dma_start3A_15, %dma_start3A_16] : memref<10240x256xf32, #tpu.memory_space<hbm>> -> memref<10240x256xf32, #tpu.memory_space<hbm>>
    tpu.enqueue_indirect_dma source(%dma_start3A_17 : memref<10240x256xf32, #tpu.memory_space<hbm>>) target(%arg12 : memref<128x256xf32, #tpu.memory_space<vmem>>) offsets(%dma_start3A_14 : memref<128xi32, #tpu.memory_space<vmem>>) semaphore(%arg16 : memref<!tpu.dma_semaphore, #tpu.memory_space<semaphore_mem>>)
    %dma_start3A_18 = arith.constant 1 : i32
    %dma_start3A_19 = arith.constant 0 : i32
    %dma_start3A_20 = tpu.memref_slice %arg8[%dma_start3A_18, %dma_start3A_19] : memref<40x128xi32, #tpu.memory_space<vmem>> -> memref<1x128xi32, #tpu.memory_space<vmem>>
    %dma_start3A_21 = tpu.memref_squeeze %dma_start3A_20 : memref<1x128xi32, #tpu.memory_space<vmem>> -> memref<128xi32, #tpu.memory_space<vmem>>
    %dma_start3A_22 = arith.constant 0 : i32
    %dma_start3A_23 = arith.constant 0 : i32
    %dma_start3A_24 = tpu.memref_slice %arg2[%dma_start3A_22, %dma_start3A_23] : memref<10240x128xf32, #tpu.memory_space<hbm>> -> memref<10240x128xf32, #tpu.memory_space<hbm>>
    tpu.enqueue_indirect_dma source(%dma_start3A_24 : memref<10240x128xf32, #tpu.memory_space<hbm>>) target(%arg11 : memref<128x128xf32, #tpu.memory_space<vmem>>) offsets(%dma_start3A_21 : memref<128xi32, #tpu.memory_space<vmem>>) semaphore(%arg15 : memref<!tpu.dma_semaphore, #tpu.memory_space<semaphore_mem>>)
    %dma_start3A_25 = arith.constant 1 : i32
    %dma_start3A_26 = arith.constant 0 : i32
    %dma_start3A_27 = tpu.memref_slice %arg9[%dma_start3A_25, %dma_start3A_26] : memref<40x128xi32, #tpu.memory_space<vmem>> -> memref<1x128xi32, #tpu.memory_space<vmem>>
    %dma_start3A_28 = tpu.memref_squeeze %dma_start3A_27 : memref<1x128xi32, #tpu.memory_space<vmem>> -> memref<128xi32, #tpu.memory_space<vmem>>
    %dma_start3A_29 = arith.constant 0 : i32
    %dma_start3A_30 = arith.constant 0 : i32
    %dma_start3A_31 = tpu.memref_slice %arg3[%dma_start3A_29, %dma_start3A_30] : memref<10240x256xf32, #tpu.memory_space<hbm>> -> memref<10240x256xf32, #tpu.memory_space<hbm>>
    tpu.enqueue_indirect_dma source(%dma_start3A_31 : memref<10240x256xf32, #tpu.memory_space<hbm>>) target(%arg13 : memref<128x256xf32, #tpu.memory_space<vmem>>) offsets(%dma_start3A_28 : memref<128xi32, #tpu.memory_space<vmem>>) semaphore(%arg17 : memref<!tpu.dma_semaphore, #tpu.memory_space<semaphore_mem>>)
    %scan3A = arith.constant 0 : i32
    %scan3A_32 = arith.constant 0 : i32
    %scan3A_33 = arith.constant 20 : i32
    %scan3A_34 = arith.addi %scan3A_32, %scan3A_33 : i32
    %scan3A_35 = arith.constant 1 : i32
    scf.for %scan3A_37 = %scan3A_32 to %scan3A_34 step %scan3A_35  : i32 {
      %mul3A_38 = arith.constant 2 : i32
      %mul3A_39 = arith.muli %scan3A_37, %mul3A_38 : i32
      %add3A_40 = arith.constant 0 : i32
      %add3A_41 = arith.addi %mul3A_39, %add3A_40 : i32
      %mul3A_42 = arith.constant 5120 : i32
      %mul3A_43 = arith.muli %add3A, %mul3A_42 : i32
      %mul3A_44 = arith.constant 128 : i32
      %mul3A_45 = arith.muli %add3A_41, %mul3A_44 : i32
      %add3A_46 = arith.addi %mul3A_43, %mul3A_45 : i32
      %dma_wait3A = arith.constant 0 : i32
      %dma_wait3A_47 = arith.constant 0 : i32
      %dma_wait3A_48 = tpu.memref_slice %arg8[%dma_wait3A, %dma_wait3A_47] : memref<40x128xi32, #tpu.memory_space<vmem>> -> memref<1x128xi32, #tpu.memory_space<vmem>>
      %dma_wait3A_49 = tpu.memref_squeeze %dma_wait3A_48 : memref<1x128xi32, #tpu.memory_space<vmem>> -> memref<128xi32, #tpu.memory_space<vmem>>
      %dma_wait3A_50 = arith.constant 0 : i32
      %dma_wait3A_51 = arith.constant 0 : i32
      %dma_wait3A_52 = tpu.memref_slice %arg2[%dma_wait3A_50, %dma_wait3A_51] : memref<10240x128xf32, #tpu.memory_space<hbm>> -> memref<10240x128xf32, #tpu.memory_space<hbm>>
      tpu.wait_indirect_dma semaphore(%arg14 : memref<!tpu.dma_semaphore, #tpu.memory_space<semaphore_mem>>) src(%dma_wait3A_52 : memref<10240x128xf32, #tpu.memory_space<hbm>>) dst(%arg10 : memref<128x128xf32, #tpu.memory_space<vmem>>)
      %dma_wait3A_53 = arith.constant 0 : i32
      %dma_wait3A_54 = arith.constant 0 : i32
      %dma_wait3A_55 = tpu.memref_slice %arg9[%dma_wait3A_53, %dma_wait3A_54] : memref<40x128xi32, #tpu.memory_space<vmem>> -> memref<1x128xi32, #tpu.memory_space<vmem>>
      %dma_wait3A_56 = tpu.memref_squeeze %dma_wait3A_55 : memref<1x128xi32, #tpu.memory_space<vmem>> -> memref<128xi32, #tpu.memory_space<vmem>>
      %dma_wait3A_57 = arith.constant 0 : i32
      %dma_wait3A_58 = arith.constant 0 : i32
      %dma_wait3A_59 = tpu.memref_slice %arg3[%dma_wait3A_57, %dma_wait3A_58] : memref<10240x256xf32, #tpu.memory_space<hbm>> -> memref<10240x256xf32, #tpu.memory_space<hbm>>
      tpu.wait_indirect_dma semaphore(%arg16 : memref<!tpu.dma_semaphore, #tpu.memory_space<semaphore_mem>>) src(%dma_wait3A_59 : memref<10240x256xf32, #tpu.memory_space<hbm>>) dst(%arg12 : memref<128x256xf32, #tpu.memory_space<vmem>>)
      %dma_start3A_60 = arith.constant 0 : i32
      %dma_start3A_61 = tpu.memref_slice %arg6[%add3A_46, %dma_start3A_60] : memref<163840x128xf32, #tpu.memory_space<hbm>> -> memref<128x128xf32, #tpu.memory_space<hbm>>
      %dma_start3A_62 = arith.constant 0 : i32
      %dma_start3A_63 = tpu.memref_slice %arg6[%add3A_46, %dma_start3A_62] : memref<163840x128xf32, #tpu.memory_space<hbm>> -> memref<128x128xf32, #tpu.memory_space<hbm>>
      tpu.enqueue_dma source(%arg10 : memref<128x128xf32, #tpu.memory_space<vmem>>) target(%dma_start3A_63 : memref<128x128xf32, #tpu.memory_space<hbm>>) target_semaphore(%arg18 : memref<!tpu.dma_semaphore, #tpu.memory_space<semaphore_mem>>)
      %dma_start3A_64 = arith.constant 0 : i32
      %dma_start3A_65 = tpu.memref_slice %arg7[%add3A_46, %dma_start3A_64] : memref<163840x256xf32, #tpu.memory_space<hbm>> -> memref<128x256xf32, #tpu.memory_space<hbm>>
      %dma_start3A_66 = arith.constant 0 : i32
      %dma_start3A_67 = tpu.memref_slice %arg7[%add3A_46, %dma_start3A_66] : memref<163840x256xf32, #tpu.memory_space<hbm>> -> memref<128x256xf32, #tpu.memory_space<hbm>>
      tpu.enqueue_dma source(%arg12 : memref<128x256xf32, #tpu.memory_space<vmem>>) target(%dma_start3A_67 : memref<128x256xf32, #tpu.memory_space<hbm>>) target_semaphore(%arg20 : memref<!tpu.dma_semaphore, #tpu.memory_space<semaphore_mem>>)
      %dma_wait3A_68 = arith.constant 0 : i32
      %dma_wait3A_69 = tpu.memref_slice %arg6[%add3A_46, %dma_wait3A_68] : memref<163840x128xf32, #tpu.memory_space<hbm>> -> memref<128x128xf32, #tpu.memory_space<hbm>>
      %dma_wait3A_70 = arith.constant 0 : i32
      %dma_wait3A_71 = tpu.memref_slice %arg6[%add3A_46, %dma_wait3A_70] : memref<163840x128xf32, #tpu.memory_space<hbm>> -> memref<128x128xf32, #tpu.memory_space<hbm>>
      tpu.wait_dma2 semaphore(%arg18 : memref<!tpu.dma_semaphore, #tpu.memory_space<semaphore_mem>>) src(%arg10 : memref<128x128xf32, #tpu.memory_space<vmem>>) dst(%dma_wait3A_71 : memref<128x128xf32, #tpu.memory_space<hbm>>)
      %dma_wait3A_72 = arith.constant 0 : i32
      %dma_wait3A_73 = tpu.memref_slice %arg7[%add3A_46, %dma_wait3A_72] : memref<163840x256xf32, #tpu.memory_space<hbm>> -> memref<128x256xf32, #tpu.memory_space<hbm>>
      %dma_wait3A_74 = arith.constant 0 : i32
      %dma_wait3A_75 = tpu.memref_slice %arg7[%add3A_46, %dma_wait3A_74] : memref<163840x256xf32, #tpu.memory_space<hbm>> -> memref<128x256xf32, #tpu.memory_space<hbm>>
      tpu.wait_dma2 semaphore(%arg20 : memref<!tpu.dma_semaphore, #tpu.memory_space<semaphore_mem>>) src(%arg12 : memref<128x256xf32, #tpu.memory_space<vmem>>) dst(%dma_wait3A_75 : memref<128x256xf32, #tpu.memory_space<hbm>>)
      %add3A_76 = arith.constant 2 : i32
      %add3A_77 = arith.addi %add3A_41, %add3A_76 : i32
      %lt3A = arith.constant 40 : i32
      %lt3A_78 = arith.cmpi slt, %add3A_77, %lt3A : i32
      %convert_element_type3A = arith.extui %lt3A_78 : i1 to i32
      %cond3A = arith.constant 0 : i32
      %cond3A_79 = arith.cmpi ne, %convert_element_type3A, %cond3A : i32
      scf.if %cond3A_79 {
        %dma_start3A_126 = arith.constant 0 : i32
        %dma_start3A_127 = tpu.memref_slice %arg8[%add3A_77, %dma_start3A_126] : memref<40x128xi32, #tpu.memory_space<vmem>> -> memref<1x128xi32, #tpu.memory_space<vmem>>
        %dma_start3A_128 = tpu.memref_squeeze %dma_start3A_127 : memref<1x128xi32, #tpu.memory_space<vmem>> -> memref<128xi32, #tpu.memory_space<vmem>>
        %dma_start3A_129 = arith.constant 0 : i32
        %dma_start3A_130 = arith.constant 0 : i32
        %dma_start3A_131 = tpu.memref_slice %arg2[%dma_start3A_129, %dma_start3A_130] : memref<10240x128xf32, #tpu.memory_space<hbm>> -> memref<10240x128xf32, #tpu.memory_space<hbm>>
        tpu.enqueue_indirect_dma source(%dma_start3A_131 : memref<10240x128xf32, #tpu.memory_space<hbm>>) target(%arg10 : memref<128x128xf32, #tpu.memory_space<vmem>>) offsets(%dma_start3A_128 : memref<128xi32, #tpu.memory_space<vmem>>) semaphore(%arg14 : memref<!tpu.dma_semaphore, #tpu.memory_space<semaphore_mem>>)
        %dma_start3A_132 = arith.constant 0 : i32
        %dma_start3A_133 = tpu.memref_slice %arg9[%add3A_77, %dma_start3A_132] : memref<40x128xi32, #tpu.memory_space<vmem>> -> memref<1x128xi32, #tpu.memory_space<vmem>>
        %dma_start3A_134 = tpu.memref_squeeze %dma_start3A_133 : memref<1x128xi32, #tpu.memory_space<vmem>> -> memref<128xi32, #tpu.memory_space<vmem>>
        %dma_start3A_135 = arith.constant 0 : i32
        %dma_start3A_136 = arith.constant 0 : i32
        %dma_start3A_137 = tpu.memref_slice %arg3[%dma_start3A_135, %dma_start3A_136] : memref<10240x256xf32, #tpu.memory_space<hbm>> -> memref<10240x256xf32, #tpu.memory_space<hbm>>
        tpu.enqueue_indirect_dma source(%dma_start3A_137 : memref<10240x256xf32, #tpu.memory_space<hbm>>) target(%arg12 : memref<128x256xf32, #tpu.memory_space<vmem>>) offsets(%dma_start3A_134 : memref<128xi32, #tpu.memory_space<vmem>>) semaphore(%arg16 : memref<!tpu.dma_semaphore, #tpu.memory_space<semaphore_mem>>)
      } else {
      }
      %mul3A_80 = arith.constant 2 : i32
      %mul3A_81 = arith.muli %scan3A_37, %mul3A_80 : i32
      %add3A_82 = arith.constant 1 : i32
      %add3A_83 = arith.addi %mul3A_81, %add3A_82 : i32
      %mul3A_84 = arith.constant 5120 : i32
      %mul3A_85 = arith.muli %add3A, %mul3A_84 : i32
      %mul3A_86 = arith.constant 128 : i32
      %mul3A_87 = arith.muli %add3A_83, %mul3A_86 : i32
      %add3A_88 = arith.addi %mul3A_85, %mul3A_87 : i32
      %dma_wait3A_89 = arith.constant 1 : i32
      %dma_wait3A_90 = arith.constant 0 : i32
      %dma_wait3A_91 = tpu.memref_slice %arg8[%dma_wait3A_89, %dma_wait3A_90] : memref<40x128xi32, #tpu.memory_space<vmem>> -> memref<1x128xi32, #tpu.memory_space<vmem>>
      %dma_wait3A_92 = tpu.memref_squeeze %dma_wait3A_91 : memref<1x128xi32, #tpu.memory_space<vmem>> -> memref<128xi32, #tpu.memory_space<vmem>>
      %dma_wait3A_93 = arith.constant 0 : i32
      %dma_wait3A_94 = arith.constant 0 : i32
      %dma_wait3A_95 = tpu.memref_slice %arg2[%dma_wait3A_93, %dma_wait3A_94] : memref<10240x128xf32, #tpu.memory_space<hbm>> -> memref<10240x128xf32, #tpu.memory_space<hbm>>
      tpu.wait_indirect_dma semaphore(%arg15 : memref<!tpu.dma_semaphore, #tpu.memory_space<semaphore_mem>>) src(%dma_wait3A_95 : memref<10240x128xf32, #tpu.memory_space<hbm>>) dst(%arg11 : memref<128x128xf32, #tpu.memory_space<vmem>>)
      %dma_wait3A_96 = arith.constant 1 : i32
      %dma_wait3A_97 = arith.constant 0 : i32
      %dma_wait3A_98 = tpu.memref_slice %arg9[%dma_wait3A_96, %dma_wait3A_97] : memref<40x128xi32, #tpu.memory_space<vmem>> -> memref<1x128xi32, #tpu.memory_space<vmem>>
      %dma_wait3A_99 = tpu.memref_squeeze %dma_wait3A_98 : memref<1x128xi32, #tpu.memory_space<vmem>> -> memref<128xi32, #tpu.memory_space<vmem>>
      %dma_wait3A_100 = arith.constant 0 : i32
      %dma_wait3A_101 = arith.constant 0 : i32
      %dma_wait3A_102 = tpu.memref_slice %arg3[%dma_wait3A_100, %dma_wait3A_101] : memref<10240x256xf32, #tpu.memory_space<hbm>> -> memref<10240x256xf32, #tpu.memory_space<hbm>>
      tpu.wait_indirect_dma semaphore(%arg17 : memref<!tpu.dma_semaphore, #tpu.memory_space<semaphore_mem>>) src(%dma_wait3A_102 : memref<10240x256xf32, #tpu.memory_space<hbm>>) dst(%arg13 : memref<128x256xf32, #tpu.memory_space<vmem>>)
      %dma_start3A_103 = arith.constant 0 : i32
      %dma_start3A_104 = tpu.memref_slice %arg6[%add3A_88, %dma_start3A_103] : memref<163840x128xf32, #tpu.memory_space<hbm>> -> memref<128x128xf32, #tpu.memory_space<hbm>>
      %dma_start3A_105 = arith.constant 0 : i32
      %dma_start3A_106 = tpu.memref_slice %arg6[%add3A_88, %dma_start3A_105] : memref<163840x128xf32, #tpu.memory_space<hbm>> -> memref<128x128xf32, #tpu.memory_space<hbm>>
      tpu.enqueue_dma source(%arg11 : memref<128x128xf32, #tpu.memory_space<vmem>>) target(%dma_start3A_106 : memref<128x128xf32, #tpu.memory_space<hbm>>) target_semaphore(%arg19 : memref<!tpu.dma_semaphore, #tpu.memory_space<semaphore_mem>>)
      %dma_start3A_107 = arith.constant 0 : i32
      %dma_start3A_108 = tpu.memref_slice %arg7[%add3A_88, %dma_start3A_107] : memref<163840x256xf32, #tpu.memory_space<hbm>> -> memref<128x256xf32, #tpu.memory_space<hbm>>
      %dma_start3A_109 = arith.constant 0 : i32
      %dma_start3A_110 = tpu.memref_slice %arg7[%add3A_88, %dma_start3A_109] : memref<163840x256xf32, #tpu.memory_space<hbm>> -> memref<128x256xf32, #tpu.memory_space<hbm>>
      tpu.enqueue_dma source(%arg13 : memref<128x256xf32, #tpu.memory_space<vmem>>) target(%dma_start3A_110 : memref<128x256xf32, #tpu.memory_space<hbm>>) target_semaphore(%arg21 : memref<!tpu.dma_semaphore, #tpu.memory_space<semaphore_mem>>)
      %dma_wait3A_111 = arith.constant 0 : i32
      %dma_wait3A_112 = tpu.memref_slice %arg6[%add3A_88, %dma_wait3A_111] : memref<163840x128xf32, #tpu.memory_space<hbm>> -> memref<128x128xf32, #tpu.memory_space<hbm>>
      %dma_wait3A_113 = arith.constant 0 : i32
      %dma_wait3A_114 = tpu.memref_slice %arg6[%add3A_88, %dma_wait3A_113] : memref<163840x128xf32, #tpu.memory_space<hbm>> -> memref<128x128xf32, #tpu.memory_space<hbm>>
      tpu.wait_dma2 semaphore(%arg19 : memref<!tpu.dma_semaphore, #tpu.memory_space<semaphore_mem>>) src(%arg11 : memref<128x128xf32, #tpu.memory_space<vmem>>) dst(%dma_wait3A_114 : memref<128x128xf32, #tpu.memory_space<hbm>>)
      %dma_wait3A_115 = arith.constant 0 : i32
      %dma_wait3A_116 = tpu.memref_slice %arg7[%add3A_88, %dma_wait3A_115] : memref<163840x256xf32, #tpu.memory_space<hbm>> -> memref<128x256xf32, #tpu.memory_space<hbm>>
      %dma_wait3A_117 = arith.constant 0 : i32
      %dma_wait3A_118 = tpu.memref_slice %arg7[%add3A_88, %dma_wait3A_117] : memref<163840x256xf32, #tpu.memory_space<hbm>> -> memref<128x256xf32, #tpu.memory_space<hbm>>
      tpu.wait_dma2 semaphore(%arg21 : memref<!tpu.dma_semaphore, #tpu.memory_space<semaphore_mem>>) src(%arg13 : memref<128x256xf32, #tpu.memory_space<vmem>>) dst(%dma_wait3A_118 : memref<128x256xf32, #tpu.memory_space<hbm>>)
      %add3A_119 = arith.constant 2 : i32
      %add3A_120 = arith.addi %add3A_83, %add3A_119 : i32
      %lt3A_121 = arith.constant 40 : i32
      %lt3A_122 = arith.cmpi slt, %add3A_120, %lt3A_121 : i32
      %convert_element_type3A_123 = arith.extui %lt3A_122 : i1 to i32
      %cond3A_124 = arith.constant 0 : i32
      %cond3A_125 = arith.cmpi ne, %convert_element_type3A_123, %cond3A_124 : i32
      scf.if %cond3A_125 {
        %dma_start3A_126 = arith.constant 0 : i32
        %dma_start3A_127 = tpu.memref_slice %arg8[%add3A_120, %dma_start3A_126] : memref<40x128xi32, #tpu.memory_space<vmem>> -> memref<1x128xi32, #tpu.memory_space<vmem>>
        %dma_start3A_128 = tpu.memref_squeeze %dma_start3A_127 : memref<1x128xi32, #tpu.memory_space<vmem>> -> memref<128xi32, #tpu.memory_space<vmem>>
        %dma_start3A_129 = arith.constant 0 : i32
        %dma_start3A_130 = arith.constant 0 : i32
        %dma_start3A_131 = tpu.memref_slice %arg2[%dma_start3A_129, %dma_start3A_130] : memref<10240x128xf32, #tpu.memory_space<hbm>> -> memref<10240x128xf32, #tpu.memory_space<hbm>>
        tpu.enqueue_indirect_dma source(%dma_start3A_131 : memref<10240x128xf32, #tpu.memory_space<hbm>>) target(%arg11 : memref<128x128xf32, #tpu.memory_space<vmem>>) offsets(%dma_start3A_128 : memref<128xi32, #tpu.memory_space<vmem>>) semaphore(%arg15 : memref<!tpu.dma_semaphore, #tpu.memory_space<semaphore_mem>>)
        %dma_start3A_132 = arith.constant 0 : i32
        %dma_start3A_133 = tpu.memref_slice %arg9[%add3A_120, %dma_start3A_132] : memref<40x128xi32, #tpu.memory_space<vmem>> -> memref<1x128xi32, #tpu.memory_space<vmem>>
        %dma_start3A_134 = tpu.memref_squeeze %dma_start3A_133 : memref<1x128xi32, #tpu.memory_space<vmem>> -> memref<128xi32, #tpu.memory_space<vmem>>
        %dma_start3A_135 = arith.constant 0 : i32
        %dma_start3A_136 = arith.constant 0 : i32
        %dma_start3A_137 = tpu.memref_slice %arg3[%dma_start3A_135, %dma_start3A_136] : memref<10240x256xf32, #tpu.memory_space<hbm>> -> memref<10240x256xf32, #tpu.memory_space<hbm>>
        tpu.enqueue_indirect_dma source(%dma_start3A_137 : memref<10240x256xf32, #tpu.memory_space<hbm>>) target(%arg13 : memref<128x256xf32, #tpu.memory_space<vmem>>) offsets(%dma_start3A_134 : memref<128xi32, #tpu.memory_space<vmem>>) semaphore(%arg17 : memref<!tpu.dma_semaphore, #tpu.memory_space<semaphore_mem>>)
      } else {
      }
    }
    %scan3A_36 = arith.constant 20 : i32
    return
  }
}

#map = affine_map<(d0, d1) -> (0, 0)>
#map1 = affine_map<(d0, d1) -> (0, 0, 0)>
module attributes {stable_mosaic.version = 14 : i64} {
  func.func @_scatter_body(%arg0: i32, %arg1: i32, %arg2: memref<163840x128xf32, #tpu.memory_space<hbm>>, %arg3: memref<1280x128xi32, #tpu.memory_space<hbm>>, %arg4: memref<128x128xf32, #tpu.memory_space<hbm>>, %arg5: memref<2x10240x128xf32, #tpu.memory_space<hbm>>, %arg6: memref<40x128xi32, #tpu.memory_space<vmem>>, %arg7: memref<10240x128xf32, #tpu.memory_space<vmem_shared>>, %arg8: memref<128x128xf32, #tpu.memory_space<vmem>>, %arg9: memref<128x128xf32, #tpu.memory_space<vmem>>, %arg10: memref<!tpu.dma_semaphore, #tpu.memory_space<semaphore_mem>>, %arg11: memref<!tpu.dma_semaphore, #tpu.memory_space<semaphore_mem>>, %arg12: memref<!tpu.dma_semaphore, #tpu.memory_space<semaphore_mem>>, %arg13: memref<!tpu.dma_semaphore, #tpu.memory_space<semaphore_mem>>, %arg14: memref<!tpu.dma_semaphore, #tpu.memory_space<semaphore_mem>>) attributes {dimension_semantics = [#tpu.dimension_semantics<core_parallel>, #tpu.dimension_semantics<subcore_parallel>], iteration_bounds = array<i64: 2, 16>, scalar_prefetch = 0 : i64, scratch_operands = 9 : i64, tpu.core_type = #tpu.core_type<sc_vector_subcore>, window_params = [{transform_indices = #map}, {transform_indices = #map}, {transform_indices = #map}, {transform_indices = #map1}]} {
    %mul3A = arith.constant 2 : i32
    %mul3A_0 = arith.muli %arg1, %mul3A : i32
    %add3A = arith.addi %mul3A_0, %arg0 : i32
    %mul3A_1 = arith.constant 40 : i32
    %mul3A_2 = arith.muli %add3A, %mul3A_1 : i32
    "tpu.region"() ({
      %run_scoped3A = tpu.sem_alloc : memref<!tpu.dma_semaphore, #tpu.memory_space<semaphore_mem>>
      %dma_start3A_153 = arith.constant 0 : i32
      %dma_start3A_154 = tpu.memref_slice %arg3[%mul3A_2, %dma_start3A_153] : memref<1280x128xi32, #tpu.memory_space<hbm>> -> memref<40x128xi32, #tpu.memory_space<hbm>>
      %dma_start3A_155 = arith.constant 0 : i32
      %dma_start3A_156 = tpu.memref_slice %arg3[%mul3A_2, %dma_start3A_155] : memref<1280x128xi32, #tpu.memory_space<hbm>> -> memref<40x128xi32, #tpu.memory_space<hbm>>
      tpu.enqueue_dma source(%dma_start3A_156 : memref<40x128xi32, #tpu.memory_space<hbm>>) target(%arg6 : memref<40x128xi32, #tpu.memory_space<vmem>>) target_semaphore(%run_scoped3A : memref<!tpu.dma_semaphore, #tpu.memory_space<semaphore_mem>>)
      %dma_wait3A_157 = arith.constant 0 : i32
      %dma_wait3A_158 = tpu.memref_slice %arg3[%mul3A_2, %dma_wait3A_157] : memref<1280x128xi32, #tpu.memory_space<hbm>> -> memref<40x128xi32, #tpu.memory_space<hbm>>
      %dma_wait3A_159 = arith.constant 0 : i32
      %dma_wait3A_160 = tpu.memref_slice %arg3[%mul3A_2, %dma_wait3A_159] : memref<1280x128xi32, #tpu.memory_space<hbm>> -> memref<40x128xi32, #tpu.memory_space<hbm>>
      tpu.wait_dma2 semaphore(%run_scoped3A : memref<!tpu.dma_semaphore, #tpu.memory_space<semaphore_mem>>) src(%dma_wait3A_160 : memref<40x128xi32, #tpu.memory_space<hbm>>) dst(%arg6 : memref<40x128xi32, #tpu.memory_space<vmem>>)
      tpu.yield
    }) : () -> ()
    "tpu.region"() ({
      %run_scoped3A = tpu.sem_alloc : memref<!tpu.dma_semaphore, #tpu.memory_space<semaphore_mem>>
      tpu.enqueue_dma source(%arg4 : memref<128x128xf32, #tpu.memory_space<hbm>>) target(%arg8 : memref<128x128xf32, #tpu.memory_space<vmem>>) target_semaphore(%run_scoped3A : memref<!tpu.dma_semaphore, #tpu.memory_space<semaphore_mem>>)
      tpu.wait_dma2 semaphore(%run_scoped3A : memref<!tpu.dma_semaphore, #tpu.memory_space<semaphore_mem>>) src(%arg4 : memref<128x128xf32, #tpu.memory_space<hbm>>) dst(%arg8 : memref<128x128xf32, #tpu.memory_space<vmem>>)
      tpu.yield
    }) : () -> ()
    %mul3A_3 = arith.constant 640 : i32
    %mul3A_4 = arith.muli %arg1, %mul3A_3 : i32
    %add3A_5 = arith.constant 0 : i32
    %add3A_6 = arith.addi %mul3A_4, %add3A_5 : i32
    %dma_start3A = arith.constant 0 : i32
    %dma_start3A_7 = tpu.memref_slice %arg7[%add3A_6, %dma_start3A] : memref<10240x128xf32, #tpu.memory_space<vmem_shared>> -> memref<128x128xf32, #tpu.memory_space<vmem_shared>>
    %dma_start3A_8 = arith.constant 0 : i32
    %dma_start3A_9 = tpu.memref_slice %arg7[%add3A_6, %dma_start3A_8] : memref<10240x128xf32, #tpu.memory_space<vmem_shared>> -> memref<128x128xf32, #tpu.memory_space<vmem_shared>>
    tpu.enqueue_dma source(%arg8 : memref<128x128xf32, #tpu.memory_space<vmem>>) target(%dma_start3A_9 : memref<128x128xf32, #tpu.memory_space<vmem_shared>>) target_semaphore(%arg14 : memref<!tpu.dma_semaphore, #tpu.memory_space<semaphore_mem>>)
    %mul3A_10 = arith.constant 640 : i32
    %mul3A_11 = arith.muli %arg1, %mul3A_10 : i32
    %add3A_12 = arith.constant 128 : i32
    %add3A_13 = arith.addi %mul3A_11, %add3A_12 : i32
    %dma_start3A_14 = arith.constant 0 : i32
    %dma_start3A_15 = tpu.memref_slice %arg7[%add3A_13, %dma_start3A_14] : memref<10240x128xf32, #tpu.memory_space<vmem_shared>> -> memref<128x128xf32, #tpu.memory_space<vmem_shared>>
    %dma_start3A_16 = arith.constant 0 : i32
    %dma_start3A_17 = tpu.memref_slice %arg7[%add3A_13, %dma_start3A_16] : memref<10240x128xf32, #tpu.memory_space<vmem_shared>> -> memref<128x128xf32, #tpu.memory_space<vmem_shared>>
    tpu.enqueue_dma source(%arg8 : memref<128x128xf32, #tpu.memory_space<vmem>>) target(%dma_start3A_17 : memref<128x128xf32, #tpu.memory_space<vmem_shared>>) target_semaphore(%arg14 : memref<!tpu.dma_semaphore, #tpu.memory_space<semaphore_mem>>)
    %mul3A_18 = arith.constant 640 : i32
    %mul3A_19 = arith.muli %arg1, %mul3A_18 : i32
    %add3A_20 = arith.constant 256 : i32
    %add3A_21 = arith.addi %mul3A_19, %add3A_20 : i32
    %dma_start3A_22 = arith.constant 0 : i32
    %dma_start3A_23 = tpu.memref_slice %arg7[%add3A_21, %dma_start3A_22] : memref<10240x128xf32, #tpu.memory_space<vmem_shared>> -> memref<128x128xf32, #tpu.memory_space<vmem_shared>>
    %dma_start3A_24 = arith.constant 0 : i32
    %dma_start3A_25 = tpu.memref_slice %arg7[%add3A_21, %dma_start3A_24] : memref<10240x128xf32, #tpu.memory_space<vmem_shared>> -> memref<128x128xf32, #tpu.memory_space<vmem_shared>>
    tpu.enqueue_dma source(%arg8 : memref<128x128xf32, #tpu.memory_space<vmem>>) target(%dma_start3A_25 : memref<128x128xf32, #tpu.memory_space<vmem_shared>>) target_semaphore(%arg14 : memref<!tpu.dma_semaphore, #tpu.memory_space<semaphore_mem>>)
    %mul3A_26 = arith.constant 640 : i32
    %mul3A_27 = arith.muli %arg1, %mul3A_26 : i32
    %add3A_28 = arith.constant 384 : i32
    %add3A_29 = arith.addi %mul3A_27, %add3A_28 : i32
    %dma_start3A_30 = arith.constant 0 : i32
    %dma_start3A_31 = tpu.memref_slice %arg7[%add3A_29, %dma_start3A_30] : memref<10240x128xf32, #tpu.memory_space<vmem_shared>> -> memref<128x128xf32, #tpu.memory_space<vmem_shared>>
    %dma_start3A_32 = arith.constant 0 : i32
    %dma_start3A_33 = tpu.memref_slice %arg7[%add3A_29, %dma_start3A_32] : memref<10240x128xf32, #tpu.memory_space<vmem_shared>> -> memref<128x128xf32, #tpu.memory_space<vmem_shared>>
    tpu.enqueue_dma source(%arg8 : memref<128x128xf32, #tpu.memory_space<vmem>>) target(%dma_start3A_33 : memref<128x128xf32, #tpu.memory_space<vmem_shared>>) target_semaphore(%arg14 : memref<!tpu.dma_semaphore, #tpu.memory_space<semaphore_mem>>)
    %mul3A_34 = arith.constant 640 : i32
    %mul3A_35 = arith.muli %arg1, %mul3A_34 : i32
    %add3A_36 = arith.constant 512 : i32
    %add3A_37 = arith.addi %mul3A_35, %add3A_36 : i32
    %dma_start3A_38 = arith.constant 0 : i32
    %dma_start3A_39 = tpu.memref_slice %arg7[%add3A_37, %dma_start3A_38] : memref<10240x128xf32, #tpu.memory_space<vmem_shared>> -> memref<128x128xf32, #tpu.memory_space<vmem_shared>>
    %dma_start3A_40 = arith.constant 0 : i32
    %dma_start3A_41 = tpu.memref_slice %arg7[%add3A_37, %dma_start3A_40] : memref<10240x128xf32, #tpu.memory_space<vmem_shared>> -> memref<128x128xf32, #tpu.memory_space<vmem_shared>>
    tpu.enqueue_dma source(%arg8 : memref<128x128xf32, #tpu.memory_space<vmem>>) target(%dma_start3A_41 : memref<128x128xf32, #tpu.memory_space<vmem_shared>>) target_semaphore(%arg14 : memref<!tpu.dma_semaphore, #tpu.memory_space<semaphore_mem>>)
    %dma_wait3A = arith.constant 0 : i32
    %dma_wait3A_42 = tpu.memref_slice %arg7[%add3A_6, %dma_wait3A] : memref<10240x128xf32, #tpu.memory_space<vmem_shared>> -> memref<128x128xf32, #tpu.memory_space<vmem_shared>>
    %dma_wait3A_43 = arith.constant 0 : i32
    %dma_wait3A_44 = tpu.memref_slice %arg7[%add3A_6, %dma_wait3A_43] : memref<10240x128xf32, #tpu.memory_space<vmem_shared>> -> memref<128x128xf32, #tpu.memory_space<vmem_shared>>
    tpu.wait_dma2 semaphore(%arg14 : memref<!tpu.dma_semaphore, #tpu.memory_space<semaphore_mem>>) src(%arg8 : memref<128x128xf32, #tpu.memory_space<vmem>>) dst(%dma_wait3A_44 : memref<128x128xf32, #tpu.memory_space<vmem_shared>>)
    %dma_wait3A_45 = arith.constant 0 : i32
    %dma_wait3A_46 = tpu.memref_slice %arg7[%add3A_13, %dma_wait3A_45] : memref<10240x128xf32, #tpu.memory_space<vmem_shared>> -> memref<128x128xf32, #tpu.memory_space<vmem_shared>>
    %dma_wait3A_47 = arith.constant 0 : i32
    %dma_wait3A_48 = tpu.memref_slice %arg7[%add3A_13, %dma_wait3A_47] : memref<10240x128xf32, #tpu.memory_space<vmem_shared>> -> memref<128x128xf32, #tpu.memory_space<vmem_shared>>
    tpu.wait_dma2 semaphore(%arg14 : memref<!tpu.dma_semaphore, #tpu.memory_space<semaphore_mem>>) src(%arg8 : memref<128x128xf32, #tpu.memory_space<vmem>>) dst(%dma_wait3A_48 : memref<128x128xf32, #tpu.memory_space<vmem_shared>>)
    %dma_wait3A_49 = arith.constant 0 : i32
    %dma_wait3A_50 = tpu.memref_slice %arg7[%add3A_21, %dma_wait3A_49] : memref<10240x128xf32, #tpu.memory_space<vmem_shared>> -> memref<128x128xf32, #tpu.memory_space<vmem_shared>>
    %dma_wait3A_51 = arith.constant 0 : i32
    %dma_wait3A_52 = tpu.memref_slice %arg7[%add3A_21, %dma_wait3A_51] : memref<10240x128xf32, #tpu.memory_space<vmem_shared>> -> memref<128x128xf32, #tpu.memory_space<vmem_shared>>
    tpu.wait_dma2 semaphore(%arg14 : memref<!tpu.dma_semaphore, #tpu.memory_space<semaphore_mem>>) src(%arg8 : memref<128x128xf32, #tpu.memory_space<vmem>>) dst(%dma_wait3A_52 : memref<128x128xf32, #tpu.memory_space<vmem_shared>>)
    %dma_wait3A_53 = arith.constant 0 : i32
    %dma_wait3A_54 = tpu.memref_slice %arg7[%add3A_29, %dma_wait3A_53] : memref<10240x128xf32, #tpu.memory_space<vmem_shared>> -> memref<128x128xf32, #tpu.memory_space<vmem_shared>>
    %dma_wait3A_55 = arith.constant 0 : i32
    %dma_wait3A_56 = tpu.memref_slice %arg7[%add3A_29, %dma_wait3A_55] : memref<10240x128xf32, #tpu.memory_space<vmem_shared>> -> memref<128x128xf32, #tpu.memory_space<vmem_shared>>
    tpu.wait_dma2 semaphore(%arg14 : memref<!tpu.dma_semaphore, #tpu.memory_space<semaphore_mem>>) src(%arg8 : memref<128x128xf32, #tpu.memory_space<vmem>>) dst(%dma_wait3A_56 : memref<128x128xf32, #tpu.memory_space<vmem_shared>>)
    %dma_wait3A_57 = arith.constant 0 : i32
    %dma_wait3A_58 = tpu.memref_slice %arg7[%add3A_37, %dma_wait3A_57] : memref<10240x128xf32, #tpu.memory_space<vmem_shared>> -> memref<128x128xf32, #tpu.memory_space<vmem_shared>>
    %dma_wait3A_59 = arith.constant 0 : i32
    %dma_wait3A_60 = tpu.memref_slice %arg7[%add3A_37, %dma_wait3A_59] : memref<10240x128xf32, #tpu.memory_space<vmem_shared>> -> memref<128x128xf32, #tpu.memory_space<vmem_shared>>
    tpu.wait_dma2 semaphore(%arg14 : memref<!tpu.dma_semaphore, #tpu.memory_space<semaphore_mem>>) src(%arg8 : memref<128x128xf32, #tpu.memory_space<vmem>>) dst(%dma_wait3A_60 : memref<128x128xf32, #tpu.memory_space<vmem_shared>>)
    %barrier3A = arith.constant 0 : index
    tpu.barrier barrier_id(%barrier3A)
    %mul3A_61 = arith.constant 5120 : i32
    %mul3A_62 = arith.muli %add3A, %mul3A_61 : i32
    %add3A_63 = arith.constant 0 : i32
    %add3A_64 = arith.addi %mul3A_62, %add3A_63 : i32
    %dma_start3A_65 = arith.constant 0 : i32
    %dma_start3A_66 = tpu.memref_slice %arg2[%add3A_64, %dma_start3A_65] : memref<163840x128xf32, #tpu.memory_space<hbm>> -> memref<128x128xf32, #tpu.memory_space<hbm>>
    %dma_start3A_67 = arith.constant 0 : i32
    %dma_start3A_68 = tpu.memref_slice %arg2[%add3A_64, %dma_start3A_67] : memref<163840x128xf32, #tpu.memory_space<hbm>> -> memref<128x128xf32, #tpu.memory_space<hbm>>
    tpu.enqueue_dma source(%dma_start3A_68 : memref<128x128xf32, #tpu.memory_space<hbm>>) target(%arg8 : memref<128x128xf32, #tpu.memory_space<vmem>>) target_semaphore(%arg10 : memref<!tpu.dma_semaphore, #tpu.memory_space<semaphore_mem>>)
    %mul3A_69 = arith.constant 5120 : i32
    %mul3A_70 = arith.muli %add3A, %mul3A_69 : i32
    %add3A_71 = arith.constant 128 : i32
    %add3A_72 = arith.addi %mul3A_70, %add3A_71 : i32
    %dma_start3A_73 = arith.constant 0 : i32
    %dma_start3A_74 = tpu.memref_slice %arg2[%add3A_72, %dma_start3A_73] : memref<163840x128xf32, #tpu.memory_space<hbm>> -> memref<128x128xf32, #tpu.memory_space<hbm>>
    %dma_start3A_75 = arith.constant 0 : i32
    %dma_start3A_76 = tpu.memref_slice %arg2[%add3A_72, %dma_start3A_75] : memref<163840x128xf32, #tpu.memory_space<hbm>> -> memref<128x128xf32, #tpu.memory_space<hbm>>
    tpu.enqueue_dma source(%dma_start3A_76 : memref<128x128xf32, #tpu.memory_space<hbm>>) target(%arg9 : memref<128x128xf32, #tpu.memory_space<vmem>>) target_semaphore(%arg11 : memref<!tpu.dma_semaphore, #tpu.memory_space<semaphore_mem>>)
    %scan3A = arith.constant 0 : i32
    %scan3A_77 = arith.constant 0 : i32
    %scan3A_78 = arith.constant 20 : i32
    %scan3A_79 = arith.addi %scan3A_77, %scan3A_78 : i32
    %scan3A_80 = arith.constant 1 : i32
    scf.for %scan3A_153 = %scan3A_77 to %scan3A_79 step %scan3A_80  : i32 {
      %mul3A_154 = arith.constant 2 : i32
      %mul3A_155 = arith.muli %scan3A_153, %mul3A_154 : i32
      %add3A_156 = arith.constant 0 : i32
      %add3A_157 = arith.addi %mul3A_155, %add3A_156 : i32
      %mul3A_158 = arith.constant 5120 : i32
      %mul3A_159 = arith.muli %add3A, %mul3A_158 : i32
      %mul3A_160 = arith.constant 128 : i32
      %mul3A_161 = arith.muli %add3A_157, %mul3A_160 : i32
      %add3A_162 = arith.addi %mul3A_159, %mul3A_161 : i32
      %dma_wait3A_163 = arith.constant 0 : i32
      %dma_wait3A_164 = tpu.memref_slice %arg2[%add3A_162, %dma_wait3A_163] : memref<163840x128xf32, #tpu.memory_space<hbm>> -> memref<128x128xf32, #tpu.memory_space<hbm>>
      %dma_wait3A_165 = arith.constant 0 : i32
      %dma_wait3A_166 = tpu.memref_slice %arg2[%add3A_162, %dma_wait3A_165] : memref<163840x128xf32, #tpu.memory_space<hbm>> -> memref<128x128xf32, #tpu.memory_space<hbm>>
      tpu.wait_dma2 semaphore(%arg10 : memref<!tpu.dma_semaphore, #tpu.memory_space<semaphore_mem>>) src(%dma_wait3A_166 : memref<128x128xf32, #tpu.memory_space<hbm>>) dst(%arg8 : memref<128x128xf32, #tpu.memory_space<vmem>>)
      %dma_start3A_167 = arith.constant 0 : i32
      %dma_start3A_168 = tpu.memref_slice %arg6[%add3A_157, %dma_start3A_167] : memref<40x128xi32, #tpu.memory_space<vmem>> -> memref<1x128xi32, #tpu.memory_space<vmem>>
      %dma_start3A_169 = tpu.memref_squeeze %dma_start3A_168 : memref<1x128xi32, #tpu.memory_space<vmem>> -> memref<128xi32, #tpu.memory_space<vmem>>
      %dma_start3A_170 = arith.constant 0 : i32
      %dma_start3A_171 = arith.constant 0 : i32
      %dma_start3A_172 = tpu.memref_slice %arg7[%dma_start3A_170, %dma_start3A_171] : memref<10240x128xf32, #tpu.memory_space<vmem_shared>> -> memref<10240x128xf32, #tpu.memory_space<vmem_shared>>
      tpu.enqueue_indirect_dma source(%arg8 : memref<128x128xf32, #tpu.memory_space<vmem>>) target(%dma_start3A_172 : memref<10240x128xf32, #tpu.memory_space<vmem_shared>>) offsets(%dma_start3A_169 : memref<128xi32, #tpu.memory_space<vmem>>) semaphore(%arg12 : memref<!tpu.dma_semaphore, #tpu.memory_space<semaphore_mem>>) {add = true}
      %dma_wait3A_173 = arith.constant 0 : i32
      %dma_wait3A_174 = tpu.memref_slice %arg6[%add3A_157, %dma_wait3A_173] : memref<40x128xi32, #tpu.memory_space<vmem>> -> memref<1x128xi32, #tpu.memory_space<vmem>>
      %dma_wait3A_175 = tpu.memref_squeeze %dma_wait3A_174 : memref<1x128xi32, #tpu.memory_space<vmem>> -> memref<128xi32, #tpu.memory_space<vmem>>
      %dma_wait3A_176 = arith.constant 0 : i32
      %dma_wait3A_177 = arith.constant 0 : i32
      %dma_wait3A_178 = tpu.memref_slice %arg7[%dma_wait3A_176, %dma_wait3A_177] : memref<10240x128xf32, #tpu.memory_space<vmem_shared>> -> memref<10240x128xf32, #tpu.memory_space<vmem_shared>>
      tpu.wait_indirect_dma semaphore(%arg12 : memref<!tpu.dma_semaphore, #tpu.memory_space<semaphore_mem>>) src(%arg8 : memref<128x128xf32, #tpu.memory_space<vmem>>) dst(%dma_wait3A_178 : memref<10240x128xf32, #tpu.memory_space<vmem_shared>>)
      %add3A_179 = arith.constant 2 : i32
      %add3A_180 = arith.addi %add3A_157, %add3A_179 : i32
      %lt3A = arith.constant 40 : i32
      %lt3A_181 = arith.cmpi slt, %add3A_180, %lt3A : i32
      %convert_element_type3A = arith.extui %lt3A_181 : i1 to i32
      %cond3A = arith.constant 0 : i32
      %cond3A_182 = arith.cmpi ne, %convert_element_type3A, %cond3A : i32
      scf.if %cond3A_182 {
        %mul3A_215 = arith.constant 5120 : i32
        %mul3A_216 = arith.muli %add3A, %mul3A_215 : i32
        %mul3A_217 = arith.constant 128 : i32
        %mul3A_218 = arith.muli %add3A_180, %mul3A_217 : i32
        %add3A_219 = arith.addi %mul3A_216, %mul3A_218 : i32
        %dma_start3A_220 = arith.constant 0 : i32
        %dma_start3A_221 = tpu.memref_slice %arg2[%add3A_219, %dma_start3A_220] : memref<163840x128xf32, #tpu.memory_space<hbm>> -> memref<128x128xf32, #tpu.memory_space<hbm>>
        %dma_start3A_222 = arith.constant 0 : i32
        %dma_start3A_223 = tpu.memref_slice %arg2[%add3A_219, %dma_start3A_222] : memref<163840x128xf32, #tpu.memory_space<hbm>> -> memref<128x128xf32, #tpu.memory_space<hbm>>
        tpu.enqueue_dma source(%dma_start3A_223 : memref<128x128xf32, #tpu.memory_space<hbm>>) target(%arg8 : memref<128x128xf32, #tpu.memory_space<vmem>>) target_semaphore(%arg10 : memref<!tpu.dma_semaphore, #tpu.memory_space<semaphore_mem>>)
      } else {
      }
      %mul3A_183 = arith.constant 2 : i32
      %mul3A_184 = arith.muli %scan3A_153, %mul3A_183 : i32
      %add3A_185 = arith.constant 1 : i32
      %add3A_186 = arith.addi %mul3A_184, %add3A_185 : i32
      %mul3A_187 = arith.constant 5120 : i32
      %mul3A_188 = arith.muli %add3A, %mul3A_187 : i32
      %mul3A_189 = arith.constant 128 : i32
      %mul3A_190 = arith.muli %add3A_186, %mul3A_189 : i32
      %add3A_191 = arith.addi %mul3A_188, %mul3A_190 : i32
      %dma_wait3A_192 = arith.constant 0 : i32
      %dma_wait3A_193 = tpu.memref_slice %arg2[%add3A_191, %dma_wait3A_192] : memref<163840x128xf32, #tpu.memory_space<hbm>> -> memref<128x128xf32, #tpu.memory_space<hbm>>
      %dma_wait3A_194 = arith.constant 0 : i32
      %dma_wait3A_195 = tpu.memref_slice %arg2[%add3A_191, %dma_wait3A_194] : memref<163840x128xf32, #tpu.memory_space<hbm>> -> memref<128x128xf32, #tpu.memory_space<hbm>>
      tpu.wait_dma2 semaphore(%arg11 : memref<!tpu.dma_semaphore, #tpu.memory_space<semaphore_mem>>) src(%dma_wait3A_195 : memref<128x128xf32, #tpu.memory_space<hbm>>) dst(%arg9 : memref<128x128xf32, #tpu.memory_space<vmem>>)
      %dma_start3A_196 = arith.constant 0 : i32
      %dma_start3A_197 = tpu.memref_slice %arg6[%add3A_186, %dma_start3A_196] : memref<40x128xi32, #tpu.memory_space<vmem>> -> memref<1x128xi32, #tpu.memory_space<vmem>>
      %dma_start3A_198 = tpu.memref_squeeze %dma_start3A_197 : memref<1x128xi32, #tpu.memory_space<vmem>> -> memref<128xi32, #tpu.memory_space<vmem>>
      %dma_start3A_199 = arith.constant 0 : i32
      %dma_start3A_200 = arith.constant 0 : i32
      %dma_start3A_201 = tpu.memref_slice %arg7[%dma_start3A_199, %dma_start3A_200] : memref<10240x128xf32, #tpu.memory_space<vmem_shared>> -> memref<10240x128xf32, #tpu.memory_space<vmem_shared>>
      tpu.enqueue_indirect_dma source(%arg9 : memref<128x128xf32, #tpu.memory_space<vmem>>) target(%dma_start3A_201 : memref<10240x128xf32, #tpu.memory_space<vmem_shared>>) offsets(%dma_start3A_198 : memref<128xi32, #tpu.memory_space<vmem>>) semaphore(%arg13 : memref<!tpu.dma_semaphore, #tpu.memory_space<semaphore_mem>>) {add = true}
      %dma_wait3A_202 = arith.constant 0 : i32
      %dma_wait3A_203 = tpu.memref_slice %arg6[%add3A_186, %dma_wait3A_202] : memref<40x128xi32, #tpu.memory_space<vmem>> -> memref<1x128xi32, #tpu.memory_space<vmem>>
      %dma_wait3A_204 = tpu.memref_squeeze %dma_wait3A_203 : memref<1x128xi32, #tpu.memory_space<vmem>> -> memref<128xi32, #tpu.memory_space<vmem>>
      %dma_wait3A_205 = arith.constant 0 : i32
      %dma_wait3A_206 = arith.constant 0 : i32
      %dma_wait3A_207 = tpu.memref_slice %arg7[%dma_wait3A_205, %dma_wait3A_206] : memref<10240x128xf32, #tpu.memory_space<vmem_shared>> -> memref<10240x128xf32, #tpu.memory_space<vmem_shared>>
      tpu.wait_indirect_dma semaphore(%arg13 : memref<!tpu.dma_semaphore, #tpu.memory_space<semaphore_mem>>) src(%arg9 : memref<128x128xf32, #tpu.memory_space<vmem>>) dst(%dma_wait3A_207 : memref<10240x128xf32, #tpu.memory_space<vmem_shared>>)
      %add3A_208 = arith.constant 2 : i32
      %add3A_209 = arith.addi %add3A_186, %add3A_208 : i32
      %lt3A_210 = arith.constant 40 : i32
      %lt3A_211 = arith.cmpi slt, %add3A_209, %lt3A_210 : i32
      %convert_element_type3A_212 = arith.extui %lt3A_211 : i1 to i32
      %cond3A_213 = arith.constant 0 : i32
      %cond3A_214 = arith.cmpi ne, %convert_element_type3A_212, %cond3A_213 : i32
      scf.if %cond3A_214 {
        %mul3A_215 = arith.constant 5120 : i32
        %mul3A_216 = arith.muli %add3A, %mul3A_215 : i32
        %mul3A_217 = arith.constant 128 : i32
        %mul3A_218 = arith.muli %add3A_209, %mul3A_217 : i32
        %add3A_219 = arith.addi %mul3A_216, %mul3A_218 : i32
        %dma_start3A_220 = arith.constant 0 : i32
        %dma_start3A_221 = tpu.memref_slice %arg2[%add3A_219, %dma_start3A_220] : memref<163840x128xf32, #tpu.memory_space<hbm>> -> memref<128x128xf32, #tpu.memory_space<hbm>>
        %dma_start3A_222 = arith.constant 0 : i32
        %dma_start3A_223 = tpu.memref_slice %arg2[%add3A_219, %dma_start3A_222] : memref<163840x128xf32, #tpu.memory_space<hbm>> -> memref<128x128xf32, #tpu.memory_space<hbm>>
        tpu.enqueue_dma source(%dma_start3A_223 : memref<128x128xf32, #tpu.memory_space<hbm>>) target(%arg9 : memref<128x128xf32, #tpu.memory_space<vmem>>) target_semaphore(%arg11 : memref<!tpu.dma_semaphore, #tpu.memory_space<semaphore_mem>>)
      } else {
      }
    }
    %scan3A_81 = arith.constant 20 : i32
    %barrier3A_82 = arith.constant 0 : index
    tpu.barrier barrier_id(%barrier3A_82)
    %mul3A_83 = arith.constant 640 : i32
    %mul3A_84 = arith.muli %arg1, %mul3A_83 : i32
    %dma_start3A_85 = arith.constant 0 : i32
    %dma_start3A_86 = tpu.memref_slice %arg7[%mul3A_84, %dma_start3A_85] : memref<10240x128xf32, #tpu.memory_space<vmem_shared>> -> memref<128x128xf32, #tpu.memory_space<vmem_shared>>
    %dma_start3A_87 = arith.constant 0 : i32
    %dma_start3A_88 = tpu.memref_slice %arg7[%mul3A_84, %dma_start3A_87] : memref<10240x128xf32, #tpu.memory_space<vmem_shared>> -> memref<128x128xf32, #tpu.memory_space<vmem_shared>>
    tpu.enqueue_dma source(%dma_start3A_88 : memref<128x128xf32, #tpu.memory_space<vmem_shared>>) target(%arg8 : memref<128x128xf32, #tpu.memory_space<vmem>>) target_semaphore(%arg10 : memref<!tpu.dma_semaphore, #tpu.memory_space<semaphore_mem>>)
    %mul3A_89 = arith.constant 640 : i32
    %mul3A_90 = arith.muli %arg1, %mul3A_89 : i32
    %add3A_91 = arith.constant 0 : i32
    %add3A_92 = arith.addi %mul3A_90, %add3A_91 : i32
    %dma_wait3A_93 = arith.constant 0 : i32
    %dma_wait3A_94 = tpu.memref_slice %arg7[%add3A_92, %dma_wait3A_93] : memref<10240x128xf32, #tpu.memory_space<vmem_shared>> -> memref<128x128xf32, #tpu.memory_space<vmem_shared>>
    %dma_wait3A_95 = arith.constant 0 : i32
    %dma_wait3A_96 = tpu.memref_slice %arg7[%add3A_92, %dma_wait3A_95] : memref<10240x128xf32, #tpu.memory_space<vmem_shared>> -> memref<128x128xf32, #tpu.memory_space<vmem_shared>>
    tpu.wait_dma2 semaphore(%arg10 : memref<!tpu.dma_semaphore, #tpu.memory_space<semaphore_mem>>) src(%dma_wait3A_96 : memref<128x128xf32, #tpu.memory_space<vmem_shared>>) dst(%arg8 : memref<128x128xf32, #tpu.memory_space<vmem>>)
    %add3A_97 = arith.constant 128 : i32
    %add3A_98 = arith.addi %add3A_92, %add3A_97 : i32
    %dma_start3A_99 = arith.constant 0 : i32
    %dma_start3A_100 = tpu.memref_slice %arg7[%add3A_98, %dma_start3A_99] : memref<10240x128xf32, #tpu.memory_space<vmem_shared>> -> memref<128x128xf32, #tpu.memory_space<vmem_shared>>
    %dma_start3A_101 = arith.constant 0 : i32
    %dma_start3A_102 = tpu.memref_slice %arg7[%add3A_98, %dma_start3A_101] : memref<10240x128xf32, #tpu.memory_space<vmem_shared>> -> memref<128x128xf32, #tpu.memory_space<vmem_shared>>
    tpu.enqueue_dma source(%dma_start3A_102 : memref<128x128xf32, #tpu.memory_space<vmem_shared>>) target(%arg9 : memref<128x128xf32, #tpu.memory_space<vmem>>) target_semaphore(%arg11 : memref<!tpu.dma_semaphore, #tpu.memory_space<semaphore_mem>>)
    "tpu.region"() ({
      %run_scoped3A = tpu.sem_alloc : memref<!tpu.dma_semaphore, #tpu.memory_space<semaphore_mem>>
      %dma_start3A_153 = arith.constant 0 : i32
      %dma_start3A_154 = tpu.memref_slice %arg5[%arg0, %add3A_92, %dma_start3A_153] : memref<2x10240x128xf32, #tpu.memory_space<hbm>> -> memref<1x128x128xf32, #tpu.memory_space<hbm>>
      %dma_start3A_155 = tpu.memref_squeeze %dma_start3A_154 : memref<1x128x128xf32, #tpu.memory_space<hbm>> -> memref<128x128xf32, #tpu.memory_space<hbm>>
      %dma_start3A_156 = arith.constant 0 : i32
      %dma_start3A_157 = tpu.memref_slice %arg5[%arg0, %add3A_92, %dma_start3A_156] : memref<2x10240x128xf32, #tpu.memory_space<hbm>> -> memref<1x128x128xf32, #tpu.memory_space<hbm>>
      %dma_start3A_158 = tpu.memref_squeeze %dma_start3A_157 : memref<1x128x128xf32, #tpu.memory_space<hbm>> -> memref<128x128xf32, #tpu.memory_space<hbm>>
      tpu.enqueue_dma source(%arg8 : memref<128x128xf32, #tpu.memory_space<vmem>>) target(%dma_start3A_158 : memref<128x128xf32, #tpu.memory_space<hbm>>) target_semaphore(%run_scoped3A : memref<!tpu.dma_semaphore, #tpu.memory_space<semaphore_mem>>)
      %dma_wait3A_159 = arith.constant 0 : i32
      %dma_wait3A_160 = tpu.memref_slice %arg5[%arg0, %add3A_92, %dma_wait3A_159] : memref<2x10240x128xf32, #tpu.memory_space<hbm>> -> memref<1x128x128xf32, #tpu.memory_space<hbm>>
      %dma_wait3A_161 = tpu.memref_squeeze %dma_wait3A_160 : memref<1x128x128xf32, #tpu.memory_space<hbm>> -> memref<128x128xf32, #tpu.memory_space<hbm>>
      %dma_wait3A_162 = arith.constant 0 : i32
      %dma_wait3A_163 = tpu.memref_slice %arg5[%arg0, %add3A_92, %dma_wait3A_162] : memref<2x10240x128xf32, #tpu.memory_space<hbm>> -> memref<1x128x128xf32, #tpu.memory_space<hbm>>
      %dma_wait3A_164 = tpu.memref_squeeze %dma_wait3A_163 : memref<1x128x128xf32, #tpu.memory_space<hbm>> -> memref<128x128xf32, #tpu.memory_space<hbm>>
      tpu.wait_dma2 semaphore(%run_scoped3A : memref<!tpu.dma_semaphore, #tpu.memory_space<semaphore_mem>>) src(%arg8 : memref<128x128xf32, #tpu.memory_space<vmem>>) dst(%dma_wait3A_164 : memref<128x128xf32, #tpu.memory_space<hbm>>)
      tpu.yield
    }) : () -> ()
    %mul3A_103 = arith.constant 640 : i32
    %mul3A_104 = arith.muli %arg1, %mul3A_103 : i32
    %add3A_105 = arith.constant 128 : i32
    %add3A_106 = arith.addi %mul3A_104, %add3A_105 : i32
    %dma_wait3A_107 = arith.constant 0 : i32
    %dma_wait3A_108 = tpu.memref_slice %arg7[%add3A_106, %dma_wait3A_107] : memref<10240x128xf32, #tpu.memory_space<vmem_shared>> -> memref<128x128xf32, #tpu.memory_space<vmem_shared>>
    %dma_wait3A_109 = arith.constant 0 : i32
    %dma_wait3A_110 = tpu.memref_slice %arg7[%add3A_106, %dma_wait3A_109] : memref<10240x128xf32, #tpu.memory_space<vmem_shared>> -> memref<128x128xf32, #tpu.memory_space<vmem_shared>>
    tpu.wait_dma2 semaphore(%arg11 : memref<!tpu.dma_semaphore, #tpu.memory_space<semaphore_mem>>) src(%dma_wait3A_110 : memref<128x128xf32, #tpu.memory_space<vmem_shared>>) dst(%arg9 : memref<128x128xf32, #tpu.memory_space<vmem>>)
    %add3A_111 = arith.constant 128 : i32
    %add3A_112 = arith.addi %add3A_106, %add3A_111 : i32
    %dma_start3A_113 = arith.constant 0 : i32
    %dma_start3A_114 = tpu.memref_slice %arg7[%add3A_112, %dma_start3A_113] : memref<10240x128xf32, #tpu.memory_space<vmem_shared>> -> memref<128x128xf32, #tpu.memory_space<vmem_shared>>
    %dma_start3A_115 = arith.constant 0 : i32
    %dma_start3A_116 = tpu.memref_slice %arg7[%add3A_112, %dma_start3A_115] : memref<10240x128xf32, #tpu.memory_space<vmem_shared>> -> memref<128x128xf32, #tpu.memory_space<vmem_shared>>
    tpu.enqueue_dma source(%dma_start3A_116 : memref<128x128xf32, #tpu.memory_space<vmem_shared>>) target(%arg8 : memref<128x128xf32, #tpu.memory_space<vmem>>) target_semaphore(%arg10 : memref<!tpu.dma_semaphore, #tpu.memory_space<semaphore_mem>>)
    "tpu.region"() ({
      %run_scoped3A = tpu.sem_alloc : memref<!tpu.dma_semaphore, #tpu.memory_space<semaphore_mem>>
      %dma_start3A_153 = arith.constant 0 : i32
      %dma_start3A_154 = tpu.memref_slice %arg5[%arg0, %add3A_106, %dma_start3A_153] : memref<2x10240x128xf32, #tpu.memory_space<hbm>> -> memref<1x128x128xf32, #tpu.memory_space<hbm>>
      %dma_start3A_155 = tpu.memref_squeeze %dma_start3A_154 : memref<1x128x128xf32, #tpu.memory_space<hbm>> -> memref<128x128xf32, #tpu.memory_space<hbm>>
      %dma_start3A_156 = arith.constant 0 : i32
      %dma_start3A_157 = tpu.memref_slice %arg5[%arg0, %add3A_106, %dma_start3A_156] : memref<2x10240x128xf32, #tpu.memory_space<hbm>> -> memref<1x128x128xf32, #tpu.memory_space<hbm>>
      %dma_start3A_158 = tpu.memref_squeeze %dma_start3A_157 : memref<1x128x128xf32, #tpu.memory_space<hbm>> -> memref<128x128xf32, #tpu.memory_space<hbm>>
      tpu.enqueue_dma source(%arg9 : memref<128x128xf32, #tpu.memory_space<vmem>>) target(%dma_start3A_158 : memref<128x128xf32, #tpu.memory_space<hbm>>) target_semaphore(%run_scoped3A : memref<!tpu.dma_semaphore, #tpu.memory_space<semaphore_mem>>)
      %dma_wait3A_159 = arith.constant 0 : i32
      %dma_wait3A_160 = tpu.memref_slice %arg5[%arg0, %add3A_106, %dma_wait3A_159] : memref<2x10240x128xf32, #tpu.memory_space<hbm>> -> memref<1x128x128xf32, #tpu.memory_space<hbm>>
      %dma_wait3A_161 = tpu.memref_squeeze %dma_wait3A_160 : memref<1x128x128xf32, #tpu.memory_space<hbm>> -> memref<128x128xf32, #tpu.memory_space<hbm>>
      %dma_wait3A_162 = arith.constant 0 : i32
      %dma_wait3A_163 = tpu.memref_slice %arg5[%arg0, %add3A_106, %dma_wait3A_162] : memref<2x10240x128xf32, #tpu.memory_space<hbm>> -> memref<1x128x128xf32, #tpu.memory_space<hbm>>
      %dma_wait3A_164 = tpu.memref_squeeze %dma_wait3A_163 : memref<1x128x128xf32, #tpu.memory_space<hbm>> -> memref<128x128xf32, #tpu.memory_space<hbm>>
      tpu.wait_dma2 semaphore(%run_scoped3A : memref<!tpu.dma_semaphore, #tpu.memory_space<semaphore_mem>>) src(%arg9 : memref<128x128xf32, #tpu.memory_space<vmem>>) dst(%dma_wait3A_164 : memref<128x128xf32, #tpu.memory_space<hbm>>)
      tpu.yield
    }) : () -> ()
    %mul3A_117 = arith.constant 640 : i32
    %mul3A_118 = arith.muli %arg1, %mul3A_117 : i32
    %add3A_119 = arith.constant 256 : i32
    %add3A_120 = arith.addi %mul3A_118, %add3A_119 : i32
    %dma_wait3A_121 = arith.constant 0 : i32
    %dma_wait3A_122 = tpu.memref_slice %arg7[%add3A_120, %dma_wait3A_121] : memref<10240x128xf32, #tpu.memory_space<vmem_shared>> -> memref<128x128xf32, #tpu.memory_space<vmem_shared>>
    %dma_wait3A_123 = arith.constant 0 : i32
    %dma_wait3A_124 = tpu.memref_slice %arg7[%add3A_120, %dma_wait3A_123] : memref<10240x128xf32, #tpu.memory_space<vmem_shared>> -> memref<128x128xf32, #tpu.memory_space<vmem_shared>>
    tpu.wait_dma2 semaphore(%arg10 : memref<!tpu.dma_semaphore, #tpu.memory_space<semaphore_mem>>) src(%dma_wait3A_124 : memref<128x128xf32, #tpu.memory_space<vmem_shared>>) dst(%arg8 : memref<128x128xf32, #tpu.memory_space<vmem>>)
    %add3A_125 = arith.constant 128 : i32
    %add3A_126 = arith.addi %add3A_120, %add3A_125 : i32
    %dma_start3A_127 = arith.constant 0 : i32
    %dma_start3A_128 = tpu.memref_slice %arg7[%add3A_126, %dma_start3A_127] : memref<10240x128xf32, #tpu.memory_space<vmem_shared>> -> memref<128x128xf32, #tpu.memory_space<vmem_shared>>
    %dma_start3A_129 = arith.constant 0 : i32
    %dma_start3A_130 = tpu.memref_slice %arg7[%add3A_126, %dma_start3A_129] : memref<10240x128xf32, #tpu.memory_space<vmem_shared>> -> memref<128x128xf32, #tpu.memory_space<vmem_shared>>
    tpu.enqueue_dma source(%dma_start3A_130 : memref<128x128xf32, #tpu.memory_space<vmem_shared>>) target(%arg9 : memref<128x128xf32, #tpu.memory_space<vmem>>) target_semaphore(%arg11 : memref<!tpu.dma_semaphore, #tpu.memory_space<semaphore_mem>>)
    "tpu.region"() ({
      %run_scoped3A = tpu.sem_alloc : memref<!tpu.dma_semaphore, #tpu.memory_space<semaphore_mem>>
      %dma_start3A_153 = arith.constant 0 : i32
      %dma_start3A_154 = tpu.memref_slice %arg5[%arg0, %add3A_120, %dma_start3A_153] : memref<2x10240x128xf32, #tpu.memory_space<hbm>> -> memref<1x128x128xf32, #tpu.memory_space<hbm>>
      %dma_start3A_155 = tpu.memref_squeeze %dma_start3A_154 : memref<1x128x128xf32, #tpu.memory_space<hbm>> -> memref<128x128xf32, #tpu.memory_space<hbm>>
      %dma_start3A_156 = arith.constant 0 : i32
      %dma_start3A_157 = tpu.memref_slice %arg5[%arg0, %add3A_120, %dma_start3A_156] : memref<2x10240x128xf32, #tpu.memory_space<hbm>> -> memref<1x128x128xf32, #tpu.memory_space<hbm>>
      %dma_start3A_158 = tpu.memref_squeeze %dma_start3A_157 : memref<1x128x128xf32, #tpu.memory_space<hbm>> -> memref<128x128xf32, #tpu.memory_space<hbm>>
      tpu.enqueue_dma source(%arg8 : memref<128x128xf32, #tpu.memory_space<vmem>>) target(%dma_start3A_158 : memref<128x128xf32, #tpu.memory_space<hbm>>) target_semaphore(%run_scoped3A : memref<!tpu.dma_semaphore, #tpu.memory_space<semaphore_mem>>)
      %dma_wait3A_159 = arith.constant 0 : i32
      %dma_wait3A_160 = tpu.memref_slice %arg5[%arg0, %add3A_120, %dma_wait3A_159] : memref<2x10240x128xf32, #tpu.memory_space<hbm>> -> memref<1x128x128xf32, #tpu.memory_space<hbm>>
      %dma_wait3A_161 = tpu.memref_squeeze %dma_wait3A_160 : memref<1x128x128xf32, #tpu.memory_space<hbm>> -> memref<128x128xf32, #tpu.memory_space<hbm>>
      %dma_wait3A_162 = arith.constant 0 : i32
      %dma_wait3A_163 = tpu.memref_slice %arg5[%arg0, %add3A_120, %dma_wait3A_162] : memref<2x10240x128xf32, #tpu.memory_space<hbm>> -> memref<1x128x128xf32, #tpu.memory_space<hbm>>
      %dma_wait3A_164 = tpu.memref_squeeze %dma_wait3A_163 : memref<1x128x128xf32, #tpu.memory_space<hbm>> -> memref<128x128xf32, #tpu.memory_space<hbm>>
      tpu.wait_dma2 semaphore(%run_scoped3A : memref<!tpu.dma_semaphore, #tpu.memory_space<semaphore_mem>>) src(%arg8 : memref<128x128xf32, #tpu.memory_space<vmem>>) dst(%dma_wait3A_164 : memref<128x128xf32, #tpu.memory_space<hbm>>)
      tpu.yield
    }) : () -> ()
    %mul3A_131 = arith.constant 640 : i32
    %mul3A_132 = arith.muli %arg1, %mul3A_131 : i32
    %add3A_133 = arith.constant 384 : i32
    %add3A_134 = arith.addi %mul3A_132, %add3A_133 : i32
    %dma_wait3A_135 = arith.constant 0 : i32
    %dma_wait3A_136 = tpu.memref_slice %arg7[%add3A_134, %dma_wait3A_135] : memref<10240x128xf32, #tpu.memory_space<vmem_shared>> -> memref<128x128xf32, #tpu.memory_space<vmem_shared>>
    %dma_wait3A_137 = arith.constant 0 : i32
    %dma_wait3A_138 = tpu.memref_slice %arg7[%add3A_134, %dma_wait3A_137] : memref<10240x128xf32, #tpu.memory_space<vmem_shared>> -> memref<128x128xf32, #tpu.memory_space<vmem_shared>>
    tpu.wait_dma2 semaphore(%arg11 : memref<!tpu.dma_semaphore, #tpu.memory_space<semaphore_mem>>) src(%dma_wait3A_138 : memref<128x128xf32, #tpu.memory_space<vmem_shared>>) dst(%arg9 : memref<128x128xf32, #tpu.memory_space<vmem>>)
    %add3A_139 = arith.constant 128 : i32
    %add3A_140 = arith.addi %add3A_134, %add3A_139 : i32
    %dma_start3A_141 = arith.constant 0 : i32
    %dma_start3A_142 = tpu.memref_slice %arg7[%add3A_140, %dma_start3A_141] : memref<10240x128xf32, #tpu.memory_space<vmem_shared>> -> memref<128x128xf32, #tpu.memory_space<vmem_shared>>
    %dma_start3A_143 = arith.constant 0 : i32
    %dma_start3A_144 = tpu.memref_slice %arg7[%add3A_140, %dma_start3A_143] : memref<10240x128xf32, #tpu.memory_space<vmem_shared>> -> memref<128x128xf32, #tpu.memory_space<vmem_shared>>
    tpu.enqueue_dma source(%dma_start3A_144 : memref<128x128xf32, #tpu.memory_space<vmem_shared>>) target(%arg8 : memref<128x128xf32, #tpu.memory_space<vmem>>) target_semaphore(%arg10 : memref<!tpu.dma_semaphore, #tpu.memory_space<semaphore_mem>>)
    "tpu.region"() ({
      %run_scoped3A = tpu.sem_alloc : memref<!tpu.dma_semaphore, #tpu.memory_space<semaphore_mem>>
      %dma_start3A_153 = arith.constant 0 : i32
      %dma_start3A_154 = tpu.memref_slice %arg5[%arg0, %add3A_134, %dma_start3A_153] : memref<2x10240x128xf32, #tpu.memory_space<hbm>> -> memref<1x128x128xf32, #tpu.memory_space<hbm>>
      %dma_start3A_155 = tpu.memref_squeeze %dma_start3A_154 : memref<1x128x128xf32, #tpu.memory_space<hbm>> -> memref<128x128xf32, #tpu.memory_space<hbm>>
      %dma_start3A_156 = arith.constant 0 : i32
      %dma_start3A_157 = tpu.memref_slice %arg5[%arg0, %add3A_134, %dma_start3A_156] : memref<2x10240x128xf32, #tpu.memory_space<hbm>> -> memref<1x128x128xf32, #tpu.memory_space<hbm>>
      %dma_start3A_158 = tpu.memref_squeeze %dma_start3A_157 : memref<1x128x128xf32, #tpu.memory_space<hbm>> -> memref<128x128xf32, #tpu.memory_space<hbm>>
      tpu.enqueue_dma source(%arg9 : memref<128x128xf32, #tpu.memory_space<vmem>>) target(%dma_start3A_158 : memref<128x128xf32, #tpu.memory_space<hbm>>) target_semaphore(%run_scoped3A : memref<!tpu.dma_semaphore, #tpu.memory_space<semaphore_mem>>)
      %dma_wait3A_159 = arith.constant 0 : i32
      %dma_wait3A_160 = tpu.memref_slice %arg5[%arg0, %add3A_134, %dma_wait3A_159] : memref<2x10240x128xf32, #tpu.memory_space<hbm>> -> memref<1x128x128xf32, #tpu.memory_space<hbm>>
      %dma_wait3A_161 = tpu.memref_squeeze %dma_wait3A_160 : memref<1x128x128xf32, #tpu.memory_space<hbm>> -> memref<128x128xf32, #tpu.memory_space<hbm>>
      %dma_wait3A_162 = arith.constant 0 : i32
      %dma_wait3A_163 = tpu.memref_slice %arg5[%arg0, %add3A_134, %dma_wait3A_162] : memref<2x10240x128xf32, #tpu.memory_space<hbm>> -> memref<1x128x128xf32, #tpu.memory_space<hbm>>
      %dma_wait3A_164 = tpu.memref_squeeze %dma_wait3A_163 : memref<1x128x128xf32, #tpu.memory_space<hbm>> -> memref<128x128xf32, #tpu.memory_space<hbm>>
      tpu.wait_dma2 semaphore(%run_scoped3A : memref<!tpu.dma_semaphore, #tpu.memory_space<semaphore_mem>>) src(%arg9 : memref<128x128xf32, #tpu.memory_space<vmem>>) dst(%dma_wait3A_164 : memref<128x128xf32, #tpu.memory_space<hbm>>)
      tpu.yield
    }) : () -> ()
    %mul3A_145 = arith.constant 640 : i32
    %mul3A_146 = arith.muli %arg1, %mul3A_145 : i32
    %add3A_147 = arith.constant 512 : i32
    %add3A_148 = arith.addi %mul3A_146, %add3A_147 : i32
    %dma_wait3A_149 = arith.constant 0 : i32
    %dma_wait3A_150 = tpu.memref_slice %arg7[%add3A_148, %dma_wait3A_149] : memref<10240x128xf32, #tpu.memory_space<vmem_shared>> -> memref<128x128xf32, #tpu.memory_space<vmem_shared>>
    %dma_wait3A_151 = arith.constant 0 : i32
    %dma_wait3A_152 = tpu.memref_slice %arg7[%add3A_148, %dma_wait3A_151] : memref<10240x128xf32, #tpu.memory_space<vmem_shared>> -> memref<128x128xf32, #tpu.memory_space<vmem_shared>>
    tpu.wait_dma2 semaphore(%arg10 : memref<!tpu.dma_semaphore, #tpu.memory_space<semaphore_mem>>) src(%dma_wait3A_152 : memref<128x128xf32, #tpu.memory_space<vmem_shared>>) dst(%arg8 : memref<128x128xf32, #tpu.memory_space<vmem>>)
    "tpu.region"() ({
      %run_scoped3A = tpu.sem_alloc : memref<!tpu.dma_semaphore, #tpu.memory_space<semaphore_mem>>
      %dma_start3A_153 = arith.constant 0 : i32
      %dma_start3A_154 = tpu.memref_slice %arg5[%arg0, %add3A_148, %dma_start3A_153] : memref<2x10240x128xf32, #tpu.memory_space<hbm>> -> memref<1x128x128xf32, #tpu.memory_space<hbm>>
      %dma_start3A_155 = tpu.memref_squeeze %dma_start3A_154 : memref<1x128x128xf32, #tpu.memory_space<hbm>> -> memref<128x128xf32, #tpu.memory_space<hbm>>
      %dma_start3A_156 = arith.constant 0 : i32
      %dma_start3A_157 = tpu.memref_slice %arg5[%arg0, %add3A_148, %dma_start3A_156] : memref<2x10240x128xf32, #tpu.memory_space<hbm>> -> memref<1x128x128xf32, #tpu.memory_space<hbm>>
      %dma_start3A_158 = tpu.memref_squeeze %dma_start3A_157 : memref<1x128x128xf32, #tpu.memory_space<hbm>> -> memref<128x128xf32, #tpu.memory_space<hbm>>
      tpu.enqueue_dma source(%arg8 : memref<128x128xf32, #tpu.memory_space<vmem>>) target(%dma_start3A_158 : memref<128x128xf32, #tpu.memory_space<hbm>>) target_semaphore(%run_scoped3A : memref<!tpu.dma_semaphore, #tpu.memory_space<semaphore_mem>>)
      %dma_wait3A_159 = arith.constant 0 : i32
      %dma_wait3A_160 = tpu.memref_slice %arg5[%arg0, %add3A_148, %dma_wait3A_159] : memref<2x10240x128xf32, #tpu.memory_space<hbm>> -> memref<1x128x128xf32, #tpu.memory_space<hbm>>
      %dma_wait3A_161 = tpu.memref_squeeze %dma_wait3A_160 : memref<1x128x128xf32, #tpu.memory_space<hbm>> -> memref<128x128xf32, #tpu.memory_space<hbm>>
      %dma_wait3A_162 = arith.constant 0 : i32
      %dma_wait3A_163 = tpu.memref_slice %arg5[%arg0, %add3A_148, %dma_wait3A_162] : memref<2x10240x128xf32, #tpu.memory_space<hbm>> -> memref<1x128x128xf32, #tpu.memory_space<hbm>>
      %dma_wait3A_164 = tpu.memref_squeeze %dma_wait3A_163 : memref<1x128x128xf32, #tpu.memory_space<hbm>> -> memref<128x128xf32, #tpu.memory_space<hbm>>
      tpu.wait_dma2 semaphore(%run_scoped3A : memref<!tpu.dma_semaphore, #tpu.memory_space<semaphore_mem>>) src(%arg8 : memref<128x128xf32, #tpu.memory_space<vmem>>) dst(%dma_wait3A_164 : memref<128x128xf32, #tpu.memory_space<hbm>>)
      tpu.yield
    }) : () -> ()
    return
  }
}

module attributes {stable_mosaic.version = 14 : i64} {
  func.func @_proj_body(%arg0: i32, %arg1: memref<1024x8xf32, #tpu.memory_space<vmem>>, %arg2: memref<1024x112xf32, #tpu.memory_space<vmem>>, %arg3: memref<8x64xf32, #tpu.memory_space<vmem>>, %arg4: memref<1x64xf32, #tpu.memory_space<vmem>>, %arg5: memref<8x64xf32, #tpu.memory_space<vmem>>, %arg6: memref<1x64xf32, #tpu.memory_space<vmem>>, %arg7: memref<8x64xf32, #tpu.memory_space<vmem>>, %arg8: memref<1x64xf32, #tpu.memory_space<vmem>>, %arg9: memref<112x64xf32, #tpu.memory_space<vmem>>, %arg10: memref<1x64xf32, #tpu.memory_space<vmem>>, %arg11: memref<8x64xf32, #tpu.memory_space<vmem>>, %arg12: memref<1x64xf32, #tpu.memory_space<vmem>>, %arg13: memref<64x8xf32, #tpu.memory_space<vmem>>, %arg14: memref<64x1xf32, #tpu.memory_space<vmem>>, %arg15: memref<1024x128xf32, #tpu.memory_space<vmem>>, %arg16: memref<1024x128xf32, #tpu.memory_space<vmem>>, %arg17: memref<1024x64xf32, #tpu.memory_space<vmem>>) attributes {dimension_semantics = [#tpu.dimension_semantics<arbitrary>], iteration_bounds = array<i64: 10>, scalar_prefetch = 0 : i64, scratch_operands = 0 : i64, tpu.core_type = #tpu.core_type<tc>, window_params = [{transform_indices = @transform_0, window_bounds = array<i64: 1024, 8>}, {transform_indices = @transform_1, window_bounds = array<i64: 1024, 112>}, {pipeline_mode = #tpu.pipeline_mode<synchronous>, transform_indices = @transform_2, window_bounds = array<i64: 8, 64>}, {pipeline_mode = #tpu.pipeline_mode<synchronous>, transform_indices = @transform_3, window_bounds = array<i64: 1, 64>}, {pipeline_mode = #tpu.pipeline_mode<synchronous>, transform_indices = @transform_4, window_bounds = array<i64: 8, 64>}, {pipeline_mode = #tpu.pipeline_mode<synchronous>, transform_indices = @transform_5, window_bounds = array<i64: 1, 64>}, {pipeline_mode = #tpu.pipeline_mode<synchronous>, transform_indices = @transform_6, window_bounds = array<i64: 8, 64>}, {pipeline_mode = #tpu.pipeline_mode<synchronous>, transform_indices = @transform_7, window_bounds = array<i64: 1, 64>}, {pipeline_mode = #tpu.pipeline_mode<synchronous>, transform_indices = @transform_8, window_bounds = array<i64: 112, 64>}, {pipeline_mode = #tpu.pipeline_mode<synchronous>, transform_indices = @transform_9, window_bounds = array<i64: 1, 64>}, {pipeline_mode = #tpu.pipeline_mode<synchronous>, transform_indices = @transform_10, window_bounds = array<i64: 8, 64>}, {pipeline_mode = #tpu.pipeline_mode<synchronous>, transform_indices = @transform_11, window_bounds = array<i64: 1, 64>}, {pipeline_mode = #tpu.pipeline_mode<synchronous>, transform_indices = @transform_12, window_bounds = array<i64: 64, 8>}, {pipeline_mode = #tpu.pipeline_mode<synchronous>, transform_indices = @transform_13, window_bounds = array<i64: 64, 1>}, {transform_indices = @transform_14, window_bounds = array<i64: 1024, 128>}, {transform_indices = @transform_15, window_bounds = array<i64: 1024, 128>}, {transform_indices = @transform_16, window_bounds = array<i64: 1024, 64>}]} {
    %get3A = arith.constant 0 : index
    %get3A_0 = arith.constant 0 : index
    %get3A_1 = vector.load %arg1[%get3A, %get3A_0] : memref<1024x8xf32, #tpu.memory_space<vmem>>, vector<1024x8xf32>
    %get3A_2 = arith.constant 0 : index
    %get3A_3 = arith.constant 0 : index
    %get3A_4 = vector.load %arg2[%get3A_2, %get3A_3] : memref<1024x112xf32, #tpu.memory_space<vmem>>, vector<1024x112xf32>
    %get3A_5 = arith.constant 0 : index
    %get3A_6 = arith.constant 0 : index
    %get3A_7 = vector.load %arg3[%get3A_5, %get3A_6] : memref<8x64xf32, #tpu.memory_space<vmem>>, vector<8x64xf32>
    %dot_general3A = arith.constant dense<0.000000e+00> : vector<1024x64xf32>
    %dot_general3A_8 = tpu.matmul %get3A_1, %get3A_7, %dot_general3A {dimension_numbers = #tpu.dot_dimension_numbers<[1], [0], [0], [1], [0, 0, 1, 1], [], []>, transpose_lhs_hint = false} : vector<1024x8xf32>, vector<8x64xf32>, vector<1024x64xf32> -> vector<1024x64xf32>
    %get3A_9 = arith.constant 0 : index
    %get3A_10 = arith.constant 0 : index
    %get3A_11 = vector.load %arg4[%get3A_9, %get3A_10] : memref<1x64xf32, #tpu.memory_space<vmem>>, vector<1x64xf32>
    %add3A = vector.broadcast %get3A_11 : vector<1x64xf32> to vector<1024x64xf32>
    %add3A_12 = arith.addf %dot_general3A_8, %add3A : vector<1024x64xf32>
    %get3A_13 = arith.constant 0 : index
    %get3A_14 = arith.constant 0 : index
    %get3A_15 = vector.load %arg5[%get3A_13, %get3A_14] : memref<8x64xf32, #tpu.memory_space<vmem>>, vector<8x64xf32>
    %dot_general3A_16 = arith.constant dense<0.000000e+00> : vector<1024x64xf32>
    %dot_general3A_17 = tpu.matmul %get3A_1, %get3A_15, %dot_general3A_16 {dimension_numbers = #tpu.dot_dimension_numbers<[1], [0], [0], [1], [0, 0, 1, 1], [], []>, transpose_lhs_hint = false} : vector<1024x8xf32>, vector<8x64xf32>, vector<1024x64xf32> -> vector<1024x64xf32>
    %get3A_18 = arith.constant 0 : index
    %get3A_19 = arith.constant 0 : index
    %get3A_20 = vector.load %arg6[%get3A_18, %get3A_19] : memref<1x64xf32, #tpu.memory_space<vmem>>, vector<1x64xf32>
    %add3A_21 = vector.broadcast %get3A_20 : vector<1x64xf32> to vector<1024x64xf32>
    %add3A_22 = arith.addf %dot_general3A_17, %add3A_21 : vector<1024x64xf32>
    %get3A_23 = arith.constant 0 : index
    %get3A_24 = arith.constant 0 : index
    %get3A_25 = vector.load %arg7[%get3A_23, %get3A_24] : memref<8x64xf32, #tpu.memory_space<vmem>>, vector<8x64xf32>
    %dot_general3A_26 = arith.constant dense<0.000000e+00> : vector<1024x64xf32>
    %dot_general3A_27 = tpu.matmul %get3A_1, %get3A_25, %dot_general3A_26 {dimension_numbers = #tpu.dot_dimension_numbers<[1], [0], [0], [1], [0, 0, 1, 1], [], []>, transpose_lhs_hint = false} : vector<1024x8xf32>, vector<8x64xf32>, vector<1024x64xf32> -> vector<1024x64xf32>
    %get3A_28 = arith.constant 0 : index
    %get3A_29 = arith.constant 0 : index
    %get3A_30 = vector.load %arg8[%get3A_28, %get3A_29] : memref<1x64xf32, #tpu.memory_space<vmem>>, vector<1x64xf32>
    %add3A_31 = vector.broadcast %get3A_30 : vector<1x64xf32> to vector<1024x64xf32>
    %add3A_32 = arith.addf %dot_general3A_27, %add3A_31 : vector<1024x64xf32>
    %get3A_33 = arith.constant 0 : index
    %get3A_34 = arith.constant 0 : index
    %get3A_35 = vector.load %arg9[%get3A_33, %get3A_34] : memref<112x64xf32, #tpu.memory_space<vmem>>, vector<112x64xf32>
    %dot_general3A_36 = arith.constant dense<0.000000e+00> : vector<1024x64xf32>
    %dot_general3A_37 = tpu.matmul %get3A_4, %get3A_35, %dot_general3A_36 {dimension_numbers = #tpu.dot_dimension_numbers<[1], [0], [0], [1], [0, 0, 1, 1], [], []>, transpose_lhs_hint = false} : vector<1024x112xf32>, vector<112x64xf32>, vector<1024x64xf32> -> vector<1024x64xf32>
    %get3A_38 = arith.constant 0 : index
    %get3A_39 = arith.constant 0 : index
    %get3A_40 = vector.load %arg10[%get3A_38, %get3A_39] : memref<1x64xf32, #tpu.memory_space<vmem>>, vector<1x64xf32>
    %add3A_41 = vector.broadcast %get3A_40 : vector<1x64xf32> to vector<1024x64xf32>
    %add3A_42 = arith.addf %dot_general3A_37, %add3A_41 : vector<1024x64xf32>
    %add3A_43 = arith.addf %add3A_32, %add3A_42 : vector<1024x64xf32>
    %get3A_44 = arith.constant 0 : index
    %get3A_45 = arith.constant 0 : index
    %get3A_46 = vector.load %arg11[%get3A_44, %get3A_45] : memref<8x64xf32, #tpu.memory_space<vmem>>, vector<8x64xf32>
    %dot_general3A_47 = arith.constant dense<0.000000e+00> : vector<1024x64xf32>
    %dot_general3A_48 = tpu.matmul %get3A_1, %get3A_46, %dot_general3A_47 {dimension_numbers = #tpu.dot_dimension_numbers<[1], [0], [0], [1], [0, 0, 1, 1], [], []>, transpose_lhs_hint = false} : vector<1024x8xf32>, vector<8x64xf32>, vector<1024x64xf32> -> vector<1024x64xf32>
    %get3A_49 = arith.constant 0 : index
    %get3A_50 = arith.constant 0 : index
    %get3A_51 = vector.load %arg12[%get3A_49, %get3A_50] : memref<1x64xf32, #tpu.memory_space<vmem>>, vector<1x64xf32>
    %add3A_52 = vector.broadcast %get3A_51 : vector<1x64xf32> to vector<1024x64xf32>
    %add3A_53 = arith.addf %dot_general3A_48, %add3A_52 : vector<1024x64xf32>
    %swap3A = arith.constant 0 : index
    %swap3A_54 = arith.constant 0 : index
    %swap3A_55 = vector.load %arg17[%swap3A, %swap3A_54] : memref<1024x64xf32, #tpu.memory_space<vmem>>, vector<1024x64xf32>
    tpu.vector_store %arg17[%swap3A, %swap3A_54], %add3A_53 {strides = array<i32>} : memref<1024x64xf32, #tpu.memory_space<vmem>>, vector<1024x64xf32>,
    %get3A_56 = arith.constant 0 : index
    %get3A_57 = arith.constant 0 : index
    %get3A_58 = vector.load %arg13[%get3A_56, %get3A_57] : memref<64x8xf32, #tpu.memory_space<vmem>>, vector<64x8xf32>
    %dot_general3A_59 = arith.constant dense<0.000000e+00> : vector<1024x8xf32>
    %dot_general3A_60 = tpu.matmul %add3A_12, %get3A_58, %dot_general3A_59 {dimension_numbers = #tpu.dot_dimension_numbers<[1], [0], [0], [1], [0, 0, 1, 1], [], []>, transpose_lhs_hint = false} : vector<1024x64xf32>, vector<64x8xf32>, vector<1024x8xf32> -> vector<1024x8xf32>
    %get3A_61 = arith.constant 0 : index
    %get3A_62 = arith.constant 0 : index
    %get3A_63 = vector.load %arg14[%get3A_61, %get3A_62] : memref<64x1xf32, #tpu.memory_space<vmem>>, vector<64x1xf32>
    %dot_general3A_64 = arith.constant dense<0.000000e+00> : vector<1024x1xf32>
    %dot_general3A_65 = tpu.matmul %add3A_12, %get3A_63, %dot_general3A_64 {dimension_numbers = #tpu.dot_dimension_numbers<[1], [0], [0], [1], [0, 0, 1, 1], [], []>, transpose_lhs_hint = false} : vector<1024x64xf32>, vector<64x1xf32>, vector<1024x1xf32> -> vector<1024x1xf32>
    %broadcast_in_dim3A = arith.constant 0.000000e+00 : f32
    %broadcast_in_dim3A_66 = vector.broadcast %broadcast_in_dim3A : f32 to vector<1024x55xf32>
    %concatenate3A = tpu.concatenate %add3A_12, %dot_general3A_60, %dot_general3A_65, %broadcast_in_dim3A_66 in 1 : vector<1024x64xf32>, vector<1024x8xf32>, vector<1024x1xf32>, vector<1024x55xf32> -> vector<1024x128xf32>
    %swap3A_67 = arith.constant 0 : index
    %swap3A_68 = arith.constant 0 : index
    %swap3A_69 = vector.load %arg15[%swap3A_67, %swap3A_68] : memref<1024x128xf32, #tpu.memory_space<vmem>>, vector<1024x128xf32>
    tpu.vector_store %arg15[%swap3A_67, %swap3A_68], %concatenate3A {strides = array<i32>} : memref<1024x128xf32, #tpu.memory_space<vmem>>, vector<1024x128xf32>,
    %concatenate3A_70 = tpu.concatenate %add3A_22, %add3A_43 in 1 : vector<1024x64xf32>, vector<1024x64xf32> -> vector<1024x128xf32>
    %swap3A_71 = arith.constant 0 : index
    %swap3A_72 = arith.constant 0 : index
    %swap3A_73 = vector.load %arg16[%swap3A_71, %swap3A_72] : memref<1024x128xf32, #tpu.memory_space<vmem>>, vector<1024x128xf32>
    tpu.vector_store %arg16[%swap3A_71, %swap3A_72], %concatenate3A_70 {strides = array<i32>} : memref<1024x128xf32, #tpu.memory_space<vmem>>, vector<1024x128xf32>,
    return
  }
  func.func @transform_0(%arg0: i32) -> (i32, i32) {
    %c0_i32 = arith.constant 0 : i32
    %c0_i32_0 = arith.constant 0 : i32
    return %arg0, %c0_i32 : i32, i32
  }
  func.func @transform_1(%arg0: i32) -> (i32, i32) {
    %c0_i32 = arith.constant 0 : i32
    %c0_i32_0 = arith.constant 0 : i32
    return %arg0, %c0_i32 : i32, i32
  }
  func.func @transform_2(%arg0: i32) -> (i32, i32) {
    %c0_i32 = arith.constant 0 : i32
    %c0_i32_0 = arith.constant 0 : i32
    %c0_i32_1 = arith.constant 0 : i32
    return %c0_i32, %c0_i32_0 : i32, i32
  }
  func.func @transform_3(%arg0: i32) -> (i32, i32) {
    %c0_i32 = arith.constant 0 : i32
    %c0_i32_0 = arith.constant 0 : i32
    %c0_i32_1 = arith.constant 0 : i32
    return %c0_i32, %c0_i32_0 : i32, i32
  }
  func.func @transform_4(%arg0: i32) -> (i32, i32) {
    %c0_i32 = arith.constant 0 : i32
    %c0_i32_0 = arith.constant 0 : i32
    %c0_i32_1 = arith.constant 0 : i32
    return %c0_i32, %c0_i32_0 : i32, i32
  }
  func.func @transform_5(%arg0: i32) -> (i32, i32) {
    %c0_i32 = arith.constant 0 : i32
    %c0_i32_0 = arith.constant 0 : i32
    %c0_i32_1 = arith.constant 0 : i32
    return %c0_i32, %c0_i32_0 : i32, i32
  }
  func.func @transform_6(%arg0: i32) -> (i32, i32) {
    %c0_i32 = arith.constant 0 : i32
    %c0_i32_0 = arith.constant 0 : i32
    %c0_i32_1 = arith.constant 0 : i32
    return %c0_i32, %c0_i32_0 : i32, i32
  }
  func.func @transform_7(%arg0: i32) -> (i32, i32) {
    %c0_i32 = arith.constant 0 : i32
    %c0_i32_0 = arith.constant 0 : i32
    %c0_i32_1 = arith.constant 0 : i32
    return %c0_i32, %c0_i32_0 : i32, i32
  }
  func.func @transform_8(%arg0: i32) -> (i32, i32) {
    %c0_i32 = arith.constant 0 : i32
    %c0_i32_0 = arith.constant 0 : i32
    %c0_i32_1 = arith.constant 0 : i32
    return %c0_i32, %c0_i32_0 : i32, i32
  }
  func.func @transform_9(%arg0: i32) -> (i32, i32) {
    %c0_i32 = arith.constant 0 : i32
    %c0_i32_0 = arith.constant 0 : i32
    %c0_i32_1 = arith.constant 0 : i32
    return %c0_i32, %c0_i32_0 : i32, i32
  }
  func.func @transform_10(%arg0: i32) -> (i32, i32) {
    %c0_i32 = arith.constant 0 : i32
    %c0_i32_0 = arith.constant 0 : i32
    %c0_i32_1 = arith.constant 0 : i32
    return %c0_i32, %c0_i32_0 : i32, i32
  }
  func.func @transform_11(%arg0: i32) -> (i32, i32) {
    %c0_i32 = arith.constant 0 : i32
    %c0_i32_0 = arith.constant 0 : i32
    %c0_i32_1 = arith.constant 0 : i32
    return %c0_i32, %c0_i32_0 : i32, i32
  }
  func.func @transform_12(%arg0: i32) -> (i32, i32) {
    %c0_i32 = arith.constant 0 : i32
    %c0_i32_0 = arith.constant 0 : i32
    %c0_i32_1 = arith.constant 0 : i32
    return %c0_i32, %c0_i32_0 : i32, i32
  }
  func.func @transform_13(%arg0: i32) -> (i32, i32) {
    %c0_i32 = arith.constant 0 : i32
    %c0_i32_0 = arith.constant 0 : i32
    %c0_i32_1 = arith.constant 0 : i32
    return %c0_i32, %c0_i32_0 : i32, i32
  }
  func.func @transform_14(%arg0: i32) -> (i32, i32) {
    %c0_i32 = arith.constant 0 : i32
    %c0_i32_0 = arith.constant 0 : i32
    return %arg0, %c0_i32 : i32, i32
  }
  func.func @transform_15(%arg0: i32) -> (i32, i32) {
    %c0_i32 = arith.constant 0 : i32
    %c0_i32_0 = arith.constant 0 : i32
    return %arg0, %c0_i32 : i32, i32
  }
  func.func @transform_16(%arg0: i32) -> (i32, i32) {
    %c0_i32 = arith.constant 0 : i32
    %c0_i32_0 = arith.constant 0 : i32
    return %arg0, %c0_i32 : i32, i32
  }
}

module attributes {stable_mosaic.version = 14 : i64} {
  func.func @_logits_body(%arg0: i32, %arg1: memref<2048x128xf32, #tpu.memory_space<vmem>>, %arg2: memref<2048x128xf32, #tpu.memory_space<vmem>>, %arg3: memref<2048x16xf32, #tpu.memory_space<vmem>>, %arg4: memref<2048x1xf32, #tpu.memory_space<vmem>>, %arg5: memref<1x1xf32, #tpu.memory_space<vmem>>, %arg6: memref<1xf32, #tpu.memory_space<smem>>) attributes {dimension_semantics = [#tpu.dimension_semantics<arbitrary>], iteration_bounds = array<i64: 80>, scalar_prefetch = 0 : i64, scratch_operands = 1 : i64, tpu.core_type = #tpu.core_type<tc>, window_params = [{transform_indices = @transform_0, window_bounds = array<i64: 2048, 128>}, {transform_indices = @transform_1, window_bounds = array<i64: 2048, 128>}, {transform_indices = @transform_2, window_bounds = array<i64: 2048, 16>}, {transform_indices = @transform_3, window_bounds = array<i64: 2048, 1>}, {pipeline_mode = #tpu.pipeline_mode<synchronous>, transform_indices = @transform_4, window_bounds = array<i64: 1, 1>}]} {
    %get3A = arith.constant 0 : index
    %get3A_0 = arith.constant 0 : index
    %get3A_1 = vector.load %arg1[%get3A, %get3A_0] : memref<2048x128xf32, #tpu.memory_space<vmem>>, vector<2048x128xf32>
    %slice3A = vector.extract_strided_slice %get3A_1 {offsets = [0, 0], sizes = [2048, 64], strides = [1, 1]} : vector<2048x128xf32> to vector<2048x64xf32>
    %slice3A_2 = vector.extract_strided_slice %get3A_1 {offsets = [0, 64], sizes = [2048, 16], strides = [1, 1]} : vector<2048x128xf32> to vector<2048x16xf32>
    %get3A_3 = arith.constant 0 : index
    %get3A_4 = arith.constant 0 : index
    %get3A_5 = vector.load %arg2[%get3A_3, %get3A_4] : memref<2048x128xf32, #tpu.memory_space<vmem>>, vector<2048x128xf32>
    %slice3A_6 = vector.extract_strided_slice %get3A_5 {offsets = [0, 0], sizes = [2048, 64], strides = [1, 1]} : vector<2048x128xf32> to vector<2048x64xf32>
    %mul3A = arith.mulf %slice3A, %slice3A_6 : vector<2048x64xf32>
    %reduce_sum3A = arith.constant dense<0.000000e+00> : vector<2048xf32>
    %reduce_sum3A_7 = vector.multi_reduction <add>, %mul3A, %reduce_sum3A [1] : vector<2048x64xf32> to vector<2048xf32>
    %broadcast_in_dim3A = vector.shape_cast %reduce_sum3A_7 : vector<2048xf32> to vector<2048x1xf32>
    %get3A_8 = arith.constant 0 : index
    %get3A_9 = arith.constant 0 : index
    %get3A_10 = vector.load %arg3[%get3A_8, %get3A_9] : memref<2048x16xf32, #tpu.memory_space<vmem>>, vector<2048x16xf32>
    %mul3A_11 = arith.mulf %slice3A_2, %get3A_10 : vector<2048x16xf32>
    %reduce_sum3A_12 = arith.constant dense<0.000000e+00> : vector<2048xf32>
    %reduce_sum3A_13 = vector.multi_reduction <add>, %mul3A_11, %reduce_sum3A_12 [1] : vector<2048x16xf32> to vector<2048xf32>
    %broadcast_in_dim3A_14 = vector.shape_cast %reduce_sum3A_13 : vector<2048xf32> to vector<2048x1xf32>
    %add3A = arith.addf %broadcast_in_dim3A, %broadcast_in_dim3A_14 : vector<2048x1xf32>
    %mul3A_15 = arith.constant 1.250000e-01 : f32
    %mul3A_16 = vector.broadcast %mul3A_15 : f32 to vector<2048x1xf32>
    %mul3A_17 = arith.mulf %add3A, %mul3A_16 : vector<2048x1xf32>
    %swap3A = arith.constant 0 : index
    %swap3A_18 = arith.constant 0 : index
    %swap3A_19 = vector.load %arg4[%swap3A, %swap3A_18] : memref<2048x1xf32, #tpu.memory_space<vmem>>, vector<2048x1xf32>
    tpu.vector_store %arg4[%swap3A, %swap3A_18], %mul3A_17 {strides = array<i32>} : memref<2048x1xf32, #tpu.memory_space<vmem>>, vector<2048x1xf32>,
    %reduce_max3A = vector.shape_cast %mul3A_17 : vector<2048x1xf32> to vector<1x2048x1xf32>
    %reduce_max3A_20 = arith.constant dense<0xFF800000> : vector<1xf32>
    %reduce_max3A_21 = vector.multi_reduction <maximumf>, %reduce_max3A, %reduce_max3A_20 [1, 2] : vector<1x2048x1xf32> to vector<1xf32>
    %reduce_max3A_22 = vector.shape_cast %reduce_max3A_21 : vector<1xf32> to vector<1x1x1xf32>
    %reduce_max3A_23 = vector.extract %reduce_max3A_22[0, 0, 0] : f32 from vector<1x1x1xf32>
    %eq3A = arith.constant 0 : i32
    %eq3A_24 = arith.cmpi eq, %arg0, %eq3A : i32
    %convert_element_type3A = arith.extui %eq3A_24 : i1 to i32
    %cond3A = arith.constant 0 : i32
    %cond3A_25 = arith.cmpi ne, %convert_element_type3A, %cond3A : i32
    scf.if %cond3A_25 {
      %swap3A_35 = arith.constant 0 : index
      %swap3A_36 = memref.load %arg6[%swap3A_35] : memref<1xf32, #tpu.memory_space<smem>>
      memref.store %reduce_max3A_23, %arg6[%swap3A_35] : memref<1xf32, #tpu.memory_space<smem>>
    } else {
    }
    %gt3A = arith.constant 0 : i32
    %gt3A_26 = arith.cmpi sgt, %arg0, %gt3A : i32
    %convert_element_type3A_27 = arith.extui %gt3A_26 : i1 to i32
    %cond3A_28 = arith.constant 0 : i32
    %cond3A_29 = arith.cmpi ne, %convert_element_type3A_27, %cond3A_28 : i32
    scf.if %cond3A_29 {
      %get3A_35 = arith.constant 0 : index
      %get3A_36 = memref.load %arg6[%get3A_35] : memref<1xf32, #tpu.memory_space<smem>>
      %max3A = arith.maximumf %get3A_36, %reduce_max3A_23 : f32
      %swap3A_37 = arith.constant 0 : index
      %swap3A_38 = memref.load %arg6[%swap3A_37] : memref<1xf32, #tpu.memory_space<smem>>
      memref.store %max3A, %arg6[%swap3A_37] : memref<1xf32, #tpu.memory_space<smem>>
    } else {
    }
    %eq3A_30 = arith.constant 79 : i32
    %eq3A_31 = arith.cmpi eq, %arg0, %eq3A_30 : i32
    %convert_element_type3A_32 = arith.extui %eq3A_31 : i1 to i32
    %cond3A_33 = arith.constant 0 : i32
    %cond3A_34 = arith.cmpi ne, %convert_element_type3A_32, %cond3A_33 : i32
    scf.if %cond3A_34 {
      %get3A_35 = arith.constant 0 : index
      %get3A_36 = memref.load %arg6[%get3A_35] : memref<1xf32, #tpu.memory_space<smem>>
      %broadcast_in_dim3A_37 = vector.broadcast %get3A_36 : f32 to vector<1x1xf32>
      %swap3A_38 = arith.constant 0 : index
      %swap3A_39 = arith.constant 0 : index
      %swap3A_40 = vector.load %arg5[%swap3A_38, %swap3A_39] : memref<1x1xf32, #tpu.memory_space<vmem>>, vector<1x1xf32>
      tpu.vector_store %arg5[%swap3A_38, %swap3A_39], %broadcast_in_dim3A_37 {strides = array<i32>} : memref<1x1xf32, #tpu.memory_space<vmem>>, vector<1x1xf32>,
    } else {
    }
    return
  }
  func.func @transform_0(%arg0: i32) -> (i32, i32) {
    %c0_i32 = arith.constant 0 : i32
    %c0_i32_0 = arith.constant 0 : i32
    return %arg0, %c0_i32 : i32, i32
  }
  func.func @transform_1(%arg0: i32) -> (i32, i32) {
    %c0_i32 = arith.constant 0 : i32
    %c0_i32_0 = arith.constant 0 : i32
    return %arg0, %c0_i32 : i32, i32
  }
  func.func @transform_2(%arg0: i32) -> (i32, i32) {
    %c0_i32 = arith.constant 0 : i32
    %c0_i32_0 = arith.constant 0 : i32
    return %arg0, %c0_i32 : i32, i32
  }
  func.func @transform_3(%arg0: i32) -> (i32, i32) {
    %c0_i32 = arith.constant 0 : i32
    %c0_i32_0 = arith.constant 0 : i32
    return %arg0, %c0_i32 : i32, i32
  }
  func.func @transform_4(%arg0: i32) -> (i32, i32) {
    %c0_i32 = arith.constant 0 : i32
    %c0_i32_0 = arith.constant 0 : i32
    %c0_i32_1 = arith.constant 0 : i32
    return %c0_i32, %c0_i32_0 : i32, i32
  }
}

module attributes {stable_mosaic.version = 14 : i64} {
  func.func @_msg_body(%arg0: i32, %arg1: memref<2048x1xf32, #tpu.memory_space<vmem>>, %arg2: memref<1x1xf32, #tpu.memory_space<vmem>>, %arg3: memref<2048x128xf32, #tpu.memory_space<vmem>>, %arg4: memref<2048x128xf32, #tpu.memory_space<vmem>>) attributes {dimension_semantics = [#tpu.dimension_semantics<arbitrary>], iteration_bounds = array<i64: 80>, scalar_prefetch = 0 : i64, scratch_operands = 0 : i64, tpu.core_type = #tpu.core_type<tc>, window_params = [{transform_indices = @transform_0, window_bounds = array<i64: 2048, 1>}, {pipeline_mode = #tpu.pipeline_mode<synchronous>, transform_indices = @transform_1, window_bounds = array<i64: 1, 1>}, {transform_indices = @transform_2, window_bounds = array<i64: 2048, 128>}, {transform_indices = @transform_3, window_bounds = array<i64: 2048, 128>}]} {
    %get3A = arith.constant 0 : index
    %get3A_0 = arith.constant 0 : index
    %get3A_1 = vector.load %arg1[%get3A, %get3A_0] : memref<2048x1xf32, #tpu.memory_space<vmem>>, vector<2048x1xf32>
    %get3A_2 = arith.constant 0 : index
    %get3A_3 = arith.constant 0 : index
    %get3A_4 = vector.load %arg2[%get3A_2, %get3A_3] : memref<1x1xf32, #tpu.memory_space<vmem>>, vector<1x1xf32>
    %get3A_5 = vector.extract %get3A_4[0, 0] : f32 from vector<1x1xf32>
    %sub3A = vector.broadcast %get3A_5 : f32 to vector<2048x1xf32>
    %sub3A_6 = arith.subf %get3A_1, %sub3A : vector<2048x1xf32>
    %exp3A = math.exp %sub3A_6 : vector<2048x1xf32>
    %get3A_7 = arith.constant 0 : index
    %get3A_8 = arith.constant 0 : index
    %get3A_9 = vector.load %arg3[%get3A_7, %get3A_8] : memref<2048x128xf32, #tpu.memory_space<vmem>>, vector<2048x128xf32>
    %slice3A = vector.extract_strided_slice %get3A_9 {offsets = [0, 64], sizes = [2048, 64], strides = [1, 1]} : vector<2048x128xf32> to vector<2048x64xf32>
    %mul3A = vector.broadcast %exp3A : vector<2048x1xf32> to vector<2048x64xf32>
    %mul3A_10 = arith.mulf %slice3A, %mul3A : vector<2048x64xf32>
    %broadcast_in_dim3A = arith.constant 0.000000e+00 : f32
    %broadcast_in_dim3A_11 = vector.broadcast %broadcast_in_dim3A : f32 to vector<2048x63xf32>
    %concatenate3A = tpu.concatenate %mul3A_10, %exp3A, %broadcast_in_dim3A_11 in 1 : vector<2048x64xf32>, vector<2048x1xf32>, vector<2048x63xf32> -> vector<2048x128xf32>
    %swap3A = arith.constant 0 : index
    %swap3A_12 = arith.constant 0 : index
    %swap3A_13 = vector.load %arg4[%swap3A, %swap3A_12] : memref<2048x128xf32, #tpu.memory_space<vmem>>, vector<2048x128xf32>
    tpu.vector_store %arg4[%swap3A, %swap3A_12], %concatenate3A {strides = array<i32>} : memref<2048x128xf32, #tpu.memory_space<vmem>>, vector<2048x128xf32>,
    return
  }
  func.func @transform_0(%arg0: i32) -> (i32, i32) {
    %c0_i32 = arith.constant 0 : i32
    %c0_i32_0 = arith.constant 0 : i32
    return %arg0, %c0_i32 : i32, i32
  }
  func.func @transform_1(%arg0: i32) -> (i32, i32) {
    %c0_i32 = arith.constant 0 : i32
    %c0_i32_0 = arith.constant 0 : i32
    %c0_i32_1 = arith.constant 0 : i32
    return %c0_i32, %c0_i32_0 : i32, i32
  }
  func.func @transform_2(%arg0: i32) -> (i32, i32) {
    %c0_i32 = arith.constant 0 : i32
    %c0_i32_0 = arith.constant 0 : i32
    return %arg0, %c0_i32 : i32, i32
  }
  func.func @transform_3(%arg0: i32) -> (i32, i32) {
    %c0_i32 = arith.constant 0 : i32
    %c0_i32_0 = arith.constant 0 : i32
    return %arg0, %c0_i32 : i32, i32
  }
}

module attributes {stable_mosaic.version = 14 : i64} {
  func.func @_combine_body(%arg0: i32, %arg1: memref<1024x128xf32, #tpu.memory_space<vmem>>, %arg2: memref<1024x128xf32, #tpu.memory_space<vmem>>, %arg3: memref<1024x64xf32, #tpu.memory_space<vmem>>, %arg4: memref<1024x64xf32, #tpu.memory_space<vmem>>) attributes {dimension_semantics = [#tpu.dimension_semantics<arbitrary>], iteration_bounds = array<i64: 10>, scalar_prefetch = 0 : i64, scratch_operands = 0 : i64, tpu.core_type = #tpu.core_type<tc>, window_params = [{transform_indices = @transform_0, window_bounds = array<i64: 1024, 128>}, {transform_indices = @transform_1, window_bounds = array<i64: 1024, 128>}, {transform_indices = @transform_2, window_bounds = array<i64: 1024, 64>}, {transform_indices = @transform_3, window_bounds = array<i64: 1024, 64>}]} {
    %get3A = arith.constant 0 : index
    %get3A_0 = arith.constant 0 : index
    %get3A_1 = vector.load %arg1[%get3A, %get3A_0] : memref<1024x128xf32, #tpu.memory_space<vmem>>, vector<1024x128xf32>
    %get3A_2 = arith.constant 0 : index
    %get3A_3 = arith.constant 0 : index
    %get3A_4 = vector.load %arg2[%get3A_2, %get3A_3] : memref<1024x128xf32, #tpu.memory_space<vmem>>, vector<1024x128xf32>
    %add3A = arith.addf %get3A_1, %get3A_4 : vector<1024x128xf32>
    %slice3A = vector.extract_strided_slice %add3A {offsets = [0, 0], sizes = [1024, 64], strides = [1, 1]} : vector<1024x128xf32> to vector<1024x64xf32>
    %slice3A_5 = vector.extract_strided_slice %add3A {offsets = [0, 64], sizes = [1024, 1], strides = [1, 1]} : vector<1024x128xf32> to vector<1024x1xf32>
    %add3A_6 = arith.constant 1.000000e-16 : f32
    %add3A_7 = vector.broadcast %add3A_6 : f32 to vector<1024x1xf32>
    %add3A_8 = arith.addf %slice3A_5, %add3A_7 : vector<1024x1xf32>
    %div3A = vector.broadcast %add3A_8 : vector<1024x1xf32> to vector<1024x64xf32>
    %div3A_9 = arith.divf %slice3A, %div3A : vector<1024x64xf32>
    %get3A_10 = arith.constant 0 : index
    %get3A_11 = arith.constant 0 : index
    %get3A_12 = vector.load %arg3[%get3A_10, %get3A_11] : memref<1024x64xf32, #tpu.memory_space<vmem>>, vector<1024x64xf32>
    %add3A_13 = arith.addf %div3A_9, %get3A_12 : vector<1024x64xf32>
    %max3A = arith.constant 0.000000e+00 : f32
    %max3A_14 = vector.broadcast %max3A : f32 to vector<1024x64xf32>
    %max3A_15 = arith.maximumf %add3A_13, %max3A_14 : vector<1024x64xf32>
    %swap3A = arith.constant 0 : index
    %swap3A_16 = arith.constant 0 : index
    %swap3A_17 = vector.load %arg4[%swap3A, %swap3A_16] : memref<1024x64xf32, #tpu.memory_space<vmem>>, vector<1024x64xf32>
    tpu.vector_store %arg4[%swap3A, %swap3A_16], %max3A_15 {strides = array<i32>} : memref<1024x64xf32, #tpu.memory_space<vmem>>, vector<1024x64xf32>,
    return
  }
  func.func @transform_0(%arg0: i32) -> (i32, i32) {
    %c0_i32 = arith.constant 0 : i32
    %c0_i32_0 = arith.constant 0 : i32
    return %arg0, %c0_i32 : i32, i32
  }
  func.func @transform_1(%arg0: i32) -> (i32, i32) {
    %c0_i32 = arith.constant 0 : i32
    %c0_i32_0 = arith.constant 0 : i32
    return %arg0, %c0_i32 : i32, i32
  }
  func.func @transform_2(%arg0: i32) -> (i32, i32) {
    %c0_i32 = arith.constant 0 : i32
    %c0_i32_0 = arith.constant 0 : i32
    return %arg0, %c0_i32 : i32, i32
  }
  func.func @transform_3(%arg0: i32) -> (i32, i32) {
    %c0_i32 = arith.constant 0 : i32
    %c0_i32_0 = arith.constant 0 : i32
    return %arg0, %c0_i32 : i32, i32
  }
}

module attributes {stable_mosaic.version = 14 : i64} {
  func.func @_proj_body(%arg0: i32, %arg1: memref<1024x64xf32, #tpu.memory_space<vmem>>, %arg2: memref<1024x112xf32, #tpu.memory_space<vmem>>, %arg3: memref<64x64xf32, #tpu.memory_space<vmem>>, %arg4: memref<1x64xf32, #tpu.memory_space<vmem>>, %arg5: memref<64x64xf32, #tpu.memory_space<vmem>>, %arg6: memref<1x64xf32, #tpu.memory_space<vmem>>, %arg7: memref<64x64xf32, #tpu.memory_space<vmem>>, %arg8: memref<1x64xf32, #tpu.memory_space<vmem>>, %arg9: memref<112x64xf32, #tpu.memory_space<vmem>>, %arg10: memref<1x64xf32, #tpu.memory_space<vmem>>, %arg11: memref<64x64xf32, #tpu.memory_space<vmem>>, %arg12: memref<1x64xf32, #tpu.memory_space<vmem>>, %arg13: memref<64x8xf32, #tpu.memory_space<vmem>>, %arg14: memref<64x1xf32, #tpu.memory_space<vmem>>, %arg15: memref<1024x128xf32, #tpu.memory_space<vmem>>, %arg16: memref<1024x128xf32, #tpu.memory_space<vmem>>, %arg17: memref<1024x64xf32, #tpu.memory_space<vmem>>) attributes {dimension_semantics = [#tpu.dimension_semantics<arbitrary>], iteration_bounds = array<i64: 10>, scalar_prefetch = 0 : i64, scratch_operands = 0 : i64, tpu.core_type = #tpu.core_type<tc>, window_params = [{transform_indices = @transform_0, window_bounds = array<i64: 1024, 64>}, {transform_indices = @transform_1, window_bounds = array<i64: 1024, 112>}, {pipeline_mode = #tpu.pipeline_mode<synchronous>, transform_indices = @transform_2, window_bounds = array<i64: 64, 64>}, {pipeline_mode = #tpu.pipeline_mode<synchronous>, transform_indices = @transform_3, window_bounds = array<i64: 1, 64>}, {pipeline_mode = #tpu.pipeline_mode<synchronous>, transform_indices = @transform_4, window_bounds = array<i64: 64, 64>}, {pipeline_mode = #tpu.pipeline_mode<synchronous>, transform_indices = @transform_5, window_bounds = array<i64: 1, 64>}, {pipeline_mode = #tpu.pipeline_mode<synchronous>, transform_indices = @transform_6, window_bounds = array<i64: 64, 64>}, {pipeline_mode = #tpu.pipeline_mode<synchronous>, transform_indices = @transform_7, window_bounds = array<i64: 1, 64>}, {pipeline_mode = #tpu.pipeline_mode<synchronous>, transform_indices = @transform_8, window_bounds = array<i64: 112, 64>}, {pipeline_mode = #tpu.pipeline_mode<synchronous>, transform_indices = @transform_9, window_bounds = array<i64: 1, 64>}, {pipeline_mode = #tpu.pipeline_mode<synchronous>, transform_indices = @transform_10, window_bounds = array<i64: 64, 64>}, {pipeline_mode = #tpu.pipeline_mode<synchronous>, transform_indices = @transform_11, window_bounds = array<i64: 1, 64>}, {pipeline_mode = #tpu.pipeline_mode<synchronous>, transform_indices = @transform_12, window_bounds = array<i64: 64, 8>}, {pipeline_mode = #tpu.pipeline_mode<synchronous>, transform_indices = @transform_13, window_bounds = array<i64: 64, 1>}, {transform_indices = @transform_14, window_bounds = array<i64: 1024, 128>}, {transform_indices = @transform_15, window_bounds = array<i64: 1024, 128>}, {transform_indices = @transform_16, window_bounds = array<i64: 1024, 64>}]} {
    %get3A = arith.constant 0 : index
    %get3A_0 = arith.constant 0 : index
    %get3A_1 = vector.load %arg1[%get3A, %get3A_0] : memref<1024x64xf32, #tpu.memory_space<vmem>>, vector<1024x64xf32>
    %get3A_2 = arith.constant 0 : index
    %get3A_3 = arith.constant 0 : index
    %get3A_4 = vector.load %arg2[%get3A_2, %get3A_3] : memref<1024x112xf32, #tpu.memory_space<vmem>>, vector<1024x112xf32>
    %get3A_5 = arith.constant 0 : index
    %get3A_6 = arith.constant 0 : index
    %get3A_7 = vector.load %arg3[%get3A_5, %get3A_6] : memref<64x64xf32, #tpu.memory_space<vmem>>, vector<64x64xf32>
    %dot_general3A = arith.constant dense<0.000000e+00> : vector<1024x64xf32>
    %dot_general3A_8 = tpu.matmul %get3A_1, %get3A_7, %dot_general3A {dimension_numbers = #tpu.dot_dimension_numbers<[1], [0], [0], [1], [0, 0, 1, 1], [], []>, transpose_lhs_hint = false} : vector<1024x64xf32>, vector<64x64xf32>, vector<1024x64xf32> -> vector<1024x64xf32>
    %get3A_9 = arith.constant 0 : index
    %get3A_10 = arith.constant 0 : index
    %get3A_11 = vector.load %arg4[%get3A_9, %get3A_10] : memref<1x64xf32, #tpu.memory_space<vmem>>, vector<1x64xf32>
    %add3A = vector.broadcast %get3A_11 : vector<1x64xf32> to vector<1024x64xf32>
    %add3A_12 = arith.addf %dot_general3A_8, %add3A : vector<1024x64xf32>
    %get3A_13 = arith.constant 0 : index
    %get3A_14 = arith.constant 0 : index
    %get3A_15 = vector.load %arg5[%get3A_13, %get3A_14] : memref<64x64xf32, #tpu.memory_space<vmem>>, vector<64x64xf32>
    %dot_general3A_16 = arith.constant dense<0.000000e+00> : vector<1024x64xf32>
    %dot_general3A_17 = tpu.matmul %get3A_1, %get3A_15, %dot_general3A_16 {dimension_numbers = #tpu.dot_dimension_numbers<[1], [0], [0], [1], [0, 0, 1, 1], [], []>, transpose_lhs_hint = false} : vector<1024x64xf32>, vector<64x64xf32>, vector<1024x64xf32> -> vector<1024x64xf32>
    %get3A_18 = arith.constant 0 : index
    %get3A_19 = arith.constant 0 : index
    %get3A_20 = vector.load %arg6[%get3A_18, %get3A_19] : memref<1x64xf32, #tpu.memory_space<vmem>>, vector<1x64xf32>
    %add3A_21 = vector.broadcast %get3A_20 : vector<1x64xf32> to vector<1024x64xf32>
    %add3A_22 = arith.addf %dot_general3A_17, %add3A_21 : vector<1024x64xf32>
    %get3A_23 = arith.constant 0 : index
    %get3A_24 = arith.constant 0 : index
    %get3A_25 = vector.load %arg7[%get3A_23, %get3A_24] : memref<64x64xf32, #tpu.memory_space<vmem>>, vector<64x64xf32>
    %dot_general3A_26 = arith.constant dense<0.000000e+00> : vector<1024x64xf32>
    %dot_general3A_27 = tpu.matmul %get3A_1, %get3A_25, %dot_general3A_26 {dimension_numbers = #tpu.dot_dimension_numbers<[1], [0], [0], [1], [0, 0, 1, 1], [], []>, transpose_lhs_hint = false} : vector<1024x64xf32>, vector<64x64xf32>, vector<1024x64xf32> -> vector<1024x64xf32>
    %get3A_28 = arith.constant 0 : index
    %get3A_29 = arith.constant 0 : index
    %get3A_30 = vector.load %arg8[%get3A_28, %get3A_29] : memref<1x64xf32, #tpu.memory_space<vmem>>, vector<1x64xf32>
    %add3A_31 = vector.broadcast %get3A_30 : vector<1x64xf32> to vector<1024x64xf32>
    %add3A_32 = arith.addf %dot_general3A_27, %add3A_31 : vector<1024x64xf32>
    %get3A_33 = arith.constant 0 : index
    %get3A_34 = arith.constant 0 : index
    %get3A_35 = vector.load %arg9[%get3A_33, %get3A_34] : memref<112x64xf32, #tpu.memory_space<vmem>>, vector<112x64xf32>
    %dot_general3A_36 = arith.constant dense<0.000000e+00> : vector<1024x64xf32>
    %dot_general3A_37 = tpu.matmul %get3A_4, %get3A_35, %dot_general3A_36 {dimension_numbers = #tpu.dot_dimension_numbers<[1], [0], [0], [1], [0, 0, 1, 1], [], []>, transpose_lhs_hint = false} : vector<1024x112xf32>, vector<112x64xf32>, vector<1024x64xf32> -> vector<1024x64xf32>
    %get3A_38 = arith.constant 0 : index
    %get3A_39 = arith.constant 0 : index
    %get3A_40 = vector.load %arg10[%get3A_38, %get3A_39] : memref<1x64xf32, #tpu.memory_space<vmem>>, vector<1x64xf32>
    %add3A_41 = vector.broadcast %get3A_40 : vector<1x64xf32> to vector<1024x64xf32>
    %add3A_42 = arith.addf %dot_general3A_37, %add3A_41 : vector<1024x64xf32>
    %add3A_43 = arith.addf %add3A_32, %add3A_42 : vector<1024x64xf32>
    %get3A_44 = arith.constant 0 : index
    %get3A_45 = arith.constant 0 : index
    %get3A_46 = vector.load %arg11[%get3A_44, %get3A_45] : memref<64x64xf32, #tpu.memory_space<vmem>>, vector<64x64xf32>
    %dot_general3A_47 = arith.constant dense<0.000000e+00> : vector<1024x64xf32>
    %dot_general3A_48 = tpu.matmul %get3A_1, %get3A_46, %dot_general3A_47 {dimension_numbers = #tpu.dot_dimension_numbers<[1], [0], [0], [1], [0, 0, 1, 1], [], []>, transpose_lhs_hint = false} : vector<1024x64xf32>, vector<64x64xf32>, vector<1024x64xf32> -> vector<1024x64xf32>
    %get3A_49 = arith.constant 0 : index
    %get3A_50 = arith.constant 0 : index
    %get3A_51 = vector.load %arg12[%get3A_49, %get3A_50] : memref<1x64xf32, #tpu.memory_space<vmem>>, vector<1x64xf32>
    %add3A_52 = vector.broadcast %get3A_51 : vector<1x64xf32> to vector<1024x64xf32>
    %add3A_53 = arith.addf %dot_general3A_48, %add3A_52 : vector<1024x64xf32>
    %swap3A = arith.constant 0 : index
    %swap3A_54 = arith.constant 0 : index
    %swap3A_55 = vector.load %arg17[%swap3A, %swap3A_54] : memref<1024x64xf32, #tpu.memory_space<vmem>>, vector<1024x64xf32>
    tpu.vector_store %arg17[%swap3A, %swap3A_54], %add3A_53 {strides = array<i32>} : memref<1024x64xf32, #tpu.memory_space<vmem>>, vector<1024x64xf32>,
    %get3A_56 = arith.constant 0 : index
    %get3A_57 = arith.constant 0 : index
    %get3A_58 = vector.load %arg13[%get3A_56, %get3A_57] : memref<64x8xf32, #tpu.memory_space<vmem>>, vector<64x8xf32>
    %dot_general3A_59 = arith.constant dense<0.000000e+00> : vector<1024x8xf32>
    %dot_general3A_60 = tpu.matmul %add3A_12, %get3A_58, %dot_general3A_59 {dimension_numbers = #tpu.dot_dimension_numbers<[1], [0], [0], [1], [0, 0, 1, 1], [], []>, transpose_lhs_hint = false} : vector<1024x64xf32>, vector<64x8xf32>, vector<1024x8xf32> -> vector<1024x8xf32>
    %get3A_61 = arith.constant 0 : index
    %get3A_62 = arith.constant 0 : index
    %get3A_63 = vector.load %arg14[%get3A_61, %get3A_62] : memref<64x1xf32, #tpu.memory_space<vmem>>, vector<64x1xf32>
    %dot_general3A_64 = arith.constant dense<0.000000e+00> : vector<1024x1xf32>
    %dot_general3A_65 = tpu.matmul %add3A_12, %get3A_63, %dot_general3A_64 {dimension_numbers = #tpu.dot_dimension_numbers<[1], [0], [0], [1], [0, 0, 1, 1], [], []>, transpose_lhs_hint = false} : vector<1024x64xf32>, vector<64x1xf32>, vector<1024x1xf32> -> vector<1024x1xf32>
    %broadcast_in_dim3A = arith.constant 0.000000e+00 : f32
    %broadcast_in_dim3A_66 = vector.broadcast %broadcast_in_dim3A : f32 to vector<1024x55xf32>
    %concatenate3A = tpu.concatenate %add3A_12, %dot_general3A_60, %dot_general3A_65, %broadcast_in_dim3A_66 in 1 : vector<1024x64xf32>, vector<1024x8xf32>, vector<1024x1xf32>, vector<1024x55xf32> -> vector<1024x128xf32>
    %swap3A_67 = arith.constant 0 : index
    %swap3A_68 = arith.constant 0 : index
    %swap3A_69 = vector.load %arg15[%swap3A_67, %swap3A_68] : memref<1024x128xf32, #tpu.memory_space<vmem>>, vector<1024x128xf32>
    tpu.vector_store %arg15[%swap3A_67, %swap3A_68], %concatenate3A {strides = array<i32>} : memref<1024x128xf32, #tpu.memory_space<vmem>>, vector<1024x128xf32>,
    %concatenate3A_70 = tpu.concatenate %add3A_22, %add3A_43 in 1 : vector<1024x64xf32>, vector<1024x64xf32> -> vector<1024x128xf32>
    %swap3A_71 = arith.constant 0 : index
    %swap3A_72 = arith.constant 0 : index
    %swap3A_73 = vector.load %arg16[%swap3A_71, %swap3A_72] : memref<1024x128xf32, #tpu.memory_space<vmem>>, vector<1024x128xf32>
    tpu.vector_store %arg16[%swap3A_71, %swap3A_72], %concatenate3A_70 {strides = array<i32>} : memref<1024x128xf32, #tpu.memory_space<vmem>>, vector<1024x128xf32>,
    return
  }
  func.func @transform_0(%arg0: i32) -> (i32, i32) {
    %c0_i32 = arith.constant 0 : i32
    %c0_i32_0 = arith.constant 0 : i32
    return %arg0, %c0_i32 : i32, i32
  }
  func.func @transform_1(%arg0: i32) -> (i32, i32) {
    %c0_i32 = arith.constant 0 : i32
    %c0_i32_0 = arith.constant 0 : i32
    return %arg0, %c0_i32 : i32, i32
  }
  func.func @transform_2(%arg0: i32) -> (i32, i32) {
    %c0_i32 = arith.constant 0 : i32
    %c0_i32_0 = arith.constant 0 : i32
    %c0_i32_1 = arith.constant 0 : i32
    return %c0_i32, %c0_i32_0 : i32, i32
  }
  func.func @transform_3(%arg0: i32) -> (i32, i32) {
    %c0_i32 = arith.constant 0 : i32
    %c0_i32_0 = arith.constant 0 : i32
    %c0_i32_1 = arith.constant 0 : i32
    return %c0_i32, %c0_i32_0 : i32, i32
  }
  func.func @transform_4(%arg0: i32) -> (i32, i32) {
    %c0_i32 = arith.constant 0 : i32
    %c0_i32_0 = arith.constant 0 : i32
    %c0_i32_1 = arith.constant 0 : i32
    return %c0_i32, %c0_i32_0 : i32, i32
  }
  func.func @transform_5(%arg0: i32) -> (i32, i32) {
    %c0_i32 = arith.constant 0 : i32
    %c0_i32_0 = arith.constant 0 : i32
    %c0_i32_1 = arith.constant 0 : i32
    return %c0_i32, %c0_i32_0 : i32, i32
  }
  func.func @transform_6(%arg0: i32) -> (i32, i32) {
    %c0_i32 = arith.constant 0 : i32
    %c0_i32_0 = arith.constant 0 : i32
    %c0_i32_1 = arith.constant 0 : i32
    return %c0_i32, %c0_i32_0 : i32, i32
  }
  func.func @transform_7(%arg0: i32) -> (i32, i32) {
    %c0_i32 = arith.constant 0 : i32
    %c0_i32_0 = arith.constant 0 : i32
    %c0_i32_1 = arith.constant 0 : i32
    return %c0_i32, %c0_i32_0 : i32, i32
  }
  func.func @transform_8(%arg0: i32) -> (i32, i32) {
    %c0_i32 = arith.constant 0 : i32
    %c0_i32_0 = arith.constant 0 : i32
    %c0_i32_1 = arith.constant 0 : i32
    return %c0_i32, %c0_i32_0 : i32, i32
  }
  func.func @transform_9(%arg0: i32) -> (i32, i32) {
    %c0_i32 = arith.constant 0 : i32
    %c0_i32_0 = arith.constant 0 : i32
    %c0_i32_1 = arith.constant 0 : i32
    return %c0_i32, %c0_i32_0 : i32, i32
  }
  func.func @transform_10(%arg0: i32) -> (i32, i32) {
    %c0_i32 = arith.constant 0 : i32
    %c0_i32_0 = arith.constant 0 : i32
    %c0_i32_1 = arith.constant 0 : i32
    return %c0_i32, %c0_i32_0 : i32, i32
  }
  func.func @transform_11(%arg0: i32) -> (i32, i32) {
    %c0_i32 = arith.constant 0 : i32
    %c0_i32_0 = arith.constant 0 : i32
    %c0_i32_1 = arith.constant 0 : i32
    return %c0_i32, %c0_i32_0 : i32, i32
  }
  func.func @transform_12(%arg0: i32) -> (i32, i32) {
    %c0_i32 = arith.constant 0 : i32
    %c0_i32_0 = arith.constant 0 : i32
    %c0_i32_1 = arith.constant 0 : i32
    return %c0_i32, %c0_i32_0 : i32, i32
  }
  func.func @transform_13(%arg0: i32) -> (i32, i32) {
    %c0_i32 = arith.constant 0 : i32
    %c0_i32_0 = arith.constant 0 : i32
    %c0_i32_1 = arith.constant 0 : i32
    return %c0_i32, %c0_i32_0 : i32, i32
  }
  func.func @transform_14(%arg0: i32) -> (i32, i32) {
    %c0_i32 = arith.constant 0 : i32
    %c0_i32_0 = arith.constant 0 : i32
    return %arg0, %c0_i32 : i32, i32
  }
  func.func @transform_15(%arg0: i32) -> (i32, i32) {
    %c0_i32 = arith.constant 0 : i32
    %c0_i32_0 = arith.constant 0 : i32
    return %arg0, %c0_i32 : i32, i32
  }
  func.func @transform_16(%arg0: i32) -> (i32, i32) {
    %c0_i32 = arith.constant 0 : i32
    %c0_i32_0 = arith.constant 0 : i32
    return %arg0, %c0_i32 : i32, i32
  }
}

module attributes {stable_mosaic.version = 14 : i64} {
  func.func @_proj_body(%arg0: i32, %arg1: memref<1024x64xf32, #tpu.memory_space<vmem>>, %arg2: memref<1024x112xf32, #tpu.memory_space<vmem>>, %arg3: memref<64x112xf32, #tpu.memory_space<vmem>>, %arg4: memref<1x112xf32, #tpu.memory_space<vmem>>, %arg5: memref<64x112xf32, #tpu.memory_space<vmem>>, %arg6: memref<1x112xf32, #tpu.memory_space<vmem>>, %arg7: memref<64x112xf32, #tpu.memory_space<vmem>>, %arg8: memref<1x112xf32, #tpu.memory_space<vmem>>, %arg9: memref<112x112xf32, #tpu.memory_space<vmem>>, %arg10: memref<1x112xf32, #tpu.memory_space<vmem>>, %arg11: memref<64x112xf32, #tpu.memory_space<vmem>>, %arg12: memref<1x112xf32, #tpu.memory_space<vmem>>, %arg13: memref<112x8xf32, #tpu.memory_space<vmem>>, %arg14: memref<112x1xf32, #tpu.memory_space<vmem>>, %arg15: memref<1024x128xf32, #tpu.memory_space<vmem>>, %arg16: memref<1024x256xf32, #tpu.memory_space<vmem>>, %arg17: memref<1024x112xf32, #tpu.memory_space<vmem>>) attributes {dimension_semantics = [#tpu.dimension_semantics<arbitrary>], iteration_bounds = array<i64: 10>, scalar_prefetch = 0 : i64, scratch_operands = 0 : i64, tpu.core_type = #tpu.core_type<tc>, window_params = [{transform_indices = @transform_0, window_bounds = array<i64: 1024, 64>}, {transform_indices = @transform_1, window_bounds = array<i64: 1024, 112>}, {pipeline_mode = #tpu.pipeline_mode<synchronous>, transform_indices = @transform_2, window_bounds = array<i64: 64, 112>}, {pipeline_mode = #tpu.pipeline_mode<synchronous>, transform_indices = @transform_3, window_bounds = array<i64: 1, 112>}, {pipeline_mode = #tpu.pipeline_mode<synchronous>, transform_indices = @transform_4, window_bounds = array<i64: 64, 112>}, {pipeline_mode = #tpu.pipeline_mode<synchronous>, transform_indices = @transform_5, window_bounds = array<i64: 1, 112>}, {pipeline_mode = #tpu.pipeline_mode<synchronous>, transform_indices = @transform_6, window_bounds = array<i64: 64, 112>}, {pipeline_mode = #tpu.pipeline_mode<synchronous>, transform_indices = @transform_7, window_bounds = array<i64: 1, 112>}, {pipeline_mode = #tpu.pipeline_mode<synchronous>, transform_indices = @transform_8, window_bounds = array<i64: 112, 112>}, {pipeline_mode = #tpu.pipeline_mode<synchronous>, transform_indices = @transform_9, window_bounds = array<i64: 1, 112>}, {pipeline_mode = #tpu.pipeline_mode<synchronous>, transform_indices = @transform_10, window_bounds = array<i64: 64, 112>}, {pipeline_mode = #tpu.pipeline_mode<synchronous>, transform_indices = @transform_11, window_bounds = array<i64: 1, 112>}, {pipeline_mode = #tpu.pipeline_mode<synchronous>, transform_indices = @transform_12, window_bounds = array<i64: 112, 8>}, {pipeline_mode = #tpu.pipeline_mode<synchronous>, transform_indices = @transform_13, window_bounds = array<i64: 112, 1>}, {transform_indices = @transform_14, window_bounds = array<i64: 1024, 128>}, {transform_indices = @transform_15, window_bounds = array<i64: 1024, 256>}, {transform_indices = @transform_16, window_bounds = array<i64: 1024, 112>}]} {
    %get3A = arith.constant 0 : index
    %get3A_0 = arith.constant 0 : index
    %get3A_1 = vector.load %arg1[%get3A, %get3A_0] : memref<1024x64xf32, #tpu.memory_space<vmem>>, vector<1024x64xf32>
    %get3A_2 = arith.constant 0 : index
    %get3A_3 = arith.constant 0 : index
    %get3A_4 = vector.load %arg2[%get3A_2, %get3A_3] : memref<1024x112xf32, #tpu.memory_space<vmem>>, vector<1024x112xf32>
    %get3A_5 = arith.constant 0 : index
    %get3A_6 = arith.constant 0 : index
    %get3A_7 = vector.load %arg3[%get3A_5, %get3A_6] : memref<64x112xf32, #tpu.memory_space<vmem>>, vector<64x112xf32>
    %dot_general3A = arith.constant dense<0.000000e+00> : vector<1024x112xf32>
    %dot_general3A_8 = tpu.matmul %get3A_1, %get3A_7, %dot_general3A {dimension_numbers = #tpu.dot_dimension_numbers<[1], [0], [0], [1], [0, 0, 1, 1], [], []>, transpose_lhs_hint = false} : vector<1024x64xf32>, vector<64x112xf32>, vector<1024x112xf32> -> vector<1024x112xf32>
    %get3A_9 = arith.constant 0 : index
    %get3A_10 = arith.constant 0 : index
    %get3A_11 = vector.load %arg4[%get3A_9, %get3A_10] : memref<1x112xf32, #tpu.memory_space<vmem>>, vector<1x112xf32>
    %add3A = vector.broadcast %get3A_11 : vector<1x112xf32> to vector<1024x112xf32>
    %add3A_12 = arith.addf %dot_general3A_8, %add3A : vector<1024x112xf32>
    %get3A_13 = arith.constant 0 : index
    %get3A_14 = arith.constant 0 : index
    %get3A_15 = vector.load %arg5[%get3A_13, %get3A_14] : memref<64x112xf32, #tpu.memory_space<vmem>>, vector<64x112xf32>
    %dot_general3A_16 = arith.constant dense<0.000000e+00> : vector<1024x112xf32>
    %dot_general3A_17 = tpu.matmul %get3A_1, %get3A_15, %dot_general3A_16 {dimension_numbers = #tpu.dot_dimension_numbers<[1], [0], [0], [1], [0, 0, 1, 1], [], []>, transpose_lhs_hint = false} : vector<1024x64xf32>, vector<64x112xf32>, vector<1024x112xf32> -> vector<1024x112xf32>
    %get3A_18 = arith.constant 0 : index
    %get3A_19 = arith.constant 0 : index
    %get3A_20 = vector.load %arg6[%get3A_18, %get3A_19] : memref<1x112xf32, #tpu.memory_space<vmem>>, vector<1x112xf32>
    %add3A_21 = vector.broadcast %get3A_20 : vector<1x112xf32> to vector<1024x112xf32>
    %add3A_22 = arith.addf %dot_general3A_17, %add3A_21 : vector<1024x112xf32>
    %get3A_23 = arith.constant 0 : index
    %get3A_24 = arith.constant 0 : index
    %get3A_25 = vector.load %arg7[%get3A_23, %get3A_24] : memref<64x112xf32, #tpu.memory_space<vmem>>, vector<64x112xf32>
    %dot_general3A_26 = arith.constant dense<0.000000e+00> : vector<1024x112xf32>
    %dot_general3A_27 = tpu.matmul %get3A_1, %get3A_25, %dot_general3A_26 {dimension_numbers = #tpu.dot_dimension_numbers<[1], [0], [0], [1], [0, 0, 1, 1], [], []>, transpose_lhs_hint = false} : vector<1024x64xf32>, vector<64x112xf32>, vector<1024x112xf32> -> vector<1024x112xf32>
    %get3A_28 = arith.constant 0 : index
    %get3A_29 = arith.constant 0 : index
    %get3A_30 = vector.load %arg8[%get3A_28, %get3A_29] : memref<1x112xf32, #tpu.memory_space<vmem>>, vector<1x112xf32>
    %add3A_31 = vector.broadcast %get3A_30 : vector<1x112xf32> to vector<1024x112xf32>
    %add3A_32 = arith.addf %dot_general3A_27, %add3A_31 : vector<1024x112xf32>
    %get3A_33 = arith.constant 0 : index
    %get3A_34 = arith.constant 0 : index
    %get3A_35 = vector.load %arg9[%get3A_33, %get3A_34] : memref<112x112xf32, #tpu.memory_space<vmem>>, vector<112x112xf32>
    %dot_general3A_36 = arith.constant dense<0.000000e+00> : vector<1024x112xf32>
    %dot_general3A_37 = tpu.matmul %get3A_4, %get3A_35, %dot_general3A_36 {dimension_numbers = #tpu.dot_dimension_numbers<[1], [0], [0], [1], [0, 0, 1, 1], [], []>, transpose_lhs_hint = false} : vector<1024x112xf32>, vector<112x112xf32>, vector<1024x112xf32> -> vector<1024x112xf32>
    %get3A_38 = arith.constant 0 : index
    %get3A_39 = arith.constant 0 : index
    %get3A_40 = vector.load %arg10[%get3A_38, %get3A_39] : memref<1x112xf32, #tpu.memory_space<vmem>>, vector<1x112xf32>
    %add3A_41 = vector.broadcast %get3A_40 : vector<1x112xf32> to vector<1024x112xf32>
    %add3A_42 = arith.addf %dot_general3A_37, %add3A_41 : vector<1024x112xf32>
    %add3A_43 = arith.addf %add3A_32, %add3A_42 : vector<1024x112xf32>
    %get3A_44 = arith.constant 0 : index
    %get3A_45 = arith.constant 0 : index
    %get3A_46 = vector.load %arg11[%get3A_44, %get3A_45] : memref<64x112xf32, #tpu.memory_space<vmem>>, vector<64x112xf32>
    %dot_general3A_47 = arith.constant dense<0.000000e+00> : vector<1024x112xf32>
    %dot_general3A_48 = tpu.matmul %get3A_1, %get3A_46, %dot_general3A_47 {dimension_numbers = #tpu.dot_dimension_numbers<[1], [0], [0], [1], [0, 0, 1, 1], [], []>, transpose_lhs_hint = false} : vector<1024x64xf32>, vector<64x112xf32>, vector<1024x112xf32> -> vector<1024x112xf32>
    %get3A_49 = arith.constant 0 : index
    %get3A_50 = arith.constant 0 : index
    %get3A_51 = vector.load %arg12[%get3A_49, %get3A_50] : memref<1x112xf32, #tpu.memory_space<vmem>>, vector<1x112xf32>
    %add3A_52 = vector.broadcast %get3A_51 : vector<1x112xf32> to vector<1024x112xf32>
    %add3A_53 = arith.addf %dot_general3A_48, %add3A_52 : vector<1024x112xf32>
    %swap3A = arith.constant 0 : index
    %swap3A_54 = arith.constant 0 : index
    %swap3A_55 = vector.load %arg17[%swap3A, %swap3A_54] : memref<1024x112xf32, #tpu.memory_space<vmem>>, vector<1024x112xf32>
    tpu.vector_store %arg17[%swap3A, %swap3A_54], %add3A_53 {strides = array<i32>} : memref<1024x112xf32, #tpu.memory_space<vmem>>, vector<1024x112xf32>,
    %get3A_56 = arith.constant 0 : index
    %get3A_57 = arith.constant 0 : index
    %get3A_58 = vector.load %arg13[%get3A_56, %get3A_57] : memref<112x8xf32, #tpu.memory_space<vmem>>, vector<112x8xf32>
    %dot_general3A_59 = arith.constant dense<0.000000e+00> : vector<1024x8xf32>
    %dot_general3A_60 = tpu.matmul %add3A_12, %get3A_58, %dot_general3A_59 {dimension_numbers = #tpu.dot_dimension_numbers<[1], [0], [0], [1], [0, 0, 1, 1], [], []>, transpose_lhs_hint = false} : vector<1024x112xf32>, vector<112x8xf32>, vector<1024x8xf32> -> vector<1024x8xf32>
    %get3A_61 = arith.constant 0 : index
    %get3A_62 = arith.constant 0 : index
    %get3A_63 = vector.load %arg14[%get3A_61, %get3A_62] : memref<112x1xf32, #tpu.memory_space<vmem>>, vector<112x1xf32>
    %dot_general3A_64 = arith.constant dense<0.000000e+00> : vector<1024x1xf32>
    %dot_general3A_65 = tpu.matmul %add3A_12, %get3A_63, %dot_general3A_64 {dimension_numbers = #tpu.dot_dimension_numbers<[1], [0], [0], [1], [0, 0, 1, 1], [], []>, transpose_lhs_hint = false} : vector<1024x112xf32>, vector<112x1xf32>, vector<1024x1xf32> -> vector<1024x1xf32>
    %broadcast_in_dim3A = arith.constant 0.000000e+00 : f32
    %broadcast_in_dim3A_66 = vector.broadcast %broadcast_in_dim3A : f32 to vector<1024x7xf32>
    %concatenate3A = tpu.concatenate %add3A_12, %dot_general3A_60, %dot_general3A_65, %broadcast_in_dim3A_66 in 1 : vector<1024x112xf32>, vector<1024x8xf32>, vector<1024x1xf32>, vector<1024x7xf32> -> vector<1024x128xf32>
    %swap3A_67 = arith.constant 0 : index
    %swap3A_68 = arith.constant 0 : index
    %swap3A_69 = vector.load %arg15[%swap3A_67, %swap3A_68] : memref<1024x128xf32, #tpu.memory_space<vmem>>, vector<1024x128xf32>
    tpu.vector_store %arg15[%swap3A_67, %swap3A_68], %concatenate3A {strides = array<i32>} : memref<1024x128xf32, #tpu.memory_space<vmem>>, vector<1024x128xf32>,
    %broadcast_in_dim3A_70 = arith.constant 0.000000e+00 : f32
    %broadcast_in_dim3A_71 = vector.broadcast %broadcast_in_dim3A_70 : f32 to vector<1024x32xf32>
    %concatenate3A_72 = tpu.concatenate %add3A_22, %add3A_43, %broadcast_in_dim3A_71 in 1 : vector<1024x112xf32>, vector<1024x112xf32>, vector<1024x32xf32> -> vector<1024x256xf32>
    %swap3A_73 = arith.constant 0 : index
    %swap3A_74 = arith.constant 0 : index
    %swap3A_75 = vector.load %arg16[%swap3A_73, %swap3A_74] : memref<1024x256xf32, #tpu.memory_space<vmem>>, vector<1024x256xf32>
    tpu.vector_store %arg16[%swap3A_73, %swap3A_74], %concatenate3A_72 {strides = array<i32>} : memref<1024x256xf32, #tpu.memory_space<vmem>>, vector<1024x256xf32>,
    return
  }
  func.func @transform_0(%arg0: i32) -> (i32, i32) {
    %c0_i32 = arith.constant 0 : i32
    %c0_i32_0 = arith.constant 0 : i32
    return %arg0, %c0_i32 : i32, i32
  }
  func.func @transform_1(%arg0: i32) -> (i32, i32) {
    %c0_i32 = arith.constant 0 : i32
    %c0_i32_0 = arith.constant 0 : i32
    return %arg0, %c0_i32 : i32, i32
  }
  func.func @transform_2(%arg0: i32) -> (i32, i32) {
    %c0_i32 = arith.constant 0 : i32
    %c0_i32_0 = arith.constant 0 : i32
    %c0_i32_1 = arith.constant 0 : i32
    return %c0_i32, %c0_i32_0 : i32, i32
  }
  func.func @transform_3(%arg0: i32) -> (i32, i32) {
    %c0_i32 = arith.constant 0 : i32
    %c0_i32_0 = arith.constant 0 : i32
    %c0_i32_1 = arith.constant 0 : i32
    return %c0_i32, %c0_i32_0 : i32, i32
  }
  func.func @transform_4(%arg0: i32) -> (i32, i32) {
    %c0_i32 = arith.constant 0 : i32
    %c0_i32_0 = arith.constant 0 : i32
    %c0_i32_1 = arith.constant 0 : i32
    return %c0_i32, %c0_i32_0 : i32, i32
  }
  func.func @transform_5(%arg0: i32) -> (i32, i32) {
    %c0_i32 = arith.constant 0 : i32
    %c0_i32_0 = arith.constant 0 : i32
    %c0_i32_1 = arith.constant 0 : i32
    return %c0_i32, %c0_i32_0 : i32, i32
  }
  func.func @transform_6(%arg0: i32) -> (i32, i32) {
    %c0_i32 = arith.constant 0 : i32
    %c0_i32_0 = arith.constant 0 : i32
    %c0_i32_1 = arith.constant 0 : i32
    return %c0_i32, %c0_i32_0 : i32, i32
  }
  func.func @transform_7(%arg0: i32) -> (i32, i32) {
    %c0_i32 = arith.constant 0 : i32
    %c0_i32_0 = arith.constant 0 : i32
    %c0_i32_1 = arith.constant 0 : i32
    return %c0_i32, %c0_i32_0 : i32, i32
  }
  func.func @transform_8(%arg0: i32) -> (i32, i32) {
    %c0_i32 = arith.constant 0 : i32
    %c0_i32_0 = arith.constant 0 : i32
    %c0_i32_1 = arith.constant 0 : i32
    return %c0_i32, %c0_i32_0 : i32, i32
  }
  func.func @transform_9(%arg0: i32) -> (i32, i32) {
    %c0_i32 = arith.constant 0 : i32
    %c0_i32_0 = arith.constant 0 : i32
    %c0_i32_1 = arith.constant 0 : i32
    return %c0_i32, %c0_i32_0 : i32, i32
  }
  func.func @transform_10(%arg0: i32) -> (i32, i32) {
    %c0_i32 = arith.constant 0 : i32
    %c0_i32_0 = arith.constant 0 : i32
    %c0_i32_1 = arith.constant 0 : i32
    return %c0_i32, %c0_i32_0 : i32, i32
  }
  func.func @transform_11(%arg0: i32) -> (i32, i32) {
    %c0_i32 = arith.constant 0 : i32
    %c0_i32_0 = arith.constant 0 : i32
    %c0_i32_1 = arith.constant 0 : i32
    return %c0_i32, %c0_i32_0 : i32, i32
  }
  func.func @transform_12(%arg0: i32) -> (i32, i32) {
    %c0_i32 = arith.constant 0 : i32
    %c0_i32_0 = arith.constant 0 : i32
    %c0_i32_1 = arith.constant 0 : i32
    return %c0_i32, %c0_i32_0 : i32, i32
  }
  func.func @transform_13(%arg0: i32) -> (i32, i32) {
    %c0_i32 = arith.constant 0 : i32
    %c0_i32_0 = arith.constant 0 : i32
    %c0_i32_1 = arith.constant 0 : i32
    return %c0_i32, %c0_i32_0 : i32, i32
  }
  func.func @transform_14(%arg0: i32) -> (i32, i32) {
    %c0_i32 = arith.constant 0 : i32
    %c0_i32_0 = arith.constant 0 : i32
    return %arg0, %c0_i32 : i32, i32
  }
  func.func @transform_15(%arg0: i32) -> (i32, i32) {
    %c0_i32 = arith.constant 0 : i32
    %c0_i32_0 = arith.constant 0 : i32
    return %arg0, %c0_i32 : i32, i32
  }
  func.func @transform_16(%arg0: i32) -> (i32, i32) {
    %c0_i32 = arith.constant 0 : i32
    %c0_i32_0 = arith.constant 0 : i32
    return %arg0, %c0_i32 : i32, i32
  }
}

module attributes {stable_mosaic.version = 14 : i64} {
  func.func @_logits_body(%arg0: i32, %arg1: memref<2048x128xf32, #tpu.memory_space<vmem>>, %arg2: memref<2048x256xf32, #tpu.memory_space<vmem>>, %arg3: memref<2048x16xf32, #tpu.memory_space<vmem>>, %arg4: memref<2048x1xf32, #tpu.memory_space<vmem>>, %arg5: memref<1x1xf32, #tpu.memory_space<vmem>>, %arg6: memref<1xf32, #tpu.memory_space<smem>>) attributes {dimension_semantics = [#tpu.dimension_semantics<arbitrary>], iteration_bounds = array<i64: 80>, scalar_prefetch = 0 : i64, scratch_operands = 1 : i64, tpu.core_type = #tpu.core_type<tc>, window_params = [{transform_indices = @transform_0, window_bounds = array<i64: 2048, 128>}, {transform_indices = @transform_1, window_bounds = array<i64: 2048, 256>}, {transform_indices = @transform_2, window_bounds = array<i64: 2048, 16>}, {transform_indices = @transform_3, window_bounds = array<i64: 2048, 1>}, {pipeline_mode = #tpu.pipeline_mode<synchronous>, transform_indices = @transform_4, window_bounds = array<i64: 1, 1>}]} {
    %get3A = arith.constant 0 : index
    %get3A_0 = arith.constant 0 : index
    %get3A_1 = vector.load %arg1[%get3A, %get3A_0] : memref<2048x128xf32, #tpu.memory_space<vmem>>, vector<2048x128xf32>
    %slice3A = vector.extract_strided_slice %get3A_1 {offsets = [0, 0], sizes = [2048, 112], strides = [1, 1]} : vector<2048x128xf32> to vector<2048x112xf32>
    %slice3A_2 = vector.extract_strided_slice %get3A_1 {offsets = [0, 112], sizes = [2048, 16], strides = [1, 1]} : vector<2048x128xf32> to vector<2048x16xf32>
    %get3A_3 = arith.constant 0 : index
    %get3A_4 = arith.constant 0 : index
    %get3A_5 = vector.load %arg2[%get3A_3, %get3A_4] : memref<2048x256xf32, #tpu.memory_space<vmem>>, vector<2048x256xf32>
    %slice3A_6 = vector.extract_strided_slice %get3A_5 {offsets = [0, 0], sizes = [2048, 112], strides = [1, 1]} : vector<2048x256xf32> to vector<2048x112xf32>
    %mul3A = arith.mulf %slice3A, %slice3A_6 : vector<2048x112xf32>
    %reduce_sum3A = arith.constant dense<0.000000e+00> : vector<2048xf32>
    %reduce_sum3A_7 = vector.multi_reduction <add>, %mul3A, %reduce_sum3A [1] : vector<2048x112xf32> to vector<2048xf32>
    %broadcast_in_dim3A = vector.shape_cast %reduce_sum3A_7 : vector<2048xf32> to vector<2048x1xf32>
    %get3A_8 = arith.constant 0 : index
    %get3A_9 = arith.constant 0 : index
    %get3A_10 = vector.load %arg3[%get3A_8, %get3A_9] : memref<2048x16xf32, #tpu.memory_space<vmem>>, vector<2048x16xf32>
    %mul3A_11 = arith.mulf %slice3A_2, %get3A_10 : vector<2048x16xf32>
    %reduce_sum3A_12 = arith.constant dense<0.000000e+00> : vector<2048xf32>
    %reduce_sum3A_13 = vector.multi_reduction <add>, %mul3A_11, %reduce_sum3A_12 [1] : vector<2048x16xf32> to vector<2048xf32>
    %broadcast_in_dim3A_14 = vector.shape_cast %reduce_sum3A_13 : vector<2048xf32> to vector<2048x1xf32>
    %add3A = arith.addf %broadcast_in_dim3A, %broadcast_in_dim3A_14 : vector<2048x1xf32>
    %mul3A_15 = arith.constant 0.0944911167 : f32
    %mul3A_16 = vector.broadcast %mul3A_15 : f32 to vector<2048x1xf32>
    %mul3A_17 = arith.mulf %add3A, %mul3A_16 : vector<2048x1xf32>
    %swap3A = arith.constant 0 : index
    %swap3A_18 = arith.constant 0 : index
    %swap3A_19 = vector.load %arg4[%swap3A, %swap3A_18] : memref<2048x1xf32, #tpu.memory_space<vmem>>, vector<2048x1xf32>
    tpu.vector_store %arg4[%swap3A, %swap3A_18], %mul3A_17 {strides = array<i32>} : memref<2048x1xf32, #tpu.memory_space<vmem>>, vector<2048x1xf32>,
    %reduce_max3A = vector.shape_cast %mul3A_17 : vector<2048x1xf32> to vector<1x2048x1xf32>
    %reduce_max3A_20 = arith.constant dense<0xFF800000> : vector<1xf32>
    %reduce_max3A_21 = vector.multi_reduction <maximumf>, %reduce_max3A, %reduce_max3A_20 [1, 2] : vector<1x2048x1xf32> to vector<1xf32>
    %reduce_max3A_22 = vector.shape_cast %reduce_max3A_21 : vector<1xf32> to vector<1x1x1xf32>
    %reduce_max3A_23 = vector.extract %reduce_max3A_22[0, 0, 0] : f32 from vector<1x1x1xf32>
    %eq3A = arith.constant 0 : i32
    %eq3A_24 = arith.cmpi eq, %arg0, %eq3A : i32
    %convert_element_type3A = arith.extui %eq3A_24 : i1 to i32
    %cond3A = arith.constant 0 : i32
    %cond3A_25 = arith.cmpi ne, %convert_element_type3A, %cond3A : i32
    scf.if %cond3A_25 {
      %swap3A_35 = arith.constant 0 : index
      %swap3A_36 = memref.load %arg6[%swap3A_35] : memref<1xf32, #tpu.memory_space<smem>>
      memref.store %reduce_max3A_23, %arg6[%swap3A_35] : memref<1xf32, #tpu.memory_space<smem>>
    } else {
    }
    %gt3A = arith.constant 0 : i32
    %gt3A_26 = arith.cmpi sgt, %arg0, %gt3A : i32
    %convert_element_type3A_27 = arith.extui %gt3A_26 : i1 to i32
    %cond3A_28 = arith.constant 0 : i32
    %cond3A_29 = arith.cmpi ne, %convert_element_type3A_27, %cond3A_28 : i32
    scf.if %cond3A_29 {
      %get3A_35 = arith.constant 0 : index
      %get3A_36 = memref.load %arg6[%get3A_35] : memref<1xf32, #tpu.memory_space<smem>>
      %max3A = arith.maximumf %get3A_36, %reduce_max3A_23 : f32
      %swap3A_37 = arith.constant 0 : index
      %swap3A_38 = memref.load %arg6[%swap3A_37] : memref<1xf32, #tpu.memory_space<smem>>
      memref.store %max3A, %arg6[%swap3A_37] : memref<1xf32, #tpu.memory_space<smem>>
    } else {
    }
    %eq3A_30 = arith.constant 79 : i32
    %eq3A_31 = arith.cmpi eq, %arg0, %eq3A_30 : i32
    %convert_element_type3A_32 = arith.extui %eq3A_31 : i1 to i32
    %cond3A_33 = arith.constant 0 : i32
    %cond3A_34 = arith.cmpi ne, %convert_element_type3A_32, %cond3A_33 : i32
    scf.if %cond3A_34 {
      %get3A_35 = arith.constant 0 : index
      %get3A_36 = memref.load %arg6[%get3A_35] : memref<1xf32, #tpu.memory_space<smem>>
      %broadcast_in_dim3A_37 = vector.broadcast %get3A_36 : f32 to vector<1x1xf32>
      %swap3A_38 = arith.constant 0 : index
      %swap3A_39 = arith.constant 0 : index
      %swap3A_40 = vector.load %arg5[%swap3A_38, %swap3A_39] : memref<1x1xf32, #tpu.memory_space<vmem>>, vector<1x1xf32>
      tpu.vector_store %arg5[%swap3A_38, %swap3A_39], %broadcast_in_dim3A_37 {strides = array<i32>} : memref<1x1xf32, #tpu.memory_space<vmem>>, vector<1x1xf32>,
    } else {
    }
    return
  }
  func.func @transform_0(%arg0: i32) -> (i32, i32) {
    %c0_i32 = arith.constant 0 : i32
    %c0_i32_0 = arith.constant 0 : i32
    return %arg0, %c0_i32 : i32, i32
  }
  func.func @transform_1(%arg0: i32) -> (i32, i32) {
    %c0_i32 = arith.constant 0 : i32
    %c0_i32_0 = arith.constant 0 : i32
    return %arg0, %c0_i32 : i32, i32
  }
  func.func @transform_2(%arg0: i32) -> (i32, i32) {
    %c0_i32 = arith.constant 0 : i32
    %c0_i32_0 = arith.constant 0 : i32
    return %arg0, %c0_i32 : i32, i32
  }
  func.func @transform_3(%arg0: i32) -> (i32, i32) {
    %c0_i32 = arith.constant 0 : i32
    %c0_i32_0 = arith.constant 0 : i32
    return %arg0, %c0_i32 : i32, i32
  }
  func.func @transform_4(%arg0: i32) -> (i32, i32) {
    %c0_i32 = arith.constant 0 : i32
    %c0_i32_0 = arith.constant 0 : i32
    %c0_i32_1 = arith.constant 0 : i32
    return %c0_i32, %c0_i32_0 : i32, i32
  }
}

module attributes {stable_mosaic.version = 14 : i64} {
  func.func @_msg_body(%arg0: i32, %arg1: memref<2048x1xf32, #tpu.memory_space<vmem>>, %arg2: memref<1x1xf32, #tpu.memory_space<vmem>>, %arg3: memref<2048x256xf32, #tpu.memory_space<vmem>>, %arg4: memref<2048x128xf32, #tpu.memory_space<vmem>>) attributes {dimension_semantics = [#tpu.dimension_semantics<arbitrary>], iteration_bounds = array<i64: 80>, scalar_prefetch = 0 : i64, scratch_operands = 0 : i64, tpu.core_type = #tpu.core_type<tc>, window_params = [{transform_indices = @transform_0, window_bounds = array<i64: 2048, 1>}, {pipeline_mode = #tpu.pipeline_mode<synchronous>, transform_indices = @transform_1, window_bounds = array<i64: 1, 1>}, {transform_indices = @transform_2, window_bounds = array<i64: 2048, 256>}, {transform_indices = @transform_3, window_bounds = array<i64: 2048, 128>}]} {
    %get3A = arith.constant 0 : index
    %get3A_0 = arith.constant 0 : index
    %get3A_1 = vector.load %arg1[%get3A, %get3A_0] : memref<2048x1xf32, #tpu.memory_space<vmem>>, vector<2048x1xf32>
    %get3A_2 = arith.constant 0 : index
    %get3A_3 = arith.constant 0 : index
    %get3A_4 = vector.load %arg2[%get3A_2, %get3A_3] : memref<1x1xf32, #tpu.memory_space<vmem>>, vector<1x1xf32>
    %get3A_5 = vector.extract %get3A_4[0, 0] : f32 from vector<1x1xf32>
    %sub3A = vector.broadcast %get3A_5 : f32 to vector<2048x1xf32>
    %sub3A_6 = arith.subf %get3A_1, %sub3A : vector<2048x1xf32>
    %exp3A = math.exp %sub3A_6 : vector<2048x1xf32>
    %get3A_7 = arith.constant 0 : index
    %get3A_8 = arith.constant 0 : index
    %get3A_9 = vector.load %arg3[%get3A_7, %get3A_8] : memref<2048x256xf32, #tpu.memory_space<vmem>>, vector<2048x256xf32>
    %slice3A = vector.extract_strided_slice %get3A_9 {offsets = [0, 112], sizes = [2048, 112], strides = [1, 1]} : vector<2048x256xf32> to vector<2048x112xf32>
    %mul3A = vector.broadcast %exp3A : vector<2048x1xf32> to vector<2048x112xf32>
    %mul3A_10 = arith.mulf %slice3A, %mul3A : vector<2048x112xf32>
    %broadcast_in_dim3A = arith.constant 0.000000e+00 : f32
    %broadcast_in_dim3A_11 = vector.broadcast %broadcast_in_dim3A : f32 to vector<2048x15xf32>
    %concatenate3A = tpu.concatenate %mul3A_10, %exp3A, %broadcast_in_dim3A_11 in 1 : vector<2048x112xf32>, vector<2048x1xf32>, vector<2048x15xf32> -> vector<2048x128xf32>
    %swap3A = arith.constant 0 : index
    %swap3A_12 = arith.constant 0 : index
    %swap3A_13 = vector.load %arg4[%swap3A, %swap3A_12] : memref<2048x128xf32, #tpu.memory_space<vmem>>, vector<2048x128xf32>
    tpu.vector_store %arg4[%swap3A, %swap3A_12], %concatenate3A {strides = array<i32>} : memref<2048x128xf32, #tpu.memory_space<vmem>>, vector<2048x128xf32>,
    return
  }
  func.func @transform_0(%arg0: i32) -> (i32, i32) {
    %c0_i32 = arith.constant 0 : i32
    %c0_i32_0 = arith.constant 0 : i32
    return %arg0, %c0_i32 : i32, i32
  }
  func.func @transform_1(%arg0: i32) -> (i32, i32) {
    %c0_i32 = arith.constant 0 : i32
    %c0_i32_0 = arith.constant 0 : i32
    %c0_i32_1 = arith.constant 0 : i32
    return %c0_i32, %c0_i32_0 : i32, i32
  }
  func.func @transform_2(%arg0: i32) -> (i32, i32) {
    %c0_i32 = arith.constant 0 : i32
    %c0_i32_0 = arith.constant 0 : i32
    return %arg0, %c0_i32 : i32, i32
  }
  func.func @transform_3(%arg0: i32) -> (i32, i32) {
    %c0_i32 = arith.constant 0 : i32
    %c0_i32_0 = arith.constant 0 : i32
    return %arg0, %c0_i32 : i32, i32
  }
}

module attributes {stable_mosaic.version = 14 : i64} {
  func.func @_combine_body(%arg0: i32, %arg1: memref<1024x128xf32, #tpu.memory_space<vmem>>, %arg2: memref<1024x128xf32, #tpu.memory_space<vmem>>, %arg3: memref<1024x112xf32, #tpu.memory_space<vmem>>, %arg4: memref<1024x112xf32, #tpu.memory_space<vmem>>) attributes {dimension_semantics = [#tpu.dimension_semantics<arbitrary>], iteration_bounds = array<i64: 10>, scalar_prefetch = 0 : i64, scratch_operands = 0 : i64, tpu.core_type = #tpu.core_type<tc>, window_params = [{transform_indices = @transform_0, window_bounds = array<i64: 1024, 128>}, {transform_indices = @transform_1, window_bounds = array<i64: 1024, 128>}, {transform_indices = @transform_2, window_bounds = array<i64: 1024, 112>}, {transform_indices = @transform_3, window_bounds = array<i64: 1024, 112>}]} {
    %get3A = arith.constant 0 : index
    %get3A_0 = arith.constant 0 : index
    %get3A_1 = vector.load %arg1[%get3A, %get3A_0] : memref<1024x128xf32, #tpu.memory_space<vmem>>, vector<1024x128xf32>
    %get3A_2 = arith.constant 0 : index
    %get3A_3 = arith.constant 0 : index
    %get3A_4 = vector.load %arg2[%get3A_2, %get3A_3] : memref<1024x128xf32, #tpu.memory_space<vmem>>, vector<1024x128xf32>
    %add3A = arith.addf %get3A_1, %get3A_4 : vector<1024x128xf32>
    %slice3A = vector.extract_strided_slice %add3A {offsets = [0, 0], sizes = [1024, 112], strides = [1, 1]} : vector<1024x128xf32> to vector<1024x112xf32>
    %slice3A_5 = vector.extract_strided_slice %add3A {offsets = [0, 112], sizes = [1024, 1], strides = [1, 1]} : vector<1024x128xf32> to vector<1024x1xf32>
    %add3A_6 = arith.constant 1.000000e-16 : f32
    %add3A_7 = vector.broadcast %add3A_6 : f32 to vector<1024x1xf32>
    %add3A_8 = arith.addf %slice3A_5, %add3A_7 : vector<1024x1xf32>
    %div3A = vector.broadcast %add3A_8 : vector<1024x1xf32> to vector<1024x112xf32>
    %div3A_9 = arith.divf %slice3A, %div3A : vector<1024x112xf32>
    %get3A_10 = arith.constant 0 : index
    %get3A_11 = arith.constant 0 : index
    %get3A_12 = vector.load %arg3[%get3A_10, %get3A_11] : memref<1024x112xf32, #tpu.memory_space<vmem>>, vector<1024x112xf32>
    %add3A_13 = arith.addf %div3A_9, %get3A_12 : vector<1024x112xf32>
    %swap3A = arith.constant 0 : index
    %swap3A_14 = arith.constant 0 : index
    %swap3A_15 = vector.load %arg4[%swap3A, %swap3A_14] : memref<1024x112xf32, #tpu.memory_space<vmem>>, vector<1024x112xf32>
    tpu.vector_store %arg4[%swap3A, %swap3A_14], %add3A_13 {strides = array<i32>} : memref<1024x112xf32, #tpu.memory_space<vmem>>, vector<1024x112xf32>,
    return
  }
  func.func @transform_0(%arg0: i32) -> (i32, i32) {
    %c0_i32 = arith.constant 0 : i32
    %c0_i32_0 = arith.constant 0 : i32
    return %arg0, %c0_i32 : i32, i32
  }
  func.func @transform_1(%arg0: i32) -> (i32, i32) {
    %c0_i32 = arith.constant 0 : i32
    %c0_i32_0 = arith.constant 0 : i32
    return %arg0, %c0_i32 : i32, i32
  }
  func.func @transform_2(%arg0: i32) -> (i32, i32) {
    %c0_i32 = arith.constant 0 : i32
    %c0_i32_0 = arith.constant 0 : i32
    return %arg0, %c0_i32 : i32, i32
  }
  func.func @transform_3(%arg0: i32) -> (i32, i32) {
    %c0_i32 = arith.constant 0 : i32
    %c0_i32_0 = arith.constant 0 : i32
    return %arg0, %c0_i32 : i32, i32
  }
}

</mosaic_0001>

<sc_bundles>
// kernel: kernel.20.cloned.1.call-start
scs
__scs_entry_jumppad:
0x0: {  	(pc) =	sbr.rel $0x88, $3  }
0x1: {  	(tag) =	ssettag $0x0;
	lr =	simm.s32 $0x1  }
0x2: {  	[smem:$0x3F79] =	sst lr;
	_ =	strace $0xD0000000  }
0x3: {  	_ = 	snop  }
0x4: {  	_ = 	snop  }
0x5: {  	_ = 	snop  }
0x6: {  	_ = 	snop  }
0x7: {  	_ = 	snop  }
__scs_overlays_trampoline_lowered:
0x8: {  	[smem:$0x3F88] =	sst s0  }
0x9: {  	[smem:$0x3F89] =	sst s1  }
0xa: {  	[smem:$0x3F8A] =	sst s2  }
0xb: {  	[smem:$0x3F8B] =	sst s3  }
0xc: {  	[smem:$0x3F8C] =	sst s4  }
0xd: {  	[smem:$0x3F8D] =	sst s5  }
0xe: {  	[smem:$0x3F8E] =	sst s6  }
0xf: {  	[smem:$0x3F8F] =	sst s7  }
0x10: {  	[smem:$0x3F90] =	sst s8  }
0x11: {  	[smem:$0x3F91] =	sst s9;
	s0 =	simm.s32 @!p0 $0x0  }
0x12: {  	s1 =	sld [smem:$0x3F77];
	s0 =	simm.s32 @p0 $0x1  }
0x13: {  	[smem:$0x3F92] =	sst s0;
	s0 =	simm.s32 @!p1 $0x0  }
0x14: {  	s2 =	sld [smem:$0x3F76];
	s0 =	simm.s32 @p1 $0x1  }
0x15: {  	[smem:$0x3F93] =	sst s0;
	s0 =	simm.s32 @!p2 $0x0  }
0x16: {  	s3 =	sld [smem:$0x3FDB];
	s0 =	simm.s32 @p2 $0x1  }
0x17: {  	s4 =	simm.s32 $0x1BF5;
	[smem:$0x3F95] =	sst s0  }
0x18: {  	s0 =	sld [smem:$0x3F78];
	_ =	swait.ge [sflag:s4], $0x0  }
0x19: {  	s7 =	sld [smem:$0x3F79]  }
0x1a: {  	s8 =	sadd.s32 $0xFFFFE003, lr  }
0x1b: {  	s9 =	sadd.s32 $0xFFFFFEF7, lr;
	s5 =	simm.s32 $0xFFFFFFFF;
	p2 =	slt.u32 s8, $0xFFFFF086  }
0x1c: {  	p1 =	slt.u32 s9, $0xF7A;
	s5 =	simm.s32 @!p2 $0x0  }
0x1d: {  	s5 =	simm.s32 @p1 $0x1;
	p0 =	seq.s32 s7, s2  }
0x1e: {  	s7 =	smul.u32 @!p0 $0xF7A, s2;
	p2 =	seq.s32 @!p0 s5, $0x0  }
0x1f: {  	s9 =	smul.u32 $0xF7A, s1;
	s8 =	simm.s32 @!p0 $0x1BF5;
	p2 =	por !p2, p0  }
0x20: {  	[sflag:s8] =	ssyncset.s32 @!p0 $0xFFFFF086;
	s6 =	sadd.s32 @!p0 s3, s7;
	s7 =	simm.s32 @!p0 $0x108  }
0x21: {  	s3 =	sadd.s32 s3, s9;
	s6 =	sadd.s32 @!p0 $0x88, s6;
	s7 =	simm.s32 @p2 $0x1082  }
0x22: {  	[simem:s7], [sflag:s8] =	dma.local @!p0 [hbm:s6], $0xF7A  }
0x23: {  	s9 =	sor.u32 $0xD0000000, s2;
	s6 =	simm.s32 $0x108;
	_ =	swait.ge @!p0 [sflag:s8], $0x0  }
0x24: {  	s3 =	sadd.s32 $0x88, s3;
	s6 =	simm.s32 @!p1 $0x1082;
	[sflag:s4] =	ssyncset.s32 $0xFFFFF086  }
0x25: {  	[simem:s6], [sflag:s4] =	dma.local [hbm:s3], $0xF7A  }
0x26: {  	[smem:$0x3F79] =	sst s1;
	(tag) =	ssettag s2;
	_ =	strace s9  }
0x27: {  	s1 =	sld [smem:$0x3F89]  }
0x28: {  	s2 =	sld [smem:$0x3F8A]  }
0x29: {  	s4 =	sld [smem:$0x3F8C]  }
0x2a: {  	p0 =	seq.s32 s5, $0x0;
	s5 =	sld [smem:$0x3F8D]  }
0x2b: {  	s6 =	sld [smem:$0x3F8E]  }
0x2c: {  	s7 =	sld [smem:$0x3F8F]  }
0x2d: {  	s3 =	simm.s32 $0x108;
	s8 =	sld [smem:$0x3F90]  }
0x2e: {  	s3 =	simm.s32 @!p0 $0x1082;
	s9 =	sld [smem:$0x3F91]  }
0x2f: {  	lr =	sadd.s32 s0, s3;
	s0 =	sld [smem:$0x3F88]  }
0x30: {  	s3 =	sld [smem:$0x3F8B]  }
0x31: {  	[smem:$0x3F94] =	sst s10  }
0x32: {  	s10 =	sld [smem:$0x3F92];
	_ =	sdelay $0x3  }
0x33: {  	p0 =	seq.s32 s10, $0x1;
	s10 =	sld [smem:$0x3F94];
	_ =	sdelay $0x3  }
0x34: {  	[smem:$0x3F94] =	sst s10  }
0x35: {  	s10 =	sld [smem:$0x3F93];
	_ =	sdelay $0x3  }
0x36: {  	p1 =	seq.s32 s10, $0x1;
	s10 =	sld [smem:$0x3F94];
	_ =	sdelay $0x3  }
0x37: {  	[smem:$0x3F94] =	sst s10  }
0x38: {  	s10 =	sld [smem:$0x3F95]  }
0x39: {  	_ = 	snop;
	(pc) =	sbr.ind lr, $3  }
0x3a: {  	_ = 	snop  }
0x3b: {  	_ = 	snop  }
0x3c: {  	p2 =	seq.s32 s10, $0x1;
	s10 =	sld [smem:$0x3F94]  }
0x3d: {  	_ =	shalt  }
0x3e: {  	_ =	shalt  }
0x3f: {  	_ =	shalt  }
0x40: {  	_ =	shalt  }
0x41: {  	_ =	shalt  }
0x42: {  	_ =	shalt  }
0x43: {  	_ =	shalt  }
0x44: {  	_ =	shalt  }
0x45: {  	_ =	shalt  }
0x46: {  	_ =	shalt  }
0x47: {  	_ =	shalt  }
0x48: {  	_ =	shalt  }
0x49: {  	_ =	shalt  }
0x4a: {  	_ =	shalt  }
0x4b: {  	_ =	shalt  }
0x4c: {  	_ =	shalt  }
0x4d: {  	_ =	shalt  }
0x4e: {  	_ =	shalt  }
0x4f: {  	_ =	shalt  }
0x50: {  	_ =	shalt  }
0x51: {  	_ =	shalt  }
0x52: {  	_ =	shalt  }
0x53: {  	_ =	shalt  }
0x54: {  	_ =	shalt  }
0x55: {  	_ =	shalt  }
0x56: {  	_ =	shalt  }
0x57: {  	_ =	shalt  }
0x58: {  	_ =	shalt  }
0x59: {  	_ =	shalt  }
0x5a: {  	_ =	shalt  }
0x5b: {  	_ =	shalt  }
0x5c: {  	_ =	shalt  }
0x5d: {  	_ =	shalt  }
0x5e: {  	_ =	shalt  }
0x5f: {  	_ =	shalt  }
0x60: {  	_ =	shalt  }
0x61: {  	_ =	shalt  }
0x62: {  	_ =	shalt  }
0x63: {  	_ =	shalt  }
0x64: {  	_ =	shalt  }
0x65: {  	_ =	shalt  }
0x66: {  	_ =	shalt  }
0x67: {  	_ =	shalt  }
0x68: {  	_ =	shalt  }
0x69: {  	_ =	shalt  }
0x6a: {  	_ =	shalt  }
0x6b: {  	_ =	shalt  }
0x6c: {  	_ =	shalt  }
0x6d: {  	_ =	shalt  }
0x6e: {  	_ =	shalt  }
0x6f: {  	_ =	shalt  }
0x70: {  	_ =	shalt  }
0x71: {  	_ =	shalt  }
0x72: {  	_ =	shalt  }
0x73: {  	_ =	shalt  }
0x74: {  	_ =	shalt  }
0x75: {  	_ =	shalt  }
0x76: {  	_ =	shalt  }
0x77: {  	_ =	shalt  }
0x78: {  	_ =	shalt  }
0x79: {  	_ =	shalt  }
0x7a: {  	_ =	shalt  }
0x7b: {  	_ =	shalt  }
0x7c: {  	_ =	shalt  }
0x7d: {  	_ =	shalt  }
0x7e: {  	_ =	shalt  }
0x7f: {  	_ =	shalt  }
0x80: {  	_ =	shalt  }
0x81: {  	_ =	shalt  }
0x82: {  	_ =	shalt  }
0x83: {  	_ =	shalt  }
0x84: {  	_ =	shalt  }
0x85: {  	_ =	shalt  }
0x86: {  	_ =	shalt  }
0x87: {  	_ =	shalt  }
.Lfunc_end0:
.L_simem_size_0:
called_computation_lowered:
.L_overlay_start_0:
0x88: {  	s2 =	sld [smem:$0x3FD9]  }
0x89: {  	s3 =	sld [smem:$0x3FFE];
	_ =	sdelay $0x1  }
0x8a: {  	s1 =	srdreg.scid  }
0x8b: {  	s0 =	sand.u32 $0x1, s1  }
0x8c: {  	s17 =	sshll.u32 s0, $0xA;
	s2 =	sadd.s32 s3, s2  }
0x8d: {  	s2 =	sadd.s32 s2, s17  }
0x8e: {  	[smem:$0x3FA0] =	sst s2  }
0x8f: {  	_ = 	snop  }
0x90: {  	s2 =	sld [smem:$0x3FD0];
	(tm) =	ssettm $0x1  }
0x91: {  	s18 =	sld [smem:$0x3FFB];
	_ =	sdelay $0x3  }
0x92: {  	_ =	strace s18  }
0x93: {  	s3 =	sld [smem:$0x3FFC];
	_ =	sdelay $0x3  }
0x94: {  	_ =	strace s3  }
0x95: {  	s3 =	sld [smem:$0x3FFD];
	_ =	sdelay $0x3  }
0x96: {  	_ =	strace s3  }
0x97: {  	_ =	strace $0x8FFFFFFF  }
0x98: {  	s19 =	sld [smem:$0x3FDB];
	_ =	sdelay $0x1  }
0x99: {  	s4 =	simm.s32 $_scs_section_size  }
0x9a: {  	s5 =	simm.s32 $_size__tile_overlayer_lowered;
	s6 =	simm.s32 $_tile_overlayer_lowered  }
0x9b: {  	s22 =	simm.s32 $0x1BFF;
	s21 =	sshll.u32 s6, $0x1;
	s3 =	sadd.s32 s4, s19  }
0x9c: {  	s7 =	simm.s32 $0x0;
	s20 =	sshll.u32 s5, $0x1;
	s5 =	sadd.s32 s21, s3  }
0x9d: {  	[timem:s7], [sflag:s22] =	dma.local [hbm:s5], s20  }
0x9e: {  	_ =	swait.ge [sflag:s22], s20  }
0x9f: {  	s4 =	ssub.s32 $0x0, s20;
	[sflag:s22] =	ssyncset.done $0x0  }
0xa0: {  	[sflag:s22] =	ssyncadd.s32 s4;
	_ =	sdelay $0x1  }
0xa1: {  	s23 =	simm.s32 $0x1B8B  }
0xa2: {  	_ =	swait.ge [sflag:s23], $0x1  }
0xa3: {  	[sflag:s23] =	ssyncset.done $0x0  }
0xa4: {  	s25 =	simm.s32 $0x1B8E;
	s24 =	sld [smem:$0x3FFE];
	[sflag:s23] =	ssyncadd.s32 $0xFFFFFFFF  }
0xa5: {  	s26 =	simm.s32 $execute0_lowered;
	[smem:$0x3FD2] =	sst s25  }
0xa6: {  	s5 =	sshll.u32 s26, $0x1;
	_ =	strace $0x80000046;
	[dreg:$0x1] =	wrdreg $0xFFFFFFFF  }
0xa7: {  	s28 =	simm.s32 $_size_execute0_lowered;
	s3 =	sadd.s32 s3, s5;
	[dreg:$0x0] =	wrdreg $0x0  }
0xa8: {  	s5 =	sshll.u32 s28, $0x1;
	[dreg:$0x2] =	wrdreg s3  }
0xa9: {  	[dreg:$0x3] =	wrdreg s5  }
0xaa: {  	[dreg:$0x4] =	wrdreg $0xC0  }
0xab: {  	_ =	task [dreg:s7], $0x5FFFF  }
0xac: {  	[dreg:$0x1] =	wrdreg $0xFFFFFFFF  }
0xad: {  	[dreg:$0x0] =	wrdreg $0x60  }
0xae: {  	[dreg:$0x2] =	wrdreg s24  }
0xaf: {  	[dreg:$0x3] =	wrdreg s2  }
0xb0: {  	[dreg:$0x4] =	wrdreg $0x9  }
0xb1: {  	_ =	task.clear_ibuf [dreg:s7], $0x5FFFF;
	_ =	strace $0x90000046  }
0xb2: {  	s29 =	simm.s32 $0x9;
	_ =	strace $0x80000048  }
0xb3: {  	_ =	swait.ge [sflag:s29], $0x1  }
0xb4: {  	[sflag:s29] =	ssyncadd.s32 $0xFFFFFFFF  }
0xb5: {  	_ =	strace $0x90000048  }
0xb6: {  	_ =	sfence  }
0xb7: {  	s30 =	sld [smem:$0x0];
	_ =	sdelay $0x2  }
0xb8: {  	s31 =	sshll.u32 s1, $0xD;
	s1 =	sshrl.u32 s1, $0x2  }
0xb9: {  	s3 =	sand.u32 $0x4000, s31;
	s1 =	sadd.s32 s1, s30  }
0xba: {  	s0 =	sor.u32 s3, s0;
	s1 =	sshll.u32 s1, $0x11  }
0xbb: {  	s0 =	sor.u32 s1, s0  }
0xbc: {  	s0 =	sadd.s32 $0x8F2B, s0  }
0xbd: {  	[sflag:s0] =	ssyncadd.remote.s32 $0x1  }
0xbe: {  	_ =	sfence.sel $0xFFFF  }
0xbf: {  	[dreg:$0x0] =	wrdreg $0xFFFFFFFF;
	(pc) =	sbr.abs _section_cstart, $3  }
0xc0: {  	[dreg:$0x1] =	wrdreg $0xFFFFFFFF  }
0xc1: {  	_ =	task.clear_ibuf [dreg:s7], $0x2FFFF;
	_ =	strace $0x9FFFFFFF  }
0xc2: {  	(tm) =	ssettm $0x7FFFFFFF  }
0xc3: {  	_ =	shalt  }
tec
execute0_lowered:
.L_overlay_start_1:
0x0: {  	(tag) =	ssettag $0x1  }
0x1: {  	s0 =	rddreg [dreg:$0x0];
	s1 =	srdreg.scid  }
0x2: {  	s12 =	stileid.u32;
	s5 =	rddreg [dreg:$0x1]  }
0x3: {  	s2 =	simm.s32 $0x0;
	s14 =	simm.s32 $0x80;
	s15 =	simm.s32 $0x2800  }
0x4: {  	s16 =	simm.s32 $0xE800;
	s19 =	simm.s32 $0x12800;
	s21 =	simm.s32 $0xA800  }
0x5: {  	s28 =	simm.s32 $0xA;
	s29 =	simm.s32 $0x2;
	s30 =	simm.s32 $0x5  }
0x6: {  	s31 =	simm.s32 $0x8;
	s18 =	simm.s32 $0x6;
	s20 =	simm.s32 $0x9  }
0x7: {  	s1 =	sand.u32 $0x1, s1;
	s3 =	sshll.u32 s12, $0x1;
	[smem:$0x7FF] =	sst s2  }
0x8: {  	s4 =	sadd.s32 $0x5F600, s0;
	s10 =	sadd.s32 $0xAF600, s0;
	s23 =	smul.u32 $0x28000, s12  }
0x9: {  	s6 =	sor.u32 s1, s3;
	s9 =	ssub.s32 $0x2, s1;
	s1 =	smul.u32 $0x14000, s1  }
0xa: {  	_ =	strace $0x80000047;
	s3 =	sadd.s32 $0x37600, s0;
	s7 =	smul.u32 $0x280, s6  }
0xb: {  	s6 =	smul.u32 $0xA0000, s6;
	s11 =	sshrl.u32 s9, $0x1;
	s26 =	sadd.s32 s23, s10  }
0xc: {  	s9 =	ssub.s32 s9, s11;
	s8 =	sadd.s32 s7, s0;
	s0 =	sadd.s32 $0x32F600, s0  }
0xd: {  	s6 =	sshrl.u32 s6, $0x3;
	s5 =	sadd.s32 s5, s7;
	s25 =	smax.u32 s9, $0x1  }
0xe: {  	s8 =	sadd.s32 $0x32600, s8;
	[dreg:$0x4] =	wrdreg s5;
	s22 =	sadd.s32 $0x13800, s6  }
0xf: {  	[dreg:$0x7] =	wrdreg s25;
	s25 =	simm.s32 $0x4;
	s6 =	simm.s32 $0x0  }
.Ltmp0:
0x10: {  	[dreg:$0x3] =	wrdreg s8;
	s24 =	sadd.s32 s10, s22;
	(pc) =	sbr.rel .LBB2_1-.Ltmp0, $4  }
0x11: {  	s5 =	sadd.s32 s0, s22;
	s0 =	sadd.s32 s23, s0;
	s10 =	sadd.s32 s1, s26  }
0x12: {  	s23 =	simm.s32 $0x16800;
	s26 =	simm.s32 $0x7;
	[dreg:$0x5] =	wrdreg s24  }
0x13: {  	s22 =	simm.s32 $0xC;
	[dreg:$0x6] =	wrdreg s5;
	s11 =	sadd.s32 s1, s0  }
0x14: {  	s24 =	simm.s32 $0x1;
	s1 =	simm.s32 $0xB;
	s0 =	simm.s32 $0x3  }
.LBB2_4:
0x15: {  	_ =	swait.ge [sflag:s24], $0x4000  }
0x16: {  	[sflag:s24] =	ssyncset.done $0x0  }
0x17: {  	[sflag:s24] =	ssyncadd.s32 $0xFFFFC000  }
0x18: {  	_ =	swait.ge [sflag:s25], $0x4000  }
0x19: {  	[sflag:s25] =	ssyncset.done $0x0  }
0x1a: {  	s5 =	rddreg [dreg:$0x5];
	[sflag:s25] =	ssyncadd.s32 $0xFFFFC000  }
0x1b: {  	[hbm4b:s5+s2] =	stream.linear.scatter [tilespmem:s15], [sflag:$0x7], $0x4000, $0x38;
	[tilespmem:$0x1A800] =	vst v63  }
0x1c: {  	s13 =	rddreg [dreg:$0x6]  }
0x1d: {  	[hbm4b:s13+s2] =	stream.linear.scatter [tilespmem:s16], [sflag:$0xA], $0x4000, $0x38;
	[tilespmem:$0x1A800] =	vst v63  }
0x1e: {  	_ =	swait.ge [sflag:s26], $0x4000  }
0x1f: {  	[sflag:s26] =	ssyncset.done $0x0  }
0x20: {  	[sflag:s26] =	ssyncadd.s32 $0xFFFFC000  }
0x21: {  	_ =	swait.ge [sflag:s28], $0x4000  }
0x22: {  	s6 =	rddreg [dreg:$0x8]  }
0x23: {  	s17 =	rddreg [dreg:$0x7];
	s6 =	sadd.s32 $0x1, s6  }
0x24: {  	p0 =	sne.s32 s6, s17  }
.Ltmp1:
0x25: {  	_ = 	snop;
	(pc) =	sbr.rel @!p0 .LBB2_5-.Ltmp1, $3  }
0x26: {  	_ =	sdelay $0x1  }
0x27: {  	[sflag:s28] =	ssyncset.done $0x0  }
0x28: {  	[sflag:s28] =	ssyncadd.s32 $0xFFFFC000  }
.LBB2_1:
0x29: {  	[dreg:$0x8] =	wrdreg s6  }
0x2a: {  	s5 =	rddreg [dreg:$0x3];
	s17 =	simm.s32 $0xD  }
0x2b: {  	[tilespmem:s2], [sflag:$0xD] =	stream.linear.gather [hbm4b:s5+s2], $0x1400, $0x38;
	[tilespmem:$0x1A800] =	vst v63  }
0x2c: {  	_ =	swait.ge [sflag:s17], $0x1400  }
0x2d: {  	[sflag:s17] =	ssyncset.done $0x0  }
0x2e: {  	s7 =	simm.s32 $0x1400;
	s8 =	rddreg [dreg:$0x4];
	[sflag:s17] =	ssyncadd.s32 $0xFFFFEC00  }
0x2f: {  	[tilespmem:s7], [sflag:$0xD] =	stream.linear.gather [hbm4b:s8+s2], $0x1400, $0x38;
	[tilespmem:$0x1A800] =	vst v63  }
0x30: {  	_ =	swait.ge [sflag:s17], $0x1400  }
0x31: {  	[sflag:s17] =	ssyncset.done $0x0  }
0x32: {  	[sflag:s17] =	ssyncadd.s32 $0xFFFFEC00  }
0x33: {  	[tilespmem:s15], [sflag:$0x1] =	stream.indirect.gather [hbm4b:s3+s14], $0x80, s2, s14, $0xb8;
	[tilespmem:$0x1A800] =	vst v63  }
0x34: {  	_ = 	snop  }
0x35: {  	[tilespmem:s16], [sflag:$0x4] =	stream.indirect.gather [hbm4b:s4+s14], $0x80, s7, s14, $0xb8;
	[tilespmem:$0x1A800] =	vst v63  }
0x36: {  	s9 =	simm.s32 $0x6800  }
0x37: {  	[tilespmem:s9], [sflag:$0x2] =	stream.indirect.gather [hbm4b:s3+s14], $0x80, s14, s14, $0xb8;
	[tilespmem:$0x1A800] =	vst v63  }
0x38: {  	s12 =	simm.s32 $0x1480  }
0x39: {  	[tilespmem:s19], [sflag:$0x5] =	stream.indirect.gather [hbm4b:s4+s14], $0x80, s12, s14, $0xb8;
	[tilespmem:$0x1A800] =	vst v63  }
0x3a: {  	s13 =	simm.s32 $0x100;
	s6 =	simm.s32 $0x1680  }
0x3b: {  	[tilespmem:s21], [sflag:$0x3] =	stream.indirect.gather [hbm4b:s3+s14], $0x80, s13, s14, $0xb8;
	[tilespmem:$0x1A800] =	vst v63  }
0x3c: {  	s8 =	simm.s32 $0x0;
	s17 =	simm.s32 $0x1500;
	s7 =	simm.s32 $0x280  }
0x3d: {  	[tilespmem:s23], [sflag:$0x6] =	stream.indirect.gather [hbm4b:s4+s14], $0x80, s17, s14, $0xb8;
	[tilespmem:$0x1A800] =	vst v63  }
.LBB2_2:
0x3e: {  	_ =	swait.ge [sflag:s24], $0x4000  }
0x3f: {  	[sflag:s24] =	ssyncset.done $0x0  }
0x40: {  	[sflag:s24] =	ssyncadd.s32 $0xFFFFC000  }
0x41: {  	_ =	swait.ge [sflag:s25], $0x4000  }
0x42: {  	[sflag:s25] =	ssyncset.done $0x0  }
0x43: {  	s9 =	sadd.s32 s8, s10;
	[sflag:s25] =	ssyncadd.s32 $0xFFFFC000  }
0x44: {  	[hbm4b:s9+s2] =	stream.linear.scatter [tilespmem:s15], [sflag:$0x7], $0x4000, $0x38;
	[tilespmem:$0x1A800] =	vst v63  }
0x45: {  	s13 =	sadd.s32 s8, s11  }
0x46: {  	[hbm4b:s13+s2] =	stream.linear.scatter [tilespmem:s16], [sflag:$0xA], $0x4000, $0x38;
	[tilespmem:$0x1A800] =	vst v63  }
0x47: {  	_ =	swait.ge [sflag:s26], $0x4000  }
0x48: {  	[sflag:s26] =	ssyncset.done $0x0  }
0x49: {  	[sflag:s26] =	ssyncadd.s32 $0xFFFFC000  }
0x4a: {  	_ =	swait.ge [sflag:s28], $0x4000  }
0x4b: {  	[sflag:s28] =	ssyncset.done $0x0  }
0x4c: {  	s12 =	sadd.s32 $0xFFFFFF00, s7;
	[sflag:s28] =	ssyncadd.s32 $0xFFFFC000  }
0x4d: {  	[tilespmem:s15], [sflag:$0x1] =	stream.indirect.gather [hbm4b:s3+s14], $0x80, s12, s14, $0xb8;
	[tilespmem:$0x1A800] =	vst v63  }
0x4e: {  	s5 =	sadd.s32 $0xFFFFFF00, s6  }
0x4f: {  	[tilespmem:s16], [sflag:$0x4] =	stream.indirect.gather [hbm4b:s4+s14], $0x80, s5, s14, $0xb8;
	[tilespmem:$0x1A800] =	vst v63  }
0x50: {  	_ =	swait.ge [sflag:s29], $0x4000  }
0x51: {  	[sflag:s29] =	ssyncset.done $0x0  }
0x52: {  	[sflag:s29] =	ssyncadd.s32 $0xFFFFC000  }
0x53: {  	_ =	swait.ge [sflag:s30], $0x4000  }
0x54: {  	[sflag:s30] =	ssyncset.done $0x0  }
0x55: {  	s17 =	sadd.s32 $0x800, s9;
	s5 =	simm.s32 $0x6800;
	[sflag:s30] =	ssyncadd.s32 $0xFFFFC000  }
0x56: {  	[hbm4b:s17+s2] =	stream.linear.scatter [tilespmem:s5], [sflag:$0x8], $0x4000, $0x38;
	[tilespmem:$0x1A800] =	vst v63  }
0x57: {  	s5 =	sadd.s32 $0x800, s13  }
0x58: {  	[hbm4b:s5+s2] =	stream.linear.scatter [tilespmem:s19], [sflag:$0xB], $0x4000, $0x38;
	[tilespmem:$0x1A800] =	vst v63  }
0x59: {  	_ =	swait.ge [sflag:s31], $0x4000  }
0x5a: {  	[sflag:s31] =	ssyncset.done $0x0  }
0x5b: {  	[sflag:s31] =	ssyncadd.s32 $0xFFFFC000  }
0x5c: {  	p0 =	seq.s32 s8, $0x12000;
	_ =	swait.ge [sflag:s1], $0x4000  }
0x5d: {  	s12 =	sadd.s32 @!p0 $0xFFFFFF80, s7;
	[sflag:s1] =	ssyncset.done $0x0  }
0x5e: {  	s17 =	simm.s32 @!p0 $0x6800;
	s5 =	simm.s32 @!p0 $0x80;
	[sflag:s1] =	ssyncadd.s32 $0xFFFFC000  }
0x5f: {  	[tilespmem:s17], [sflag:$0x2] =	stream.indirect.gather @!p0 [hbm4b:s3+s5], $0x80, s12, s5, $0xb8;
	[tilespmem:$0x1A800] =	vst v63  }
0x60: {  	s12 =	sadd.s32 @!p0 $0xFFFFFF80, s6;
	s17 =	simm.s32 @!p0 $0x12800  }
0x61: {  	[tilespmem:s17], [sflag:$0x5] =	stream.indirect.gather @!p0 [hbm4b:s4+s5], $0x80, s12, s5, $0xb8;
	[tilespmem:$0x1A800] =	vst v63  }
0x62: {  	_ =	swait.ge [sflag:s0], $0x4000  }
0x63: {  	[sflag:s0] =	ssyncset.done $0x0  }
0x64: {  	[sflag:s0] =	ssyncadd.s32 $0xFFFFC000  }
0x65: {  	_ =	swait.ge [sflag:s18], $0x4000  }
0x66: {  	[sflag:s18] =	ssyncset.done $0x0  }
0x67: {  	s12 =	sadd.s32 $0x1000, s9;
	[sflag:s18] =	ssyncadd.s32 $0xFFFFC000  }
0x68: {  	[hbm4b:s12+s2] =	stream.linear.scatter [tilespmem:s21], [sflag:$0x9], $0x4000, $0x38;
	[tilespmem:$0x1A800] =	vst v63  }
0x69: {  	s17 =	sadd.s32 $0x1000, s13  }
0x6a: {  	[hbm4b:s17+s2] =	stream.linear.scatter [tilespmem:s23], [sflag:$0xC], $0x4000, $0x38;
	[tilespmem:$0x1A800] =	vst v63  }
0x6b: {  	_ =	swait.ge [sflag:s20], $0x4000  }
.Ltmp2:
0x6c: {  	[sflag:s20] =	ssyncset.done $0x0;
	(pc) =	sbr.rel @p0 .LBB2_4-.Ltmp2, $4  }
0x6d: {  	[sflag:s20] =	ssyncadd.s32 $0xFFFFC000  }
0x6e: {  	_ =	swait.ge [sflag:s22], $0x4000  }
0x6f: {  	[sflag:s22] =	ssyncset.done $0x0  }
0x70: {  	[sflag:s22] =	ssyncadd.s32 $0xFFFFC000  }
.Ltmp3:
0x71: {  	(pc) =	sbr.rel .LBB2_2-.Ltmp3, $4  }
0x72: {  	[tilespmem:s21], [sflag:$0x3] =	stream.indirect.gather [hbm4b:s3+s14], $0x80, s7, s14, $0xb8;
	[tilespmem:$0x1A800] =	vst v63  }
0x73: {  	_ = 	snop  }
0x74: {  	[tilespmem:s23], [sflag:$0x6] =	stream.indirect.gather [hbm4b:s4+s14], $0x80, s6, s14, $0xb8;
	[tilespmem:$0x1A800] =	vst v63  }
0x75: {  	s8 =	sadd.s32 $0x1800, s8;
	s7 =	sadd.s32 $0x180, s7;
	s6 =	sadd.s32 $0x180, s6  }
.LBB2_5:
0x76: {  	_ =	sfence.sel $0x180000  }
0x77: {  	[bflag:$0x0] =	sbarrier.arrive $0xFFFF  }
0x78: {  	_ =	strace $0x90000047  }
0x79: {  	s0 =	stileid.u32;
	[bflag:$0x2] =	sbarrier.arrive $0xFFFF  }
0x7a: {  	p0 =	sne.s32 s0, $0x0;
	s0 =	rddreg [dreg:$0x2]  }
0x7b: {  	s0 =	sadd.s32 @!p0 $0x100000, s0  }
0x7c: {  	[sflag:s0] =	ssyncadd.tile.s32 @!p0 $0x1;
	_ =	shalt  }
.Lfunc_end2:
_tile_overlayer_lowered:
.L_overlay_start_2:
0x7d: {  	(tag) =	ssettag $0x2  }
0x7e: {  	s0 =	rddreg [dreg:$0x0];
	s2 =	stileid.u32  }
0x7f: {  	s1 =	rddreg [dreg:$0x1];
	p0 =	sne.s32 s2, $0x0  }
0x80: {  	s3 =	rddreg [dreg:$0x2];
	[bflag:$0x3] =	sbarrier.arrive $0xFFFF;
	s2 =	simm.s32 @!p0 $0x1C0D  }
0x81: {  	[timem:s3], [sflag:s2] =	dma.local @!p0 [hbm:s0], s1  }
0x82: {  	s0 =	simm.s32 @!p0 $0xD  }
0x83: {  	_ =	swait.ge @!p0 [sflag:s0], s1  }
0x84: {  	s1 =	ssub.s32 @!p0 $0x0, s1;
	[sflag:s0] =	ssyncset.done @!p0 $0x0  }
0x85: {  	[sflag:s0] =	ssyncadd.s32 @!p0 s1  }
0x86: {  	[bflag:$0x3] =	sbarrier.arrive $0xFFFF  }
0x87: {  	_ =	shalt  }

// kernel: kernel.23.cloned.1.call-start
scs
__scs_entry_jumppad:
0x0: {  	(pc) =	sbr.rel $0x88, $3  }
0x1: {  	(tag) =	ssettag $0x0;
	lr =	simm.s32 $0x1  }
0x2: {  	[smem:$0x3F79] =	sst lr;
	_ =	strace $0xD0000000  }
0x3: {  	_ = 	snop  }
0x4: {  	_ = 	snop  }
0x5: {  	_ = 	snop  }
0x6: {  	_ = 	snop  }
0x7: {  	_ = 	snop  }
__scs_overlays_trampoline_lowered:
0x8: {  	[smem:$0x3F88] =	sst s0  }
0x9: {  	[smem:$0x3F89] =	sst s1  }
0xa: {  	[smem:$0x3F8A] =	sst s2  }
0xb: {  	[smem:$0x3F8B] =	sst s3  }
0xc: {  	[smem:$0x3F8C] =	sst s4  }
0xd: {  	[smem:$0x3F8D] =	sst s5  }
0xe: {  	[smem:$0x3F8E] =	sst s6  }
0xf: {  	[smem:$0x3F8F] =	sst s7  }
0x10: {  	[smem:$0x3F90] =	sst s8  }
0x11: {  	[smem:$0x3F91] =	sst s9;
	s0 =	simm.s32 @!p0 $0x0  }
0x12: {  	s1 =	sld [smem:$0x3F77];
	s0 =	simm.s32 @p0 $0x1  }
0x13: {  	[smem:$0x3F92] =	sst s0;
	s0 =	simm.s32 @!p1 $0x0  }
0x14: {  	s2 =	sld [smem:$0x3F76];
	s0 =	simm.s32 @p1 $0x1  }
0x15: {  	[smem:$0x3F93] =	sst s0;
	s0 =	simm.s32 @!p2 $0x0  }
0x16: {  	s3 =	sld [smem:$0x3FDB];
	s0 =	simm.s32 @p2 $0x1  }
0x17: {  	s4 =	simm.s32 $0x1BF5;
	[smem:$0x3F95] =	sst s0  }
0x18: {  	s0 =	sld [smem:$0x3F78];
	_ =	swait.ge [sflag:s4], $0x0  }
0x19: {  	s7 =	sld [smem:$0x3F79]  }
0x1a: {  	s8 =	sadd.s32 $0xFFFFE003, lr  }
0x1b: {  	s9 =	sadd.s32 $0xFFFFFEF7, lr;
	s5 =	simm.s32 $0xFFFFFFFF;
	p2 =	slt.u32 s8, $0xFFFFF086  }
0x1c: {  	p1 =	slt.u32 s9, $0xF7A;
	s5 =	simm.s32 @!p2 $0x0  }
0x1d: {  	s5 =	simm.s32 @p1 $0x1;
	p0 =	seq.s32 s7, s2  }
0x1e: {  	s7 =	smul.u32 @!p0 $0xF7A, s2;
	p2 =	seq.s32 @!p0 s5, $0x0  }
0x1f: {  	s9 =	smul.u32 $0xF7A, s1;
	s8 =	simm.s32 @!p0 $0x1BF5;
	p2 =	por !p2, p0  }
0x20: {  	[sflag:s8] =	ssyncset.s32 @!p0 $0xFFFFF086;
	s6 =	sadd.s32 @!p0 s3, s7;
	s7 =	simm.s32 @!p0 $0x108  }
0x21: {  	s3 =	sadd.s32 s3, s9;
	s6 =	sadd.s32 @!p0 $0x88, s6;
	s7 =	simm.s32 @p2 $0x1082  }
0x22: {  	[simem:s7], [sflag:s8] =	dma.local @!p0 [hbm:s6], $0xF7A  }
0x23: {  	s9 =	sor.u32 $0xD0000000, s2;
	s6 =	simm.s32 $0x108;
	_ =	swait.ge @!p0 [sflag:s8], $0x0  }
0x24: {  	s3 =	sadd.s32 $0x88, s3;
	s6 =	simm.s32 @!p1 $0x1082;
	[sflag:s4] =	ssyncset.s32 $0xFFFFF086  }
0x25: {  	[simem:s6], [sflag:s4] =	dma.local [hbm:s3], $0xF7A  }
0x26: {  	[smem:$0x3F79] =	sst s1;
	(tag) =	ssettag s2;
	_ =	strace s9  }
0x27: {  	s1 =	sld [smem:$0x3F89]  }
0x28: {  	s2 =	sld [smem:$0x3F8A]  }
0x29: {  	s4 =	sld [smem:$0x3F8C]  }
0x2a: {  	p0 =	seq.s32 s5, $0x0;
	s5 =	sld [smem:$0x3F8D]  }
0x2b: {  	s6 =	sld [smem:$0x3F8E]  }
0x2c: {  	s7 =	sld [smem:$0x3F8F]  }
0x2d: {  	s3 =	simm.s32 $0x108;
	s8 =	sld [smem:$0x3F90]  }
0x2e: {  	s3 =	simm.s32 @!p0 $0x1082;
	s9 =	sld [smem:$0x3F91]  }
0x2f: {  	lr =	sadd.s32 s0, s3;
	s0 =	sld [smem:$0x3F88]  }
0x30: {  	s3 =	sld [smem:$0x3F8B]  }
0x31: {  	[smem:$0x3F94] =	sst s10  }
0x32: {  	s10 =	sld [smem:$0x3F92];
	_ =	sdelay $0x3  }
0x33: {  	p0 =	seq.s32 s10, $0x1;
	s10 =	sld [smem:$0x3F94];
	_ =	sdelay $0x3  }
0x34: {  	[smem:$0x3F94] =	sst s10  }
0x35: {  	s10 =	sld [smem:$0x3F93];
	_ =	sdelay $0x3  }
0x36: {  	p1 =	seq.s32 s10, $0x1;
	s10 =	sld [smem:$0x3F94];
	_ =	sdelay $0x3  }
0x37: {  	[smem:$0x3F94] =	sst s10  }
0x38: {  	s10 =	sld [smem:$0x3F95]  }
0x39: {  	_ = 	snop;
	(pc) =	sbr.ind lr, $3  }
0x3a: {  	_ = 	snop  }
0x3b: {  	_ = 	snop  }
0x3c: {  	p2 =	seq.s32 s10, $0x1;
	s10 =	sld [smem:$0x3F94]  }
0x3d: {  	_ =	shalt  }
0x3e: {  	_ =	shalt  }
0x3f: {  	_ =	shalt  }
0x40: {  	_ =	shalt  }
0x41: {  	_ =	shalt  }
0x42: {  	_ =	shalt  }
0x43: {  	_ =	shalt  }
0x44: {  	_ =	shalt  }
0x45: {  	_ =	shalt  }
0x46: {  	_ =	shalt  }
0x47: {  	_ =	shalt  }
0x48: {  	_ =	shalt  }
0x49: {  	_ =	shalt  }
0x4a: {  	_ =	shalt  }
0x4b: {  	_ =	shalt  }
0x4c: {  	_ =	shalt  }
0x4d: {  	_ =	shalt  }
0x4e: {  	_ =	shalt  }
0x4f: {  	_ =	shalt  }
0x50: {  	_ =	shalt  }
0x51: {  	_ =	shalt  }
0x52: {  	_ =	shalt  }
0x53: {  	_ =	shalt  }
0x54: {  	_ =	shalt  }
0x55: {  	_ =	shalt  }
0x56: {  	_ =	shalt  }
0x57: {  	_ =	shalt  }
0x58: {  	_ =	shalt  }
0x59: {  	_ =	shalt  }
0x5a: {  	_ =	shalt  }
0x5b: {  	_ =	shalt  }
0x5c: {  	_ =	shalt  }
0x5d: {  	_ =	shalt  }
0x5e: {  	_ =	shalt  }
0x5f: {  	_ =	shalt  }
0x60: {  	_ =	shalt  }
0x61: {  	_ =	shalt  }
0x62: {  	_ =	shalt  }
0x63: {  	_ =	shalt  }
0x64: {  	_ =	shalt  }
0x65: {  	_ =	shalt  }
0x66: {  	_ =	shalt  }
0x67: {  	_ =	shalt  }
0x68: {  	_ =	shalt  }
0x69: {  	_ =	shalt  }
0x6a: {  	_ =	shalt  }
0x6b: {  	_ =	shalt  }
0x6c: {  	_ =	shalt  }
0x6d: {  	_ =	shalt  }
0x6e: {  	_ =	shalt  }
0x6f: {  	_ =	shalt  }
0x70: {  	_ =	shalt  }
0x71: {  	_ =	shalt  }
0x72: {  	_ =	shalt  }
0x73: {  	_ =	shalt  }
0x74: {  	_ =	shalt  }
0x75: {  	_ =	shalt  }
0x76: {  	_ =	shalt  }
0x77: {  	_ =	shalt  }
0x78: {  	_ =	shalt  }
0x79: {  	_ =	shalt  }
0x7a: {  	_ =	shalt  }
0x7b: {  	_ =	shalt  }
0x7c: {  	_ =	shalt  }
0x7d: {  	_ =	shalt  }
0x7e: {  	_ =	shalt  }
0x7f: {  	_ =	shalt  }
0x80: {  	_ =	shalt  }
0x81: {  	_ =	shalt  }
0x82: {  	_ =	shalt  }
0x83: {  	_ =	shalt  }
0x84: {  	_ =	shalt  }
0x85: {  	_ =	shalt  }
0x86: {  	_ =	shalt  }
0x87: {  	_ =	shalt  }
.Lfunc_end0:
.L_simem_size_0:
called_computation.1_lowered:
.L_overlay_start_0:
0x88: {  	s2 =	sld [smem:$0x3FD9]  }
0x89: {  	s3 =	sld [smem:$0x3FFE];
	_ =	sdelay $0x1  }
0x8a: {  	s1 =	srdreg.scid  }
0x8b: {  	s0 =	sand.u32 $0x1, s1  }
0x8c: {  	s16 =	sshll.u32 s0, $0xA;
	s2 =	sadd.s32 s3, s2  }
0x8d: {  	s2 =	sadd.s32 s2, s16  }
0x8e: {  	[smem:$0x3FA0] =	sst s2  }
0x8f: {  	_ = 	snop  }
0x90: {  	(tm) =	ssettm $0x1  }
0x91: {  	s17 =	sld [smem:$0x3FFB];
	_ =	sdelay $0x3  }
0x92: {  	_ =	strace s17  }
0x93: {  	s2 =	sld [smem:$0x3FFC];
	_ =	sdelay $0x3  }
0x94: {  	_ =	strace s2  }
0x95: {  	s2 =	sld [smem:$0x3FFD];
	_ =	sdelay $0x3  }
0x96: {  	_ =	strace s2  }
0x97: {  	_ =	strace $0x8FFFFFFF  }
0x98: {  	s18 =	sld [smem:$0x3FDB];
	_ =	sdelay $0x1  }
0x99: {  	s19 =	simm.s32 $_scs_section_size  }
0x9a: {  	s4 =	simm.s32 $_size__tile_overlayer_lowered;
	s5 =	simm.s32 $_tile_overlayer_lowered  }
0x9b: {  	s22 =	simm.s32 $0x1BFF;
	s21 =	sshll.u32 s5, $0x1;
	s2 =	sadd.s32 s19, s18  }
0x9c: {  	s6 =	simm.s32 $0x0;
	s20 =	sshll.u32 s4, $0x1;
	s4 =	sadd.s32 s21, s2  }
0x9d: {  	[timem:s6], [sflag:s22] =	dma.local [hbm:s4], s20  }
0x9e: {  	_ =	swait.ge [sflag:s22], s20  }
0x9f: {  	s3 =	ssub.s32 $0x0, s20;
	[sflag:s22] =	ssyncset.done $0x0  }
0xa0: {  	[sflag:s22] =	ssyncadd.s32 s3;
	_ =	sdelay $0x1  }
0xa1: {  	s23 =	simm.s32 $0x1B8B  }
0xa2: {  	_ =	swait.ge [sflag:s23], $0x1  }
0xa3: {  	[sflag:s23] =	ssyncset.done $0x0  }
0xa4: {  	s25 =	simm.s32 $0x1B8E;
	s24 =	sld [smem:$0x3FFE];
	[sflag:s23] =	ssyncadd.s32 $0xFFFFFFFF  }
0xa5: {  	s26 =	simm.s32 $execute0_lowered;
	[smem:$0x3FD2] =	sst s25  }
0xa6: {  	s4 =	sshll.u32 s26, $0x1;
	_ =	strace $0x80000049;
	[dreg:$0x1] =	wrdreg $0xFFFFFFFF  }
0xa7: {  	s28 =	simm.s32 $_size_execute0_lowered;
	s2 =	sadd.s32 s2, s4;
	[dreg:$0x0] =	wrdreg $0x0  }
0xa8: {  	s4 =	sshll.u32 s28, $0x1;
	[dreg:$0x2] =	wrdreg s2  }
0xa9: {  	[dreg:$0x3] =	wrdreg s4  }
0xaa: {  	[dreg:$0x4] =	wrdreg $0xC0  }
0xab: {  	_ =	task [dreg:s6], $0x5FFFF  }
0xac: {  	[dreg:$0x1] =	wrdreg $0xFFFFFFFF  }
0xad: {  	[dreg:$0x0] =	wrdreg $0x60  }
0xae: {  	[dreg:$0x2] =	wrdreg s24  }
0xaf: {  	[dreg:$0x3] =	wrdreg $0x14000  }
0xb0: {  	[dreg:$0x4] =	wrdreg $0x9  }
0xb1: {  	_ =	task.clear_ibuf [dreg:s6], $0x5FFFF;
	_ =	strace $0x90000049  }
0xb2: {  	s29 =	simm.s32 $0x9;
	_ =	strace $0x8000004B  }
0xb3: {  	_ =	swait.ge [sflag:s29], $0x1  }
0xb4: {  	[sflag:s29] =	ssyncadd.s32 $0xFFFFFFFF  }
0xb5: {  	_ =	strace $0x9000004B  }
0xb6: {  	_ =	sfence  }
0xb7: {  	s30 =	sld [smem:$0x0];
	_ =	sdelay $0x2  }
0xb8: {  	s31 =	sshll.u32 s1, $0xD;
	s1 =	sshrl.u32 s1, $0x2  }
0xb9: {  	s3 =	sand.u32 $0x4000, s31;
	s1 =	sadd.s32 s1, s30  }
0xba: {  	s0 =	sor.u32 s3, s0;
	s1 =	sshll.u32 s1, $0x11  }
0xbb: {  	s0 =	sor.u32 s1, s0  }
0xbc: {  	s0 =	sadd.s32 $0x8F2B, s0  }
0xbd: {  	[sflag:s0] =	ssyncadd.remote.s32 $0x1  }
0xbe: {  	_ =	sfence.sel $0xFFFF  }
0xbf: {  	[dreg:$0x0] =	wrdreg $0xFFFFFFFF;
	(pc) =	sbr.abs _section_cstart, $3  }
0xc0: {  	[dreg:$0x1] =	wrdreg $0xFFFFFFFF  }
0xc1: {  	_ =	task.clear_ibuf [dreg:s6], $0x2FFFF;
	_ =	strace $0x9FFFFFFF  }
0xc2: {  	(tm) =	ssettm $0x7FFFFFFF  }
0xc3: {  	_ =	shalt  }
tec
execute0_lowered:
.L_overlay_start_1:
0x0: {  	(tag) =	ssettag $0x1  }
0x1: {  	s0 =	rddreg [dreg:$0x0]  }
0x2: {  	s1 =	srdreg.scid;
	s21 =	stileid.u32  }
0x3: {  	s2 =	rddreg [dreg:$0x1];
	s3 =	simm.s32 $0x0;
	s28 =	simm.s32 $0x3  }
0x4: {  	s29 =	simm.s32 $0x2;
	s30 =	simm.s32 $0x4;
	s7 =	smul.u32 $0x50000, s21  }
0x5: {  	s1 =	sand.u32 $0x1, s1;
	s4 =	sshll.u32 s21, $0x1;
	s10 =	smul.u32 $0x14000, s21  }
0x6: {  	[smem:$0x7FF] =	sst s3;
	s20 =	sadd.s32 $0xAF600, s0;
	s21 =	smul.u32 $0x140000, s21  }
0x7: {  	s8 =	sadd.s32 $0x37600, s0;
	s4 =	sor.u32 s1, s4;
	s17 =	smul.u32 $0x140000, s1  }
0x8: {  	_ =	strace $0x8000004A;
	s6 =	ssub.s32 $0x2, s1;
	s1 =	smul.u32 $0xA0000, s1  }
0x9: {  	[dreg:$0x3] =	wrdreg s8;
	s5 =	smul.u32 $0x280, s4;
	s11 =	sshrl.u32 s6, $0x1  }
0xa: {  	s12 =	sshrl.u32 s7, $0x2;
	s14 =	sadd.s32 $0x4000, s10;
	s15 =	sadd.s32 $0x8000, s10  }
0xb: {  	s16 =	sadd.s32 $0xC000, s10;
	s4 =	smul.u32 $0x14000, s4;
	s19 =	sadd.s32 $0x10000, s10  }
0xc: {  	s18 =	ssub.s32 s6, s11;
	s6 =	sadd.s32 s12, s2;
	s7 =	sadd.s32 s14, s2  }
0xd: {  	s8 =	sadd.s32 s15, s2;
	s9 =	sadd.s32 s16, s2;
	s12 =	sadd.s32 s10, s17  }
0xe: {  	s10 =	sadd.s32 s19, s2;
	s22 =	sadd.s32 s17, s14;
	s23 =	sadd.s32 s17, s15  }
0xf: {  	s16 =	sadd.s32 s17, s16;
	s25 =	sadd.s32 s17, s19;
	s1 =	sadd.s32 s1, s21  }
0x10: {  	s21 =	simm.s32 $0x6;
	s5 =	sadd.s32 s5, s0;
	s0 =	sadd.s32 $0x32F600, s0  }
0x11: {  	s11 =	sadd.s32 s20, s4;
	s13 =	sshrl.u32 s12, $0x3;
	s4 =	sshrl.u32 s22, $0x3  }
0x12: {  	s15 =	sshrl.u32 s23, $0x3;
	s24 =	sshrl.u32 s16, $0x3;
	s26 =	sor.u32 $0xC000, s1  }
0x13: {  	s1 =	sor.u32 $0x8000, s1;
	s18 =	smax.u32 s18, $0x1;
	s22 =	simm.s32 $0x15400  }
0x14: {  	s23 =	simm.s32 $0x5;
	s5 =	sadd.s32 $0x32600, s5;
	s12 =	sadd.s32 $0x800, s11  }
0x15: {  	s13 =	sadd.s32 s0, s13;
	s14 =	sadd.s32 s0, s4;
	s15 =	sadd.s32 s0, s15  }
0x16: {  	s16 =	sadd.s32 s0, s24;
	s4 =	sshrl.u32 s25, $0x3;
	s31 =	sshrl.u32 s26, $0x3  }
0x17: {  	s1 =	sshrl.u32 s1, $0x3;
	s24 =	simm.s32 $0x19400;
	s25 =	simm.s32 $0x1  }
0x18: {  	s26 =	simm.s32 $0x80;
	[dreg:$0x4] =	wrdreg s5;
	s17 =	sadd.s32 s0, s4  }
0x19: {  	s19 =	sadd.s32 s31, s20;
	s20 =	sadd.s32 s1, s20;
	s0 =	simm.s32 $0x0  }
.LBB2_1:
0x1a: {  	s1 =	rddreg [dreg:$0x4]  }
0x1b: {  	[tilespmem:s3], [sflag:$0x6] =	stream.linear.gather [hbm4b:s1+s3], $0x1400, $0x38;
	[tilespmem:$0x1D400] =	vst v63  }
0x1c: {  	_ =	swait.ge [sflag:s21], $0x1400  }
0x1d: {  	[sflag:s21] =	ssyncset.done $0x0  }
0x1e: {  	s5 =	rddreg [dreg:$0x3];
	[sflag:s21] =	ssyncadd.s32 $0xFFFFEC00  }
0x1f: {  	[tilespmem:s22], [sflag:$0x6] =	stream.linear.gather [hbm4b:s5+s3], $0x4000, $0x38;
	[tilespmem:$0x1D400] =	vst v63  }
0x20: {  	_ =	swait.ge [sflag:s21], $0x4000  }
0x21: {  	[sflag:s21] =	ssyncset.done $0x0  }
0x22: {  	[sflag:s21] =	ssyncadd.s32 $0xFFFFC000  }
0x23: {  	[spmem:s6] =	stream.linear.scatter [tilespmem:s22], [sflag:$0x5], $0x4000, $0x38;
	[tilespmem:$0x1D400] =	vst v63  }
0x24: {  	_ = 	snop  }
0x25: {  	[spmem:s7] =	stream.linear.scatter [tilespmem:s22], [sflag:$0x5], $0x4000, $0x38;
	[tilespmem:$0x1D400] =	vst v63  }
0x26: {  	_ = 	snop  }
0x27: {  	[spmem:s8] =	stream.linear.scatter [tilespmem:s22], [sflag:$0x5], $0x4000, $0x38;
	[tilespmem:$0x1D400] =	vst v63  }
0x28: {  	_ = 	snop  }
0x29: {  	[spmem:s9] =	stream.linear.scatter [tilespmem:s22], [sflag:$0x5], $0x4000, $0x38;
	[tilespmem:$0x1D400] =	vst v63  }
0x2a: {  	_ = 	snop  }
0x2b: {  	[spmem:s10] =	stream.linear.scatter [tilespmem:s22], [sflag:$0x5], $0x4000, $0x38;
	[tilespmem:$0x1D400] =	vst v63  }
0x2c: {  	_ =	swait.ge [sflag:s23], $0x4000  }
0x2d: {  	[sflag:s23] =	ssyncset.done $0x0  }
0x2e: {  	[sflag:s23] =	ssyncadd.s32 $0xFFFFC000  }
0x2f: {  	_ =	swait.ge [sflag:s23], $0x4000  }
0x30: {  	[sflag:s23] =	ssyncset.done $0x0  }
0x31: {  	[sflag:s23] =	ssyncadd.s32 $0xFFFFC000  }
0x32: {  	_ =	swait.ge [sflag:s23], $0x4000  }
0x33: {  	[sflag:s23] =	ssyncset.done $0x0  }
0x34: {  	[sflag:s23] =	ssyncadd.s32 $0xFFFFC000  }
0x35: {  	_ =	swait.ge [sflag:s23], $0x4000  }
0x36: {  	[sflag:s23] =	ssyncset.done $0x0  }
0x37: {  	[sflag:s23] =	ssyncadd.s32 $0xFFFFC000  }
0x38: {  	_ =	swait.ge [sflag:s23], $0x4000  }
0x39: {  	[sflag:s23] =	ssyncset.done $0x0  }
0x3a: {  	[sflag:s23] =	ssyncadd.s32 $0xFFFFC000  }
0x3b: {  	[bflag:$0x0] =	sbarrier.arrive $0xFFFF  }
0x3c: {  	[tilespmem:s22], [sflag:$0x1] =	stream.linear.gather [hbm4b:s11+s3], $0x4000, $0x38;
	[tilespmem:$0x1D400] =	vst v63  }
0x3d: {  	_ = 	snop  }
0x3e: {  	[tilespmem:s24], [sflag:$0x2] =	stream.linear.gather [hbm4b:s12+s3], $0x4000, $0x38;
	[tilespmem:$0x1D400] =	vst v63  }
0x3f: {  	_ =	swait.ge [sflag:s25], $0x4000  }
0x40: {  	[sflag:s25] =	ssyncset.done $0x0  }
0x41: {  	s4 =	simm.s32 $0x0;
	[sflag:s25] =	ssyncadd.s32 $0xFFFFC000  }
0x42: {  	[spmem:s2] =	stream.indirect.scatter.add.f32 [tilespmem:s22], [sflag:$0x3], $0x80, s4, s26, $0xb8;
	[tilespmem:$0x1D400] =	vst v63  }
0x43: {  	_ =	swait.ge [sflag:s28], $0x4000  }
0x44: {  	[sflag:s28] =	ssyncset.done $0x0  }
0x45: {  	s5 =	sadd.s32 $0x0, s20;
	[sflag:s28] =	ssyncadd.s32 $0xFFFFC000  }
0x46: {  	[tilespmem:s22], [sflag:$0x1] =	stream.linear.gather [hbm4b:s5+s3], $0x4000, $0x38;
	[tilespmem:$0x1D400] =	vst v63  }
0x47: {  	_ =	swait.ge [sflag:s29], $0x4000  }
0x48: {  	[sflag:s29] =	ssyncset.done $0x0  }
0x49: {  	[sflag:s29] =	ssyncadd.s32 $0xFFFFC000  }
0x4a: {  	[spmem:s2] =	stream.indirect.scatter.add.f32 [tilespmem:s24], [sflag:$0x4], $0x80, s26, s26, $0xb8;
	[tilespmem:$0x1D400] =	vst v63  }
0x4b: {  	_ =	swait.ge [sflag:s30], $0x4000  }
0x4c: {  	s31 =	simm.s32 $0x1000;
	[sflag:s30] =	ssyncset.done $0x0  }
0x4d: {  	s1 =	simm.s32 $0x180;
	s4 =	sadd.s32 $0x0, s19;
	[sflag:s30] =	ssyncadd.s32 $0xFFFFC000  }
.LBB2_2:
0x4e: {  	[tilespmem:s24], [sflag:$0x2] =	stream.linear.gather [hbm4b:s4+s3], $0x4000, $0x38;
	[tilespmem:$0x1D400] =	vst v63  }
0x4f: {  	s4 =	smov.u32 s31  }
0x50: {  	p0 =	sne.s32 s31, $0x12000;
	s31 =	sadd.s32 $0x1000, s31;
	_ =	swait.ge [sflag:s25], $0x4000  }
0x51: {  	[sflag:s25] =	ssyncset.done $0x0  }
0x52: {  	s5 =	sadd.s32 $0xFFFFFF80, s1;
	[sflag:s25] =	ssyncadd.s32 $0xFFFFC000  }
0x53: {  	[spmem:s2] =	stream.indirect.scatter.add.f32 [tilespmem:s22], [sflag:$0x3], $0x80, s5, s26, $0xb8;
	[tilespmem:$0x1D400] =	vst v63  }
0x54: {  	_ =	swait.ge [sflag:s28], $0x4000  }
0x55: {  	[sflag:s28] =	ssyncset.done $0x0  }
0x56: {  	s5 =	sadd.s32 s4, s20;
	[sflag:s28] =	ssyncadd.s32 $0xFFFFC000  }
0x57: {  	[tilespmem:s22], [sflag:$0x1] =	stream.linear.gather [hbm4b:s5+s3], $0x4000, $0x38;
	[tilespmem:$0x1D400] =	vst v63  }
0x58: {  	_ =	swait.ge [sflag:s29], $0x4000  }
0x59: {  	[sflag:s29] =	ssyncset.done $0x0  }
.Ltmp0:
0x5a: {  	[sflag:s29] =	ssyncadd.s32 $0xFFFFC000;
	(pc) =	sbr.rel @p0 .LBB2_2-.Ltmp0, $4  }
0x5b: {  	[spmem:s2] =	stream.indirect.scatter.add.f32 [tilespmem:s24], [sflag:$0x4], $0x80, s1, s26, $0xb8;
	[tilespmem:$0x1D400] =	vst v63  }
0x5c: {  	_ =	swait.ge [sflag:s30], $0x4000  }
0x5d: {  	[sflag:s30] =	ssyncset.done $0x0  }
0x5e: {  	s4 =	sadd.s32 s4, s19;
	s1 =	sadd.s32 $0x100, s1;
	[sflag:s30] =	ssyncadd.s32 $0xFFFFC000  }
0x5f: {  	[tilespmem:s24], [sflag:$0x2] =	stream.linear.gather [hbm4b:s4+s3], $0x4000, $0x38;
	[tilespmem:$0x1D400] =	vst v63  }
0x60: {  	_ =	swait.ge [sflag:s25], $0x4000  }
0x61: {  	[sflag:s25] =	ssyncset.done $0x0  }
0x62: {  	s1 =	simm.s32 $0x1300;
	[sflag:s25] =	ssyncadd.s32 $0xFFFFC000  }
0x63: {  	[spmem:s2] =	stream.indirect.scatter.add.f32 [tilespmem:s22], [sflag:$0x3], $0x80, s1, s26, $0xb8;
	[tilespmem:$0x1D400] =	vst v63  }
0x64: {  	_ =	swait.ge [sflag:s28], $0x4000  }
0x65: {  	[sflag:s28] =	ssyncset.done $0x0  }
0x66: {  	[sflag:s28] =	ssyncadd.s32 $0xFFFFC000  }
0x67: {  	_ =	swait.ge [sflag:s29], $0x4000  }
0x68: {  	[sflag:s29] =	ssyncset.done $0x0  }
0x69: {  	s31 =	simm.s32 $0x1380;
	[sflag:s29] =	ssyncadd.s32 $0xFFFFC000  }
0x6a: {  	[spmem:s2] =	stream.indirect.scatter.add.f32 [tilespmem:s24], [sflag:$0x4], $0x80, s31, s26, $0xb8;
	[tilespmem:$0x1D400] =	vst v63  }
0x6b: {  	_ =	swait.ge [sflag:s30], $0x4000  }
0x6c: {  	[sflag:s30] =	ssyncset.done $0x0  }
0x6d: {  	[sflag:s30] =	ssyncadd.s32 $0xFFFFC000  }
0x6e: {  	[bflag:$0x0] =	sbarrier.arrive $0xFFFF  }
0x6f: {  	[tilespmem:s22], [sflag:$0x1] =	stream.linear.gather [spmem:s6], $0x4000, $0x38;
	[tilespmem:$0x1D400] =	vst v63  }
0x70: {  	_ =	swait.ge [sflag:s25], $0x4000  }
0x71: {  	[sflag:s25] =	ssyncset.done $0x0  }
0x72: {  	[sflag:s25] =	ssyncadd.s32 $0xFFFFC000  }
0x73: {  	[tilespmem:s24], [sflag:$0x2] =	stream.linear.gather [spmem:s7], $0x4000, $0x38;
	[tilespmem:$0x1D400] =	vst v63  }
0x74: {  	_ = 	snop  }
0x75: {  	[hbm4b:s13+s3] =	stream.linear.scatter [tilespmem:s22], [sflag:$0x6], $0x4000, $0x38;
	[tilespmem:$0x1D400] =	vst v63  }
0x76: {  	_ =	swait.ge [sflag:s21], $0x4000  }
0x77: {  	[sflag:s21] =	ssyncset.done $0x0  }
0x78: {  	[sflag:s21] =	ssyncadd.s32 $0xFFFFC000  }
0x79: {  	_ =	swait.ge [sflag:s29], $0x4000  }
0x7a: {  	[sflag:s29] =	ssyncset.done $0x0  }
0x7b: {  	[sflag:s29] =	ssyncadd.s32 $0xFFFFC000  }
0x7c: {  	[tilespmem:s22], [sflag:$0x1] =	stream.linear.gather [spmem:s8], $0x4000, $0x38;
	[tilespmem:$0x1D400] =	vst v63  }
0x7d: {  	_ = 	snop  }
0x7e: {  	[hbm4b:s14+s3] =	stream.linear.scatter [tilespmem:s24], [sflag:$0x6], $0x4000, $0x38;
	[tilespmem:$0x1D400] =	vst v63  }
0x7f: {  	_ =	swait.ge [sflag:s21], $0x4000  }
0x80: {  	[sflag:s21] =	ssyncset.done $0x0  }
0x81: {  	[sflag:s21] =	ssyncadd.s32 $0xFFFFC000  }
0x82: {  	_ =	swait.ge [sflag:s25], $0x4000  }
0x83: {  	[sflag:s25] =	ssyncset.done $0x0  }
0x84: {  	[sflag:s25] =	ssyncadd.s32 $0xFFFFC000  }
0x85: {  	[tilespmem:s24], [sflag:$0x2] =	stream.linear.gather [spmem:s9], $0x4000, $0x38;
	[tilespmem:$0x1D400] =	vst v63  }
0x86: {  	_ = 	snop  }
0x87: {  	[hbm4b:s15+s3] =	stream.linear.scatter [tilespmem:s22], [sflag:$0x6], $0x4000, $0x38;
	[tilespmem:$0x1D400] =	vst v63  }
0x88: {  	_ =	swait.ge [sflag:s21], $0x4000  }
0x89: {  	[sflag:s21] =	ssyncset.done $0x0  }
0x8a: {  	[sflag:s21] =	ssyncadd.s32 $0xFFFFC000  }
0x8b: {  	_ =	swait.ge [sflag:s29], $0x4000  }
0x8c: {  	[sflag:s29] =	ssyncset.done $0x0  }
0x8d: {  	[sflag:s29] =	ssyncadd.s32 $0xFFFFC000  }
0x8e: {  	[tilespmem:s22], [sflag:$0x1] =	stream.linear.gather [spmem:s10], $0x4000, $0x38;
	[tilespmem:$0x1D400] =	vst v63  }
0x8f: {  	_ = 	snop  }
0x90: {  	[hbm4b:s16+s3] =	stream.linear.scatter [tilespmem:s24], [sflag:$0x6], $0x4000, $0x38;
	[tilespmem:$0x1D400] =	vst v63  }
0x91: {  	_ =	swait.ge [sflag:s21], $0x4000  }
0x92: {  	[sflag:s21] =	ssyncset.done $0x0  }
0x93: {  	[sflag:s21] =	ssyncadd.s32 $0xFFFFC000  }
0x94: {  	s0 =	sadd.s32 $0x1, s0;
	_ =	swait.ge [sflag:s25], $0x4000  }
0x95: {  	p0 =	sne.s32 s0, s18;
	[sflag:s25] =	ssyncset.done $0x0  }
.Ltmp1:
0x96: {  	[sflag:s25] =	ssyncadd.s32 $0xFFFFC000;
	(pc) =	sbr.rel @p0 .LBB2_1-.Ltmp1, $4  }
0x97: {  	[hbm4b:s17+s3] =	stream.linear.scatter [tilespmem:s22], [sflag:$0x6], $0x4000, $0x38;
	[tilespmem:$0x1D400] =	vst v63  }
0x98: {  	_ =	swait.ge [sflag:s21], $0x4000  }
0x99: {  	[sflag:s21] =	ssyncset.done $0x0  }
0x9a: {  	[sflag:s21] =	ssyncadd.s32 $0xFFFFC000  }
0x9b: {  	_ =	sfence.sel $0x180000  }
0x9c: {  	[bflag:$0x0] =	sbarrier.arrive $0xFFFF  }
0x9d: {  	_ =	strace $0x9000004A  }
0x9e: {  	s0 =	stileid.u32;
	[bflag:$0x2] =	sbarrier.arrive $0xFFFF  }
0x9f: {  	p0 =	sne.s32 s0, $0x0;
	s0 =	rddreg [dreg:$0x2]  }
0xa0: {  	s0 =	sadd.s32 @!p0 $0x100000, s0  }
0xa1: {  	[sflag:s0] =	ssyncadd.tile.s32 @!p0 $0x1;
	_ =	shalt  }
.Lfunc_end2:
_tile_overlayer_lowered:
.L_overlay_start_2:
0xa2: {  	(tag) =	ssettag $0x2  }
0xa3: {  	s0 =	rddreg [dreg:$0x0];
	s2 =	stileid.u32  }
0xa4: {  	s1 =	rddreg [dreg:$0x1];
	p0 =	sne.s32 s2, $0x0  }
0xa5: {  	s3 =	rddreg [dreg:$0x2];
	[bflag:$0x3] =	sbarrier.arrive $0xFFFF;
	s2 =	simm.s32 @!p0 $0x1C06  }
0xa6: {  	[timem:s3], [sflag:s2] =	dma.local @!p0 [hbm:s0], s1  }
0xa7: {  	s0 =	simm.s32 @!p0 $0x6  }
0xa8: {  	_ =	swait.ge @!p0 [sflag:s0], s1  }
0xa9: {  	s1 =	ssub.s32 @!p0 $0x0, s1;
	[sflag:s0] =	ssyncset.done @!p0 $0x0  }
0xaa: {  	[sflag:s0] =	ssyncadd.s32 @!p0 s1  }
0xab: {  	[bflag:$0x3] =	sbarrier.arrive $0xFFFF  }
0xac: {  	_ =	shalt  }

// kernel: kernel.26.cloned.1.call-start
scs
__scs_entry_jumppad:
0x0: {  	(pc) =	sbr.rel $0x88, $3  }
0x1: {  	(tag) =	ssettag $0x0;
	lr =	simm.s32 $0x1  }
0x2: {  	[smem:$0x3F79] =	sst lr;
	_ =	strace $0xD0000000  }
0x3: {  	_ = 	snop  }
0x4: {  	_ = 	snop  }
0x5: {  	_ = 	snop  }
0x6: {  	_ = 	snop  }
0x7: {  	_ = 	snop  }
__scs_overlays_trampoline_lowered:
0x8: {  	[smem:$0x3F88] =	sst s0  }
0x9: {  	[smem:$0x3F89] =	sst s1  }
0xa: {  	[smem:$0x3F8A] =	sst s2  }
0xb: {  	[smem:$0x3F8B] =	sst s3  }
0xc: {  	[smem:$0x3F8C] =	sst s4  }
0xd: {  	[smem:$0x3F8D] =	sst s5  }
0xe: {  	[smem:$0x3F8E] =	sst s6  }
0xf: {  	[smem:$0x3F8F] =	sst s7  }
0x10: {  	[smem:$0x3F90] =	sst s8  }
0x11: {  	[smem:$0x3F91] =	sst s9;
	s0 =	simm.s32 @!p0 $0x0  }
0x12: {  	s1 =	sld [smem:$0x3F77];
	s0 =	simm.s32 @p0 $0x1  }
0x13: {  	[smem:$0x3F92] =	sst s0;
	s0 =	simm.s32 @!p1 $0x0  }
0x14: {  	s2 =	sld [smem:$0x3F76];
	s0 =	simm.s32 @p1 $0x1  }
0x15: {  	[smem:$0x3F93] =	sst s0;
	s0 =	simm.s32 @!p2 $0x0  }
0x16: {  	s3 =	sld [smem:$0x3FDB];
	s0 =	simm.s32 @p2 $0x1  }
0x17: {  	s4 =	simm.s32 $0x1BF5;
	[smem:$0x3F95] =	sst s0  }
0x18: {  	s0 =	sld [smem:$0x3F78];
	_ =	swait.ge [sflag:s4], $0x0  }
0x19: {  	s7 =	sld [smem:$0x3F79]  }
0x1a: {  	s8 =	sadd.s32 $0xFFFFE003, lr  }
0x1b: {  	s9 =	sadd.s32 $0xFFFFFEF7, lr;
	s5 =	simm.s32 $0xFFFFFFFF;
	p2 =	slt.u32 s8, $0xFFFFF086  }
0x1c: {  	p1 =	slt.u32 s9, $0xF7A;
	s5 =	simm.s32 @!p2 $0x0  }
0x1d: {  	s5 =	simm.s32 @p1 $0x1;
	p0 =	seq.s32 s7, s2  }
0x1e: {  	s7 =	smul.u32 @!p0 $0xF7A, s2;
	p2 =	seq.s32 @!p0 s5, $0x0  }
0x1f: {  	s9 =	smul.u32 $0xF7A, s1;
	s8 =	simm.s32 @!p0 $0x1BF5;
	p2 =	por !p2, p0  }
0x20: {  	[sflag:s8] =	ssyncset.s32 @!p0 $0xFFFFF086;
	s6 =	sadd.s32 @!p0 s3, s7;
	s7 =	simm.s32 @!p0 $0x108  }
0x21: {  	s3 =	sadd.s32 s3, s9;
	s6 =	sadd.s32 @!p0 $0x88, s6;
	s7 =	simm.s32 @p2 $0x1082  }
0x22: {  	[simem:s7], [sflag:s8] =	dma.local @!p0 [hbm:s6], $0xF7A  }
0x23: {  	s9 =	sor.u32 $0xD0000000, s2;
	s6 =	simm.s32 $0x108;
	_ =	swait.ge @!p0 [sflag:s8], $0x0  }
0x24: {  	s3 =	sadd.s32 $0x88, s3;
	s6 =	simm.s32 @!p1 $0x1082;
	[sflag:s4] =	ssyncset.s32 $0xFFFFF086  }
0x25: {  	[simem:s6], [sflag:s4] =	dma.local [hbm:s3], $0xF7A  }
0x26: {  	[smem:$0x3F79] =	sst s1;
	(tag) =	ssettag s2;
	_ =	strace s9  }
0x27: {  	s1 =	sld [smem:$0x3F89]  }
0x28: {  	s2 =	sld [smem:$0x3F8A]  }
0x29: {  	s4 =	sld [smem:$0x3F8C]  }
0x2a: {  	p0 =	seq.s32 s5, $0x0;
	s5 =	sld [smem:$0x3F8D]  }
0x2b: {  	s6 =	sld [smem:$0x3F8E]  }
0x2c: {  	s7 =	sld [smem:$0x3F8F]  }
0x2d: {  	s3 =	simm.s32 $0x108;
	s8 =	sld [smem:$0x3F90]  }
0x2e: {  	s3 =	simm.s32 @!p0 $0x1082;
	s9 =	sld [smem:$0x3F91]  }
0x2f: {  	lr =	sadd.s32 s0, s3;
	s0 =	sld [smem:$0x3F88]  }
0x30: {  	s3 =	sld [smem:$0x3F8B]  }
0x31: {  	[smem:$0x3F94] =	sst s10  }
0x32: {  	s10 =	sld [smem:$0x3F92];
	_ =	sdelay $0x3  }
0x33: {  	p0 =	seq.s32 s10, $0x1;
	s10 =	sld [smem:$0x3F94];
	_ =	sdelay $0x3  }
0x34: {  	[smem:$0x3F94] =	sst s10  }
0x35: {  	s10 =	sld [smem:$0x3F93];
	_ =	sdelay $0x3  }
0x36: {  	p1 =	seq.s32 s10, $0x1;
	s10 =	sld [smem:$0x3F94];
	_ =	sdelay $0x3  }
0x37: {  	[smem:$0x3F94] =	sst s10  }
0x38: {  	s10 =	sld [smem:$0x3F95]  }
0x39: {  	_ = 	snop;
	(pc) =	sbr.ind lr, $3  }
0x3a: {  	_ = 	snop  }
0x3b: {  	_ = 	snop  }
0x3c: {  	p2 =	seq.s32 s10, $0x1;
	s10 =	sld [smem:$0x3F94]  }
0x3d: {  	_ =	shalt  }
0x3e: {  	_ =	shalt  }
0x3f: {  	_ =	shalt  }
0x40: {  	_ =	shalt  }
0x41: {  	_ =	shalt  }
0x42: {  	_ =	shalt  }
0x43: {  	_ =	shalt  }
0x44: {  	_ =	shalt  }
0x45: {  	_ =	shalt  }
0x46: {  	_ =	shalt  }
0x47: {  	_ =	shalt  }
0x48: {  	_ =	shalt  }
0x49: {  	_ =	shalt  }
0x4a: {  	_ =	shalt  }
0x4b: {  	_ =	shalt  }
0x4c: {  	_ =	shalt  }
0x4d: {  	_ =	shalt  }
0x4e: {  	_ =	shalt  }
0x4f: {  	_ =	shalt  }
0x50: {  	_ =	shalt  }
0x51: {  	_ =	shalt  }
0x52: {  	_ =	shalt  }
0x53: {  	_ =	shalt  }
0x54: {  	_ =	shalt  }
0x55: {  	_ =	shalt  }
0x56: {  	_ =	shalt  }
0x57: {  	_ =	shalt  }
0x58: {  	_ =	shalt  }
0x59: {  	_ =	shalt  }
0x5a: {  	_ =	shalt  }
0x5b: {  	_ =	shalt  }
0x5c: {  	_ =	shalt  }
0x5d: {  	_ =	shalt  }
0x5e: {  	_ =	shalt  }
0x5f: {  	_ =	shalt  }
0x60: {  	_ =	shalt  }
0x61: {  	_ =	shalt  }
0x62: {  	_ =	shalt  }
0x63: {  	_ =	shalt  }
0x64: {  	_ =	shalt  }
0x65: {  	_ =	shalt  }
0x66: {  	_ =	shalt  }
0x67: {  	_ =	shalt  }
0x68: {  	_ =	shalt  }
0x69: {  	_ =	shalt  }
0x6a: {  	_ =	shalt  }
0x6b: {  	_ =	shalt  }
0x6c: {  	_ =	shalt  }
0x6d: {  	_ =	shalt  }
0x6e: {  	_ =	shalt  }
0x6f: {  	_ =	shalt  }
0x70: {  	_ =	shalt  }
0x71: {  	_ =	shalt  }
0x72: {  	_ =	shalt  }
0x73: {  	_ =	shalt  }
0x74: {  	_ =	shalt  }
0x75: {  	_ =	shalt  }
0x76: {  	_ =	shalt  }
0x77: {  	_ =	shalt  }
0x78: {  	_ =	shalt  }
0x79: {  	_ =	shalt  }
0x7a: {  	_ =	shalt  }
0x7b: {  	_ =	shalt  }
0x7c: {  	_ =	shalt  }
0x7d: {  	_ =	shalt  }
0x7e: {  	_ =	shalt  }
0x7f: {  	_ =	shalt  }
0x80: {  	_ =	shalt  }
0x81: {  	_ =	shalt  }
0x82: {  	_ =	shalt  }
0x83: {  	_ =	shalt  }
0x84: {  	_ =	shalt  }
0x85: {  	_ =	shalt  }
0x86: {  	_ =	shalt  }
0x87: {  	_ =	shalt  }
.Lfunc_end0:
.L_simem_size_0:
called_computation.2_lowered:
.L_overlay_start_0:
0x88: {  	s2 =	sld [smem:$0x3FD9]  }
0x89: {  	s3 =	sld [smem:$0x3FFE];
	_ =	sdelay $0x1  }
0x8a: {  	s1 =	srdreg.scid  }
0x8b: {  	s0 =	sand.u32 $0x1, s1  }
0x8c: {  	s17 =	sshll.u32 s0, $0xA;
	s2 =	sadd.s32 s3, s2  }
0x8d: {  	s2 =	sadd.s32 s2, s17  }
0x8e: {  	[smem:$0x3FA0] =	sst s2  }
0x8f: {  	_ = 	snop  }
0x90: {  	s2 =	sld [smem:$0x3FD0];
	(tm) =	ssettm $0x1  }
0x91: {  	s18 =	sld [smem:$0x3FFB];
	_ =	sdelay $0x3  }
0x92: {  	_ =	strace s18  }
0x93: {  	s3 =	sld [smem:$0x3FFC];
	_ =	sdelay $0x3  }
0x94: {  	_ =	strace s3  }
0x95: {  	s3 =	sld [smem:$0x3FFD];
	_ =	sdelay $0x3  }
0x96: {  	_ =	strace s3  }
0x97: {  	_ =	strace $0x8FFFFFFF  }
0x98: {  	s19 =	sld [smem:$0x3FDB];
	_ =	sdelay $0x1  }
0x99: {  	s4 =	simm.s32 $_scs_section_size  }
0x9a: {  	s5 =	simm.s32 $_size__tile_overlayer_lowered;
	s6 =	simm.s32 $_tile_overlayer_lowered  }
0x9b: {  	s22 =	simm.s32 $0x1BFF;
	s21 =	sshll.u32 s6, $0x1;
	s3 =	sadd.s32 s4, s19  }
0x9c: {  	s7 =	simm.s32 $0x0;
	s20 =	sshll.u32 s5, $0x1;
	s5 =	sadd.s32 s21, s3  }
0x9d: {  	[timem:s7], [sflag:s22] =	dma.local [hbm:s5], s20  }
0x9e: {  	_ =	swait.ge [sflag:s22], s20  }
0x9f: {  	s4 =	ssub.s32 $0x0, s20;
	[sflag:s22] =	ssyncset.done $0x0  }
0xa0: {  	[sflag:s22] =	ssyncadd.s32 s4;
	_ =	sdelay $0x1  }
0xa1: {  	s23 =	simm.s32 $0x1B8B  }
0xa2: {  	_ =	swait.ge [sflag:s23], $0x1  }
0xa3: {  	[sflag:s23] =	ssyncset.done $0x0  }
0xa4: {  	s25 =	simm.s32 $0x1B8E;
	s24 =	sld [smem:$0x3FFE];
	[sflag:s23] =	ssyncadd.s32 $0xFFFFFFFF  }
0xa5: {  	s26 =	simm.s32 $execute0_lowered;
	[smem:$0x3FD2] =	sst s25  }
0xa6: {  	s5 =	sshll.u32 s26, $0x1;
	_ =	strace $0x8000004C;
	[dreg:$0x1] =	wrdreg $0xFFFFFFFF  }
0xa7: {  	s28 =	simm.s32 $_size_execute0_lowered;
	s3 =	sadd.s32 s3, s5;
	[dreg:$0x0] =	wrdreg $0x0  }
0xa8: {  	s5 =	sshll.u32 s28, $0x1;
	[dreg:$0x2] =	wrdreg s3  }
0xa9: {  	[dreg:$0x3] =	wrdreg s5  }
0xaa: {  	[dreg:$0x4] =	wrdreg $0xC0  }
0xab: {  	_ =	task [dreg:s7], $0x5FFFF  }
0xac: {  	[dreg:$0x1] =	wrdreg $0xFFFFFFFF  }
0xad: {  	[dreg:$0x0] =	wrdreg $0x60  }
0xae: {  	[dreg:$0x2] =	wrdreg s24  }
0xaf: {  	[dreg:$0x3] =	wrdreg s2  }
0xb0: {  	[dreg:$0x4] =	wrdreg $0x9  }
0xb1: {  	_ =	task.clear_ibuf [dreg:s7], $0x5FFFF;
	_ =	strace $0x9000004C  }
0xb2: {  	s29 =	simm.s32 $0x9;
	_ =	strace $0x8000004E  }
0xb3: {  	_ =	swait.ge [sflag:s29], $0x1  }
0xb4: {  	[sflag:s29] =	ssyncadd.s32 $0xFFFFFFFF  }
0xb5: {  	_ =	strace $0x9000004E  }
0xb6: {  	_ =	sfence  }
0xb7: {  	s30 =	sld [smem:$0x0];
	_ =	sdelay $0x2  }
0xb8: {  	s31 =	sshll.u32 s1, $0xD;
	s1 =	sshrl.u32 s1, $0x2  }
0xb9: {  	s3 =	sand.u32 $0x4000, s31;
	s1 =	sadd.s32 s1, s30  }
0xba: {  	s0 =	sor.u32 s3, s0;
	s1 =	sshll.u32 s1, $0x11  }
0xbb: {  	s0 =	sor.u32 s1, s0  }
0xbc: {  	s0 =	sadd.s32 $0x8F2B, s0  }
0xbd: {  	[sflag:s0] =	ssyncadd.remote.s32 $0x1  }
0xbe: {  	_ =	sfence.sel $0xFFFF  }
0xbf: {  	[dreg:$0x0] =	wrdreg $0xFFFFFFFF;
	(pc) =	sbr.abs _section_cstart, $3  }
0xc0: {  	[dreg:$0x1] =	wrdreg $0xFFFFFFFF  }
0xc1: {  	_ =	task.clear_ibuf [dreg:s7], $0x2FFFF;
	_ =	strace $0x9FFFFFFF  }
0xc2: {  	(tm) =	ssettm $0x7FFFFFFF  }
0xc3: {  	_ =	shalt  }
tec
execute0_lowered:
.L_overlay_start_1:
0x0: {  	(tag) =	ssettag $0x1  }
0x1: {  	s0 =	rddreg [dreg:$0x0];
	s1 =	srdreg.scid  }
0x2: {  	s12 =	stileid.u32;
	s5 =	rddreg [dreg:$0x1]  }
0x3: {  	s2 =	simm.s32 $0x0;
	s14 =	simm.s32 $0x80;
	s15 =	simm.s32 $0x2800  }
0x4: {  	s16 =	simm.s32 $0xE800;
	s19 =	simm.s32 $0x12800;
	s21 =	simm.s32 $0xA800  }
0x5: {  	s28 =	simm.s32 $0xA;
	s29 =	simm.s32 $0x2;
	s30 =	simm.s32 $0x5  }
0x6: {  	s31 =	simm.s32 $0x8;
	s18 =	simm.s32 $0x6;
	s20 =	simm.s32 $0x9  }
0x7: {  	s1 =	sand.u32 $0x1, s1;
	s3 =	sshll.u32 s12, $0x1;
	[smem:$0x7FF] =	sst s2  }
0x8: {  	s4 =	sadd.s32 $0x5FE00, s0;
	s10 =	sadd.s32 $0xAFE00, s0;
	s23 =	smul.u32 $0x28000, s12  }
0x9: {  	s6 =	sor.u32 s1, s3;
	s9 =	ssub.s32 $0x2, s1;
	s1 =	smul.u32 $0x14000, s1  }
0xa: {  	_ =	strace $0x8000004D;
	s3 =	sadd.s32 $0x37E00, s0;
	s7 =	smul.u32 $0x280, s6  }
0xb: {  	s6 =	smul.u32 $0xA0000, s6;
	s11 =	sshrl.u32 s9, $0x1;
	s26 =	sadd.s32 s23, s10  }
0xc: {  	s9 =	ssub.s32 s9, s11;
	s8 =	sadd.s32 s7, s0;
	s0 =	sadd.s32 $0x32FE00, s0  }
0xd: {  	s6 =	sshrl.u32 s6, $0x3;
	s5 =	sadd.s32 s5, s7;
	s25 =	smax.u32 s9, $0x1  }
0xe: {  	s8 =	sadd.s32 $0x32600, s8;
	[dreg:$0x4] =	wrdreg s5;
	s22 =	sadd.s32 $0x13800, s6  }
0xf: {  	[dreg:$0x7] =	wrdreg s25;
	s25 =	simm.s32 $0x4;
	s6 =	simm.s32 $0x0  }
.Ltmp0:
0x10: {  	[dreg:$0x3] =	wrdreg s8;
	s24 =	sadd.s32 s10, s22;
	(pc) =	sbr.rel .LBB2_1-.Ltmp0, $4  }
0x11: {  	s5 =	sadd.s32 s0, s22;
	s0 =	sadd.s32 s23, s0;
	s10 =	sadd.s32 s1, s26  }
0x12: {  	s23 =	simm.s32 $0x16800;
	s26 =	simm.s32 $0x7;
	[dreg:$0x5] =	wrdreg s24  }
0x13: {  	s22 =	simm.s32 $0xC;
	[dreg:$0x6] =	wrdreg s5;
	s11 =	sadd.s32 s1, s0  }
0x14: {  	s24 =	simm.s32 $0x1;
	s1 =	simm.s32 $0xB;
	s0 =	simm.s32 $0x3  }
.LBB2_4:
0x15: {  	_ =	swait.ge [sflag:s24], $0x4000  }
0x16: {  	[sflag:s24] =	ssyncset.done $0x0  }
0x17: {  	[sflag:s24] =	ssyncadd.s32 $0xFFFFC000  }
0x18: {  	_ =	swait.ge [sflag:s25], $0x4000  }
0x19: {  	[sflag:s25] =	ssyncset.done $0x0  }
0x1a: {  	s5 =	rddreg [dreg:$0x5];
	[sflag:s25] =	ssyncadd.s32 $0xFFFFC000  }
0x1b: {  	[hbm4b:s5+s2] =	stream.linear.scatter [tilespmem:s15], [sflag:$0x7], $0x4000, $0x38;
	[tilespmem:$0x1A800] =	vst v63  }
0x1c: {  	s13 =	rddreg [dreg:$0x6]  }
0x1d: {  	[hbm4b:s13+s2] =	stream.linear.scatter [tilespmem:s16], [sflag:$0xA], $0x4000, $0x38;
	[tilespmem:$0x1A800] =	vst v63  }
0x1e: {  	_ =	swait.ge [sflag:s26], $0x4000  }
0x1f: {  	[sflag:s26] =	ssyncset.done $0x0  }
0x20: {  	[sflag:s26] =	ssyncadd.s32 $0xFFFFC000  }
0x21: {  	_ =	swait.ge [sflag:s28], $0x4000  }
0x22: {  	s6 =	rddreg [dreg:$0x8]  }
0x23: {  	s17 =	rddreg [dreg:$0x7];
	s6 =	sadd.s32 $0x1, s6  }
0x24: {  	p0 =	sne.s32 s6, s17  }
.Ltmp1:
0x25: {  	_ = 	snop;
	(pc) =	sbr.rel @!p0 .LBB2_5-.Ltmp1, $3  }
0x26: {  	_ =	sdelay $0x1  }
0x27: {  	[sflag:s28] =	ssyncset.done $0x0  }
0x28: {  	[sflag:s28] =	ssyncadd.s32 $0xFFFFC000  }
.LBB2_1:
0x29: {  	[dreg:$0x8] =	wrdreg s6  }
0x2a: {  	s5 =	rddreg [dreg:$0x3];
	s17 =	simm.s32 $0xD  }
0x2b: {  	[tilespmem:s2], [sflag:$0xD] =	stream.linear.gather [hbm4b:s5+s2], $0x1400, $0x38;
	[tilespmem:$0x1A800] =	vst v63  }
0x2c: {  	_ =	swait.ge [sflag:s17], $0x1400  }
0x2d: {  	[sflag:s17] =	ssyncset.done $0x0  }
0x2e: {  	s7 =	simm.s32 $0x1400;
	s8 =	rddreg [dreg:$0x4];
	[sflag:s17] =	ssyncadd.s32 $0xFFFFEC00  }
0x2f: {  	[tilespmem:s7], [sflag:$0xD] =	stream.linear.gather [hbm4b:s8+s2], $0x1400, $0x38;
	[tilespmem:$0x1A800] =	vst v63  }
0x30: {  	_ =	swait.ge [sflag:s17], $0x1400  }
0x31: {  	[sflag:s17] =	ssyncset.done $0x0  }
0x32: {  	[sflag:s17] =	ssyncadd.s32 $0xFFFFEC00  }
0x33: {  	[tilespmem:s15], [sflag:$0x1] =	stream.indirect.gather [hbm4b:s3+s14], $0x80, s2, s14, $0xb8;
	[tilespmem:$0x1A800] =	vst v63  }
0x34: {  	_ = 	snop  }
0x35: {  	[tilespmem:s16], [sflag:$0x4] =	stream.indirect.gather [hbm4b:s4+s14], $0x80, s7, s14, $0xb8;
	[tilespmem:$0x1A800] =	vst v63  }
0x36: {  	s9 =	simm.s32 $0x6800  }
0x37: {  	[tilespmem:s9], [sflag:$0x2] =	stream.indirect.gather [hbm4b:s3+s14], $0x80, s14, s14, $0xb8;
	[tilespmem:$0x1A800] =	vst v63  }
0x38: {  	s12 =	simm.s32 $0x1480  }
0x39: {  	[tilespmem:s19], [sflag:$0x5] =	stream.indirect.gather [hbm4b:s4+s14], $0x80, s12, s14, $0xb8;
	[tilespmem:$0x1A800] =	vst v63  }
0x3a: {  	s13 =	simm.s32 $0x100;
	s6 =	simm.s32 $0x1680  }
0x3b: {  	[tilespmem:s21], [sflag:$0x3] =	stream.indirect.gather [hbm4b:s3+s14], $0x80, s13, s14, $0xb8;
	[tilespmem:$0x1A800] =	vst v63  }
0x3c: {  	s8 =	simm.s32 $0x0;
	s17 =	simm.s32 $0x1500;
	s7 =	simm.s32 $0x280  }
0x3d: {  	[tilespmem:s23], [sflag:$0x6] =	stream.indirect.gather [hbm4b:s4+s14], $0x80, s17, s14, $0xb8;
	[tilespmem:$0x1A800] =	vst v63  }
.LBB2_2:
0x3e: {  	_ =	swait.ge [sflag:s24], $0x4000  }
0x3f: {  	[sflag:s24] =	ssyncset.done $0x0  }
0x40: {  	[sflag:s24] =	ssyncadd.s32 $0xFFFFC000  }
0x41: {  	_ =	swait.ge [sflag:s25], $0x4000  }
0x42: {  	[sflag:s25] =	ssyncset.done $0x0  }
0x43: {  	s9 =	sadd.s32 s8, s10;
	[sflag:s25] =	ssyncadd.s32 $0xFFFFC000  }
0x44: {  	[hbm4b:s9+s2] =	stream.linear.scatter [tilespmem:s15], [sflag:$0x7], $0x4000, $0x38;
	[tilespmem:$0x1A800] =	vst v63  }
0x45: {  	s13 =	sadd.s32 s8, s11  }
0x46: {  	[hbm4b:s13+s2] =	stream.linear.scatter [tilespmem:s16], [sflag:$0xA], $0x4000, $0x38;
	[tilespmem:$0x1A800] =	vst v63  }
0x47: {  	_ =	swait.ge [sflag:s26], $0x4000  }
0x48: {  	[sflag:s26] =	ssyncset.done $0x0  }
0x49: {  	[sflag:s26] =	ssyncadd.s32 $0xFFFFC000  }
0x4a: {  	_ =	swait.ge [sflag:s28], $0x4000  }
0x4b: {  	[sflag:s28] =	ssyncset.done $0x0  }
0x4c: {  	s12 =	sadd.s32 $0xFFFFFF00, s7;
	[sflag:s28] =	ssyncadd.s32 $0xFFFFC000  }
0x4d: {  	[tilespmem:s15], [sflag:$0x1] =	stream.indirect.gather [hbm4b:s3+s14], $0x80, s12, s14, $0xb8;
	[tilespmem:$0x1A800] =	vst v63  }
0x4e: {  	s5 =	sadd.s32 $0xFFFFFF00, s6  }
0x4f: {  	[tilespmem:s16], [sflag:$0x4] =	stream.indirect.gather [hbm4b:s4+s14], $0x80, s5, s14, $0xb8;
	[tilespmem:$0x1A800] =	vst v63  }
0x50: {  	_ =	swait.ge [sflag:s29], $0x4000  }
0x51: {  	[sflag:s29] =	ssyncset.done $0x0  }
0x52: {  	[sflag:s29] =	ssyncadd.s32 $0xFFFFC000  }
0x53: {  	_ =	swait.ge [sflag:s30], $0x4000  }
0x54: {  	[sflag:s30] =	ssyncset.done $0x0  }
0x55: {  	s17 =	sadd.s32 $0x800, s9;
	s5 =	simm.s32 $0x6800;
	[sflag:s30] =	ssyncadd.s32 $0xFFFFC000  }
0x56: {  	[hbm4b:s17+s2] =	stream.linear.scatter [tilespmem:s5], [sflag:$0x8], $0x4000, $0x38;
	[tilespmem:$0x1A800] =	vst v63  }
0x57: {  	s5 =	sadd.s32 $0x800, s13  }
0x58: {  	[hbm4b:s5+s2] =	stream.linear.scatter [tilespmem:s19], [sflag:$0xB], $0x4000, $0x38;
	[tilespmem:$0x1A800] =	vst v63  }
0x59: {  	_ =	swait.ge [sflag:s31], $0x4000  }
0x5a: {  	[sflag:s31] =	ssyncset.done $0x0  }
0x5b: {  	[sflag:s31] =	ssyncadd.s32 $0xFFFFC000  }
0x5c: {  	p0 =	seq.s32 s8, $0x12000;
	_ =	swait.ge [sflag:s1], $0x4000  }
0x5d: {  	s12 =	sadd.s32 @!p0 $0xFFFFFF80, s7;
	[sflag:s1] =	ssyncset.done $0x0  }
0x5e: {  	s17 =	simm.s32 @!p0 $0x6800;
	s5 =	simm.s32 @!p0 $0x80;
	[sflag:s1] =	ssyncadd.s32 $0xFFFFC000  }
0x5f: {  	[tilespmem:s17], [sflag:$0x2] =	stream.indirect.gather @!p0 [hbm4b:s3+s5], $0x80, s12, s5, $0xb8;
	[tilespmem:$0x1A800] =	vst v63  }
0x60: {  	s12 =	sadd.s32 @!p0 $0xFFFFFF80, s6;
	s17 =	simm.s32 @!p0 $0x12800  }
0x61: {  	[tilespmem:s17], [sflag:$0x5] =	stream.indirect.gather @!p0 [hbm4b:s4+s5], $0x80, s12, s5, $0xb8;
	[tilespmem:$0x1A800] =	vst v63  }
0x62: {  	_ =	swait.ge [sflag:s0], $0x4000  }
0x63: {  	[sflag:s0] =	ssyncset.done $0x0  }
0x64: {  	[sflag:s0] =	ssyncadd.s32 $0xFFFFC000  }
0x65: {  	_ =	swait.ge [sflag:s18], $0x4000  }
0x66: {  	[sflag:s18] =	ssyncset.done $0x0  }
0x67: {  	s12 =	sadd.s32 $0x1000, s9;
	[sflag:s18] =	ssyncadd.s32 $0xFFFFC000  }
0x68: {  	[hbm4b:s12+s2] =	stream.linear.scatter [tilespmem:s21], [sflag:$0x9], $0x4000, $0x38;
	[tilespmem:$0x1A800] =	vst v63  }
0x69: {  	s17 =	sadd.s32 $0x1000, s13  }
0x6a: {  	[hbm4b:s17+s2] =	stream.linear.scatter [tilespmem:s23], [sflag:$0xC], $0x4000, $0x38;
	[tilespmem:$0x1A800] =	vst v63  }
0x6b: {  	_ =	swait.ge [sflag:s20], $0x4000  }
.Ltmp2:
0x6c: {  	[sflag:s20] =	ssyncset.done $0x0;
	(pc) =	sbr.rel @p0 .LBB2_4-.Ltmp2, $4  }
0x6d: {  	[sflag:s20] =	ssyncadd.s32 $0xFFFFC000  }
0x6e: {  	_ =	swait.ge [sflag:s22], $0x4000  }
0x6f: {  	[sflag:s22] =	ssyncset.done $0x0  }
0x70: {  	[sflag:s22] =	ssyncadd.s32 $0xFFFFC000  }
.Ltmp3:
0x71: {  	(pc) =	sbr.rel .LBB2_2-.Ltmp3, $4  }
0x72: {  	[tilespmem:s21], [sflag:$0x3] =	stream.indirect.gather [hbm4b:s3+s14], $0x80, s7, s14, $0xb8;
	[tilespmem:$0x1A800] =	vst v63  }
0x73: {  	_ = 	snop  }
0x74: {  	[tilespmem:s23], [sflag:$0x6] =	stream.indirect.gather [hbm4b:s4+s14], $0x80, s6, s14, $0xb8;
	[tilespmem:$0x1A800] =	vst v63  }
0x75: {  	s8 =	sadd.s32 $0x1800, s8;
	s7 =	sadd.s32 $0x180, s7;
	s6 =	sadd.s32 $0x180, s6  }
.LBB2_5:
0x76: {  	_ =	sfence.sel $0x180000  }
0x77: {  	[bflag:$0x0] =	sbarrier.arrive $0xFFFF  }
0x78: {  	_ =	strace $0x9000004D  }
0x79: {  	s0 =	stileid.u32;
	[bflag:$0x2] =	sbarrier.arrive $0xFFFF  }
0x7a: {  	p0 =	sne.s32 s0, $0x0;
	s0 =	rddreg [dreg:$0x2]  }
0x7b: {  	s0 =	sadd.s32 @!p0 $0x100000, s0  }
0x7c: {  	[sflag:s0] =	ssyncadd.tile.s32 @!p0 $0x1;
	_ =	shalt  }
.Lfunc_end2:
_tile_overlayer_lowered:
.L_overlay_start_2:
0x7d: {  	(tag) =	ssettag $0x2  }
0x7e: {  	s0 =	rddreg [dreg:$0x0];
	s2 =	stileid.u32  }
0x7f: {  	s1 =	rddreg [dreg:$0x1];
	p0 =	sne.s32 s2, $0x0  }
0x80: {  	s3 =	rddreg [dreg:$0x2];
	[bflag:$0x3] =	sbarrier.arrive $0xFFFF;
	s2 =	simm.s32 @!p0 $0x1C0D  }
0x81: {  	[timem:s3], [sflag:s2] =	dma.local @!p0 [hbm:s0], s1  }
0x82: {  	s0 =	simm.s32 @!p0 $0xD  }
0x83: {  	_ =	swait.ge @!p0 [sflag:s0], s1  }
0x84: {  	s1 =	ssub.s32 @!p0 $0x0, s1;
	[sflag:s0] =	ssyncset.done @!p0 $0x0  }
0x85: {  	[sflag:s0] =	ssyncadd.s32 @!p0 s1  }
0x86: {  	[bflag:$0x3] =	sbarrier.arrive $0xFFFF  }
0x87: {  	_ =	shalt  }

// kernel: kernel.29.cloned.1.call-start
scs
__scs_entry_jumppad:
0x0: {  	(pc) =	sbr.rel $0x88, $3  }
0x1: {  	(tag) =	ssettag $0x0;
	lr =	simm.s32 $0x1  }
0x2: {  	[smem:$0x3F79] =	sst lr;
	_ =	strace $0xD0000000  }
0x3: {  	_ = 	snop  }
0x4: {  	_ = 	snop  }
0x5: {  	_ = 	snop  }
0x6: {  	_ = 	snop  }
0x7: {  	_ = 	snop  }
__scs_overlays_trampoline_lowered:
0x8: {  	[smem:$0x3F88] =	sst s0  }
0x9: {  	[smem:$0x3F89] =	sst s1  }
0xa: {  	[smem:$0x3F8A] =	sst s2  }
0xb: {  	[smem:$0x3F8B] =	sst s3  }
0xc: {  	[smem:$0x3F8C] =	sst s4  }
0xd: {  	[smem:$0x3F8D] =	sst s5  }
0xe: {  	[smem:$0x3F8E] =	sst s6  }
0xf: {  	[smem:$0x3F8F] =	sst s7  }
0x10: {  	[smem:$0x3F90] =	sst s8  }
0x11: {  	[smem:$0x3F91] =	sst s9;
	s0 =	simm.s32 @!p0 $0x0  }
0x12: {  	s1 =	sld [smem:$0x3F77];
	s0 =	simm.s32 @p0 $0x1  }
0x13: {  	[smem:$0x3F92] =	sst s0;
	s0 =	simm.s32 @!p1 $0x0  }
0x14: {  	s2 =	sld [smem:$0x3F76];
	s0 =	simm.s32 @p1 $0x1  }
0x15: {  	[smem:$0x3F93] =	sst s0;
	s0 =	simm.s32 @!p2 $0x0  }
0x16: {  	s3 =	sld [smem:$0x3FDB];
	s0 =	simm.s32 @p2 $0x1  }
0x17: {  	s4 =	simm.s32 $0x1BF5;
	[smem:$0x3F95] =	sst s0  }
0x18: {  	s0 =	sld [smem:$0x3F78];
	_ =	swait.ge [sflag:s4], $0x0  }
0x19: {  	s7 =	sld [smem:$0x3F79]  }
0x1a: {  	s8 =	sadd.s32 $0xFFFFE003, lr  }
0x1b: {  	s9 =	sadd.s32 $0xFFFFFEF7, lr;
	s5 =	simm.s32 $0xFFFFFFFF;
	p2 =	slt.u32 s8, $0xFFFFF086  }
0x1c: {  	p1 =	slt.u32 s9, $0xF7A;
	s5 =	simm.s32 @!p2 $0x0  }
0x1d: {  	s5 =	simm.s32 @p1 $0x1;
	p0 =	seq.s32 s7, s2  }
0x1e: {  	s7 =	smul.u32 @!p0 $0xF7A, s2;
	p2 =	seq.s32 @!p0 s5, $0x0  }
0x1f: {  	s9 =	smul.u32 $0xF7A, s1;
	s8 =	simm.s32 @!p0 $0x1BF5;
	p2 =	por !p2, p0  }
0x20: {  	[sflag:s8] =	ssyncset.s32 @!p0 $0xFFFFF086;
	s6 =	sadd.s32 @!p0 s3, s7;
	s7 =	simm.s32 @!p0 $0x108  }
0x21: {  	s3 =	sadd.s32 s3, s9;
	s6 =	sadd.s32 @!p0 $0x88, s6;
	s7 =	simm.s32 @p2 $0x1082  }
0x22: {  	[simem:s7], [sflag:s8] =	dma.local @!p0 [hbm:s6], $0xF7A  }
0x23: {  	s9 =	sor.u32 $0xD0000000, s2;
	s6 =	simm.s32 $0x108;
	_ =	swait.ge @!p0 [sflag:s8], $0x0  }
0x24: {  	s3 =	sadd.s32 $0x88, s3;
	s6 =	simm.s32 @!p1 $0x1082;
	[sflag:s4] =	ssyncset.s32 $0xFFFFF086  }
0x25: {  	[simem:s6], [sflag:s4] =	dma.local [hbm:s3], $0xF7A  }
0x26: {  	[smem:$0x3F79] =	sst s1;
	(tag) =	ssettag s2;
	_ =	strace s9  }
0x27: {  	s1 =	sld [smem:$0x3F89]  }
0x28: {  	s2 =	sld [smem:$0x3F8A]  }
0x29: {  	s4 =	sld [smem:$0x3F8C]  }
0x2a: {  	p0 =	seq.s32 s5, $0x0;
	s5 =	sld [smem:$0x3F8D]  }
0x2b: {  	s6 =	sld [smem:$0x3F8E]  }
0x2c: {  	s7 =	sld [smem:$0x3F8F]  }
0x2d: {  	s3 =	simm.s32 $0x108;
	s8 =	sld [smem:$0x3F90]  }
0x2e: {  	s3 =	simm.s32 @!p0 $0x1082;
	s9 =	sld [smem:$0x3F91]  }
0x2f: {  	lr =	sadd.s32 s0, s3;
	s0 =	sld [smem:$0x3F88]  }
0x30: {  	s3 =	sld [smem:$0x3F8B]  }
0x31: {  	[smem:$0x3F94] =	sst s10  }
0x32: {  	s10 =	sld [smem:$0x3F92];
	_ =	sdelay $0x3  }
0x33: {  	p0 =	seq.s32 s10, $0x1;
	s10 =	sld [smem:$0x3F94];
	_ =	sdelay $0x3  }
0x34: {  	[smem:$0x3F94] =	sst s10  }
0x35: {  	s10 =	sld [smem:$0x3F93];
	_ =	sdelay $0x3  }
0x36: {  	p1 =	seq.s32 s10, $0x1;
	s10 =	sld [smem:$0x3F94];
	_ =	sdelay $0x3  }
0x37: {  	[smem:$0x3F94] =	sst s10  }
0x38: {  	s10 =	sld [smem:$0x3F95]  }
0x39: {  	_ = 	snop;
	(pc) =	sbr.ind lr, $3  }
0x3a: {  	_ = 	snop  }
0x3b: {  	_ = 	snop  }
0x3c: {  	p2 =	seq.s32 s10, $0x1;
	s10 =	sld [smem:$0x3F94]  }
0x3d: {  	_ =	shalt  }
0x3e: {  	_ =	shalt  }
0x3f: {  	_ =	shalt  }
0x40: {  	_ =	shalt  }
0x41: {  	_ =	shalt  }
0x42: {  	_ =	shalt  }
0x43: {  	_ =	shalt  }
0x44: {  	_ =	shalt  }
0x45: {  	_ =	shalt  }
0x46: {  	_ =	shalt  }
0x47: {  	_ =	shalt  }
0x48: {  	_ =	shalt  }
0x49: {  	_ =	shalt  }
0x4a: {  	_ =	shalt  }
0x4b: {  	_ =	shalt  }
0x4c: {  	_ =	shalt  }
0x4d: {  	_ =	shalt  }
0x4e: {  	_ =	shalt  }
0x4f: {  	_ =	shalt  }
0x50: {  	_ =	shalt  }
0x51: {  	_ =	shalt  }
0x52: {  	_ =	shalt  }
0x53: {  	_ =	shalt  }
0x54: {  	_ =	shalt  }
0x55: {  	_ =	shalt  }
0x56: {  	_ =	shalt  }
0x57: {  	_ =	shalt  }
0x58: {  	_ =	shalt  }
0x59: {  	_ =	shalt  }
0x5a: {  	_ =	shalt  }
0x5b: {  	_ =	shalt  }
0x5c: {  	_ =	shalt  }
0x5d: {  	_ =	shalt  }
0x5e: {  	_ =	shalt  }
0x5f: {  	_ =	shalt  }
0x60: {  	_ =	shalt  }
0x61: {  	_ =	shalt  }
0x62: {  	_ =	shalt  }
0x63: {  	_ =	shalt  }
0x64: {  	_ =	shalt  }
0x65: {  	_ =	shalt  }
0x66: {  	_ =	shalt  }
0x67: {  	_ =	shalt  }
0x68: {  	_ =	shalt  }
0x69: {  	_ =	shalt  }
0x6a: {  	_ =	shalt  }
0x6b: {  	_ =	shalt  }
0x6c: {  	_ =	shalt  }
0x6d: {  	_ =	shalt  }
0x6e: {  	_ =	shalt  }
0x6f: {  	_ =	shalt  }
0x70: {  	_ =	shalt  }
0x71: {  	_ =	shalt  }
0x72: {  	_ =	shalt  }
0x73: {  	_ =	shalt  }
0x74: {  	_ =	shalt  }
0x75: {  	_ =	shalt  }
0x76: {  	_ =	shalt  }
0x77: {  	_ =	shalt  }
0x78: {  	_ =	shalt  }
0x79: {  	_ =	shalt  }
0x7a: {  	_ =	shalt  }
0x7b: {  	_ =	shalt  }
0x7c: {  	_ =	shalt  }
0x7d: {  	_ =	shalt  }
0x7e: {  	_ =	shalt  }
0x7f: {  	_ =	shalt  }
0x80: {  	_ =	shalt  }
0x81: {  	_ =	shalt  }
0x82: {  	_ =	shalt  }
0x83: {  	_ =	shalt  }
0x84: {  	_ =	shalt  }
0x85: {  	_ =	shalt  }
0x86: {  	_ =	shalt  }
0x87: {  	_ =	shalt  }
.Lfunc_end0:
.L_simem_size_0:
called_computation.3_lowered:
.L_overlay_start_0:
0x88: {  	s2 =	sld [smem:$0x3FD9]  }
0x89: {  	s3 =	sld [smem:$0x3FFE];
	_ =	sdelay $0x1  }
0x8a: {  	s1 =	srdreg.scid  }
0x8b: {  	s0 =	sand.u32 $0x1, s1  }
0x8c: {  	s16 =	sshll.u32 s0, $0xA;
	s2 =	sadd.s32 s3, s2  }
0x8d: {  	s2 =	sadd.s32 s2, s16  }
0x8e: {  	[smem:$0x3FA0] =	sst s2  }
0x8f: {  	_ = 	snop  }
0x90: {  	(tm) =	ssettm $0x1  }
0x91: {  	s17 =	sld [smem:$0x3FFB];
	_ =	sdelay $0x3  }
0x92: {  	_ =	strace s17  }
0x93: {  	s2 =	sld [smem:$0x3FFC];
	_ =	sdelay $0x3  }
0x94: {  	_ =	strace s2  }
0x95: {  	s2 =	sld [smem:$0x3FFD];
	_ =	sdelay $0x3  }
0x96: {  	_ =	strace s2  }
0x97: {  	_ =	strace $0x8FFFFFFF  }
0x98: {  	s18 =	sld [smem:$0x3FDB];
	_ =	sdelay $0x1  }
0x99: {  	s19 =	simm.s32 $_scs_section_size  }
0x9a: {  	s4 =	simm.s32 $_size__tile_overlayer_lowered;
	s5 =	simm.s32 $_tile_overlayer_lowered  }
0x9b: {  	s22 =	simm.s32 $0x1BFF;
	s21 =	sshll.u32 s5, $0x1;
	s2 =	sadd.s32 s19, s18  }
0x9c: {  	s6 =	simm.s32 $0x0;
	s20 =	sshll.u32 s4, $0x1;
	s4 =	sadd.s32 s21, s2  }
0x9d: {  	[timem:s6], [sflag:s22] =	dma.local [hbm:s4], s20  }
0x9e: {  	_ =	swait.ge [sflag:s22], s20  }
0x9f: {  	s3 =	ssub.s32 $0x0, s20;
	[sflag:s22] =	ssyncset.done $0x0  }
0xa0: {  	[sflag:s22] =	ssyncadd.s32 s3;
	_ =	sdelay $0x1  }
0xa1: {  	s23 =	simm.s32 $0x1B8B  }
0xa2: {  	_ =	swait.ge [sflag:s23], $0x1  }
0xa3: {  	[sflag:s23] =	ssyncset.done $0x0  }
0xa4: {  	s25 =	simm.s32 $0x1B8E;
	s24 =	sld [smem:$0x3FFE];
	[sflag:s23] =	ssyncadd.s32 $0xFFFFFFFF  }
0xa5: {  	s26 =	simm.s32 $execute0_lowered;
	[smem:$0x3FD2] =	sst s25  }
0xa6: {  	s4 =	sshll.u32 s26, $0x1;
	_ =	strace $0x8000004F;
	[dreg:$0x1] =	wrdreg $0xFFFFFFFF  }
0xa7: {  	s28 =	simm.s32 $_size_execute0_lowered;
	s2 =	sadd.s32 s2, s4;
	[dreg:$0x0] =	wrdreg $0x0  }
0xa8: {  	s4 =	sshll.u32 s28, $0x1;
	[dreg:$0x2] =	wrdreg s2  }
0xa9: {  	[dreg:$0x3] =	wrdreg s4  }
0xaa: {  	[dreg:$0x4] =	wrdreg $0xC0  }
0xab: {  	_ =	task [dreg:s6], $0x5FFFF  }
0xac: {  	[dreg:$0x1] =	wrdreg $0xFFFFFFFF  }
0xad: {  	[dreg:$0x0] =	wrdreg $0x60  }
0xae: {  	[dreg:$0x2] =	wrdreg s24  }
0xaf: {  	[dreg:$0x3] =	wrdreg $0x14000  }
0xb0: {  	[dreg:$0x4] =	wrdreg $0x9  }
0xb1: {  	_ =	task.clear_ibuf [dreg:s6], $0x5FFFF;
	_ =	strace $0x9000004F  }
0xb2: {  	s29 =	simm.s32 $0x9;
	_ =	strace $0x80000051  }
0xb3: {  	_ =	swait.ge [sflag:s29], $0x1  }
0xb4: {  	[sflag:s29] =	ssyncadd.s32 $0xFFFFFFFF  }
0xb5: {  	_ =	strace $0x90000051  }
0xb6: {  	_ =	sfence  }
0xb7: {  	s30 =	sld [smem:$0x0];
	_ =	sdelay $0x2  }
0xb8: {  	s31 =	sshll.u32 s1, $0xD;
	s1 =	sshrl.u32 s1, $0x2  }
0xb9: {  	s3 =	sand.u32 $0x4000, s31;
	s1 =	sadd.s32 s1, s30  }
0xba: {  	s0 =	sor.u32 s3, s0;
	s1 =	sshll.u32 s1, $0x11  }
0xbb: {  	s0 =	sor.u32 s1, s0  }
0xbc: {  	s0 =	sadd.s32 $0x8F2B, s0  }
0xbd: {  	[sflag:s0] =	ssyncadd.remote.s32 $0x1  }
0xbe: {  	_ =	sfence.sel $0xFFFF  }
0xbf: {  	[dreg:$0x0] =	wrdreg $0xFFFFFFFF;
	(pc) =	sbr.abs _section_cstart, $3  }
0xc0: {  	[dreg:$0x1] =	wrdreg $0xFFFFFFFF  }
0xc1: {  	_ =	task.clear_ibuf [dreg:s6], $0x2FFFF;
	_ =	strace $0x9FFFFFFF  }
0xc2: {  	(tm) =	ssettm $0x7FFFFFFF  }
0xc3: {  	_ =	shalt  }
tec
execute0_lowered:
.L_overlay_start_1:
0x0: {  	(tag) =	ssettag $0x1  }
0x1: {  	s0 =	rddreg [dreg:$0x0]  }
0x2: {  	s1 =	srdreg.scid;
	s21 =	stileid.u32  }
0x3: {  	s2 =	rddreg [dreg:$0x1];
	s3 =	simm.s32 $0x0;
	s28 =	simm.s32 $0x3  }
0x4: {  	s29 =	simm.s32 $0x2;
	s30 =	simm.s32 $0x4;
	s7 =	smul.u32 $0x50000, s21  }
0x5: {  	s1 =	sand.u32 $0x1, s1;
	s4 =	sshll.u32 s21, $0x1;
	s10 =	smul.u32 $0x14000, s21  }
0x6: {  	[smem:$0x7FF] =	sst s3;
	s20 =	sadd.s32 $0xAFE00, s0;
	s21 =	smul.u32 $0x140000, s21  }
0x7: {  	s8 =	sadd.s32 $0x37600, s0;
	s4 =	sor.u32 s1, s4;
	s17 =	smul.u32 $0x140000, s1  }
0x8: {  	_ =	strace $0x80000050;
	s6 =	ssub.s32 $0x2, s1;
	s1 =	smul.u32 $0xA0000, s1  }
0x9: {  	[dreg:$0x3] =	wrdreg s8;
	s5 =	smul.u32 $0x280, s4;
	s11 =	sshrl.u32 s6, $0x1  }
0xa: {  	s12 =	sshrl.u32 s7, $0x2;
	s14 =	sadd.s32 $0x4000, s10;
	s15 =	sadd.s32 $0x8000, s10  }
0xb: {  	s16 =	sadd.s32 $0xC000, s10;
	s4 =	smul.u32 $0x14000, s4;
	s19 =	sadd.s32 $0x10000, s10  }
0xc: {  	s18 =	ssub.s32 s6, s11;
	s6 =	sadd.s32 s12, s2;
	s7 =	sadd.s32 s14, s2  }
0xd: {  	s8 =	sadd.s32 s15, s2;
	s9 =	sadd.s32 s16, s2;
	s12 =	sadd.s32 s10, s17  }
0xe: {  	s10 =	sadd.s32 s19, s2;
	s22 =	sadd.s32 s17, s14;
	s23 =	sadd.s32 s17, s15  }
0xf: {  	s16 =	sadd.s32 s17, s16;
	s25 =	sadd.s32 s17, s19;
	s1 =	sadd.s32 s1, s21  }
0x10: {  	s21 =	simm.s32 $0x6;
	s5 =	sadd.s32 s5, s0;
	s0 =	sadd.s32 $0x37E00, s0  }
0x11: {  	s11 =	sadd.s32 s20, s4;
	s13 =	sshrl.u32 s12, $0x3;
	s4 =	sshrl.u32 s22, $0x3  }
0x12: {  	s15 =	sshrl.u32 s23, $0x3;
	s24 =	sshrl.u32 s16, $0x3;
	s26 =	sor.u32 $0xC000, s1  }
0x13: {  	s1 =	sor.u32 $0x8000, s1;
	s18 =	smax.u32 s18, $0x1;
	s22 =	simm.s32 $0x15400  }
0x14: {  	s23 =	simm.s32 $0x5;
	s5 =	sadd.s32 $0x32600, s5;
	s12 =	sadd.s32 $0x800, s11  }
0x15: {  	s13 =	sadd.s32 s0, s13;
	s14 =	sadd.s32 s0, s4;
	s15 =	sadd.s32 s0, s15  }
0x16: {  	s16 =	sadd.s32 s0, s24;
	s4 =	sshrl.u32 s25, $0x3;
	s31 =	sshrl.u32 s26, $0x3  }
0x17: {  	s1 =	sshrl.u32 s1, $0x3;
	s24 =	simm.s32 $0x19400;
	s25 =	simm.s32 $0x1  }
0x18: {  	s26 =	simm.s32 $0x80;
	[dreg:$0x4] =	wrdreg s5;
	s17 =	sadd.s32 s0, s4  }
0x19: {  	s19 =	sadd.s32 s31, s20;
	s20 =	sadd.s32 s1, s20;
	s0 =	simm.s32 $0x0  }
.LBB2_1:
0x1a: {  	s1 =	rddreg [dreg:$0x4]  }
0x1b: {  	[tilespmem:s3], [sflag:$0x6] =	stream.linear.gather [hbm4b:s1+s3], $0x1400, $0x38;
	[tilespmem:$0x1D400] =	vst v63  }
0x1c: {  	_ =	swait.ge [sflag:s21], $0x1400  }
0x1d: {  	[sflag:s21] =	ssyncset.done $0x0  }
0x1e: {  	s5 =	rddreg [dreg:$0x3];
	[sflag:s21] =	ssyncadd.s32 $0xFFFFEC00  }
0x1f: {  	[tilespmem:s22], [sflag:$0x6] =	stream.linear.gather [hbm4b:s5+s3], $0x4000, $0x38;
	[tilespmem:$0x1D400] =	vst v63  }
0x20: {  	_ =	swait.ge [sflag:s21], $0x4000  }
0x21: {  	[sflag:s21] =	ssyncset.done $0x0  }
0x22: {  	[sflag:s21] =	ssyncadd.s32 $0xFFFFC000  }
0x23: {  	[spmem:s6] =	stream.linear.scatter [tilespmem:s22], [sflag:$0x5], $0x4000, $0x38;
	[tilespmem:$0x1D400] =	vst v63  }
0x24: {  	_ = 	snop  }
0x25: {  	[spmem:s7] =	stream.linear.scatter [tilespmem:s22], [sflag:$0x5], $0x4000, $0x38;
	[tilespmem:$0x1D400] =	vst v63  }
0x26: {  	_ = 	snop  }
0x27: {  	[spmem:s8] =	stream.linear.scatter [tilespmem:s22], [sflag:$0x5], $0x4000, $0x38;
	[tilespmem:$0x1D400] =	vst v63  }
0x28: {  	_ = 	snop  }
0x29: {  	[spmem:s9] =	stream.linear.scatter [tilespmem:s22], [sflag:$0x5], $0x4000, $0x38;
	[tilespmem:$0x1D400] =	vst v63  }
0x2a: {  	_ = 	snop  }
0x2b: {  	[spmem:s10] =	stream.linear.scatter [tilespmem:s22], [sflag:$0x5], $0x4000, $0x38;
	[tilespmem:$0x1D400] =	vst v63  }
0x2c: {  	_ =	swait.ge [sflag:s23], $0x4000  }
0x2d: {  	[sflag:s23] =	ssyncset.done $0x0  }
0x2e: {  	[sflag:s23] =	ssyncadd.s32 $0xFFFFC000  }
0x2f: {  	_ =	swait.ge [sflag:s23], $0x4000  }
0x30: {  	[sflag:s23] =	ssyncset.done $0x0  }
0x31: {  	[sflag:s23] =	ssyncadd.s32 $0xFFFFC000  }
0x32: {  	_ =	swait.ge [sflag:s23], $0x4000  }
0x33: {  	[sflag:s23] =	ssyncset.done $0x0  }
0x34: {  	[sflag:s23] =	ssyncadd.s32 $0xFFFFC000  }
0x35: {  	_ =	swait.ge [sflag:s23], $0x4000  }
0x36: {  	[sflag:s23] =	ssyncset.done $0x0  }
0x37: {  	[sflag:s23] =	ssyncadd.s32 $0xFFFFC000  }
0x38: {  	_ =	swait.ge [sflag:s23], $0x4000  }
0x39: {  	[sflag:s23] =	ssyncset.done $0x0  }
0x3a: {  	[sflag:s23] =	ssyncadd.s32 $0xFFFFC000  }
0x3b: {  	[bflag:$0x0] =	sbarrier.arrive $0xFFFF  }
0x3c: {  	[tilespmem:s22], [sflag:$0x1] =	stream.linear.gather [hbm4b:s11+s3], $0x4000, $0x38;
	[tilespmem:$0x1D400] =	vst v63  }
0x3d: {  	_ = 	snop  }
0x3e: {  	[tilespmem:s24], [sflag:$0x2] =	stream.linear.gather [hbm4b:s12+s3], $0x4000, $0x38;
	[tilespmem:$0x1D400] =	vst v63  }
0x3f: {  	_ =	swait.ge [sflag:s25], $0x4000  }
0x40: {  	[sflag:s25] =	ssyncset.done $0x0  }
0x41: {  	s4 =	simm.s32 $0x0;
	[sflag:s25] =	ssyncadd.s32 $0xFFFFC000  }
0x42: {  	[spmem:s2] =	stream.indirect.scatter.add.f32 [tilespmem:s22], [sflag:$0x3], $0x80, s4, s26, $0xb8;
	[tilespmem:$0x1D400] =	vst v63  }
0x43: {  	_ =	swait.ge [sflag:s28], $0x4000  }
0x44: {  	[sflag:s28] =	ssyncset.done $0x0  }
0x45: {  	s5 =	sadd.s32 $0x0, s20;
	[sflag:s28] =	ssyncadd.s32 $0xFFFFC000  }
0x46: {  	[tilespmem:s22], [sflag:$0x1] =	stream.linear.gather [hbm4b:s5+s3], $0x4000, $0x38;
	[tilespmem:$0x1D400] =	vst v63  }
0x47: {  	_ =	swait.ge [sflag:s29], $0x4000  }
0x48: {  	[sflag:s29] =	ssyncset.done $0x0  }
0x49: {  	[sflag:s29] =	ssyncadd.s32 $0xFFFFC000  }
0x4a: {  	[spmem:s2] =	stream.indirect.scatter.add.f32 [tilespmem:s24], [sflag:$0x4], $0x80, s26, s26, $0xb8;
	[tilespmem:$0x1D400] =	vst v63  }
0x4b: {  	_ =	swait.ge [sflag:s30], $0x4000  }
0x4c: {  	s31 =	simm.s32 $0x1000;
	[sflag:s30] =	ssyncset.done $0x0  }
0x4d: {  	s1 =	simm.s32 $0x180;
	s4 =	sadd.s32 $0x0, s19;
	[sflag:s30] =	ssyncadd.s32 $0xFFFFC000  }
.LBB2_2:
0x4e: {  	[tilespmem:s24], [sflag:$0x2] =	stream.linear.gather [hbm4b:s4+s3], $0x4000, $0x38;
	[tilespmem:$0x1D400] =	vst v63  }
0x4f: {  	s4 =	smov.u32 s31  }
0x50: {  	p0 =	sne.s32 s31, $0x12000;
	s31 =	sadd.s32 $0x1000, s31;
	_ =	swait.ge [sflag:s25], $0x4000  }
0x51: {  	[sflag:s25] =	ssyncset.done $0x0  }
0x52: {  	s5 =	sadd.s32 $0xFFFFFF80, s1;
	[sflag:s25] =	ssyncadd.s32 $0xFFFFC000  }
0x53: {  	[spmem:s2] =	stream.indirect.scatter.add.f32 [tilespmem:s22], [sflag:$0x3], $0x80, s5, s26, $0xb8;
	[tilespmem:$0x1D400] =	vst v63  }
0x54: {  	_ =	swait.ge [sflag:s28], $0x4000  }
0x55: {  	[sflag:s28] =	ssyncset.done $0x0  }
0x56: {  	s5 =	sadd.s32 s4, s20;
	[sflag:s28] =	ssyncadd.s32 $0xFFFFC000  }
0x57: {  	[tilespmem:s22], [sflag:$0x1] =	stream.linear.gather [hbm4b:s5+s3], $0x4000, $0x38;
	[tilespmem:$0x1D400] =	vst v63  }
0x58: {  	_ =	swait.ge [sflag:s29], $0x4000  }
0x59: {  	[sflag:s29] =	ssyncset.done $0x0  }
.Ltmp0:
0x5a: {  	[sflag:s29] =	ssyncadd.s32 $0xFFFFC000;
	(pc) =	sbr.rel @p0 .LBB2_2-.Ltmp0, $4  }
0x5b: {  	[spmem:s2] =	stream.indirect.scatter.add.f32 [tilespmem:s24], [sflag:$0x4], $0x80, s1, s26, $0xb8;
	[tilespmem:$0x1D400] =	vst v63  }
0x5c: {  	_ =	swait.ge [sflag:s30], $0x4000  }
0x5d: {  	[sflag:s30] =	ssyncset.done $0x0  }
0x5e: {  	s4 =	sadd.s32 s4, s19;
	s1 =	sadd.s32 $0x100, s1;
	[sflag:s30] =	ssyncadd.s32 $0xFFFFC000  }
0x5f: {  	[tilespmem:s24], [sflag:$0x2] =	stream.linear.gather [hbm4b:s4+s3], $0x4000, $0x38;
	[tilespmem:$0x1D400] =	vst v63  }
0x60: {  	_ =	swait.ge [sflag:s25], $0x4000  }
0x61: {  	[sflag:s25] =	ssyncset.done $0x0  }
0x62: {  	s1 =	simm.s32 $0x1300;
	[sflag:s25] =	ssyncadd.s32 $0xFFFFC000  }
0x63: {  	[spmem:s2] =	stream.indirect.scatter.add.f32 [tilespmem:s22], [sflag:$0x3], $0x80, s1, s26, $0xb8;
	[tilespmem:$0x1D400] =	vst v63  }
0x64: {  	_ =	swait.ge [sflag:s28], $0x4000  }
0x65: {  	[sflag:s28] =	ssyncset.done $0x0  }
0x66: {  	[sflag:s28] =	ssyncadd.s32 $0xFFFFC000  }
0x67: {  	_ =	swait.ge [sflag:s29], $0x4000  }
0x68: {  	[sflag:s29] =	ssyncset.done $0x0  }
0x69: {  	s31 =	simm.s32 $0x1380;
	[sflag:s29] =	ssyncadd.s32 $0xFFFFC000  }
0x6a: {  	[spmem:s2] =	stream.indirect.scatter.add.f32 [tilespmem:s24], [sflag:$0x4], $0x80, s31, s26, $0xb8;
	[tilespmem:$0x1D400] =	vst v63  }
0x6b: {  	_ =	swait.ge [sflag:s30], $0x4000  }
0x6c: {  	[sflag:s30] =	ssyncset.done $0x0  }
0x6d: {  	[sflag:s30] =	ssyncadd.s32 $0xFFFFC000  }
0x6e: {  	[bflag:$0x0] =	sbarrier.arrive $0xFFFF  }
0x6f: {  	[tilespmem:s22], [sflag:$0x1] =	stream.linear.gather [spmem:s6], $0x4000, $0x38;
	[tilespmem:$0x1D400] =	vst v63  }
0x70: {  	_ =	swait.ge [sflag:s25], $0x4000  }
0x71: {  	[sflag:s25] =	ssyncset.done $0x0  }
0x72: {  	[sflag:s25] =	ssyncadd.s32 $0xFFFFC000  }
0x73: {  	[tilespmem:s24], [sflag:$0x2] =	stream.linear.gather [spmem:s7], $0x4000, $0x38;
	[tilespmem:$0x1D400] =	vst v63  }
0x74: {  	_ = 	snop  }
0x75: {  	[hbm4b:s13+s3] =	stream.linear.scatter [tilespmem:s22], [sflag:$0x6], $0x4000, $0x38;
	[tilespmem:$0x1D400] =	vst v63  }
0x76: {  	_ =	swait.ge [sflag:s21], $0x4000  }
0x77: {  	[sflag:s21] =	ssyncset.done $0x0  }
0x78: {  	[sflag:s21] =	ssyncadd.s32 $0xFFFFC000  }
0x79: {  	_ =	swait.ge [sflag:s29], $0x4000  }
0x7a: {  	[sflag:s29] =	ssyncset.done $0x0  }
0x7b: {  	[sflag:s29] =	ssyncadd.s32 $0xFFFFC000  }
0x7c: {  	[tilespmem:s22], [sflag:$0x1] =	stream.linear.gather [spmem:s8], $0x4000, $0x38;
	[tilespmem:$0x1D400] =	vst v63  }
0x7d: {  	_ = 	snop  }
0x7e: {  	[hbm4b:s14+s3] =	stream.linear.scatter [tilespmem:s24], [sflag:$0x6], $0x4000, $0x38;
	[tilespmem:$0x1D400] =	vst v63  }
0x7f: {  	_ =	swait.ge [sflag:s21], $0x4000  }
0x80: {  	[sflag:s21] =	ssyncset.done $0x0  }
0x81: {  	[sflag:s21] =	ssyncadd.s32 $0xFFFFC000  }
0x82: {  	_ =	swait.ge [sflag:s25], $0x4000  }
0x83: {  	[sflag:s25] =	ssyncset.done $0x0  }
0x84: {  	[sflag:s25] =	ssyncadd.s32 $0xFFFFC000  }
0x85: {  	[tilespmem:s24], [sflag:$0x2] =	stream.linear.gather [spmem:s9], $0x4000, $0x38;
	[tilespmem:$0x1D400] =	vst v63  }
0x86: {  	_ = 	snop  }
0x87: {  	[hbm4b:s15+s3] =	stream.linear.scatter [tilespmem:s22], [sflag:$0x6], $0x4000, $0x38;
	[tilespmem:$0x1D400] =	vst v63  }
0x88: {  	_ =	swait.ge [sflag:s21], $0x4000  }
0x89: {  	[sflag:s21] =	ssyncset.done $0x0  }
0x8a: {  	[sflag:s21] =	ssyncadd.s32 $0xFFFFC000  }
0x8b: {  	_ =	swait.ge [sflag:s29], $0x4000  }
0x8c: {  	[sflag:s29] =	ssyncset.done $0x0  }
0x8d: {  	[sflag:s29] =	ssyncadd.s32 $0xFFFFC000  }
0x8e: {  	[tilespmem:s22], [sflag:$0x1] =	stream.linear.gather [spmem:s10], $0x4000, $0x38;
	[tilespmem:$0x1D400] =	vst v63  }
0x8f: {  	_ = 	snop  }
0x90: {  	[hbm4b:s16+s3] =	stream.linear.scatter [tilespmem:s24], [sflag:$0x6], $0x4000, $0x38;
	[tilespmem:$0x1D400] =	vst v63  }
0x91: {  	_ =	swait.ge [sflag:s21], $0x4000  }
0x92: {  	[sflag:s21] =	ssyncset.done $0x0  }
0x93: {  	[sflag:s21] =	ssyncadd.s32 $0xFFFFC000  }
0x94: {  	s0 =	sadd.s32 $0x1, s0;
	_ =	swait.ge [sflag:s25], $0x4000  }
0x95: {  	p0 =	sne.s32 s0, s18;
	[sflag:s25] =	ssyncset.done $0x0  }
.Ltmp1:
0x96: {  	[sflag:s25] =	ssyncadd.s32 $0xFFFFC000;
	(pc) =	sbr.rel @p0 .LBB2_1-.Ltmp1, $4  }
0x97: {  	[hbm4b:s17+s3] =	stream.linear.scatter [tilespmem:s22], [sflag:$0x6], $0x4000, $0x38;
	[tilespmem:$0x1D400] =	vst v63  }
0x98: {  	_ =	swait.ge [sflag:s21], $0x4000  }
0x99: {  	[sflag:s21] =	ssyncset.done $0x0  }
0x9a: {  	[sflag:s21] =	ssyncadd.s32 $0xFFFFC000  }
0x9b: {  	_ =	sfence.sel $0x180000  }
0x9c: {  	[bflag:$0x0] =	sbarrier.arrive $0xFFFF  }
0x9d: {  	_ =	strace $0x90000050  }
0x9e: {  	s0 =	stileid.u32;
	[bflag:$0x2] =	sbarrier.arrive $0xFFFF  }
0x9f: {  	p0 =	sne.s32 s0, $0x0;
	s0 =	rddreg [dreg:$0x2]  }
0xa0: {  	s0 =	sadd.s32 @!p0 $0x100000, s0  }
0xa1: {  	[sflag:s0] =	ssyncadd.tile.s32 @!p0 $0x1;
	_ =	shalt  }
.Lfunc_end2:
_tile_overlayer_lowered:
.L_overlay_start_2:
0xa2: {  	(tag) =	ssettag $0x2  }
0xa3: {  	s0 =	rddreg [dreg:$0x0];
	s2 =	stileid.u32  }
0xa4: {  	s1 =	rddreg [dreg:$0x1];
	p0 =	sne.s32 s2, $0x0  }
0xa5: {  	s3 =	rddreg [dreg:$0x2];
	[bflag:$0x3] =	sbarrier.arrive $0xFFFF;
	s2 =	simm.s32 @!p0 $0x1C06  }
0xa6: {  	[timem:s3], [sflag:s2] =	dma.local @!p0 [hbm:s0], s1  }
0xa7: {  	s0 =	simm.s32 @!p0 $0x6  }
0xa8: {  	_ =	swait.ge @!p0 [sflag:s0], s1  }
0xa9: {  	s1 =	ssub.s32 @!p0 $0x0, s1;
	[sflag:s0] =	ssyncset.done @!p0 $0x0  }
0xaa: {  	[sflag:s0] =	ssyncadd.s32 @!p0 s1  }
0xab: {  	[bflag:$0x3] =	sbarrier.arrive $0xFFFF  }
0xac: {  	_ =	shalt  }

// kernel: kernel.32.cloned.1.call-start
scs
__scs_entry_jumppad:
0x0: {  	(pc) =	sbr.rel $0x88, $3  }
0x1: {  	(tag) =	ssettag $0x0;
	lr =	simm.s32 $0x1  }
0x2: {  	[smem:$0x3F79] =	sst lr;
	_ =	strace $0xD0000000  }
0x3: {  	_ = 	snop  }
0x4: {  	_ = 	snop  }
0x5: {  	_ = 	snop  }
0x6: {  	_ = 	snop  }
0x7: {  	_ = 	snop  }
__scs_overlays_trampoline_lowered:
0x8: {  	[smem:$0x3F88] =	sst s0  }
0x9: {  	[smem:$0x3F89] =	sst s1  }
0xa: {  	[smem:$0x3F8A] =	sst s2  }
0xb: {  	[smem:$0x3F8B] =	sst s3  }
0xc: {  	[smem:$0x3F8C] =	sst s4  }
0xd: {  	[smem:$0x3F8D] =	sst s5  }
0xe: {  	[smem:$0x3F8E] =	sst s6  }
0xf: {  	[smem:$0x3F8F] =	sst s7  }
0x10: {  	[smem:$0x3F90] =	sst s8  }
0x11: {  	[smem:$0x3F91] =	sst s9;
	s0 =	simm.s32 @!p0 $0x0  }
0x12: {  	s1 =	sld [smem:$0x3F77];
	s0 =	simm.s32 @p0 $0x1  }
0x13: {  	[smem:$0x3F92] =	sst s0;
	s0 =	simm.s32 @!p1 $0x0  }
0x14: {  	s2 =	sld [smem:$0x3F76];
	s0 =	simm.s32 @p1 $0x1  }
0x15: {  	[smem:$0x3F93] =	sst s0;
	s0 =	simm.s32 @!p2 $0x0  }
0x16: {  	s3 =	sld [smem:$0x3FDB];
	s0 =	simm.s32 @p2 $0x1  }
0x17: {  	s4 =	simm.s32 $0x1BF5;
	[smem:$0x3F95] =	sst s0  }
0x18: {  	s0 =	sld [smem:$0x3F78];
	_ =	swait.ge [sflag:s4], $0x0  }
0x19: {  	s7 =	sld [smem:$0x3F79]  }
0x1a: {  	s8 =	sadd.s32 $0xFFFFE003, lr  }
0x1b: {  	s9 =	sadd.s32 $0xFFFFFEF7, lr;
	s5 =	simm.s32 $0xFFFFFFFF;
	p2 =	slt.u32 s8, $0xFFFFF086  }
0x1c: {  	p1 =	slt.u32 s9, $0xF7A;
	s5 =	simm.s32 @!p2 $0x0  }
0x1d: {  	s5 =	simm.s32 @p1 $0x1;
	p0 =	seq.s32 s7, s2  }
0x1e: {  	s7 =	smul.u32 @!p0 $0xF7A, s2;
	p2 =	seq.s32 @!p0 s5, $0x0  }
0x1f: {  	s9 =	smul.u32 $0xF7A, s1;
	s8 =	simm.s32 @!p0 $0x1BF5;
	p2 =	por !p2, p0  }
0x20: {  	[sflag:s8] =	ssyncset.s32 @!p0 $0xFFFFF086;
	s6 =	sadd.s32 @!p0 s3, s7;
	s7 =	simm.s32 @!p0 $0x108  }
0x21: {  	s3 =	sadd.s32 s3, s9;
	s6 =	sadd.s32 @!p0 $0x88, s6;
	s7 =	simm.s32 @p2 $0x1082  }
0x22: {  	[simem:s7], [sflag:s8] =	dma.local @!p0 [hbm:s6], $0xF7A  }
0x23: {  	s9 =	sor.u32 $0xD0000000, s2;
	s6 =	simm.s32 $0x108;
	_ =	swait.ge @!p0 [sflag:s8], $0x0  }
0x24: {  	s3 =	sadd.s32 $0x88, s3;
	s6 =	simm.s32 @!p1 $0x1082;
	[sflag:s4] =	ssyncset.s32 $0xFFFFF086  }
0x25: {  	[simem:s6], [sflag:s4] =	dma.local [hbm:s3], $0xF7A  }
0x26: {  	[smem:$0x3F79] =	sst s1;
	(tag) =	ssettag s2;
	_ =	strace s9  }
0x27: {  	s1 =	sld [smem:$0x3F89]  }
0x28: {  	s2 =	sld [smem:$0x3F8A]  }
0x29: {  	s4 =	sld [smem:$0x3F8C]  }
0x2a: {  	p0 =	seq.s32 s5, $0x0;
	s5 =	sld [smem:$0x3F8D]  }
0x2b: {  	s6 =	sld [smem:$0x3F8E]  }
0x2c: {  	s7 =	sld [smem:$0x3F8F]  }
0x2d: {  	s3 =	simm.s32 $0x108;
	s8 =	sld [smem:$0x3F90]  }
0x2e: {  	s3 =	simm.s32 @!p0 $0x1082;
	s9 =	sld [smem:$0x3F91]  }
0x2f: {  	lr =	sadd.s32 s0, s3;
	s0 =	sld [smem:$0x3F88]  }
0x30: {  	s3 =	sld [smem:$0x3F8B]  }
0x31: {  	[smem:$0x3F94] =	sst s10  }
0x32: {  	s10 =	sld [smem:$0x3F92];
	_ =	sdelay $0x3  }
0x33: {  	p0 =	seq.s32 s10, $0x1;
	s10 =	sld [smem:$0x3F94];
	_ =	sdelay $0x3  }
0x34: {  	[smem:$0x3F94] =	sst s10  }
0x35: {  	s10 =	sld [smem:$0x3F93];
	_ =	sdelay $0x3  }
0x36: {  	p1 =	seq.s32 s10, $0x1;
	s10 =	sld [smem:$0x3F94];
	_ =	sdelay $0x3  }
0x37: {  	[smem:$0x3F94] =	sst s10  }
0x38: {  	s10 =	sld [smem:$0x3F95]  }
0x39: {  	_ = 	snop;
	(pc) =	sbr.ind lr, $3  }
0x3a: {  	_ = 	snop  }
0x3b: {  	_ = 	snop  }
0x3c: {  	p2 =	seq.s32 s10, $0x1;
	s10 =	sld [smem:$0x3F94]  }
0x3d: {  	_ =	shalt  }
0x3e: {  	_ =	shalt  }
0x3f: {  	_ =	shalt  }
0x40: {  	_ =	shalt  }
0x41: {  	_ =	shalt  }
0x42: {  	_ =	shalt  }
0x43: {  	_ =	shalt  }
0x44: {  	_ =	shalt  }
0x45: {  	_ =	shalt  }
0x46: {  	_ =	shalt  }
0x47: {  	_ =	shalt  }
0x48: {  	_ =	shalt  }
0x49: {  	_ =	shalt  }
0x4a: {  	_ =	shalt  }
0x4b: {  	_ =	shalt  }
0x4c: {  	_ =	shalt  }
0x4d: {  	_ =	shalt  }
0x4e: {  	_ =	shalt  }
0x4f: {  	_ =	shalt  }
0x50: {  	_ =	shalt  }
0x51: {  	_ =	shalt  }
0x52: {  	_ =	shalt  }
0x53: {  	_ =	shalt  }
0x54: {  	_ =	shalt  }
0x55: {  	_ =	shalt  }
0x56: {  	_ =	shalt  }
0x57: {  	_ =	shalt  }
0x58: {  	_ =	shalt  }
0x59: {  	_ =	shalt  }
0x5a: {  	_ =	shalt  }
0x5b: {  	_ =	shalt  }
0x5c: {  	_ =	shalt  }
0x5d: {  	_ =	shalt  }
0x5e: {  	_ =	shalt  }
0x5f: {  	_ =	shalt  }
0x60: {  	_ =	shalt  }
0x61: {  	_ =	shalt  }
0x62: {  	_ =	shalt  }
0x63: {  	_ =	shalt  }
0x64: {  	_ =	shalt  }
0x65: {  	_ =	shalt  }
0x66: {  	_ =	shalt  }
0x67: {  	_ =	shalt  }
0x68: {  	_ =	shalt  }
0x69: {  	_ =	shalt  }
0x6a: {  	_ =	shalt  }
0x6b: {  	_ =	shalt  }
0x6c: {  	_ =	shalt  }
0x6d: {  	_ =	shalt  }
0x6e: {  	_ =	shalt  }
0x6f: {  	_ =	shalt  }
0x70: {  	_ =	shalt  }
0x71: {  	_ =	shalt  }
0x72: {  	_ =	shalt  }
0x73: {  	_ =	shalt  }
0x74: {  	_ =	shalt  }
0x75: {  	_ =	shalt  }
0x76: {  	_ =	shalt  }
0x77: {  	_ =	shalt  }
0x78: {  	_ =	shalt  }
0x79: {  	_ =	shalt  }
0x7a: {  	_ =	shalt  }
0x7b: {  	_ =	shalt  }
0x7c: {  	_ =	shalt  }
0x7d: {  	_ =	shalt  }
0x7e: {  	_ =	shalt  }
0x7f: {  	_ =	shalt  }
0x80: {  	_ =	shalt  }
0x81: {  	_ =	shalt  }
0x82: {  	_ =	shalt  }
0x83: {  	_ =	shalt  }
0x84: {  	_ =	shalt  }
0x85: {  	_ =	shalt  }
0x86: {  	_ =	shalt  }
0x87: {  	_ =	shalt  }
.Lfunc_end0:
.L_simem_size_0:
called_computation.4_lowered:
.L_overlay_start_0:
0x88: {  	s2 =	sld [smem:$0x3FD9]  }
0x89: {  	s3 =	sld [smem:$0x3FFE];
	_ =	sdelay $0x1  }
0x8a: {  	s1 =	srdreg.scid  }
0x8b: {  	s0 =	sand.u32 $0x1, s1  }
0x8c: {  	s17 =	sshll.u32 s0, $0xA;
	s2 =	sadd.s32 s3, s2  }
0x8d: {  	s2 =	sadd.s32 s2, s17  }
0x8e: {  	[smem:$0x3FA0] =	sst s2  }
0x8f: {  	_ = 	snop  }
0x90: {  	s2 =	sld [smem:$0x3FD0];
	(tm) =	ssettm $0x1  }
0x91: {  	s18 =	sld [smem:$0x3FFB];
	_ =	sdelay $0x3  }
0x92: {  	_ =	strace s18  }
0x93: {  	s3 =	sld [smem:$0x3FFC];
	_ =	sdelay $0x3  }
0x94: {  	_ =	strace s3  }
0x95: {  	s3 =	sld [smem:$0x3FFD];
	_ =	sdelay $0x3  }
0x96: {  	_ =	strace s3  }
0x97: {  	_ =	strace $0x8FFFFFFF  }
0x98: {  	s19 =	sld [smem:$0x3FDB];
	_ =	sdelay $0x1  }
0x99: {  	s4 =	simm.s32 $_scs_section_size  }
0x9a: {  	s5 =	simm.s32 $_size__tile_overlayer_lowered;
	s6 =	simm.s32 $_tile_overlayer_lowered  }
0x9b: {  	s22 =	simm.s32 $0x1BFF;
	s21 =	sshll.u32 s6, $0x1;
	s3 =	sadd.s32 s4, s19  }
0x9c: {  	s7 =	simm.s32 $0x0;
	s20 =	sshll.u32 s5, $0x1;
	s5 =	sadd.s32 s21, s3  }
0x9d: {  	[timem:s7], [sflag:s22] =	dma.local [hbm:s5], s20  }
0x9e: {  	_ =	swait.ge [sflag:s22], s20  }
0x9f: {  	s4 =	ssub.s32 $0x0, s20;
	[sflag:s22] =	ssyncset.done $0x0  }
0xa0: {  	[sflag:s22] =	ssyncadd.s32 s4;
	_ =	sdelay $0x1  }
0xa1: {  	s23 =	simm.s32 $0x1B8B  }
0xa2: {  	_ =	swait.ge [sflag:s23], $0x1  }
0xa3: {  	[sflag:s23] =	ssyncset.done $0x0  }
0xa4: {  	s25 =	simm.s32 $0x1B8E;
	s24 =	sld [smem:$0x3FFE];
	[sflag:s23] =	ssyncadd.s32 $0xFFFFFFFF  }
0xa5: {  	s26 =	simm.s32 $execute0_lowered;
	[smem:$0x3FD2] =	sst s25  }
0xa6: {  	s5 =	sshll.u32 s26, $0x1;
	_ =	strace $0x80000052;
	[dreg:$0x1] =	wrdreg $0xFFFFFFFF  }
0xa7: {  	s28 =	simm.s32 $_size_execute0_lowered;
	s3 =	sadd.s32 s3, s5;
	[dreg:$0x0] =	wrdreg $0x0  }
0xa8: {  	s5 =	sshll.u32 s28, $0x1;
	[dreg:$0x2] =	wrdreg s3  }
0xa9: {  	[dreg:$0x3] =	wrdreg s5  }
0xaa: {  	[dreg:$0x4] =	wrdreg $0xC0  }
0xab: {  	_ =	task [dreg:s7], $0x5FFFF  }
0xac: {  	[dreg:$0x1] =	wrdreg $0xFFFFFFFF  }
0xad: {  	[dreg:$0x0] =	wrdreg $0x60  }
0xae: {  	[dreg:$0x2] =	wrdreg s24  }
0xaf: {  	[dreg:$0x3] =	wrdreg s2  }
0xb0: {  	[dreg:$0x4] =	wrdreg $0x9  }
0xb1: {  	_ =	task.clear_ibuf [dreg:s7], $0x5FFFF;
	_ =	strace $0x90000052  }
0xb2: {  	s29 =	simm.s32 $0x9;
	_ =	strace $0x80000054  }
0xb3: {  	_ =	swait.ge [sflag:s29], $0x1  }
0xb4: {  	[sflag:s29] =	ssyncadd.s32 $0xFFFFFFFF  }
0xb5: {  	_ =	strace $0x90000054  }
0xb6: {  	_ =	sfence  }
0xb7: {  	s30 =	sld [smem:$0x0];
	_ =	sdelay $0x2  }
0xb8: {  	s31 =	sshll.u32 s1, $0xD;
	s1 =	sshrl.u32 s1, $0x2  }
0xb9: {  	s3 =	sand.u32 $0x4000, s31;
	s1 =	sadd.s32 s1, s30  }
0xba: {  	s0 =	sor.u32 s3, s0;
	s1 =	sshll.u32 s1, $0x11  }
0xbb: {  	s0 =	sor.u32 s1, s0  }
0xbc: {  	s0 =	sadd.s32 $0x8F2B, s0  }
0xbd: {  	[sflag:s0] =	ssyncadd.remote.s32 $0x1  }
0xbe: {  	_ =	sfence.sel $0xFFFF  }
0xbf: {  	[dreg:$0x0] =	wrdreg $0xFFFFFFFF;
	(pc) =	sbr.abs _section_cstart, $3  }
0xc0: {  	[dreg:$0x1] =	wrdreg $0xFFFFFFFF  }
0xc1: {  	_ =	task.clear_ibuf [dreg:s7], $0x2FFFF;
	_ =	strace $0x9FFFFFFF  }
0xc2: {  	(tm) =	ssettm $0x7FFFFFFF  }
0xc3: {  	_ =	shalt  }
tec
execute0_lowered:
.L_overlay_start_1:
0x0: {  	(tag) =	ssettag $0x1  }
0x1: {  	s0 =	rddreg [dreg:$0x0]  }
0x2: {  	s1 =	srdreg.scid;
	s9 =	stileid.u32  }
0x3: {  	s5 =	rddreg [dreg:$0x1];
	s2 =	simm.s32 $0x0;
	s12 =	simm.s32 $0x80  }
0x4: {  	s13 =	simm.s32 $0x2800;
	s14 =	simm.s32 $0xA800;
	s31 =	simm.s32 $0x6800  }
0x5: {  	s15 =	simm.s32 $0x17000;
	s16 =	simm.s32 $0x17800;
	s17 =	simm.s32 $0x18000  }
0x6: {  	s18 =	simm.s32 $0x18800;
	s19 =	simm.s32 $0x19000;
	s20 =	simm.s32 $0x19800  }
0x7: {  	s21 =	simm.s32 $0x1A000;
	s22 =	simm.s32 $0x1;
	s28 =	simm.s32 $0x4  }
0x8: {  	s29 =	simm.s32 $0x6;
	s30 =	simm.s32 $0x8;
	s7 =	smul.u32 $0x28000, s9  }
0x9: {  	s1 =	sand.u32 $0x1, s1;
	s3 =	sshll.u32 s9, $0x1;
	s9 =	smul.u32 $0x50000, s9  }
0xa: {  	[smem:$0x7FF] =	sst s2;
	s4 =	sadd.s32 $0x37E00, s0;
	s11 =	smul.u32 $0x14000, s1  }
0xb: {  	s3 =	sor.u32 s1, s3;
	s10 =	ssub.s32 $0x2, s1;
	s1 =	smul.u32 $0x28000, s1  }
0xc: {  	_ =	strace $0x80000053;
	s6 =	smul.u32 $0x280, s3;
	s7 =	sadd.s32 s7, s0  }
0xd: {  	s3 =	sadd.s32 $0xA600, s0;
	s23 =	sshrl.u32 s10, $0x1;
	s25 =	sadd.s32 s11, s7  }
0xe: {  	s8 =	sadd.s32 s6, s0;
	s0 =	sadd.s32 s9, s0;
	s9 =	ssub.s32 s10, s23  }
0xf: {  	s5 =	sadd.s32 s5, s6;
	s26 =	sadd.s32 $0xAFE00, s25;
	s10 =	simm.s32 $0x16800  }
0x10: {  	s23 =	simm.s32 $0x3;
	s25 =	simm.s32 $0x7;
	s8 =	sadd.s32 $0x32600, s8  }
.Ltmp0:
0x11: {  	[dreg:$0x4] =	wrdreg s5;
	s24 =	smax.u32 s9, $0x1;
	(pc) =	sbr.rel .LBB2_1-.Ltmp0, $4  }
0x12: {  	s0 =	sadd.s32 s1, s0;
	[dreg:$0x6] =	wrdreg s26;
	s1 =	simm.s32 $0x12800  }
0x13: {  	v2 =	vlaneseq.u32;
	s9 =	simm.s32 $0x16000;
	s26 =	simm.s32 $0x2;
	[dreg:$0x3] =	wrdreg s8  }
0x14: {  	vm0 =	vmmov $0xffff;
	v1 =	vshrl.u32 v2, $0x3;
	s5 =	simm.s32 $0x0;
	[dreg:$0x5] =	wrdreg s24;
	s0 =	sadd.s32 $0xAA0600, s0  }
0x15: {  	v0 =	vand.u32 $0x7, v2;
	v2 =	vor.u32 $0x8, v2;
	v1 =	vmul.u32 $0x8, v1;
	s8 =	simm.s32 $0x15800;
	s24 =	simm.s32 $0x5;
	[dreg:$0x7] =	wrdreg s0  }
.LBB2_6:
0x16: {  	s5 =	rddreg [dreg:$0x8]  }
0x17: {  	s0 =	rddreg [dreg:$0x5];
	s5 =	sadd.s32 $0x1, s5  }
0x18: {  	p0 =	sne.s32 s5, s0  }
.Ltmp1:
0x19: {  	_ = 	snop;
	(pc) =	sbr.rel @!p0 .LBB2_7-.Ltmp1, $1  }
0x1a: {  	_ =	sdelay $0x3  }
.LBB2_1:
0x1b: {  	[dreg:$0x8] =	wrdreg s5  }
0x1c: {  	s0 =	rddreg [dreg:$0x3];
	s7 =	simm.s32 $0x9  }
0x1d: {  	[tilespmem:s2], [sflag:$0x9] =	stream.linear.gather [hbm4b:s0+s2], $0x1400, $0x38;
	[tilespmem:$0x1A800] =	vst v63  }
0x1e: {  	_ =	swait.ge [sflag:s7], $0x1400  }
0x1f: {  	[sflag:s7] =	ssyncset.done $0x0  }
0x20: {  	s6 =	simm.s32 $0x1400;
	s11 =	rddreg [dreg:$0x4];
	[sflag:s7] =	ssyncadd.s32 $0xFFFFEC00  }
0x21: {  	[tilespmem:s6], [sflag:$0x9] =	stream.linear.gather [hbm4b:s11+s2], $0x1400, $0x38;
	[tilespmem:$0x1A800] =	vst v63  }
0x22: {  	_ =	swait.ge [sflag:s7], $0x1400  }
0x23: {  	[sflag:s7] =	ssyncset.done $0x0  }
0x24: {  	[sflag:s7] =	ssyncadd.s32 $0xFFFFEC00  }
0x25: {  	[tilespmem:s13], [sflag:$0x1] =	stream.indirect.gather [hbm4b:s3+s12], $0x80, s2, s12, $0xb8;
	[tilespmem:$0x1A800] =	vst v63  }
0x26: {  	v3 =	vld [tilespmem:$0x1400];
	_ =	sdelay $0x4  }
0x27: {  	v4 =	vshll.u32 v3, $0x1  }
0x28: {  	v3 =	vand.u32 $0x7, v3;
	v4 =	vand.u32 $0xFFFFFFF0, v4  }
0x29: {  	v3 =	vor.u32 v3, v4  }
0x2a: {  	v4 =	vperm.xlane v3, v0;
	_ =	sdelay $0x1  }
0x2b: {  	v3 =	vperm.xlane v3, v2;
	v4 =	vadd.s32 v1, v4;
	_ =	sdelay $0x1  }
0x2c: {  	v3 =	vadd.s32 v1, v3;
	_ =	sdelay $0x2  }
0x2d: {  	[tilespmem:s14], [sflag:$0x3] =	stream.indirect_vreg.gather [hbm4b:s4+s2], $0x80, v4, vm0, $0xb8;
	[tilespmem:$0x1A800] =	vst v63  }
0x2e: {  	s5 =	simm.s32 $0xB000  }
0x2f: {  	[tilespmem:s5], [sflag:$0x3] =	stream.indirect_vreg.gather [hbm4b:s4+s2], $0x80, v3, vm0, $0xb8;
	[tilespmem:$0x1A800] =	vst v63  }
0x30: {  	v3 =	vld [tilespmem:$0x1410];
	_ =	sdelay $0x4  }
0x31: {  	v49 =	vshll.u32 v3, $0x1  }
0x32: {  	v3 =	vand.u32 $0x7, v3;
	v4 =	vand.u32 $0xFFFFFFF0, v49  }
0x33: {  	v3 =	vor.u32 v3, v4  }
0x34: {  	v4 =	vperm.xlane v3, v0;
	_ =	sdelay $0x1  }
0x35: {  	v3 =	vperm.xlane v3, v2;
	v4 =	vadd.s32 v1, v4;
	_ =	sdelay $0x1  }
0x36: {  	v3 =	vadd.s32 v1, v3;
	_ =	sdelay $0x1  }
0x37: {  	s6 =	simm.s32 $0xB800  }
0x38: {  	[tilespmem:s6], [sflag:$0x3] =	stream.indirect_vreg.gather [hbm4b:s4+s2], $0x80, v4, vm0, $0xb8;
	[tilespmem:$0x1A800] =	vst v63  }
0x39: {  	s7 =	simm.s32 $0xC000  }
0x3a: {  	[tilespmem:s7], [sflag:$0x3] =	stream.indirect_vreg.gather [hbm4b:s4+s2], $0x80, v3, vm0, $0xb8;
	[tilespmem:$0x1A800] =	vst v63  }
0x3b: {  	v3 =	vld [tilespmem:$0x1420];
	_ =	sdelay $0x4  }
0x3c: {  	v50 =	vshll.u32 v3, $0x1  }
0x3d: {  	v3 =	vand.u32 $0x7, v3;
	v4 =	vand.u32 $0xFFFFFFF0, v50  }
0x3e: {  	v3 =	vor.u32 v3, v4  }
0x3f: {  	v4 =	vperm.xlane v3, v0;
	_ =	sdelay $0x1  }
0x40: {  	v3 =	vperm.xlane v3, v2;
	v4 =	vadd.s32 v1, v4;
	_ =	sdelay $0x1  }
0x41: {  	v3 =	vadd.s32 v1, v3;
	_ =	sdelay $0x1  }
0x42: {  	s11 =	simm.s32 $0xC800  }
0x43: {  	[tilespmem:s11], [sflag:$0x3] =	stream.indirect_vreg.gather [hbm4b:s4+s2], $0x80, v4, vm0, $0xb8;
	[tilespmem:$0x1A800] =	vst v63  }
0x44: {  	s5 =	simm.s32 $0xD000  }
0x45: {  	[tilespmem:s5], [sflag:$0x3] =	stream.indirect_vreg.gather [hbm4b:s4+s2], $0x80, v3, vm0, $0xb8;
	[tilespmem:$0x1A800] =	vst v63  }
0x46: {  	v3 =	vld [tilespmem:$0x1430];
	_ =	sdelay $0x4  }
0x47: {  	v51 =	vshll.u32 v3, $0x1  }
0x48: {  	v3 =	vand.u32 $0x7, v3;
	v4 =	vand.u32 $0xFFFFFFF0, v51  }
0x49: {  	v3 =	vor.u32 v3, v4  }
0x4a: {  	v4 =	vperm.xlane v3, v0;
	_ =	sdelay $0x1  }
0x4b: {  	v3 =	vperm.xlane v3, v2;
	v4 =	vadd.s32 v1, v4;
	_ =	sdelay $0x1  }
0x4c: {  	v3 =	vadd.s32 v1, v3;
	_ =	sdelay $0x1  }
0x4d: {  	s6 =	simm.s32 $0xD800  }
0x4e: {  	[tilespmem:s6], [sflag:$0x3] =	stream.indirect_vreg.gather [hbm4b:s4+s2], $0x80, v4, vm0, $0xb8;
	[tilespmem:$0x1A800] =	vst v63  }
0x4f: {  	s7 =	simm.s32 $0xE000  }
0x50: {  	[tilespmem:s7], [sflag:$0x3] =	stream.indirect_vreg.gather [hbm4b:s4+s2], $0x80, v3, vm0, $0xb8;
	[tilespmem:$0x1A800] =	vst v63  }
0x51: {  	v3 =	vld [tilespmem:$0x1440];
	_ =	sdelay $0x4  }
0x52: {  	v52 =	vshll.u32 v3, $0x1  }
0x53: {  	v3 =	vand.u32 $0x7, v3;
	v4 =	vand.u32 $0xFFFFFFF0, v52  }
0x54: {  	v3 =	vor.u32 v3, v4  }
0x55: {  	v4 =	vperm.xlane v3, v0;
	_ =	sdelay $0x1  }
0x56: {  	v3 =	vperm.xlane v3, v2;
	v4 =	vadd.s32 v1, v4;
	_ =	sdelay $0x1  }
0x57: {  	v3 =	vadd.s32 v1, v3;
	_ =	sdelay $0x1  }
0x58: {  	s11 =	simm.s32 $0xE800  }
0x59: {  	[tilespmem:s11], [sflag:$0x3] =	stream.indirect_vreg.gather [hbm4b:s4+s2], $0x80, v4, vm0, $0xb8;
	[tilespmem:$0x1A800] =	vst v63  }
0x5a: {  	s5 =	simm.s32 $0xF000  }
0x5b: {  	[tilespmem:s5], [sflag:$0x3] =	stream.indirect_vreg.gather [hbm4b:s4+s2], $0x80, v3, vm0, $0xb8;
	[tilespmem:$0x1A800] =	vst v63  }
0x5c: {  	v3 =	vld [tilespmem:$0x1450];
	_ =	sdelay $0x4  }
0x5d: {  	v53 =	vshll.u32 v3, $0x1  }
0x5e: {  	v3 =	vand.u32 $0x7, v3;
	v4 =	vand.u32 $0xFFFFFFF0, v53  }
0x5f: {  	v3 =	vor.u32 v3, v4  }
0x60: {  	v4 =	vperm.xlane v3, v0;
	_ =	sdelay $0x1  }
0x61: {  	v3 =	vperm.xlane v3, v2;
	v4 =	vadd.s32 v1, v4;
	_ =	sdelay $0x1  }
0x62: {  	v3 =	vadd.s32 v1, v3;
	_ =	sdelay $0x1  }
0x63: {  	s6 =	simm.s32 $0xF800  }
0x64: {  	[tilespmem:s6], [sflag:$0x3] =	stream.indirect_vreg.gather [hbm4b:s4+s2], $0x80, v4, vm0, $0xb8;
	[tilespmem:$0x1A800] =	vst v63  }
0x65: {  	s7 =	simm.s32 $0x10000  }
0x66: {  	[tilespmem:s7], [sflag:$0x3] =	stream.indirect_vreg.gather [hbm4b:s4+s2], $0x80, v3, vm0, $0xb8;
	[tilespmem:$0x1A800] =	vst v63  }
0x67: {  	v3 =	vld [tilespmem:$0x1460];
	_ =	sdelay $0x4  }
0x68: {  	v54 =	vshll.u32 v3, $0x1  }
0x69: {  	v3 =	vand.u32 $0x7, v3;
	v4 =	vand.u32 $0xFFFFFFF0, v54  }
0x6a: {  	v3 =	vor.u32 v3, v4  }
0x6b: {  	v4 =	vperm.xlane v3, v0;
	_ =	sdelay $0x1  }
0x6c: {  	v3 =	vperm.xlane v3, v2;
	v4 =	vadd.s32 v1, v4;
	_ =	sdelay $0x1  }
0x6d: {  	v3 =	vadd.s32 v1, v3;
	_ =	sdelay $0x1  }
0x6e: {  	s11 =	simm.s32 $0x10800  }
0x6f: {  	[tilespmem:s11], [sflag:$0x3] =	stream.indirect_vreg.gather [hbm4b:s4+s2], $0x80, v4, vm0, $0xb8;
	[tilespmem:$0x1A800] =	vst v63  }
0x70: {  	s5 =	simm.s32 $0x11000  }
0x71: {  	[tilespmem:s5], [sflag:$0x3] =	stream.indirect_vreg.gather [hbm4b:s4+s2], $0x80, v3, vm0, $0xb8;
	[tilespmem:$0x1A800] =	vst v63  }
0x72: {  	v3 =	vld [tilespmem:$0x1470];
	_ =	sdelay $0x4  }
0x73: {  	v55 =	vshll.u32 v3, $0x1  }
0x74: {  	v3 =	vand.u32 $0x7, v3;
	v4 =	vand.u32 $0xFFFFFFF0, v55  }
0x75: {  	v3 =	vor.u32 v3, v4  }
0x76: {  	v4 =	vperm.xlane v3, v0;
	_ =	sdelay $0x1  }
0x77: {  	v3 =	vperm.xlane v3, v2;
	v4 =	vadd.s32 v1, v4;
	_ =	sdelay $0x1  }
0x78: {  	v3 =	vadd.s32 v1, v3;
	_ =	sdelay $0x1  }
0x79: {  	s6 =	simm.s32 $0x11800  }
0x7a: {  	[tilespmem:s6], [sflag:$0x3] =	stream.indirect_vreg.gather [hbm4b:s4+s2], $0x80, v4, vm0, $0xb8;
	[tilespmem:$0x1A800] =	vst v63  }
0x7b: {  	s7 =	simm.s32 $0x12000  }
0x7c: {  	[tilespmem:s7], [sflag:$0x3] =	stream.indirect_vreg.gather [hbm4b:s4+s2], $0x80, v3, vm0, $0xb8;
	[tilespmem:$0x1A800] =	vst v63  }
0x7d: {  	_ = 	snop  }
0x7e: {  	[tilespmem:s31], [sflag:$0x2] =	stream.indirect.gather [hbm4b:s3+s12], $0x80, s12, s12, $0xb8;
	[tilespmem:$0x1A800] =	vst v63  }
0x7f: {  	v3 =	vld [tilespmem:$0x1480];
	_ =	sdelay $0x4  }
0x80: {  	v56 =	vshll.u32 v3, $0x1  }
0x81: {  	v3 =	vand.u32 $0x7, v3;
	v4 =	vand.u32 $0xFFFFFFF0, v56  }
0x82: {  	v3 =	vor.u32 v3, v4  }
0x83: {  	v4 =	vperm.xlane v3, v0;
	_ =	sdelay $0x1  }
0x84: {  	v3 =	vperm.xlane v3, v2;
	v4 =	vadd.s32 v1, v4;
	_ =	sdelay $0x1  }
0x85: {  	v3 =	vadd.s32 v1, v3;
	_ =	sdelay $0x2  }
0x86: {  	[tilespmem:s1], [sflag:$0x4] =	stream.indirect_vreg.gather [hbm4b:s4+s2], $0x80, v4, vm0, $0xb8;
	[tilespmem:$0x1A800] =	vst v63  }
0x87: {  	s11 =	simm.s32 $0x13000  }
0x88: {  	[tilespmem:s11], [sflag:$0x4] =	stream.indirect_vreg.gather [hbm4b:s4+s2], $0x80, v3, vm0, $0xb8;
	[tilespmem:$0x1A800] =	vst v63  }
0x89: {  	v3 =	vld [tilespmem:$0x1490];
	_ =	sdelay $0x4  }
0x8a: {  	v57 =	vshll.u32 v3, $0x1  }
0x8b: {  	v3 =	vand.u32 $0x7, v3;
	v4 =	vand.u32 $0xFFFFFFF0, v57  }
0x8c: {  	v3 =	vor.u32 v3, v4  }
0x8d: {  	v4 =	vperm.xlane v3, v0;
	_ =	sdelay $0x1  }
0x8e: {  	v3 =	vperm.xlane v3, v2;
	v4 =	vadd.s32 v1, v4;
	_ =	sdelay $0x1  }
0x8f: {  	v3 =	vadd.s32 v1, v3;
	_ =	sdelay $0x1  }
0x90: {  	s5 =	simm.s32 $0x13800  }
0x91: {  	[tilespmem:s5], [sflag:$0x4] =	stream.indirect_vreg.gather [hbm4b:s4+s2], $0x80, v4, vm0, $0xb8;
	[tilespmem:$0x1A800] =	vst v63  }
0x92: {  	s6 =	simm.s32 $0x14000  }
0x93: {  	[tilespmem:s6], [sflag:$0x4] =	stream.indirect_vreg.gather [hbm4b:s4+s2], $0x80, v3, vm0, $0xb8;
	[tilespmem:$0x1A800] =	vst v63  }
0x94: {  	v3 =	vld [tilespmem:$0x14A0];
	_ =	sdelay $0x4  }
0x95: {  	v58 =	vshll.u32 v3, $0x1  }
0x96: {  	v3 =	vand.u32 $0x7, v3;
	v4 =	vand.u32 $0xFFFFFFF0, v58  }
0x97: {  	v3 =	vor.u32 v3, v4  }
0x98: {  	v4 =	vperm.xlane v3, v0;
	_ =	sdelay $0x1  }
0x99: {  	v3 =	vperm.xlane v3, v2;
	v4 =	vadd.s32 v1, v4;
	_ =	sdelay $0x1  }
0x9a: {  	v3 =	vadd.s32 v1, v3;
	_ =	sdelay $0x1  }
0x9b: {  	s7 =	simm.s32 $0x14800  }
0x9c: {  	[tilespmem:s7], [sflag:$0x4] =	stream.indirect_vreg.gather [hbm4b:s4+s2], $0x80, v4, vm0, $0xb8;
	[tilespmem:$0x1A800] =	vst v63  }
0x9d: {  	s11 =	simm.s32 $0x15000  }
0x9e: {  	[tilespmem:s11], [sflag:$0x4] =	stream.indirect_vreg.gather [hbm4b:s4+s2], $0x80, v3, vm0, $0xb8;
	[tilespmem:$0x1A800] =	vst v63  }
0x9f: {  	v3 =	vld [tilespmem:$0x14B0];
	_ =	sdelay $0x4  }
0xa0: {  	v59 =	vshll.u32 v3, $0x1  }
0xa1: {  	v3 =	vand.u32 $0x7, v3;
	v4 =	vand.u32 $0xFFFFFFF0, v59  }
0xa2: {  	v3 =	vor.u32 v3, v4  }
0xa3: {  	v4 =	vperm.xlane v3, v0;
	_ =	sdelay $0x1  }
0xa4: {  	v3 =	vperm.xlane v3, v2;
	v4 =	vadd.s32 v1, v4;
	_ =	sdelay $0x1  }
0xa5: {  	v3 =	vadd.s32 v1, v3;
	_ =	sdelay $0x2  }
0xa6: {  	[tilespmem:s8], [sflag:$0x4] =	stream.indirect_vreg.gather [hbm4b:s4+s2], $0x80, v4, vm0, $0xb8;
	[tilespmem:$0x1A800] =	vst v63  }
0xa7: {  	_ = 	snop  }
0xa8: {  	[tilespmem:s9], [sflag:$0x4] =	stream.indirect_vreg.gather [hbm4b:s4+s2], $0x80, v3, vm0, $0xb8;
	[tilespmem:$0x1A800] =	vst v63  }
0xa9: {  	v3 =	vld [tilespmem:$0x14C0];
	_ =	sdelay $0x4  }
0xaa: {  	v60 =	vshll.u32 v3, $0x1  }
0xab: {  	v3 =	vand.u32 $0x7, v3;
	v4 =	vand.u32 $0xFFFFFFF0, v60  }
0xac: {  	v3 =	vor.u32 v3, v4  }
0xad: {  	v4 =	vperm.xlane v3, v0;
	_ =	sdelay $0x1  }
0xae: {  	v3 =	vperm.xlane v3, v2;
	v4 =	vadd.s32 v1, v4;
	_ =	sdelay $0x1  }
0xaf: {  	v3 =	vadd.s32 v1, v3;
	_ =	sdelay $0x2  }
0xb0: {  	[tilespmem:s10], [sflag:$0x4] =	stream.indirect_vreg.gather [hbm4b:s4+s2], $0x80, v4, vm0, $0xb8;
	[tilespmem:$0x1A800] =	vst v63  }
0xb1: {  	_ = 	snop  }
0xb2: {  	[tilespmem:s15], [sflag:$0x4] =	stream.indirect_vreg.gather [hbm4b:s4+s2], $0x80, v3, vm0, $0xb8;
	[tilespmem:$0x1A800] =	vst v63  }
0xb3: {  	v3 =	vld [tilespmem:$0x14D0];
	_ =	sdelay $0x4  }
0xb4: {  	v61 =	vshll.u32 v3, $0x1  }
0xb5: {  	v3 =	vand.u32 $0x7, v3;
	v4 =	vand.u32 $0xFFFFFFF0, v61  }
0xb6: {  	v3 =	vor.u32 v3, v4  }
0xb7: {  	v4 =	vperm.xlane v3, v0;
	_ =	sdelay $0x1  }
0xb8: {  	v3 =	vperm.xlane v3, v2;
	v4 =	vadd.s32 v1, v4;
	_ =	sdelay $0x1  }
0xb9: {  	v3 =	vadd.s32 v1, v3;
	_ =	sdelay $0x2  }
0xba: {  	[tilespmem:s16], [sflag:$0x4] =	stream.indirect_vreg.gather [hbm4b:s4+s2], $0x80, v4, vm0, $0xb8;
	[tilespmem:$0x1A800] =	vst v63  }
0xbb: {  	_ = 	snop  }
0xbc: {  	[tilespmem:s17], [sflag:$0x4] =	stream.indirect_vreg.gather [hbm4b:s4+s2], $0x80, v3, vm0, $0xb8;
	[tilespmem:$0x1A800] =	vst v63  }
0xbd: {  	v3 =	vld [tilespmem:$0x14E0];
	_ =	sdelay $0x4  }
0xbe: {  	v62 =	vshll.u32 v3, $0x1  }
0xbf: {  	v3 =	vand.u32 $0x7, v3;
	v4 =	vand.u32 $0xFFFFFFF0, v62  }
0xc0: {  	v3 =	vor.u32 v3, v4  }
0xc1: {  	v4 =	vperm.xlane v3, v0;
	_ =	sdelay $0x1  }
0xc2: {  	v3 =	vperm.xlane v3, v2;
	v4 =	vadd.s32 v1, v4;
	_ =	sdelay $0x1  }
0xc3: {  	v3 =	vadd.s32 v1, v3;
	_ =	sdelay $0x2  }
0xc4: {  	[tilespmem:s18], [sflag:$0x4] =	stream.indirect_vreg.gather [hbm4b:s4+s2], $0x80, v4, vm0, $0xb8;
	[tilespmem:$0x1A800] =	vst v63  }
0xc5: {  	_ = 	snop  }
0xc6: {  	[tilespmem:s19], [sflag:$0x4] =	stream.indirect_vreg.gather [hbm4b:s4+s2], $0x80, v3, vm0, $0xb8;
	[tilespmem:$0x1A800] =	vst v63  }
0xc7: {  	v3 =	vld [tilespmem:$0x14F0];
	_ =	sdelay $0x4  }
0xc8: {  	v63 =	vshll.u32 v3, $0x1  }
0xc9: {  	v3 =	vand.u32 $0x7, v3;
	v4 =	vand.u32 $0xFFFFFFF0, v63  }
0xca: {  	v3 =	vor.u32 v3, v4  }
0xcb: {  	v4 =	vperm.xlane v3, v0;
	_ =	sdelay $0x1  }
0xcc: {  	v3 =	vperm.xlane v3, v2;
	v4 =	vadd.s32 v1, v4;
	_ =	sdelay $0x1  }
0xcd: {  	v3 =	vadd.s32 v1, v3;
	_ =	sdelay $0x1  }
0xce: {  	s0 =	rddreg [dreg:$0x7]  }
0xcf: {  	[tilespmem:s20], [sflag:$0x4] =	stream.indirect_vreg.gather [hbm4b:s4+s2], $0x80, v4, vm0, $0xb8;
	[tilespmem:$0x1A800] =	vst v63  }
0xd0: {  	s5 =	simm.s32 $0x0;
	s11 =	rddreg [dreg:$0x6]  }
0xd1: {  	[tilespmem:s21], [sflag:$0x4] =	stream.indirect_vreg.gather [hbm4b:s4+s2], $0x80, v3, vm0, $0xb8;
	[tilespmem:$0x1A800] =	vst v63  }
.LBB2_2:
0xd2: {  	_ =	swait.ge [sflag:s22], $0x4000  }
0xd3: {  	[sflag:s22] =	ssyncset.done $0x0  }
0xd4: {  	[sflag:s22] =	ssyncadd.s32 $0xFFFFC000  }
0xd5: {  	_ =	swait.ge [sflag:s23], $0x8000  }
0xd6: {  	[sflag:s23] =	ssyncset.done $0x0  }
0xd7: {  	[sflag:s23] =	ssyncadd.s32 $0xFFFF8000  }
0xd8: {  	[hbm4b:s11+s2] =	stream.linear.scatter [tilespmem:s13], [sflag:$0x5], $0x4000, $0x38;
	[tilespmem:$0x1A800] =	vst v63  }
0xd9: {  	_ = 	snop  }
0xda: {  	[hbm4b:s0+s2] =	stream.linear.scatter [tilespmem:s14], [sflag:$0x7], $0x8000, $0x38;
	[tilespmem:$0x1A800] =	vst v63  }
0xdb: {  	p0 =	seq.s32 s5, $0x4C00;
	_ =	swait.ge [sflag:s24], $0x4000  }
.Ltmp2:
0xdc: {  	[sflag:s24] =	ssyncset.done $0x0;
	(pc) =	sbr.rel @p0 .LBB2_4-.Ltmp2, $4  }
0xdd: {  	[sflag:s24] =	ssyncadd.s32 $0xFFFFC000  }
0xde: {  	_ =	swait.ge [sflag:s25], $0x8000  }
0xdf: {  	[sflag:s25] =	ssyncset.done $0x0  }
0xe0: {  	[sflag:s25] =	ssyncadd.s32 $0xFFFF8000  }
0xe1: {  	s6 =	sshra.s32 s5, $0x2  }
0xe2: {  	s7 =	sadd.s32 $0x100, s6  }
0xe3: {  	[tilespmem:s13], [sflag:$0x1] =	stream.indirect.gather [hbm4b:s3+s12], $0x80, s7, s12, $0xb8;
	[tilespmem:$0x1A800] =	vst v63  }
0xe4: {  	v3 =	vld [tilespmem:s6+$0x1500];
	_ =	sdelay $0x4  }
0xe5: {  	v4 =	vshll.u32 v3, $0x1  }
0xe6: {  	v3 =	vand.u32 $0x7, v3;
	v4 =	vand.u32 $0xFFFFFFF0, v4  }
0xe7: {  	v3 =	vor.u32 v3, v4  }
0xe8: {  	v4 =	vperm.xlane v3, v0;
	_ =	sdelay $0x1  }
0xe9: {  	v3 =	vperm.xlane v3, v2;
	v4 =	vadd.s32 v1, v4;
	_ =	sdelay $0x1  }
0xea: {  	v3 =	vadd.s32 v1, v3;
	_ =	sdelay $0x2  }
0xeb: {  	[tilespmem:s14], [sflag:$0x3] =	stream.indirect_vreg.gather [hbm4b:s4+s2], $0x80, v4, vm0, $0xb8;
	[tilespmem:$0x1A800] =	vst v63  }
0xec: {  	s7 =	simm.s32 $0xB000  }
0xed: {  	[tilespmem:s7], [sflag:$0x3] =	stream.indirect_vreg.gather [hbm4b:s4+s2], $0x80, v3, vm0, $0xb8;
	[tilespmem:$0x1A800] =	vst v63  }
0xee: {  	v3 =	vld [tilespmem:s6+$0x1510];
	_ =	sdelay $0x4  }
0xef: {  	v57 =	vshll.u32 v3, $0x1  }
0xf0: {  	v3 =	vand.u32 $0x7, v3;
	v4 =	vand.u32 $0xFFFFFFF0, v57  }
0xf1: {  	v3 =	vor.u32 v3, v4  }
0xf2: {  	v4 =	vperm.xlane v3, v0;
	_ =	sdelay $0x1  }
0xf3: {  	v3 =	vperm.xlane v3, v2;
	v4 =	vadd.s32 v1, v4;
	_ =	sdelay $0x1  }
0xf4: {  	v3 =	vadd.s32 v1, v3;
	_ =	sdelay $0x1  }
0xf5: {  	s7 =	simm.s32 $0xB800  }
0xf6: {  	[tilespmem:s7], [sflag:$0x3] =	stream.indirect_vreg.gather [hbm4b:s4+s2], $0x80, v4, vm0, $0xb8;
	[tilespmem:$0x1A800] =	vst v63  }
0xf7: {  	s7 =	simm.s32 $0xC000  }
0xf8: {  	[tilespmem:s7], [sflag:$0x3] =	stream.indirect_vreg.gather [hbm4b:s4+s2], $0x80, v3, vm0, $0xb8;
	[tilespmem:$0x1A800] =	vst v63  }
0xf9: {  	v3 =	vld [tilespmem:s6+$0x1520];
	_ =	sdelay $0x4  }
0xfa: {  	v58 =	vshll.u32 v3, $0x1  }
0xfb: {  	v3 =	vand.u32 $0x7, v3;
	v4 =	vand.u32 $0xFFFFFFF0, v58  }
0xfc: {  	v3 =	vor.u32 v3, v4  }
0xfd: {  	v4 =	vperm.xlane v3, v0;
	_ =	sdelay $0x1  }
0xfe: {  	v3 =	vperm.xlane v3, v2;
	v4 =	vadd.s32 v1, v4;
	_ =	sdelay $0x1  }
0xff: {  	v3 =	vadd.s32 v1, v3;
	_ =	sdelay $0x1  }
0x100: {  	s7 =	simm.s32 $0xC800  }
0x101: {  	[tilespmem:s7], [sflag:$0x3] =	stream.indirect_vreg.gather [hbm4b:s4+s2], $0x80, v4, vm0, $0xb8;
	[tilespmem:$0x1A800] =	vst v63  }
0x102: {  	s7 =	simm.s32 $0xD000  }
0x103: {  	[tilespmem:s7], [sflag:$0x3] =	stream.indirect_vreg.gather [hbm4b:s4+s2], $0x80, v3, vm0, $0xb8;
	[tilespmem:$0x1A800] =	vst v63  }
0x104: {  	v3 =	vld [tilespmem:s6+$0x1530];
	_ =	sdelay $0x4  }
0x105: {  	v59 =	vshll.u32 v3, $0x1  }
0x106: {  	v3 =	vand.u32 $0x7, v3;
	v4 =	vand.u32 $0xFFFFFFF0, v59  }
0x107: {  	v3 =	vor.u32 v3, v4  }
0x108: {  	v4 =	vperm.xlane v3, v0;
	_ =	sdelay $0x1  }
0x109: {  	v3 =	vperm.xlane v3, v2;
	v4 =	vadd.s32 v1, v4;
	_ =	sdelay $0x1  }
0x10a: {  	v3 =	vadd.s32 v1, v3;
	_ =	sdelay $0x1  }
0x10b: {  	s7 =	simm.s32 $0xD800  }
0x10c: {  	[tilespmem:s7], [sflag:$0x3] =	stream.indirect_vreg.gather [hbm4b:s4+s2], $0x80, v4, vm0, $0xb8;
	[tilespmem:$0x1A800] =	vst v63  }
0x10d: {  	s7 =	simm.s32 $0xE000  }
0x10e: {  	[tilespmem:s7], [sflag:$0x3] =	stream.indirect_vreg.gather [hbm4b:s4+s2], $0x80, v3, vm0, $0xb8;
	[tilespmem:$0x1A800] =	vst v63  }
0x10f: {  	v3 =	vld [tilespmem:s6+$0x1540];
	_ =	sdelay $0x4  }
0x110: {  	v60 =	vshll.u32 v3, $0x1  }
0x111: {  	v3 =	vand.u32 $0x7, v3;
	v4 =	vand.u32 $0xFFFFFFF0, v60  }
0x112: {  	v3 =	vor.u32 v3, v4  }
0x113: {  	v4 =	vperm.xlane v3, v0;
	_ =	sdelay $0x1  }
0x114: {  	v3 =	vperm.xlane v3, v2;
	v4 =	vadd.s32 v1, v4;
	_ =	sdelay $0x1  }
0x115: {  	v3 =	vadd.s32 v1, v3;
	_ =	sdelay $0x1  }
0x116: {  	s7 =	simm.s32 $0xE800  }
0x117: {  	[tilespmem:s7], [sflag:$0x3] =	stream.indirect_vreg.gather [hbm4b:s4+s2], $0x80, v4, vm0, $0xb8;
	[tilespmem:$0x1A800] =	vst v63  }
0x118: {  	s7 =	simm.s32 $0xF000  }
0x119: {  	[tilespmem:s7], [sflag:$0x3] =	stream.indirect_vreg.gather [hbm4b:s4+s2], $0x80, v3, vm0, $0xb8;
	[tilespmem:$0x1A800] =	vst v63  }
0x11a: {  	v3 =	vld [tilespmem:s6+$0x1550];
	_ =	sdelay $0x4  }
0x11b: {  	v61 =	vshll.u32 v3, $0x1  }
0x11c: {  	v3 =	vand.u32 $0x7, v3;
	v4 =	vand.u32 $0xFFFFFFF0, v61  }
0x11d: {  	v3 =	vor.u32 v3, v4  }
0x11e: {  	v4 =	vperm.xlane v3, v0;
	_ =	sdelay $0x1  }
0x11f: {  	v3 =	vperm.xlane v3, v2;
	v4 =	vadd.s32 v1, v4;
	_ =	sdelay $0x1  }
0x120: {  	v3 =	vadd.s32 v1, v3;
	_ =	sdelay $0x1  }
0x121: {  	s7 =	simm.s32 $0xF800  }
0x122: {  	[tilespmem:s7], [sflag:$0x3] =	stream.indirect_vreg.gather [hbm4b:s4+s2], $0x80, v4, vm0, $0xb8;
	[tilespmem:$0x1A800] =	vst v63  }
0x123: {  	s7 =	simm.s32 $0x10000  }
0x124: {  	[tilespmem:s7], [sflag:$0x3] =	stream.indirect_vreg.gather [hbm4b:s4+s2], $0x80, v3, vm0, $0xb8;
	[tilespmem:$0x1A800] =	vst v63  }
0x125: {  	v3 =	vld [tilespmem:s6+$0x1560];
	_ =	sdelay $0x4  }
0x126: {  	v62 =	vshll.u32 v3, $0x1  }
0x127: {  	v3 =	vand.u32 $0x7, v3;
	v4 =	vand.u32 $0xFFFFFFF0, v62  }
0x128: {  	v3 =	vor.u32 v3, v4  }
0x129: {  	v4 =	vperm.xlane v3, v0;
	_ =	sdelay $0x1  }
0x12a: {  	v3 =	vperm.xlane v3, v2;
	v4 =	vadd.s32 v1, v4;
	_ =	sdelay $0x1  }
0x12b: {  	v3 =	vadd.s32 v1, v3;
	_ =	sdelay $0x1  }
0x12c: {  	s7 =	simm.s32 $0x10800  }
0x12d: {  	[tilespmem:s7], [sflag:$0x3] =	stream.indirect_vreg.gather [hbm4b:s4+s2], $0x80, v4, vm0, $0xb8;
	[tilespmem:$0x1A800] =	vst v63  }
0x12e: {  	s7 =	simm.s32 $0x11000  }
0x12f: {  	[tilespmem:s7], [sflag:$0x3] =	stream.indirect_vreg.gather [hbm4b:s4+s2], $0x80, v3, vm0, $0xb8;
	[tilespmem:$0x1A800] =	vst v63  }
0x130: {  	v3 =	vld [tilespmem:s6+$0x1570];
	_ =	sdelay $0x4  }
0x131: {  	v63 =	vshll.u32 v3, $0x1  }
0x132: {  	v3 =	vand.u32 $0x7, v3;
	v4 =	vand.u32 $0xFFFFFFF0, v63  }
0x133: {  	v3 =	vor.u32 v3, v4  }
0x134: {  	v4 =	vperm.xlane v3, v0;
	_ =	sdelay $0x1  }
0x135: {  	v3 =	vperm.xlane v3, v2;
	v4 =	vadd.s32 v1, v4;
	_ =	sdelay $0x1  }
0x136: {  	v3 =	vadd.s32 v1, v3;
	_ =	sdelay $0x1  }
0x137: {  	s7 =	simm.s32 $0x11800  }
0x138: {  	[tilespmem:s7], [sflag:$0x3] =	stream.indirect_vreg.gather [hbm4b:s4+s2], $0x80, v4, vm0, $0xb8;
	[tilespmem:$0x1A800] =	vst v63  }
0x139: {  	s7 =	simm.s32 $0x12000  }
0x13a: {  	[tilespmem:s7], [sflag:$0x3] =	stream.indirect_vreg.gather [hbm4b:s4+s2], $0x80, v3, vm0, $0xb8;
	[tilespmem:$0x1A800] =	vst v63  }
.LBB2_4:
0x13b: {  	_ =	swait.ge [sflag:s26], $0x4000  }
0x13c: {  	[sflag:s26] =	ssyncset.done $0x0  }
0x13d: {  	[sflag:s26] =	ssyncadd.s32 $0xFFFFC000  }
0x13e: {  	_ =	swait.ge [sflag:s28], $0x8000  }
0x13f: {  	[sflag:s28] =	ssyncset.done $0x0  }
0x140: {  	s6 =	sadd.s32 $0x800, s11;
	[sflag:s28] =	ssyncadd.s32 $0xFFFF8000  }
0x141: {  	[hbm4b:s6+s2] =	stream.linear.scatter [tilespmem:s31], [sflag:$0x6], $0x4000, $0x38;
	[tilespmem:$0x1A800] =	vst v63  }
0x142: {  	s7 =	sadd.s32 $0x1000, s0  }
0x143: {  	[hbm4b:s7+s2] =	stream.linear.scatter [tilespmem:s1], [sflag:$0x8], $0x8000, $0x38;
	[tilespmem:$0x1A800] =	vst v63  }
0x144: {  	_ =	swait.ge [sflag:s29], $0x4000  }
.Ltmp3:
0x145: {  	[sflag:s29] =	ssyncset.done $0x0;
	(pc) =	sbr.rel @p0 .LBB2_6-.Ltmp3, $4  }
0x146: {  	[sflag:s29] =	ssyncadd.s32 $0xFFFFC000  }
0x147: {  	_ =	swait.ge [sflag:s30], $0x8000  }
0x148: {  	[sflag:s30] =	ssyncset.done $0x0  }
0x149: {  	[sflag:s30] =	ssyncadd.s32 $0xFFFF8000  }
0x14a: {  	s6 =	sshra.s32 s5, $0x2  }
0x14b: {  	s7 =	sadd.s32 $0x180, s6  }
0x14c: {  	[tilespmem:s31], [sflag:$0x2] =	stream.indirect.gather [hbm4b:s3+s12], $0x80, s7, s12, $0xb8;
	[tilespmem:$0x1A800] =	vst v63  }
0x14d: {  	v3 =	vld [tilespmem:s6+$0x1580];
	_ =	sdelay $0x4  }
0x14e: {  	v4 =	vshll.u32 v3, $0x1  }
0x14f: {  	v3 =	vand.u32 $0x7, v3;
	v4 =	vand.u32 $0xFFFFFFF0, v4  }
0x150: {  	v3 =	vor.u32 v3, v4  }
0x151: {  	v4 =	vperm.xlane v3, v0;
	_ =	sdelay $0x1  }
0x152: {  	v3 =	vperm.xlane v3, v2;
	v4 =	vadd.s32 v1, v4;
	_ =	sdelay $0x1  }
0x153: {  	v3 =	vadd.s32 v1, v3;
	_ =	sdelay $0x2  }
0x154: {  	[tilespmem:s1], [sflag:$0x4] =	stream.indirect_vreg.gather [hbm4b:s4+s2], $0x80, v4, vm0, $0xb8;
	[tilespmem:$0x1A800] =	vst v63  }
0x155: {  	s7 =	simm.s32 $0x13000  }
0x156: {  	[tilespmem:s7], [sflag:$0x4] =	stream.indirect_vreg.gather [hbm4b:s4+s2], $0x80, v3, vm0, $0xb8;
	[tilespmem:$0x1A800] =	vst v63  }
0x157: {  	v3 =	vld [tilespmem:s6+$0x1590];
	_ =	sdelay $0x4  }
0x158: {  	v57 =	vshll.u32 v3, $0x1  }
0x159: {  	v3 =	vand.u32 $0x7, v3;
	v4 =	vand.u32 $0xFFFFFFF0, v57  }
0x15a: {  	v3 =	vor.u32 v3, v4  }
0x15b: {  	v4 =	vperm.xlane v3, v0;
	_ =	sdelay $0x1  }
0x15c: {  	v3 =	vperm.xlane v3, v2;
	v4 =	vadd.s32 v1, v4;
	_ =	sdelay $0x1  }
0x15d: {  	v3 =	vadd.s32 v1, v3;
	_ =	sdelay $0x1  }
0x15e: {  	s7 =	simm.s32 $0x13800  }
0x15f: {  	[tilespmem:s7], [sflag:$0x4] =	stream.indirect_vreg.gather [hbm4b:s4+s2], $0x80, v4, vm0, $0xb8;
	[tilespmem:$0x1A800] =	vst v63  }
0x160: {  	s7 =	simm.s32 $0x14000  }
0x161: {  	[tilespmem:s7], [sflag:$0x4] =	stream.indirect_vreg.gather [hbm4b:s4+s2], $0x80, v3, vm0, $0xb8;
	[tilespmem:$0x1A800] =	vst v63  }
0x162: {  	v3 =	vld [tilespmem:s6+$0x15A0];
	_ =	sdelay $0x4  }
0x163: {  	v58 =	vshll.u32 v3, $0x1  }
0x164: {  	v3 =	vand.u32 $0x7, v3;
	v4 =	vand.u32 $0xFFFFFFF0, v58  }
0x165: {  	v3 =	vor.u32 v3, v4  }
0x166: {  	v4 =	vperm.xlane v3, v0;
	_ =	sdelay $0x1  }
0x167: {  	v3 =	vperm.xlane v3, v2;
	v4 =	vadd.s32 v1, v4;
	_ =	sdelay $0x1  }
0x168: {  	v3 =	vadd.s32 v1, v3;
	_ =	sdelay $0x1  }
0x169: {  	s7 =	simm.s32 $0x14800  }
0x16a: {  	[tilespmem:s7], [sflag:$0x4] =	stream.indirect_vreg.gather [hbm4b:s4+s2], $0x80, v4, vm0, $0xb8;
	[tilespmem:$0x1A800] =	vst v63  }
0x16b: {  	s7 =	simm.s32 $0x15000  }
0x16c: {  	[tilespmem:s7], [sflag:$0x4] =	stream.indirect_vreg.gather [hbm4b:s4+s2], $0x80, v3, vm0, $0xb8;
	[tilespmem:$0x1A800] =	vst v63  }
0x16d: {  	v3 =	vld [tilespmem:s6+$0x15B0];
	_ =	sdelay $0x4  }
0x16e: {  	v59 =	vshll.u32 v3, $0x1  }
0x16f: {  	v3 =	vand.u32 $0x7, v3;
	v4 =	vand.u32 $0xFFFFFFF0, v59  }
0x170: {  	v3 =	vor.u32 v3, v4  }
0x171: {  	v4 =	vperm.xlane v3, v0;
	_ =	sdelay $0x1  }
0x172: {  	v3 =	vperm.xlane v3, v2;
	v4 =	vadd.s32 v1, v4;
	_ =	sdelay $0x1  }
0x173: {  	v3 =	vadd.s32 v1, v3;
	_ =	sdelay $0x2  }
0x174: {  	[tilespmem:s8], [sflag:$0x4] =	stream.indirect_vreg.gather [hbm4b:s4+s2], $0x80, v4, vm0, $0xb8;
	[tilespmem:$0x1A800] =	vst v63  }
0x175: {  	_ = 	snop  }
0x176: {  	[tilespmem:s9], [sflag:$0x4] =	stream.indirect_vreg.gather [hbm4b:s4+s2], $0x80, v3, vm0, $0xb8;
	[tilespmem:$0x1A800] =	vst v63  }
0x177: {  	v3 =	vld [tilespmem:s6+$0x15C0];
	_ =	sdelay $0x4  }
0x178: {  	v60 =	vshll.u32 v3, $0x1  }
0x179: {  	v3 =	vand.u32 $0x7, v3;
	v4 =	vand.u32 $0xFFFFFFF0, v60  }
0x17a: {  	v3 =	vor.u32 v3, v4  }
0x17b: {  	v4 =	vperm.xlane v3, v0;
	_ =	sdelay $0x1  }
0x17c: {  	v3 =	vperm.xlane v3, v2;
	v4 =	vadd.s32 v1, v4;
	_ =	sdelay $0x1  }
0x17d: {  	v3 =	vadd.s32 v1, v3;
	_ =	sdelay $0x2  }
0x17e: {  	[tilespmem:s10], [sflag:$0x4] =	stream.indirect_vreg.gather [hbm4b:s4+s2], $0x80, v4, vm0, $0xb8;
	[tilespmem:$0x1A800] =	vst v63  }
0x17f: {  	_ = 	snop  }
0x180: {  	[tilespmem:s15], [sflag:$0x4] =	stream.indirect_vreg.gather [hbm4b:s4+s2], $0x80, v3, vm0, $0xb8;
	[tilespmem:$0x1A800] =	vst v63  }
0x181: {  	v3 =	vld [tilespmem:s6+$0x15D0];
	_ =	sdelay $0x4  }
0x182: {  	v61 =	vshll.u32 v3, $0x1  }
0x183: {  	v3 =	vand.u32 $0x7, v3;
	v4 =	vand.u32 $0xFFFFFFF0, v61  }
0x184: {  	v3 =	vor.u32 v3, v4  }
0x185: {  	v4 =	vperm.xlane v3, v0;
	_ =	sdelay $0x1  }
0x186: {  	v3 =	vperm.xlane v3, v2;
	v4 =	vadd.s32 v1, v4;
	_ =	sdelay $0x1  }
0x187: {  	v3 =	vadd.s32 v1, v3;
	_ =	sdelay $0x2  }
0x188: {  	[tilespmem:s16], [sflag:$0x4] =	stream.indirect_vreg.gather [hbm4b:s4+s2], $0x80, v4, vm0, $0xb8;
	[tilespmem:$0x1A800] =	vst v63  }
0x189: {  	_ = 	snop  }
0x18a: {  	[tilespmem:s17], [sflag:$0x4] =	stream.indirect_vreg.gather [hbm4b:s4+s2], $0x80, v3, vm0, $0xb8;
	[tilespmem:$0x1A800] =	vst v63  }
0x18b: {  	v3 =	vld [tilespmem:s6+$0x15E0];
	_ =	sdelay $0x4  }
0x18c: {  	v62 =	vshll.u32 v3, $0x1  }
0x18d: {  	v3 =	vand.u32 $0x7, v3;
	v4 =	vand.u32 $0xFFFFFFF0, v62  }
0x18e: {  	v3 =	vor.u32 v3, v4  }
0x18f: {  	v4 =	vperm.xlane v3, v0;
	_ =	sdelay $0x1  }
0x190: {  	v3 =	vperm.xlane v3, v2;
	v4 =	vadd.s32 v1, v4;
	_ =	sdelay $0x1  }
0x191: {  	v3 =	vadd.s32 v1, v3;
	_ =	sdelay $0x2  }
0x192: {  	[tilespmem:s18], [sflag:$0x4] =	stream.indirect_vreg.gather [hbm4b:s4+s2], $0x80, v4, vm0, $0xb8;
	[tilespmem:$0x1A800] =	vst v63  }
0x193: {  	_ = 	snop  }
0x194: {  	[tilespmem:s19], [sflag:$0x4] =	stream.indirect_vreg.gather [hbm4b:s4+s2], $0x80, v3, vm0, $0xb8;
	[tilespmem:$0x1A800] =	vst v63  }
0x195: {  	v3 =	vld [tilespmem:s6+$0x15F0];
	_ =	sdelay $0x4  }
0x196: {  	v63 =	vshll.u32 v3, $0x1  }
0x197: {  	v3 =	vand.u32 $0x7, v3;
	v4 =	vand.u32 $0xFFFFFFF0, v63  }
0x198: {  	v3 =	vor.u32 v3, v4  }
0x199: {  	v4 =	vperm.xlane v3, v0;
	_ =	sdelay $0x1  }
0x19a: {  	v3 =	vperm.xlane v3, v2;
	v4 =	vadd.s32 v1, v4;
	_ =	sdelay $0x1  }
0x19b: {  	v3 =	vadd.s32 v1, v3  }
.Ltmp4:
0x19c: {  	_ = 	snop;
	(pc) =	sbr.rel .LBB2_2-.Ltmp4, $4  }
0x19d: {  	_ = 	snop  }
0x19e: {  	[tilespmem:s20], [sflag:$0x4] =	stream.indirect_vreg.gather [hbm4b:s4+s2], $0x80, v4, vm0, $0xb8;
	[tilespmem:$0x1A800] =	vst v63  }
0x19f: {  	s5 =	sadd.s32 $0x400, s5;
	s11 =	sadd.s32 $0x1000, s11;
	s0 =	sadd.s32 $0x2000, s0  }
0x1a0: {  	[tilespmem:s21], [sflag:$0x4] =	stream.indirect_vreg.gather [hbm4b:s4+s2], $0x80, v3, vm0, $0xb8;
	[tilespmem:$0x1A800] =	vst v63  }
.LBB2_7:
0x1a1: {  	_ =	sfence.sel $0x180000  }
0x1a2: {  	[bflag:$0x0] =	sbarrier.arrive $0xFFFF  }
0x1a3: {  	_ =	strace $0x90000053  }
0x1a4: {  	s0 =	stileid.u32;
	[bflag:$0x2] =	sbarrier.arrive $0xFFFF  }
0x1a5: {  	p0 =	sne.s32 s0, $0x0;
	s0 =	rddreg [dreg:$0x2]  }
0x1a6: {  	s0 =	sadd.s32 @!p0 $0x100000, s0  }
0x1a7: {  	[sflag:s0] =	ssyncadd.tile.s32 @!p0 $0x1;
	_ =	shalt  }
.Lfunc_end2:
_tile_overlayer_lowered:
.L_overlay_start_2:
0x1a8: {  	(tag) =	ssettag $0x2  }
0x1a9: {  	s0 =	rddreg [dreg:$0x0];
	s2 =	stileid.u32  }
0x1aa: {  	s1 =	rddreg [dreg:$0x1];
	p0 =	sne.s32 s2, $0x0  }
0x1ab: {  	s3 =	rddreg [dreg:$0x2];
	[bflag:$0x3] =	sbarrier.arrive $0xFFFF;
	s2 =	simm.s32 @!p0 $0x1C09  }
0x1ac: {  	[timem:s3], [sflag:s2] =	dma.local @!p0 [hbm:s0], s1  }
0x1ad: {  	s0 =	simm.s32 @!p0 $0x9  }
0x1ae: {  	_ =	swait.ge @!p0 [sflag:s0], s1  }
0x1af: {  	s1 =	ssub.s32 @!p0 $0x0, s1;
	[sflag:s0] =	ssyncset.done @!p0 $0x0  }
0x1b0: {  	[sflag:s0] =	ssyncadd.s32 @!p0 s1  }
0x1b1: {  	[bflag:$0x3] =	sbarrier.arrive $0xFFFF  }
0x1b2: {  	_ =	shalt  }

// kernel: kernel.35.cloned.1.call-start
scs
__scs_entry_jumppad:
0x0: {  	(pc) =	sbr.rel $0x88, $3  }
0x1: {  	(tag) =	ssettag $0x0;
	lr =	simm.s32 $0x1  }
0x2: {  	[smem:$0x3F79] =	sst lr;
	_ =	strace $0xD0000000  }
0x3: {  	_ = 	snop  }
0x4: {  	_ = 	snop  }
0x5: {  	_ = 	snop  }
0x6: {  	_ = 	snop  }
0x7: {  	_ = 	snop  }
__scs_overlays_trampoline_lowered:
0x8: {  	[smem:$0x3F88] =	sst s0  }
0x9: {  	[smem:$0x3F89] =	sst s1  }
0xa: {  	[smem:$0x3F8A] =	sst s2  }
0xb: {  	[smem:$0x3F8B] =	sst s3  }
0xc: {  	[smem:$0x3F8C] =	sst s4  }
0xd: {  	[smem:$0x3F8D] =	sst s5  }
0xe: {  	[smem:$0x3F8E] =	sst s6  }
0xf: {  	[smem:$0x3F8F] =	sst s7  }
0x10: {  	[smem:$0x3F90] =	sst s8  }
0x11: {  	[smem:$0x3F91] =	sst s9;
	s0 =	simm.s32 @!p0 $0x0  }
0x12: {  	s1 =	sld [smem:$0x3F77];
	s0 =	simm.s32 @p0 $0x1  }
0x13: {  	[smem:$0x3F92] =	sst s0;
	s0 =	simm.s32 @!p1 $0x0  }
0x14: {  	s2 =	sld [smem:$0x3F76];
	s0 =	simm.s32 @p1 $0x1  }
0x15: {  	[smem:$0x3F93] =	sst s0;
	s0 =	simm.s32 @!p2 $0x0  }
0x16: {  	s3 =	sld [smem:$0x3FDB];
	s0 =	simm.s32 @p2 $0x1  }
0x17: {  	s4 =	simm.s32 $0x1BF5;
	[smem:$0x3F95] =	sst s0  }
0x18: {  	s0 =	sld [smem:$0x3F78];
	_ =	swait.ge [sflag:s4], $0x0  }
0x19: {  	s7 =	sld [smem:$0x3F79]  }
0x1a: {  	s8 =	sadd.s32 $0xFFFFE003, lr  }
0x1b: {  	s9 =	sadd.s32 $0xFFFFFEF7, lr;
	s5 =	simm.s32 $0xFFFFFFFF;
	p2 =	slt.u32 s8, $0xFFFFF086  }
0x1c: {  	p1 =	slt.u32 s9, $0xF7A;
	s5 =	simm.s32 @!p2 $0x0  }
0x1d: {  	s5 =	simm.s32 @p1 $0x1;
	p0 =	seq.s32 s7, s2  }
0x1e: {  	s7 =	smul.u32 @!p0 $0xF7A, s2;
	p2 =	seq.s32 @!p0 s5, $0x0  }
0x1f: {  	s9 =	smul.u32 $0xF7A, s1;
	s8 =	simm.s32 @!p0 $0x1BF5;
	p2 =	por !p2, p0  }
0x20: {  	[sflag:s8] =	ssyncset.s32 @!p0 $0xFFFFF086;
	s6 =	sadd.s32 @!p0 s3, s7;
	s7 =	simm.s32 @!p0 $0x108  }
0x21: {  	s3 =	sadd.s32 s3, s9;
	s6 =	sadd.s32 @!p0 $0x88, s6;
	s7 =	simm.s32 @p2 $0x1082  }
0x22: {  	[simem:s7], [sflag:s8] =	dma.local @!p0 [hbm:s6], $0xF7A  }
0x23: {  	s9 =	sor.u32 $0xD0000000, s2;
	s6 =	simm.s32 $0x108;
	_ =	swait.ge @!p0 [sflag:s8], $0x0  }
0x24: {  	s3 =	sadd.s32 $0x88, s3;
	s6 =	simm.s32 @!p1 $0x1082;
	[sflag:s4] =	ssyncset.s32 $0xFFFFF086  }
0x25: {  	[simem:s6], [sflag:s4] =	dma.local [hbm:s3], $0xF7A  }
0x26: {  	[smem:$0x3F79] =	sst s1;
	(tag) =	ssettag s2;
	_ =	strace s9  }
0x27: {  	s1 =	sld [smem:$0x3F89]  }
0x28: {  	s2 =	sld [smem:$0x3F8A]  }
0x29: {  	s4 =	sld [smem:$0x3F8C]  }
0x2a: {  	p0 =	seq.s32 s5, $0x0;
	s5 =	sld [smem:$0x3F8D]  }
0x2b: {  	s6 =	sld [smem:$0x3F8E]  }
0x2c: {  	s7 =	sld [smem:$0x3F8F]  }
0x2d: {  	s3 =	simm.s32 $0x108;
	s8 =	sld [smem:$0x3F90]  }
0x2e: {  	s3 =	simm.s32 @!p0 $0x1082;
	s9 =	sld [smem:$0x3F91]  }
0x2f: {  	lr =	sadd.s32 s0, s3;
	s0 =	sld [smem:$0x3F88]  }
0x30: {  	s3 =	sld [smem:$0x3F8B]  }
0x31: {  	[smem:$0x3F94] =	sst s10  }
0x32: {  	s10 =	sld [smem:$0x3F92];
	_ =	sdelay $0x3  }
0x33: {  	p0 =	seq.s32 s10, $0x1;
	s10 =	sld [smem:$0x3F94];
	_ =	sdelay $0x3  }
0x34: {  	[smem:$0x3F94] =	sst s10  }
0x35: {  	s10 =	sld [smem:$0x3F93];
	_ =	sdelay $0x3  }
0x36: {  	p1 =	seq.s32 s10, $0x1;
	s10 =	sld [smem:$0x3F94];
	_ =	sdelay $0x3  }
0x37: {  	[smem:$0x3F94] =	sst s10  }
0x38: {  	s10 =	sld [smem:$0x3F95]  }
0x39: {  	_ = 	snop;
	(pc) =	sbr.ind lr, $3  }
0x3a: {  	_ = 	snop  }
0x3b: {  	_ = 	snop  }
0x3c: {  	p2 =	seq.s32 s10, $0x1;
	s10 =	sld [smem:$0x3F94]  }
0x3d: {  	_ =	shalt  }
0x3e: {  	_ =	shalt  }
0x3f: {  	_ =	shalt  }
0x40: {  	_ =	shalt  }
0x41: {  	_ =	shalt  }
0x42: {  	_ =	shalt  }
0x43: {  	_ =	shalt  }
0x44: {  	_ =	shalt  }
0x45: {  	_ =	shalt  }
0x46: {  	_ =	shalt  }
0x47: {  	_ =	shalt  }
0x48: {  	_ =	shalt  }
0x49: {  	_ =	shalt  }
0x4a: {  	_ =	shalt  }
0x4b: {  	_ =	shalt  }
0x4c: {  	_ =	shalt  }
0x4d: {  	_ =	shalt  }
0x4e: {  	_ =	shalt  }
0x4f: {  	_ =	shalt  }
0x50: {  	_ =	shalt  }
0x51: {  	_ =	shalt  }
0x52: {  	_ =	shalt  }
0x53: {  	_ =	shalt  }
0x54: {  	_ =	shalt  }
0x55: {  	_ =	shalt  }
0x56: {  	_ =	shalt  }
0x57: {  	_ =	shalt  }
0x58: {  	_ =	shalt  }
0x59: {  	_ =	shalt  }
0x5a: {  	_ =	shalt  }
0x5b: {  	_ =	shalt  }
0x5c: {  	_ =	shalt  }
0x5d: {  	_ =	shalt  }
0x5e: {  	_ =	shalt  }
0x5f: {  	_ =	shalt  }
0x60: {  	_ =	shalt  }
0x61: {  	_ =	shalt  }
0x62: {  	_ =	shalt  }
0x63: {  	_ =	shalt  }
0x64: {  	_ =	shalt  }
0x65: {  	_ =	shalt  }
0x66: {  	_ =	shalt  }
0x67: {  	_ =	shalt  }
0x68: {  	_ =	shalt  }
0x69: {  	_ =	shalt  }
0x6a: {  	_ =	shalt  }
0x6b: {  	_ =	shalt  }
0x6c: {  	_ =	shalt  }
0x6d: {  	_ =	shalt  }
0x6e: {  	_ =	shalt  }
0x6f: {  	_ =	shalt  }
0x70: {  	_ =	shalt  }
0x71: {  	_ =	shalt  }
0x72: {  	_ =	shalt  }
0x73: {  	_ =	shalt  }
0x74: {  	_ =	shalt  }
0x75: {  	_ =	shalt  }
0x76: {  	_ =	shalt  }
0x77: {  	_ =	shalt  }
0x78: {  	_ =	shalt  }
0x79: {  	_ =	shalt  }
0x7a: {  	_ =	shalt  }
0x7b: {  	_ =	shalt  }
0x7c: {  	_ =	shalt  }
0x7d: {  	_ =	shalt  }
0x7e: {  	_ =	shalt  }
0x7f: {  	_ =	shalt  }
0x80: {  	_ =	shalt  }
0x81: {  	_ =	shalt  }
0x82: {  	_ =	shalt  }
0x83: {  	_ =	shalt  }
0x84: {  	_ =	shalt  }
0x85: {  	_ =	shalt  }
0x86: {  	_ =	shalt  }
0x87: {  	_ =	shalt  }
.Lfunc_end0:
.L_simem_size_0:
called_computation.5_lowered:
.L_overlay_start_0:
0x88: {  	s2 =	sld [smem:$0x3FD9]  }
0x89: {  	s3 =	sld [smem:$0x3FFE];
	_ =	sdelay $0x1  }
0x8a: {  	s1 =	srdreg.scid  }
0x8b: {  	s0 =	sand.u32 $0x1, s1  }
0x8c: {  	s16 =	sshll.u32 s0, $0xA;
	s2 =	sadd.s32 s3, s2  }
0x8d: {  	s2 =	sadd.s32 s2, s16  }
0x8e: {  	[smem:$0x3FA0] =	sst s2  }
0x8f: {  	_ = 	snop  }
0x90: {  	(tm) =	ssettm $0x1  }
0x91: {  	s17 =	sld [smem:$0x3FFB];
	_ =	sdelay $0x3  }
0x92: {  	_ =	strace s17  }
0x93: {  	s2 =	sld [smem:$0x3FFC];
	_ =	sdelay $0x3  }
0x94: {  	_ =	strace s2  }
0x95: {  	s2 =	sld [smem:$0x3FFD];
	_ =	sdelay $0x3  }
0x96: {  	_ =	strace s2  }
0x97: {  	_ =	strace $0x8FFFFFFF  }
0x98: {  	s18 =	sld [smem:$0x3FDB];
	_ =	sdelay $0x1  }
0x99: {  	s19 =	simm.s32 $_scs_section_size  }
0x9a: {  	s4 =	simm.s32 $_size__tile_overlayer_lowered;
	s5 =	simm.s32 $_tile_overlayer_lowered  }
0x9b: {  	s22 =	simm.s32 $0x1BFF;
	s21 =	sshll.u32 s5, $0x1;
	s2 =	sadd.s32 s19, s18  }
0x9c: {  	s6 =	simm.s32 $0x0;
	s20 =	sshll.u32 s4, $0x1;
	s4 =	sadd.s32 s21, s2  }
0x9d: {  	[timem:s6], [sflag:s22] =	dma.local [hbm:s4], s20  }
0x9e: {  	_ =	swait.ge [sflag:s22], s20  }
0x9f: {  	s3 =	ssub.s32 $0x0, s20;
	[sflag:s22] =	ssyncset.done $0x0  }
0xa0: {  	[sflag:s22] =	ssyncadd.s32 s3;
	_ =	sdelay $0x1  }
0xa1: {  	s23 =	simm.s32 $0x1B8B  }
0xa2: {  	_ =	swait.ge [sflag:s23], $0x1  }
0xa3: {  	[sflag:s23] =	ssyncset.done $0x0  }
0xa4: {  	s25 =	simm.s32 $0x1B8E;
	s24 =	sld [smem:$0x3FFE];
	[sflag:s23] =	ssyncadd.s32 $0xFFFFFFFF  }
0xa5: {  	s26 =	simm.s32 $execute0_lowered;
	[smem:$0x3FD2] =	sst s25  }
0xa6: {  	s4 =	sshll.u32 s26, $0x1;
	_ =	strace $0x80000055;
	[dreg:$0x1] =	wrdreg $0xFFFFFFFF  }
0xa7: {  	s28 =	simm.s32 $_size_execute0_lowered;
	s2 =	sadd.s32 s2, s4;
	[dreg:$0x0] =	wrdreg $0x0  }
0xa8: {  	s4 =	sshll.u32 s28, $0x1;
	[dreg:$0x2] =	wrdreg s2  }
0xa9: {  	[dreg:$0x3] =	wrdreg s4  }
0xaa: {  	[dreg:$0x4] =	wrdreg $0xC0  }
0xab: {  	_ =	task [dreg:s6], $0x5FFFF  }
0xac: {  	[dreg:$0x1] =	wrdreg $0xFFFFFFFF  }
0xad: {  	[dreg:$0x0] =	wrdreg $0x60  }
0xae: {  	[dreg:$0x2] =	wrdreg s24  }
0xaf: {  	[dreg:$0x3] =	wrdreg $0x14000  }
0xb0: {  	[dreg:$0x4] =	wrdreg $0x9  }
0xb1: {  	_ =	task.clear_ibuf [dreg:s6], $0x5FFFF;
	_ =	strace $0x90000055  }
0xb2: {  	s29 =	simm.s32 $0x9;
	_ =	strace $0x80000057  }
0xb3: {  	_ =	swait.ge [sflag:s29], $0x1  }
0xb4: {  	[sflag:s29] =	ssyncadd.s32 $0xFFFFFFFF  }
0xb5: {  	_ =	strace $0x90000057  }
0xb6: {  	_ =	sfence  }
0xb7: {  	s30 =	sld [smem:$0x0];
	_ =	sdelay $0x2  }
0xb8: {  	s31 =	sshll.u32 s1, $0xD;
	s1 =	sshrl.u32 s1, $0x2  }
0xb9: {  	s3 =	sand.u32 $0x4000, s31;
	s1 =	sadd.s32 s1, s30  }
0xba: {  	s0 =	sor.u32 s3, s0;
	s1 =	sshll.u32 s1, $0x11  }
0xbb: {  	s0 =	sor.u32 s1, s0  }
0xbc: {  	s0 =	sadd.s32 $0x8F2B, s0  }
0xbd: {  	[sflag:s0] =	ssyncadd.remote.s32 $0x1  }
0xbe: {  	_ =	sfence.sel $0xFFFF  }
0xbf: {  	[dreg:$0x0] =	wrdreg $0xFFFFFFFF;
	(pc) =	sbr.abs _section_cstart, $3  }
0xc0: {  	[dreg:$0x1] =	wrdreg $0xFFFFFFFF  }
0xc1: {  	_ =	task.clear_ibuf [dreg:s6], $0x2FFFF;
	_ =	strace $0x9FFFFFFF  }
0xc2: {  	(tm) =	ssettm $0x7FFFFFFF  }
0xc3: {  	_ =	shalt  }
tec
execute0_lowered:
.L_overlay_start_1:
0x0: {  	(tag) =	ssettag $0x1  }
0x1: {  	s0 =	rddreg [dreg:$0x0]  }
0x2: {  	s1 =	srdreg.scid;
	s21 =	stileid.u32  }
0x3: {  	s2 =	rddreg [dreg:$0x1];
	s3 =	simm.s32 $0x0;
	s28 =	simm.s32 $0x3  }
0x4: {  	s29 =	simm.s32 $0x2;
	s30 =	simm.s32 $0x4;
	s7 =	smul.u32 $0x50000, s21  }
0x5: {  	s1 =	sand.u32 $0x1, s1;
	s4 =	sshll.u32 s21, $0x1;
	s10 =	smul.u32 $0x14000, s21  }
0x6: {  	[smem:$0x7FF] =	sst s3;
	s20 =	sadd.s32 $0xAFE00, s0;
	s21 =	smul.u32 $0x140000, s21  }
0x7: {  	s8 =	sadd.s32 $0x37600, s0;
	s4 =	sor.u32 s1, s4;
	s17 =	smul.u32 $0x140000, s1  }
0x8: {  	_ =	strace $0x80000056;
	s6 =	ssub.s32 $0x2, s1;
	s1 =	smul.u32 $0xA0000, s1  }
0x9: {  	[dreg:$0x3] =	wrdreg s8;
	s5 =	smul.u32 $0x280, s4;
	s11 =	sshrl.u32 s6, $0x1  }
0xa: {  	s12 =	sshrl.u32 s7, $0x2;
	s14 =	sadd.s32 $0x4000, s10;
	s15 =	sadd.s32 $0x8000, s10  }
0xb: {  	s16 =	sadd.s32 $0xC000, s10;
	s4 =	smul.u32 $0x14000, s4;
	s19 =	sadd.s32 $0x10000, s10  }
0xc: {  	s18 =	ssub.s32 s6, s11;
	s6 =	sadd.s32 s12, s2;
	s7 =	sadd.s32 s14, s2  }
0xd: {  	s8 =	sadd.s32 s15, s2;
	s9 =	sadd.s32 s16, s2;
	s12 =	sadd.s32 s10, s17  }
0xe: {  	s10 =	sadd.s32 s19, s2;
	s22 =	sadd.s32 s17, s14;
	s23 =	sadd.s32 s17, s15  }
0xf: {  	s16 =	sadd.s32 s17, s16;
	s25 =	sadd.s32 s17, s19;
	s1 =	sadd.s32 s1, s21  }
0x10: {  	s21 =	simm.s32 $0x6;
	s5 =	sadd.s32 s5, s0;
	s0 =	sadd.s32 $0x37E00, s0  }
0x11: {  	s11 =	sadd.s32 s20, s4;
	s13 =	sshrl.u32 s12, $0x3;
	s4 =	sshrl.u32 s22, $0x3  }
0x12: {  	s15 =	sshrl.u32 s23, $0x3;
	s24 =	sshrl.u32 s16, $0x3;
	s26 =	sor.u32 $0xC000, s1  }
0x13: {  	s1 =	sor.u32 $0x8000, s1;
	s18 =	smax.u32 s18, $0x1;
	s22 =	simm.s32 $0x15400  }
0x14: {  	s23 =	simm.s32 $0x5;
	s5 =	sadd.s32 $0x32600, s5;
	s12 =	sadd.s32 $0x800, s11  }
0x15: {  	s13 =	sadd.s32 s0, s13;
	s14 =	sadd.s32 s0, s4;
	s15 =	sadd.s32 s0, s15  }
0x16: {  	s16 =	sadd.s32 s0, s24;
	s4 =	sshrl.u32 s25, $0x3;
	s31 =	sshrl.u32 s26, $0x3  }
0x17: {  	s1 =	sshrl.u32 s1, $0x3;
	s24 =	simm.s32 $0x19400;
	s25 =	simm.s32 $0x1  }
0x18: {  	s26 =	simm.s32 $0x80;
	[dreg:$0x4] =	wrdreg s5;
	s17 =	sadd.s32 s0, s4  }
0x19: {  	s19 =	sadd.s32 s31, s20;
	s20 =	sadd.s32 s1, s20;
	s0 =	simm.s32 $0x0  }
.LBB2_1:
0x1a: {  	s1 =	rddreg [dreg:$0x4]  }
0x1b: {  	[tilespmem:s3], [sflag:$0x6] =	stream.linear.gather [hbm4b:s1+s3], $0x1400, $0x38;
	[tilespmem:$0x1D400] =	vst v63  }
0x1c: {  	_ =	swait.ge [sflag:s21], $0x1400  }
0x1d: {  	[sflag:s21] =	ssyncset.done $0x0  }
0x1e: {  	s5 =	rddreg [dreg:$0x3];
	[sflag:s21] =	ssyncadd.s32 $0xFFFFEC00  }
0x1f: {  	[tilespmem:s22], [sflag:$0x6] =	stream.linear.gather [hbm4b:s5+s3], $0x4000, $0x38;
	[tilespmem:$0x1D400] =	vst v63  }
0x20: {  	_ =	swait.ge [sflag:s21], $0x4000  }
0x21: {  	[sflag:s21] =	ssyncset.done $0x0  }
0x22: {  	[sflag:s21] =	ssyncadd.s32 $0xFFFFC000  }
0x23: {  	[spmem:s6] =	stream.linear.scatter [tilespmem:s22], [sflag:$0x5], $0x4000, $0x38;
	[tilespmem:$0x1D400] =	vst v63  }
0x24: {  	_ = 	snop  }
0x25: {  	[spmem:s7] =	stream.linear.scatter [tilespmem:s22], [sflag:$0x5], $0x4000, $0x38;
	[tilespmem:$0x1D400] =	vst v63  }
0x26: {  	_ = 	snop  }
0x27: {  	[spmem:s8] =	stream.linear.scatter [tilespmem:s22], [sflag:$0x5], $0x4000, $0x38;
	[tilespmem:$0x1D400] =	vst v63  }
0x28: {  	_ = 	snop  }
0x29: {  	[spmem:s9] =	stream.linear.scatter [tilespmem:s22], [sflag:$0x5], $0x4000, $0x38;
	[tilespmem:$0x1D400] =	vst v63  }
0x2a: {  	_ = 	snop  }
0x2b: {  	[spmem:s10] =	stream.linear.scatter [tilespmem:s22], [sflag:$0x5], $0x4000, $0x38;
	[tilespmem:$0x1D400] =	vst v63  }
0x2c: {  	_ =	swait.ge [sflag:s23], $0x4000  }
0x2d: {  	[sflag:s23] =	ssyncset.done $0x0  }
0x2e: {  	[sflag:s23] =	ssyncadd.s32 $0xFFFFC000  }
0x2f: {  	_ =	swait.ge [sflag:s23], $0x4000  }
0x30: {  	[sflag:s23] =	ssyncset.done $0x0  }
0x31: {  	[sflag:s23] =	ssyncadd.s32 $0xFFFFC000  }
0x32: {  	_ =	swait.ge [sflag:s23], $0x4000  }
0x33: {  	[sflag:s23] =	ssyncset.done $0x0  }
0x34: {  	[sflag:s23] =	ssyncadd.s32 $0xFFFFC000  }
0x35: {  	_ =	swait.ge [sflag:s23], $0x4000  }
0x36: {  	[sflag:s23] =	ssyncset.done $0x0  }
0x37: {  	[sflag:s23] =	ssyncadd.s32 $0xFFFFC000  }
0x38: {  	_ =	swait.ge [sflag:s23], $0x4000  }
0x39: {  	[sflag:s23] =	ssyncset.done $0x0  }
0x3a: {  	[sflag:s23] =	ssyncadd.s32 $0xFFFFC000  }
0x3b: {  	[bflag:$0x0] =	sbarrier.arrive $0xFFFF  }
0x3c: {  	[tilespmem:s22], [sflag:$0x1] =	stream.linear.gather [hbm4b:s11+s3], $0x4000, $0x38;
	[tilespmem:$0x1D400] =	vst v63  }
0x3d: {  	_ = 	snop  }
0x3e: {  	[tilespmem:s24], [sflag:$0x2] =	stream.linear.gather [hbm4b:s12+s3], $0x4000, $0x38;
	[tilespmem:$0x1D400] =	vst v63  }
0x3f: {  	_ =	swait.ge [sflag:s25], $0x4000  }
0x40: {  	[sflag:s25] =	ssyncset.done $0x0  }
0x41: {  	s4 =	simm.s32 $0x0;
	[sflag:s25] =	ssyncadd.s32 $0xFFFFC000  }
0x42: {  	[spmem:s2] =	stream.indirect.scatter.add.f32 [tilespmem:s22], [sflag:$0x3], $0x80, s4, s26, $0xb8;
	[tilespmem:$0x1D400] =	vst v63  }
0x43: {  	_ =	swait.ge [sflag:s28], $0x4000  }
0x44: {  	[sflag:s28] =	ssyncset.done $0x0  }
0x45: {  	s5 =	sadd.s32 $0x0, s20;
	[sflag:s28] =	ssyncadd.s32 $0xFFFFC000  }
0x46: {  	[tilespmem:s22], [sflag:$0x1] =	stream.linear.gather [hbm4b:s5+s3], $0x4000, $0x38;
	[tilespmem:$0x1D400] =	vst v63  }
0x47: {  	_ =	swait.ge [sflag:s29], $0x4000  }
0x48: {  	[sflag:s29] =	ssyncset.done $0x0  }
0x49: {  	[sflag:s29] =	ssyncadd.s32 $0xFFFFC000  }
0x4a: {  	[spmem:s2] =	stream.indirect.scatter.add.f32 [tilespmem:s24], [sflag:$0x4], $0x80, s26, s26, $0xb8;
	[tilespmem:$0x1D400] =	vst v63  }
0x4b: {  	_ =	swait.ge [sflag:s30], $0x4000  }
0x4c: {  	s31 =	simm.s32 $0x1000;
	[sflag:s30] =	ssyncset.done $0x0  }
0x4d: {  	s1 =	simm.s32 $0x180;
	s4 =	sadd.s32 $0x0, s19;
	[sflag:s30] =	ssyncadd.s32 $0xFFFFC000  }
.LBB2_2:
0x4e: {  	[tilespmem:s24], [sflag:$0x2] =	stream.linear.gather [hbm4b:s4+s3], $0x4000, $0x38;
	[tilespmem:$0x1D400] =	vst v63  }
0x4f: {  	s4 =	smov.u32 s31  }
0x50: {  	p0 =	sne.s32 s31, $0x12000;
	s31 =	sadd.s32 $0x1000, s31;
	_ =	swait.ge [sflag:s25], $0x4000  }
0x51: {  	[sflag:s25] =	ssyncset.done $0x0  }
0x52: {  	s5 =	sadd.s32 $0xFFFFFF80, s1;
	[sflag:s25] =	ssyncadd.s32 $0xFFFFC000  }
0x53: {  	[spmem:s2] =	stream.indirect.scatter.add.f32 [tilespmem:s22], [sflag:$0x3], $0x80, s5, s26, $0xb8;
	[tilespmem:$0x1D400] =	vst v63  }
0x54: {  	_ =	swait.ge [sflag:s28], $0x4000  }
0x55: {  	[sflag:s28] =	ssyncset.done $0x0  }
0x56: {  	s5 =	sadd.s32 s4, s20;
	[sflag:s28] =	ssyncadd.s32 $0xFFFFC000  }
0x57: {  	[tilespmem:s22], [sflag:$0x1] =	stream.linear.gather [hbm4b:s5+s3], $0x4000, $0x38;
	[tilespmem:$0x1D400] =	vst v63  }
0x58: {  	_ =	swait.ge [sflag:s29], $0x4000  }
0x59: {  	[sflag:s29] =	ssyncset.done $0x0  }
.Ltmp0:
0x5a: {  	[sflag:s29] =	ssyncadd.s32 $0xFFFFC000;
	(pc) =	sbr.rel @p0 .LBB2_2-.Ltmp0, $4  }
0x5b: {  	[spmem:s2] =	stream.indirect.scatter.add.f32 [tilespmem:s24], [sflag:$0x4], $0x80, s1, s26, $0xb8;
	[tilespmem:$0x1D400] =	vst v63  }
0x5c: {  	_ =	swait.ge [sflag:s30], $0x4000  }
0x5d: {  	[sflag:s30] =	ssyncset.done $0x0  }
0x5e: {  	s4 =	sadd.s32 s4, s19;
	s1 =	sadd.s32 $0x100, s1;
	[sflag:s30] =	ssyncadd.s32 $0xFFFFC000  }
0x5f: {  	[tilespmem:s24], [sflag:$0x2] =	stream.linear.gather [hbm4b:s4+s3], $0x4000, $0x38;
	[tilespmem:$0x1D400] =	vst v63  }
0x60: {  	_ =	swait.ge [sflag:s25], $0x4000  }
0x61: {  	[sflag:s25] =	ssyncset.done $0x0  }
0x62: {  	s1 =	simm.s32 $0x1300;
	[sflag:s25] =	ssyncadd.s32 $0xFFFFC000  }
0x63: {  	[spmem:s2] =	stream.indirect.scatter.add.f32 [tilespmem:s22], [sflag:$0x3], $0x80, s1, s26, $0xb8;
	[tilespmem:$0x1D400] =	vst v63  }
0x64: {  	_ =	swait.ge [sflag:s28], $0x4000  }
0x65: {  	[sflag:s28] =	ssyncset.done $0x0  }
0x66: {  	[sflag:s28] =	ssyncadd.s32 $0xFFFFC000  }
0x67: {  	_ =	swait.ge [sflag:s29], $0x4000  }
0x68: {  	[sflag:s29] =	ssyncset.done $0x0  }
0x69: {  	s31 =	simm.s32 $0x1380;
	[sflag:s29] =	ssyncadd.s32 $0xFFFFC000  }
0x6a: {  	[spmem:s2] =	stream.indirect.scatter.add.f32 [tilespmem:s24], [sflag:$0x4], $0x80, s31, s26, $0xb8;
	[tilespmem:$0x1D400] =	vst v63  }
0x6b: {  	_ =	swait.ge [sflag:s30], $0x4000  }
0x6c: {  	[sflag:s30] =	ssyncset.done $0x0  }
0x6d: {  	[sflag:s30] =	ssyncadd.s32 $0xFFFFC000  }
0x6e: {  	[bflag:$0x0] =	sbarrier.arrive $0xFFFF  }
0x6f: {  	[tilespmem:s22], [sflag:$0x1] =	stream.linear.gather [spmem:s6], $0x4000, $0x38;
	[tilespmem:$0x1D400] =	vst v63  }
0x70: {  	_ =	swait.ge [sflag:s25], $0x4000  }
0x71: {  	[sflag:s25] =	ssyncset.done $0x0  }
0x72: {  	[sflag:s25] =	ssyncadd.s32 $0xFFFFC000  }
0x73: {  	[tilespmem:s24], [sflag:$0x2] =	stream.linear.gather [spmem:s7], $0x4000, $0x38;
	[tilespmem:$0x1D400] =	vst v63  }
0x74: {  	_ = 	snop  }
0x75: {  	[hbm4b:s13+s3] =	stream.linear.scatter [tilespmem:s22], [sflag:$0x6], $0x4000, $0x38;
	[tilespmem:$0x1D400] =	vst v63  }
0x76: {  	_ =	swait.ge [sflag:s21], $0x4000  }
0x77: {  	[sflag:s21] =	ssyncset.done $0x0  }
0x78: {  	[sflag:s21] =	ssyncadd.s32 $0xFFFFC000  }
0x79: {  	_ =	swait.ge [sflag:s29], $0x4000  }
0x7a: {  	[sflag:s29] =	ssyncset.done $0x0  }
0x7b: {  	[sflag:s29] =	ssyncadd.s32 $0xFFFFC000  }
0x7c: {  	[tilespmem:s22], [sflag:$0x1] =	stream.linear.gather [spmem:s8], $0x4000, $0x38;
	[tilespmem:$0x1D400] =	vst v63  }
0x7d: {  	_ = 	snop  }
0x7e: {  	[hbm4b:s14+s3] =	stream.linear.scatter [tilespmem:s24], [sflag:$0x6], $0x4000, $0x38;
	[tilespmem:$0x1D400] =	vst v63  }
0x7f: {  	_ =	swait.ge [sflag:s21], $0x4000  }
0x80: {  	[sflag:s21] =	ssyncset.done $0x0  }
0x81: {  	[sflag:s21] =	ssyncadd.s32 $0xFFFFC000  }
0x82: {  	_ =	swait.ge [sflag:s25], $0x4000  }
0x83: {  	[sflag:s25] =	ssyncset.done $0x0  }
0x84: {  	[sflag:s25] =	ssyncadd.s32 $0xFFFFC000  }
0x85: {  	[tilespmem:s24], [sflag:$0x2] =	stream.linear.gather [spmem:s9], $0x4000, $0x38;
	[tilespmem:$0x1D400] =	vst v63  }
0x86: {  	_ = 	snop  }
0x87: {  	[hbm4b:s15+s3] =	stream.linear.scatter [tilespmem:s22], [sflag:$0x6], $0x4000, $0x38;
	[tilespmem:$0x1D400] =	vst v63  }
0x88: {  	_ =	swait.ge [sflag:s21], $0x4000  }
0x89: {  	[sflag:s21] =	ssyncset.done $0x0  }
0x8a: {  	[sflag:s21] =	ssyncadd.s32 $0xFFFFC000  }
0x8b: {  	_ =	swait.ge [sflag:s29], $0x4000  }
0x8c: {  	[sflag:s29] =	ssyncset.done $0x0  }
0x8d: {  	[sflag:s29] =	ssyncadd.s32 $0xFFFFC000  }
0x8e: {  	[tilespmem:s22], [sflag:$0x1] =	stream.linear.gather [spmem:s10], $0x4000, $0x38;
	[tilespmem:$0x1D400] =	vst v63  }
0x8f: {  	_ = 	snop  }
0x90: {  	[hbm4b:s16+s3] =	stream.linear.scatter [tilespmem:s24], [sflag:$0x6], $0x4000, $0x38;
	[tilespmem:$0x1D400] =	vst v63  }
0x91: {  	_ =	swait.ge [sflag:s21], $0x4000  }
0x92: {  	[sflag:s21] =	ssyncset.done $0x0  }
0x93: {  	[sflag:s21] =	ssyncadd.s32 $0xFFFFC000  }
0x94: {  	s0 =	sadd.s32 $0x1, s0;
	_ =	swait.ge [sflag:s25], $0x4000  }
0x95: {  	p0 =	sne.s32 s0, s18;
	[sflag:s25] =	ssyncset.done $0x0  }
.Ltmp1:
0x96: {  	[sflag:s25] =	ssyncadd.s32 $0xFFFFC000;
	(pc) =	sbr.rel @p0 .LBB2_1-.Ltmp1, $4  }
0x97: {  	[hbm4b:s17+s3] =	stream.linear.scatter [tilespmem:s22], [sflag:$0x6], $0x4000, $0x38;
	[tilespmem:$0x1D400] =	vst v63  }
0x98: {  	_ =	swait.ge [sflag:s21], $0x4000  }
0x99: {  	[sflag:s21] =	ssyncset.done $0x0  }
0x9a: {  	[sflag:s21] =	ssyncadd.s32 $0xFFFFC000  }
0x9b: {  	_ =	sfence.sel $0x180000  }
0x9c: {  	[bflag:$0x0] =	sbarrier.arrive $0xFFFF  }
0x9d: {  	_ =	strace $0x90000056  }
0x9e: {  	s0 =	stileid.u32;
	[bflag:$0x2] =	sbarrier.arrive $0xFFFF  }
0x9f: {  	p0 =	sne.s32 s0, $0x0;
	s0 =	rddreg [dreg:$0x2]  }
0xa0: {  	s0 =	sadd.s32 @!p0 $0x100000, s0  }
0xa1: {  	[sflag:s0] =	ssyncadd.tile.s32 @!p0 $0x1;
	_ =	shalt  }
.Lfunc_end2:
_tile_overlayer_lowered:
.L_overlay_start_2:
0xa2: {  	(tag) =	ssettag $0x2  }
0xa3: {  	s0 =	rddreg [dreg:$0x0];
	s2 =	stileid.u32  }
0xa4: {  	s1 =	rddreg [dreg:$0x1];
	p0 =	sne.s32 s2, $0x0  }
0xa5: {  	s3 =	rddreg [dreg:$0x2];
	[bflag:$0x3] =	sbarrier.arrive $0xFFFF;
	s2 =	simm.s32 @!p0 $0x1C06  }
0xa6: {  	[timem:s3], [sflag:s2] =	dma.local @!p0 [hbm:s0], s1  }
0xa7: {  	s0 =	simm.s32 @!p0 $0x6  }
0xa8: {  	_ =	swait.ge @!p0 [sflag:s0], s1  }
0xa9: {  	s1 =	ssub.s32 @!p0 $0x0, s1;
	[sflag:s0] =	ssyncset.done @!p0 $0x0  }
0xaa: {  	[sflag:s0] =	ssyncadd.s32 @!p0 s1  }
0xab: {  	[bflag:$0x3] =	sbarrier.arrive $0xFFFF  }
0xac: {  	_ =	shalt  }

</sc_bundles>
